<compile_context>
chip_gen: v7x
topology: tpu7x:2x2x1
jax: 0.10.2.dev20260603
libtpu: 0.0.44.dev20260713+nightly
codegen_flags: <defaults>
</compile_context>

<pallas_src>
import functools

import jax
import jax.numpy as jnp
from jax import lax
from jax.experimental import pallas as pl
from jax.experimental.pallas import tpu as pltpu
from jax.experimental.pallas import tpu_sc as plsc

NUM_TILES = 32
CHUNK = 128


def _sc_body(B, K, D, W, pairs_hbm, obs_hbm, samp_hbm, pair_tab, rel_tab,
             predT_out, pos_out, neg_out,
             idx_p, idx_o, idx_s, P0, P1, PT, A, S, pos_s, neg_s,
             semp, semr):
  nc = 2
  wid = lax.axis_index("s") * nc + lax.axis_index("c")
  base = wid * W
  rows16 = lax.iota(jnp.int32, 16)
  n_chunks = W // CHUNK
  n_groups = CHUNK // 16
  pbufs = [P0, P1]

  def stage_idx(ch):
    rbase = base + ch * CHUNK
    pltpu.sync_copy(pairs_hbm.at[pl.ds(rbase, CHUNK)], idx_p.at[ch])
    pltpu.sync_copy(obs_hbm.at[pl.ds(rbase, CHUNK)], idx_o.at[ch])
    for k in range(K):
      pltpu.sync_copy(samp_hbm.at[pl.ds(k * B + rbase, CHUNK)],
                      idx_s.at[ch, k])

  def issue_pair(ch):
    pltpu.async_copy(pair_tab.at[idx_p.at[ch]], pbufs[ch % 2], semp)

  def drain_pair(ch):
    pltpu.make_async_copy(pair_tab.at[pl.ds(0, CHUNK)], pbufs[ch % 2],
                          semp).wait()

  def issue_rel(ch):
    pltpu.async_copy(rel_tab.at[idx_o.at[ch]], A, semr)
    for k in range(K):
      pltpu.async_copy(rel_tab.at[idx_s.at[ch, k]],
                       S.at[pl.ds(k * CHUNK, CHUNK)], semr)

  def drain_rel():
    pltpu.make_async_copy(rel_tab.at[pl.ds(0, CHUNK)], A, semr).wait()
    pltpu.make_async_copy(rel_tab.at[pl.ds(0, K * CHUNK)], S, semr).wait()

  def compute(ch):
    P = pbufs[ch % 2]

    def g_body(g, carry):
      row_r = rows16 + g * 16

      def d_body(dd, accs):
        acc_p = accs[0]
        acc_n = list(accs[1:])
        for u in range(4):
          d = dd * 4 + u
          col = jnp.zeros((16,), jnp.int32) + d
          pcol = plsc.load_gather(P, [row_r, col])
          plsc.store_scatter(PT, [col, row_r], pcol)
          ocol = plsc.load_gather(A, [row_r, col])
          acc_p = acc_p + pcol * ocol
          for k in range(K):
            scol = plsc.load_gather(S, [row_r + k * CHUNK, col])
            acc_n[k] = acc_n[k] + pcol * scol
        return tuple([acc_p] + acc_n)

      zero = jnp.zeros((16,), jnp.float32)
      accs = lax.fori_loop(0, D // 4, d_body,
                           tuple(zero for _ in range(K + 1)))
      off = ch * CHUNK + g * 16
      pos_s[pl.ds(off, 16)] = accs[0]
      for k in range(K):
        neg_s[k, pl.ds(off, 16)] = accs[1 + k]
      return carry

    lax.fori_loop(0, n_groups, g_body, 0)
    rbase = base + ch * CHUNK
    for k in range(K):
      pltpu.sync_copy(PT, predT_out.at[:, pl.ds(k * B + rbase, CHUNK)])

  for ch in range(n_chunks):
    stage_idx(ch)
  issue_pair(0)
  for ch in range(n_chunks):
    issue_rel(ch)
    drain_pair(ch)
    if ch + 1 < n_chunks:
      issue_pair(ch + 1)
    drain_rel()
    compute(ch)

  pltpu.sync_copy(pos_s, pos_out.at[pl.ds(base, W)])
  for k in range(K):
    pltpu.sync_copy(neg_s.at[k], neg_out.at[pl.ds(k * B + base, W)])


def _sc_call(pairs, obs, samp, pair_pad, rel_pad, D):
  B = pairs.shape[0]
  K = samp.shape[0] // B
  W = B // NUM_TILES
  n_chunks = W // CHUNK
  mesh = plsc.VectorSubcoreMesh(core_axis_name="c", subcore_axis_name="s")
  body = functools.partial(_sc_body, B, K, D, W)
  f = pl.kernel(
      body,
      out_type=[
          jax.ShapeDtypeStruct((D, K * B), jnp.float32),
          jax.ShapeDtypeStruct((B,), jnp.float32),
          jax.ShapeDtypeStruct((K * B,), jnp.float32),
      ],
      mesh=mesh,
      compiler_params=pltpu.CompilerParams(
          needs_layout_passes=False,
          use_tc_tiling_on_sc=True,
      ),
      scratch_types=[
          pltpu.VMEM((n_chunks, CHUNK), jnp.int32),
          pltpu.VMEM((n_chunks, CHUNK), jnp.int32),
          pltpu.VMEM((n_chunks, K, CHUNK), jnp.int32),
          pltpu.VMEM((CHUNK, 2 * D), jnp.float32),
          pltpu.VMEM((CHUNK, 2 * D), jnp.float32),
          pltpu.VMEM((D, CHUNK), jnp.float32),
          pltpu.VMEM((CHUNK, 2 * D), jnp.float32),
          pltpu.VMEM((K * CHUNK, 2 * D), jnp.float32),
          pltpu.VMEM((W,), jnp.float32),
          pltpu.VMEM((K, W), jnp.float32),
          pltpu.SemaphoreType.DMA,
          pltpu.SemaphoreType.DMA,
      ],
  )
  predT, pos, neg = f(pairs, obs, samp, pair_pad, rel_pad)
  return predT.T, pos, neg


def _tc_body(pos_ref, neg_ref, obsp_ref, sampp_ref, loss_ref, pl_ref, nl_ref):
  pos = pos_ref[...]
  neg = neg_ref[...]
  obsp_ref[...] = jax.nn.sigmoid(pos)
  sampp_ref[...] = jax.nn.sigmoid(neg)
  pos_ls = jnp.minimum(pos, 0.0) - jnp.log1p(jnp.exp(-jnp.abs(pos)))
  neg_ls = jnp.minimum(-neg, 0.0) - jnp.log1p(jnp.exp(-jnp.abs(neg)))
  p_loss = -jnp.sum(pos_ls)
  n_loss = -jnp.sum(neg_ls)
  pl_ref[0, 0] = p_loss
  nl_ref[0, 0] = n_loss
  loss_ref[0, 0] = p_loss + n_loss


def _tc_call(pos_scores, neg_scores):
  B = pos_scores.shape[0]
  KB = neg_scores.shape[0]
  smem = pl.BlockSpec(memory_space=pltpu.SMEM)
  obsp, sampp, loss, pl_, nl = pl.pallas_call(
      _tc_body,
      out_shape=[
          jax.ShapeDtypeStruct((B,), jnp.float32),
          jax.ShapeDtypeStruct((KB,), jnp.float32),
          jax.ShapeDtypeStruct((1, 1), jnp.float32),
          jax.ShapeDtypeStruct((1, 1), jnp.float32),
          jax.ShapeDtypeStruct((1, 1), jnp.float32),
      ],
      out_specs=[
          pl.BlockSpec(memory_space=pltpu.VMEM),
          pl.BlockSpec(memory_space=pltpu.VMEM),
          smem, smem, smem,
      ],
  )(pos_scores, neg_scores)
  return obsp, sampp, loss[0, 0], pl_[0, 0], nl[0, 0]


def kernel(pairs, observed_relations, sampled_relations, pair_table, rel_table):
  pairs = pairs.astype(jnp.int32)
  obs = observed_relations.reshape(-1).astype(jnp.int32)
  samp = sampled_relations.reshape(-1).astype(jnp.int32)
  D = pair_table.shape[1]
  rel_pad = jnp.pad(rel_table, ((0, 0), (0, 128 - D)))
  pair_pad = jnp.pad(pair_table, ((0, 0), (0, 128 - D)))
  pred_rep, pos_scores, neg_scores = _sc_call(
      pairs, obs, samp, pair_pad, rel_pad, D)
  obs_p, samp_p, loss, p_loss, n_loss = _tc_call(pos_scores, neg_scores)
  return (pred_rep, loss, p_loss, n_loss, obs_p, samp_p)

# --- scband reference (transcript-rebuilt; emitter-appended) ---
"""Pipeline reference for scband-pairwise-relational-embedding-model-44762149159131 (READ-ONLY COPY).

The authoritative reference and input builder live on the scoring server;
editing this copy changes nothing except your own understanding.
"""

import jax, jax.numpy as jnp
import numpy as np

N_PAIRS = 1000000
N_RELS = 100000
D = 64
B = 16384
NUM_NEG = 4


def setup_inputs(seed: int = 0) -> dict:
    key = jax.random.key(seed)
    k1, k2, k3, k4, k5 = jax.random.split(key, 5)
    pairs = jax.random.randint(k1, (B,), 0, N_PAIRS)
    observed_relations = jax.random.randint(k2, (B, 1), 0, N_RELS)
    sampled_relations = jax.random.randint(k3, (B * NUM_NEG,), 0, N_RELS)
    # learned parameters (Embedding tables)
    pair_table = jax.random.normal(k4, (N_PAIRS, D), dtype=jnp.float32)
    rel_table = jax.random.normal(k5, (N_RELS, D), dtype=jnp.float32)
    return {
        'pairs': pairs,
        'observed_relations': observed_relations,
        'sampled_relations': sampled_relations,
        'pair_table': pair_table,
        'rel_table': rel_table,
    }


def reference(pairs, observed_relations, sampled_relations, pair_table, rel_table):
    num_neg = NUM_NEG
    # predicted_relations = self.predict_relations(pairs)
    predicted = jnp.take(pair_table, pairs, axis=0)  # [B, D]
    # sampled_relations.view(-1, observed.size(1), 1).squeeze(-1)
    sampled = sampled_relations.reshape(-1, observed_relations.shape[1], 1).squeeze(-1)  # [B*K, 1]
    # observed_relations = self.represent_relations(observed_relations)
    obs_emb = jnp.take(rel_table, observed_relations.squeeze(1), axis=0)  # [B, D]
    # pos_rel_scores = (predicted * observed).sum(-1)
    pos_rel_scores = (predicted * obs_emb).sum(-1)  # [B]
    # repeat for negative sampling
    obs_rep = jnp.tile(obs_emb, (num_neg, 1))       # [B*K, D]
    pred_rep = jnp.tile(predicted, (num_neg, 1))    # [B*K, D]
    samp_emb = jnp.take(rel_table, sampled.squeeze(-1), axis=0)  # [B*K, D]
    neg_rel_scores = (pred_rep * samp_emb).sum(-1)  # [B*K]
    positive_loss = -jax.nn.log_sigmoid(pos_rel_scores).sum()
    negative_rel_loss = -jax.nn.log_sigmoid(-neg_rel_scores).sum()
    loss = 1.0 * positive_loss + 1.0 * negative_rel_loss
    observed_probabilities = jax.nn.sigmoid(pos_rel_scores)
    sampled_probabilities = jax.nn.sigmoid(neg_rel_scores)
    return (pred_rep, loss, positive_loss, negative_rel_loss,
            observed_probabilities, sampled_probabilities)

if __name__ == "__main__":
    import jax
    _d = setup_inputs()
    print(jax.jit(kernel)(*tuple(_d.values())))

</pallas_src>

<mosaic_0001>
#map = affine_map<(d0, d1) -> (0)>
#map1 = affine_map<(d0, d1) -> (0, 0)>
module attributes {stable_mosaic.version = 14 : i64} {
  func.func @_sc_body(%arg0: i32, %arg1: i32, %arg2: memref<16384xi32, #tpu.memory_space<hbm>>, %arg3: memref<16384xi32, #tpu.memory_space<hbm>>, %arg4: memref<65536xi32, #tpu.memory_space<hbm>>, %arg5: memref<1000000x128xf32, #tpu.memory_space<hbm>>, %arg6: memref<100000x128xf32, #tpu.memory_space<hbm>>, %arg7: memref<64x65536xf32, #tpu.memory_space<hbm>>, %arg8: memref<16384xf32, #tpu.memory_space<hbm>>, %arg9: memref<65536xf32, #tpu.memory_space<hbm>>, %arg10: memref<4x128xi32, #tpu.memory_space<vmem>>, %arg11: memref<4x128xi32, #tpu.memory_space<vmem>>, %arg12: memref<4x4x128xi32, #tpu.memory_space<vmem>>, %arg13: memref<128x128xf32, #tpu.memory_space<vmem>>, %arg14: memref<128x128xf32, #tpu.memory_space<vmem>>, %arg15: memref<64x128xf32, #tpu.memory_space<vmem>>, %arg16: memref<128x128xf32, #tpu.memory_space<vmem>>, %arg17: memref<512x128xf32, #tpu.memory_space<vmem>>, %arg18: memref<512xf32, #tpu.memory_space<vmem>>, %arg19: memref<4x512xf32, #tpu.memory_space<vmem>>, %arg20: memref<!tpu.dma_semaphore, #tpu.memory_space<semaphore_mem>>, %arg21: memref<!tpu.dma_semaphore, #tpu.memory_space<semaphore_mem>>) attributes {dimension_semantics = [#tpu.dimension_semantics<core_parallel>, #tpu.dimension_semantics<subcore_parallel>], iteration_bounds = array<i64: 2, 16>, scalar_prefetch = 0 : i64, scratch_operands = 12 : i64, tpu.core_type = #tpu.core_type<sc_vector_subcore>, window_params = [{transform_indices = #map}, {transform_indices = #map}, {transform_indices = #map}, {transform_indices = #map1}, {transform_indices = #map1}, {transform_indices = #map1}, {transform_indices = #map}, {transform_indices = #map}]} {
    %mul3A = arith.constant 2 : i32
    %mul3A_0 = arith.muli %arg1, %mul3A : i32
    %add3A = arith.addi %mul3A_0, %arg0 : i32
    %mul3A_1 = arith.constant 512 : i32
    %mul3A_2 = arith.muli %add3A, %mul3A_1 : i32
    %iota3A = tpu.iota {dimensions = array<i32: 0>} : vector<16xi32>
    %add3A_3 = arith.constant 0 : i32
    %add3A_4 = arith.addi %mul3A_2, %add3A_3 : i32
    %run_scoped3A = arith.constant 0 : i32
    "tpu.region"() ({
      %run_scoped3A_459 = tpu.sem_alloc : memref<!tpu.dma_semaphore, #tpu.memory_space<semaphore_mem>>
      %dma_start3A_460 = arith.constant 0 : i32
      %dma_start3A_461 = tpu.memref_slice %arg10[%run_scoped3A, %dma_start3A_460] : memref<4x128xi32, #tpu.memory_space<vmem>> -> memref<1x128xi32, #tpu.memory_space<vmem>>
      %dma_start3A_462 = tpu.memref_squeeze %dma_start3A_461 : memref<1x128xi32, #tpu.memory_space<vmem>> -> memref<128xi32, #tpu.memory_space<vmem>>
      %dma_start3A_463 = tpu.memref_slice %arg2[%add3A_4] : memref<16384xi32, #tpu.memory_space<hbm>> -> memref<128xi32, #tpu.memory_space<hbm>>
      %dma_start3A_464 = arith.constant 0 : i32
      %dma_start3A_465 = tpu.memref_slice %arg10[%run_scoped3A, %dma_start3A_464] : memref<4x128xi32, #tpu.memory_space<vmem>> -> memref<1x128xi32, #tpu.memory_space<vmem>>
      %dma_start3A_466 = tpu.memref_squeeze %dma_start3A_465 : memref<1x128xi32, #tpu.memory_space<vmem>> -> memref<128xi32, #tpu.memory_space<vmem>>
      %dma_start3A_467 = tpu.memref_slice %arg2[%add3A_4] : memref<16384xi32, #tpu.memory_space<hbm>> -> memref<128xi32, #tpu.memory_space<hbm>>
      tpu.enqueue_dma source(%dma_start3A_467 : memref<128xi32, #tpu.memory_space<hbm>>) target(%dma_start3A_466 : memref<128xi32, #tpu.memory_space<vmem>>) target_semaphore(%run_scoped3A_459 : memref<!tpu.dma_semaphore, #tpu.memory_space<semaphore_mem>>)
      %dma_wait3A_468 = arith.constant 0 : i32
      %dma_wait3A_469 = tpu.memref_slice %arg10[%run_scoped3A, %dma_wait3A_468] : memref<4x128xi32, #tpu.memory_space<vmem>> -> memref<1x128xi32, #tpu.memory_space<vmem>>
      %dma_wait3A_470 = tpu.memref_squeeze %dma_wait3A_469 : memref<1x128xi32, #tpu.memory_space<vmem>> -> memref<128xi32, #tpu.memory_space<vmem>>
      %dma_wait3A_471 = tpu.memref_slice %arg2[%add3A_4] : memref<16384xi32, #tpu.memory_space<hbm>> -> memref<128xi32, #tpu.memory_space<hbm>>
      %dma_wait3A_472 = arith.constant 0 : i32
      %dma_wait3A_473 = tpu.memref_slice %arg10[%run_scoped3A, %dma_wait3A_472] : memref<4x128xi32, #tpu.memory_space<vmem>> -> memref<1x128xi32, #tpu.memory_space<vmem>>
      %dma_wait3A_474 = tpu.memref_squeeze %dma_wait3A_473 : memref<1x128xi32, #tpu.memory_space<vmem>> -> memref<128xi32, #tpu.memory_space<vmem>>
      %dma_wait3A_475 = tpu.memref_slice %arg2[%add3A_4] : memref<16384xi32, #tpu.memory_space<hbm>> -> memref<128xi32, #tpu.memory_space<hbm>>
      tpu.wait_dma2 semaphore(%run_scoped3A_459 : memref<!tpu.dma_semaphore, #tpu.memory_space<semaphore_mem>>) src(%dma_wait3A_475 : memref<128xi32, #tpu.memory_space<hbm>>) dst(%dma_wait3A_474 : memref<128xi32, #tpu.memory_space<vmem>>)
      tpu.yield
    }) : () -> ()
    %run_scoped3A_5 = arith.constant 0 : i32
    "tpu.region"() ({
      %run_scoped3A_459 = tpu.sem_alloc : memref<!tpu.dma_semaphore, #tpu.memory_space<semaphore_mem>>
      %dma_start3A_460 = arith.constant 0 : i32
      %dma_start3A_461 = tpu.memref_slice %arg11[%run_scoped3A_5, %dma_start3A_460] : memref<4x128xi32, #tpu.memory_space<vmem>> -> memref<1x128xi32, #tpu.memory_space<vmem>>
      %dma_start3A_462 = tpu.memref_squeeze %dma_start3A_461 : memref<1x128xi32, #tpu.memory_space<vmem>> -> memref<128xi32, #tpu.memory_space<vmem>>
      %dma_start3A_463 = tpu.memref_slice %arg3[%add3A_4] : memref<16384xi32, #tpu.memory_space<hbm>> -> memref<128xi32, #tpu.memory_space<hbm>>
      %dma_start3A_464 = arith.constant 0 : i32
      %dma_start3A_465 = tpu.memref_slice %arg11[%run_scoped3A_5, %dma_start3A_464] : memref<4x128xi32, #tpu.memory_space<vmem>> -> memref<1x128xi32, #tpu.memory_space<vmem>>
      %dma_start3A_466 = tpu.memref_squeeze %dma_start3A_465 : memref<1x128xi32, #tpu.memory_space<vmem>> -> memref<128xi32, #tpu.memory_space<vmem>>
      %dma_start3A_467 = tpu.memref_slice %arg3[%add3A_4] : memref<16384xi32, #tpu.memory_space<hbm>> -> memref<128xi32, #tpu.memory_space<hbm>>
      tpu.enqueue_dma source(%dma_start3A_467 : memref<128xi32, #tpu.memory_space<hbm>>) target(%dma_start3A_466 : memref<128xi32, #tpu.memory_space<vmem>>) target_semaphore(%run_scoped3A_459 : memref<!tpu.dma_semaphore, #tpu.memory_space<semaphore_mem>>)
      %dma_wait3A_468 = arith.constant 0 : i32
      %dma_wait3A_469 = tpu.memref_slice %arg11[%run_scoped3A_5, %dma_wait3A_468] : memref<4x128xi32, #tpu.memory_space<vmem>> -> memref<1x128xi32, #tpu.memory_space<vmem>>
      %dma_wait3A_470 = tpu.memref_squeeze %dma_wait3A_469 : memref<1x128xi32, #tpu.memory_space<vmem>> -> memref<128xi32, #tpu.memory_space<vmem>>
      %dma_wait3A_471 = tpu.memref_slice %arg3[%add3A_4] : memref<16384xi32, #tpu.memory_space<hbm>> -> memref<128xi32, #tpu.memory_space<hbm>>
      %dma_wait3A_472 = arith.constant 0 : i32
      %dma_wait3A_473 = tpu.memref_slice %arg11[%run_scoped3A_5, %dma_wait3A_472] : memref<4x128xi32, #tpu.memory_space<vmem>> -> memref<1x128xi32, #tpu.memory_space<vmem>>
      %dma_wait3A_474 = tpu.memref_squeeze %dma_wait3A_473 : memref<1x128xi32, #tpu.memory_space<vmem>> -> memref<128xi32, #tpu.memory_space<vmem>>
      %dma_wait3A_475 = tpu.memref_slice %arg3[%add3A_4] : memref<16384xi32, #tpu.memory_space<hbm>> -> memref<128xi32, #tpu.memory_space<hbm>>
      tpu.wait_dma2 semaphore(%run_scoped3A_459 : memref<!tpu.dma_semaphore, #tpu.memory_space<semaphore_mem>>) src(%dma_wait3A_475 : memref<128xi32, #tpu.memory_space<hbm>>) dst(%dma_wait3A_474 : memref<128xi32, #tpu.memory_space<vmem>>)
      tpu.yield
    }) : () -> ()
    %add3A_6 = arith.constant 0 : i32
    %add3A_7 = arith.addi %add3A_6, %add3A_4 : i32
    %run_scoped3A_8 = arith.constant 0 : i32
    %run_scoped3A_9 = arith.constant 0 : i32
    "tpu.region"() ({
      %run_scoped3A_459 = tpu.sem_alloc : memref<!tpu.dma_semaphore, #tpu.memory_space<semaphore_mem>>
      %dma_start3A_460 = arith.constant 0 : i32
      %dma_start3A_461 = tpu.memref_slice %arg12[%run_scoped3A_8, %run_scoped3A_9, %dma_start3A_460] : memref<4x4x128xi32, #tpu.memory_space<vmem>> -> memref<1x1x128xi32, #tpu.memory_space<vmem>>
      %dma_start3A_462 = tpu.memref_squeeze %dma_start3A_461 : memref<1x1x128xi32, #tpu.memory_space<vmem>> -> memref<128xi32, #tpu.memory_space<vmem>>
      %dma_start3A_463 = tpu.memref_slice %arg4[%add3A_7] : memref<65536xi32, #tpu.memory_space<hbm>> -> memref<128xi32, #tpu.memory_space<hbm>>
      %dma_start3A_464 = arith.constant 0 : i32
      %dma_start3A_465 = tpu.memref_slice %arg12[%run_scoped3A_8, %run_scoped3A_9, %dma_start3A_464] : memref<4x4x128xi32, #tpu.memory_space<vmem>> -> memref<1x1x128xi32, #tpu.memory_space<vmem>>
      %dma_start3A_466 = tpu.memref_squeeze %dma_start3A_465 : memref<1x1x128xi32, #tpu.memory_space<vmem>> -> memref<128xi32, #tpu.memory_space<vmem>>
      %dma_start3A_467 = tpu.memref_slice %arg4[%add3A_7] : memref<65536xi32, #tpu.memory_space<hbm>> -> memref<128xi32, #tpu.memory_space<hbm>>
      tpu.enqueue_dma source(%dma_start3A_467 : memref<128xi32, #tpu.memory_space<hbm>>) target(%dma_start3A_466 : memref<128xi32, #tpu.memory_space<vmem>>) target_semaphore(%run_scoped3A_459 : memref<!tpu.dma_semaphore, #tpu.memory_space<semaphore_mem>>)
      %dma_wait3A_468 = arith.constant 0 : i32
      %dma_wait3A_469 = tpu.memref_slice %arg12[%run_scoped3A_8, %run_scoped3A_9, %dma_wait3A_468] : memref<4x4x128xi32, #tpu.memory_space<vmem>> -> memref<1x1x128xi32, #tpu.memory_space<vmem>>
      %dma_wait3A_470 = tpu.memref_squeeze %dma_wait3A_469 : memref<1x1x128xi32, #tpu.memory_space<vmem>> -> memref<128xi32, #tpu.memory_space<vmem>>
      %dma_wait3A_471 = tpu.memref_slice %arg4[%add3A_7] : memref<65536xi32, #tpu.memory_space<hbm>> -> memref<128xi32, #tpu.memory_space<hbm>>
      %dma_wait3A_472 = arith.constant 0 : i32
      %dma_wait3A_473 = tpu.memref_slice %arg12[%run_scoped3A_8, %run_scoped3A_9, %dma_wait3A_472] : memref<4x4x128xi32, #tpu.memory_space<vmem>> -> memref<1x1x128xi32, #tpu.memory_space<vmem>>
      %dma_wait3A_474 = tpu.memref_squeeze %dma_wait3A_473 : memref<1x1x128xi32, #tpu.memory_space<vmem>> -> memref<128xi32, #tpu.memory_space<vmem>>
      %dma_wait3A_475 = tpu.memref_slice %arg4[%add3A_7] : memref<65536xi32, #tpu.memory_space<hbm>> -> memref<128xi32, #tpu.memory_space<hbm>>
      tpu.wait_dma2 semaphore(%run_scoped3A_459 : memref<!tpu.dma_semaphore, #tpu.memory_space<semaphore_mem>>) src(%dma_wait3A_475 : memref<128xi32, #tpu.memory_space<hbm>>) dst(%dma_wait3A_474 : memref<128xi32, #tpu.memory_space<vmem>>)
      tpu.yield
    }) : () -> ()
    %add3A_10 = arith.constant 16384 : i32
    %add3A_11 = arith.addi %add3A_10, %add3A_4 : i32
    %run_scoped3A_12 = arith.constant 0 : i32
    %run_scoped3A_13 = arith.constant 1 : i32
    "tpu.region"() ({
      %run_scoped3A_459 = tpu.sem_alloc : memref<!tpu.dma_semaphore, #tpu.memory_space<semaphore_mem>>
      %dma_start3A_460 = arith.constant 0 : i32
      %dma_start3A_461 = tpu.memref_slice %arg12[%run_scoped3A_12, %run_scoped3A_13, %dma_start3A_460] : memref<4x4x128xi32, #tpu.memory_space<vmem>> -> memref<1x1x128xi32, #tpu.memory_space<vmem>>
      %dma_start3A_462 = tpu.memref_squeeze %dma_start3A_461 : memref<1x1x128xi32, #tpu.memory_space<vmem>> -> memref<128xi32, #tpu.memory_space<vmem>>
      %dma_start3A_463 = tpu.memref_slice %arg4[%add3A_11] : memref<65536xi32, #tpu.memory_space<hbm>> -> memref<128xi32, #tpu.memory_space<hbm>>
      %dma_start3A_464 = arith.constant 0 : i32
      %dma_start3A_465 = tpu.memref_slice %arg12[%run_scoped3A_12, %run_scoped3A_13, %dma_start3A_464] : memref<4x4x128xi32, #tpu.memory_space<vmem>> -> memref<1x1x128xi32, #tpu.memory_space<vmem>>
      %dma_start3A_466 = tpu.memref_squeeze %dma_start3A_465 : memref<1x1x128xi32, #tpu.memory_space<vmem>> -> memref<128xi32, #tpu.memory_space<vmem>>
      %dma_start3A_467 = tpu.memref_slice %arg4[%add3A_11] : memref<65536xi32, #tpu.memory_space<hbm>> -> memref<128xi32, #tpu.memory_space<hbm>>
      tpu.enqueue_dma source(%dma_start3A_467 : memref<128xi32, #tpu.memory_space<hbm>>) target(%dma_start3A_466 : memref<128xi32, #tpu.memory_space<vmem>>) target_semaphore(%run_scoped3A_459 : memref<!tpu.dma_semaphore, #tpu.memory_space<semaphore_mem>>)
      %dma_wait3A_468 = arith.constant 0 : i32
      %dma_wait3A_469 = tpu.memref_slice %arg12[%run_scoped3A_12, %run_scoped3A_13, %dma_wait3A_468] : memref<4x4x128xi32, #tpu.memory_space<vmem>> -> memref<1x1x128xi32, #tpu.memory_space<vmem>>
      %dma_wait3A_470 = tpu.memref_squeeze %dma_wait3A_469 : memref<1x1x128xi32, #tpu.memory_space<vmem>> -> memref<128xi32, #tpu.memory_space<vmem>>
      %dma_wait3A_471 = tpu.memref_slice %arg4[%add3A_11] : memref<65536xi32, #tpu.memory_space<hbm>> -> memref<128xi32, #tpu.memory_space<hbm>>
      %dma_wait3A_472 = arith.constant 0 : i32
      %dma_wait3A_473 = tpu.memref_slice %arg12[%run_scoped3A_12, %run_scoped3A_13, %dma_wait3A_472] : memref<4x4x128xi32, #tpu.memory_space<vmem>> -> memref<1x1x128xi32, #tpu.memory_space<vmem>>
      %dma_wait3A_474 = tpu.memref_squeeze %dma_wait3A_473 : memref<1x1x128xi32, #tpu.memory_space<vmem>> -> memref<128xi32, #tpu.memory_space<vmem>>
      %dma_wait3A_475 = tpu.memref_slice %arg4[%add3A_11] : memref<65536xi32, #tpu.memory_space<hbm>> -> memref<128xi32, #tpu.memory_space<hbm>>
      tpu.wait_dma2 semaphore(%run_scoped3A_459 : memref<!tpu.dma_semaphore, #tpu.memory_space<semaphore_mem>>) src(%dma_wait3A_475 : memref<128xi32, #tpu.memory_space<hbm>>) dst(%dma_wait3A_474 : memref<128xi32, #tpu.memory_space<vmem>>)
      tpu.yield
    }) : () -> ()
    %add3A_14 = arith.constant 32768 : i32
    %add3A_15 = arith.addi %add3A_14, %add3A_4 : i32
    %run_scoped3A_16 = arith.constant 0 : i32
    %run_scoped3A_17 = arith.constant 2 : i32
    "tpu.region"() ({
      %run_scoped3A_459 = tpu.sem_alloc : memref<!tpu.dma_semaphore, #tpu.memory_space<semaphore_mem>>
      %dma_start3A_460 = arith.constant 0 : i32
      %dma_start3A_461 = tpu.memref_slice %arg12[%run_scoped3A_16, %run_scoped3A_17, %dma_start3A_460] : memref<4x4x128xi32, #tpu.memory_space<vmem>> -> memref<1x1x128xi32, #tpu.memory_space<vmem>>
      %dma_start3A_462 = tpu.memref_squeeze %dma_start3A_461 : memref<1x1x128xi32, #tpu.memory_space<vmem>> -> memref<128xi32, #tpu.memory_space<vmem>>
      %dma_start3A_463 = tpu.memref_slice %arg4[%add3A_15] : memref<65536xi32, #tpu.memory_space<hbm>> -> memref<128xi32, #tpu.memory_space<hbm>>
      %dma_start3A_464 = arith.constant 0 : i32
      %dma_start3A_465 = tpu.memref_slice %arg12[%run_scoped3A_16, %run_scoped3A_17, %dma_start3A_464] : memref<4x4x128xi32, #tpu.memory_space<vmem>> -> memref<1x1x128xi32, #tpu.memory_space<vmem>>
      %dma_start3A_466 = tpu.memref_squeeze %dma_start3A_465 : memref<1x1x128xi32, #tpu.memory_space<vmem>> -> memref<128xi32, #tpu.memory_space<vmem>>
      %dma_start3A_467 = tpu.memref_slice %arg4[%add3A_15] : memref<65536xi32, #tpu.memory_space<hbm>> -> memref<128xi32, #tpu.memory_space<hbm>>
      tpu.enqueue_dma source(%dma_start3A_467 : memref<128xi32, #tpu.memory_space<hbm>>) target(%dma_start3A_466 : memref<128xi32, #tpu.memory_space<vmem>>) target_semaphore(%run_scoped3A_459 : memref<!tpu.dma_semaphore, #tpu.memory_space<semaphore_mem>>)
      %dma_wait3A_468 = arith.constant 0 : i32
      %dma_wait3A_469 = tpu.memref_slice %arg12[%run_scoped3A_16, %run_scoped3A_17, %dma_wait3A_468] : memref<4x4x128xi32, #tpu.memory_space<vmem>> -> memref<1x1x128xi32, #tpu.memory_space<vmem>>
      %dma_wait3A_470 = tpu.memref_squeeze %dma_wait3A_469 : memref<1x1x128xi32, #tpu.memory_space<vmem>> -> memref<128xi32, #tpu.memory_space<vmem>>
      %dma_wait3A_471 = tpu.memref_slice %arg4[%add3A_15] : memref<65536xi32, #tpu.memory_space<hbm>> -> memref<128xi32, #tpu.memory_space<hbm>>
      %dma_wait3A_472 = arith.constant 0 : i32
      %dma_wait3A_473 = tpu.memref_slice %arg12[%run_scoped3A_16, %run_scoped3A_17, %dma_wait3A_472] : memref<4x4x128xi32, #tpu.memory_space<vmem>> -> memref<1x1x128xi32, #tpu.memory_space<vmem>>
      %dma_wait3A_474 = tpu.memref_squeeze %dma_wait3A_473 : memref<1x1x128xi32, #tpu.memory_space<vmem>> -> memref<128xi32, #tpu.memory_space<vmem>>
      %dma_wait3A_475 = tpu.memref_slice %arg4[%add3A_15] : memref<65536xi32, #tpu.memory_space<hbm>> -> memref<128xi32, #tpu.memory_space<hbm>>
      tpu.wait_dma2 semaphore(%run_scoped3A_459 : memref<!tpu.dma_semaphore, #tpu.memory_space<semaphore_mem>>) src(%dma_wait3A_475 : memref<128xi32, #tpu.memory_space<hbm>>) dst(%dma_wait3A_474 : memref<128xi32, #tpu.memory_space<vmem>>)
      tpu.yield
    }) : () -> ()
    %add3A_18 = arith.constant 49152 : i32
    %add3A_19 = arith.addi %add3A_18, %add3A_4 : i32
    %run_scoped3A_20 = arith.constant 0 : i32
    %run_scoped3A_21 = arith.constant 3 : i32
    "tpu.region"() ({
      %run_scoped3A_459 = tpu.sem_alloc : memref<!tpu.dma_semaphore, #tpu.memory_space<semaphore_mem>>
      %dma_start3A_460 = arith.constant 0 : i32
      %dma_start3A_461 = tpu.memref_slice %arg12[%run_scoped3A_20, %run_scoped3A_21, %dma_start3A_460] : memref<4x4x128xi32, #tpu.memory_space<vmem>> -> memref<1x1x128xi32, #tpu.memory_space<vmem>>
      %dma_start3A_462 = tpu.memref_squeeze %dma_start3A_461 : memref<1x1x128xi32, #tpu.memory_space<vmem>> -> memref<128xi32, #tpu.memory_space<vmem>>
      %dma_start3A_463 = tpu.memref_slice %arg4[%add3A_19] : memref<65536xi32, #tpu.memory_space<hbm>> -> memref<128xi32, #tpu.memory_space<hbm>>
      %dma_start3A_464 = arith.constant 0 : i32
      %dma_start3A_465 = tpu.memref_slice %arg12[%run_scoped3A_20, %run_scoped3A_21, %dma_start3A_464] : memref<4x4x128xi32, #tpu.memory_space<vmem>> -> memref<1x1x128xi32, #tpu.memory_space<vmem>>
      %dma_start3A_466 = tpu.memref_squeeze %dma_start3A_465 : memref<1x1x128xi32, #tpu.memory_space<vmem>> -> memref<128xi32, #tpu.memory_space<vmem>>
      %dma_start3A_467 = tpu.memref_slice %arg4[%add3A_19] : memref<65536xi32, #tpu.memory_space<hbm>> -> memref<128xi32, #tpu.memory_space<hbm>>
      tpu.enqueue_dma source(%dma_start3A_467 : memref<128xi32, #tpu.memory_space<hbm>>) target(%dma_start3A_466 : memref<128xi32, #tpu.memory_space<vmem>>) target_semaphore(%run_scoped3A_459 : memref<!tpu.dma_semaphore, #tpu.memory_space<semaphore_mem>>)
      %dma_wait3A_468 = arith.constant 0 : i32
      %dma_wait3A_469 = tpu.memref_slice %arg12[%run_scoped3A_20, %run_scoped3A_21, %dma_wait3A_468] : memref<4x4x128xi32, #tpu.memory_space<vmem>> -> memref<1x1x128xi32, #tpu.memory_space<vmem>>
      %dma_wait3A_470 = tpu.memref_squeeze %dma_wait3A_469 : memref<1x1x128xi32, #tpu.memory_space<vmem>> -> memref<128xi32, #tpu.memory_space<vmem>>
      %dma_wait3A_471 = tpu.memref_slice %arg4[%add3A_19] : memref<65536xi32, #tpu.memory_space<hbm>> -> memref<128xi32, #tpu.memory_space<hbm>>
      %dma_wait3A_472 = arith.constant 0 : i32
      %dma_wait3A_473 = tpu.memref_slice %arg12[%run_scoped3A_20, %run_scoped3A_21, %dma_wait3A_472] : memref<4x4x128xi32, #tpu.memory_space<vmem>> -> memref<1x1x128xi32, #tpu.memory_space<vmem>>
      %dma_wait3A_474 = tpu.memref_squeeze %dma_wait3A_473 : memref<1x1x128xi32, #tpu.memory_space<vmem>> -> memref<128xi32, #tpu.memory_space<vmem>>
      %dma_wait3A_475 = tpu.memref_slice %arg4[%add3A_19] : memref<65536xi32, #tpu.memory_space<hbm>> -> memref<128xi32, #tpu.memory_space<hbm>>
      tpu.wait_dma2 semaphore(%run_scoped3A_459 : memref<!tpu.dma_semaphore, #tpu.memory_space<semaphore_mem>>) src(%dma_wait3A_475 : memref<128xi32, #tpu.memory_space<hbm>>) dst(%dma_wait3A_474 : memref<128xi32, #tpu.memory_space<vmem>>)
      tpu.yield
    }) : () -> ()
    %add3A_22 = arith.constant 128 : i32
    %add3A_23 = arith.addi %mul3A_2, %add3A_22 : i32
    %run_scoped3A_24 = arith.constant 1 : i32
    "tpu.region"() ({
      %run_scoped3A_459 = tpu.sem_alloc : memref<!tpu.dma_semaphore, #tpu.memory_space<semaphore_mem>>
      %dma_start3A_460 = arith.constant 0 : i32
      %dma_start3A_461 = tpu.memref_slice %arg10[%run_scoped3A_24, %dma_start3A_460] : memref<4x128xi32, #tpu.memory_space<vmem>> -> memref<1x128xi32, #tpu.memory_space<vmem>>
      %dma_start3A_462 = tpu.memref_squeeze %dma_start3A_461 : memref<1x128xi32, #tpu.memory_space<vmem>> -> memref<128xi32, #tpu.memory_space<vmem>>
      %dma_start3A_463 = tpu.memref_slice %arg2[%add3A_23] : memref<16384xi32, #tpu.memory_space<hbm>> -> memref<128xi32, #tpu.memory_space<hbm>>
      %dma_start3A_464 = arith.constant 0 : i32
      %dma_start3A_465 = tpu.memref_slice %arg10[%run_scoped3A_24, %dma_start3A_464] : memref<4x128xi32, #tpu.memory_space<vmem>> -> memref<1x128xi32, #tpu.memory_space<vmem>>
      %dma_start3A_466 = tpu.memref_squeeze %dma_start3A_465 : memref<1x128xi32, #tpu.memory_space<vmem>> -> memref<128xi32, #tpu.memory_space<vmem>>
      %dma_start3A_467 = tpu.memref_slice %arg2[%add3A_23] : memref<16384xi32, #tpu.memory_space<hbm>> -> memref<128xi32, #tpu.memory_space<hbm>>
      tpu.enqueue_dma source(%dma_start3A_467 : memref<128xi32, #tpu.memory_space<hbm>>) target(%dma_start3A_466 : memref<128xi32, #tpu.memory_space<vmem>>) target_semaphore(%run_scoped3A_459 : memref<!tpu.dma_semaphore, #tpu.memory_space<semaphore_mem>>)
      %dma_wait3A_468 = arith.constant 0 : i32
      %dma_wait3A_469 = tpu.memref_slice %arg10[%run_scoped3A_24, %dma_wait3A_468] : memref<4x128xi32, #tpu.memory_space<vmem>> -> memref<1x128xi32, #tpu.memory_space<vmem>>
      %dma_wait3A_470 = tpu.memref_squeeze %dma_wait3A_469 : memref<1x128xi32, #tpu.memory_space<vmem>> -> memref<128xi32, #tpu.memory_space<vmem>>
      %dma_wait3A_471 = tpu.memref_slice %arg2[%add3A_23] : memref<16384xi32, #tpu.memory_space<hbm>> -> memref<128xi32, #tpu.memory_space<hbm>>
      %dma_wait3A_472 = arith.constant 0 : i32
      %dma_wait3A_473 = tpu.memref_slice %arg10[%run_scoped3A_24, %dma_wait3A_472] : memref<4x128xi32, #tpu.memory_space<vmem>> -> memref<1x128xi32, #tpu.memory_space<vmem>>
      %dma_wait3A_474 = tpu.memref_squeeze %dma_wait3A_473 : memref<1x128xi32, #tpu.memory_space<vmem>> -> memref<128xi32, #tpu.memory_space<vmem>>
      %dma_wait3A_475 = tpu.memref_slice %arg2[%add3A_23] : memref<16384xi32, #tpu.memory_space<hbm>> -> memref<128xi32, #tpu.memory_space<hbm>>
      tpu.wait_dma2 semaphore(%run_scoped3A_459 : memref<!tpu.dma_semaphore, #tpu.memory_space<semaphore_mem>>) src(%dma_wait3A_475 : memref<128xi32, #tpu.memory_space<hbm>>) dst(%dma_wait3A_474 : memref<128xi32, #tpu.memory_space<vmem>>)
      tpu.yield
    }) : () -> ()
    %run_scoped3A_25 = arith.constant 1 : i32
    "tpu.region"() ({
      %run_scoped3A_459 = tpu.sem_alloc : memref<!tpu.dma_semaphore, #tpu.memory_space<semaphore_mem>>
      %dma_start3A_460 = arith.constant 0 : i32
      %dma_start3A_461 = tpu.memref_slice %arg11[%run_scoped3A_25, %dma_start3A_460] : memref<4x128xi32, #tpu.memory_space<vmem>> -> memref<1x128xi32, #tpu.memory_space<vmem>>
      %dma_start3A_462 = tpu.memref_squeeze %dma_start3A_461 : memref<1x128xi32, #tpu.memory_space<vmem>> -> memref<128xi32, #tpu.memory_space<vmem>>
      %dma_start3A_463 = tpu.memref_slice %arg3[%add3A_23] : memref<16384xi32, #tpu.memory_space<hbm>> -> memref<128xi32, #tpu.memory_space<hbm>>
      %dma_start3A_464 = arith.constant 0 : i32
      %dma_start3A_465 = tpu.memref_slice %arg11[%run_scoped3A_25, %dma_start3A_464] : memref<4x128xi32, #tpu.memory_space<vmem>> -> memref<1x128xi32, #tpu.memory_space<vmem>>
      %dma_start3A_466 = tpu.memref_squeeze %dma_start3A_465 : memref<1x128xi32, #tpu.memory_space<vmem>> -> memref<128xi32, #tpu.memory_space<vmem>>
      %dma_start3A_467 = tpu.memref_slice %arg3[%add3A_23] : memref<16384xi32, #tpu.memory_space<hbm>> -> memref<128xi32, #tpu.memory_space<hbm>>
      tpu.enqueue_dma source(%dma_start3A_467 : memref<128xi32, #tpu.memory_space<hbm>>) target(%dma_start3A_466 : memref<128xi32, #tpu.memory_space<vmem>>) target_semaphore(%run_scoped3A_459 : memref<!tpu.dma_semaphore, #tpu.memory_space<semaphore_mem>>)
      %dma_wait3A_468 = arith.constant 0 : i32
      %dma_wait3A_469 = tpu.memref_slice %arg11[%run_scoped3A_25, %dma_wait3A_468] : memref<4x128xi32, #tpu.memory_space<vmem>> -> memref<1x128xi32, #tpu.memory_space<vmem>>
      %dma_wait3A_470 = tpu.memref_squeeze %dma_wait3A_469 : memref<1x128xi32, #tpu.memory_space<vmem>> -> memref<128xi32, #tpu.memory_space<vmem>>
      %dma_wait3A_471 = tpu.memref_slice %arg3[%add3A_23] : memref<16384xi32, #tpu.memory_space<hbm>> -> memref<128xi32, #tpu.memory_space<hbm>>
      %dma_wait3A_472 = arith.constant 0 : i32
      %dma_wait3A_473 = tpu.memref_slice %arg11[%run_scoped3A_25, %dma_wait3A_472] : memref<4x128xi32, #tpu.memory_space<vmem>> -> memref<1x128xi32, #tpu.memory_space<vmem>>
      %dma_wait3A_474 = tpu.memref_squeeze %dma_wait3A_473 : memref<1x128xi32, #tpu.memory_space<vmem>> -> memref<128xi32, #tpu.memory_space<vmem>>
      %dma_wait3A_475 = tpu.memref_slice %arg3[%add3A_23] : memref<16384xi32, #tpu.memory_space<hbm>> -> memref<128xi32, #tpu.memory_space<hbm>>
      tpu.wait_dma2 semaphore(%run_scoped3A_459 : memref<!tpu.dma_semaphore, #tpu.memory_space<semaphore_mem>>) src(%dma_wait3A_475 : memref<128xi32, #tpu.memory_space<hbm>>) dst(%dma_wait3A_474 : memref<128xi32, #tpu.memory_space<vmem>>)
      tpu.yield
    }) : () -> ()
    %add3A_26 = arith.constant 0 : i32
    %add3A_27 = arith.addi %add3A_26, %add3A_23 : i32
    %run_scoped3A_28 = arith.constant 1 : i32
    %run_scoped3A_29 = arith.constant 0 : i32
    "tpu.region"() ({
      %run_scoped3A_459 = tpu.sem_alloc : memref<!tpu.dma_semaphore, #tpu.memory_space<semaphore_mem>>
      %dma_start3A_460 = arith.constant 0 : i32
      %dma_start3A_461 = tpu.memref_slice %arg12[%run_scoped3A_28, %run_scoped3A_29, %dma_start3A_460] : memref<4x4x128xi32, #tpu.memory_space<vmem>> -> memref<1x1x128xi32, #tpu.memory_space<vmem>>
      %dma_start3A_462 = tpu.memref_squeeze %dma_start3A_461 : memref<1x1x128xi32, #tpu.memory_space<vmem>> -> memref<128xi32, #tpu.memory_space<vmem>>
      %dma_start3A_463 = tpu.memref_slice %arg4[%add3A_27] : memref<65536xi32, #tpu.memory_space<hbm>> -> memref<128xi32, #tpu.memory_space<hbm>>
      %dma_start3A_464 = arith.constant 0 : i32
      %dma_start3A_465 = tpu.memref_slice %arg12[%run_scoped3A_28, %run_scoped3A_29, %dma_start3A_464] : memref<4x4x128xi32, #tpu.memory_space<vmem>> -> memref<1x1x128xi32, #tpu.memory_space<vmem>>
      %dma_start3A_466 = tpu.memref_squeeze %dma_start3A_465 : memref<1x1x128xi32, #tpu.memory_space<vmem>> -> memref<128xi32, #tpu.memory_space<vmem>>
      %dma_start3A_467 = tpu.memref_slice %arg4[%add3A_27] : memref<65536xi32, #tpu.memory_space<hbm>> -> memref<128xi32, #tpu.memory_space<hbm>>
      tpu.enqueue_dma source(%dma_start3A_467 : memref<128xi32, #tpu.memory_space<hbm>>) target(%dma_start3A_466 : memref<128xi32, #tpu.memory_space<vmem>>) target_semaphore(%run_scoped3A_459 : memref<!tpu.dma_semaphore, #tpu.memory_space<semaphore_mem>>)
      %dma_wait3A_468 = arith.constant 0 : i32
      %dma_wait3A_469 = tpu.memref_slice %arg12[%run_scoped3A_28, %run_scoped3A_29, %dma_wait3A_468] : memref<4x4x128xi32, #tpu.memory_space<vmem>> -> memref<1x1x128xi32, #tpu.memory_space<vmem>>
      %dma_wait3A_470 = tpu.memref_squeeze %dma_wait3A_469 : memref<1x1x128xi32, #tpu.memory_space<vmem>> -> memref<128xi32, #tpu.memory_space<vmem>>
      %dma_wait3A_471 = tpu.memref_slice %arg4[%add3A_27] : memref<65536xi32, #tpu.memory_space<hbm>> -> memref<128xi32, #tpu.memory_space<hbm>>
      %dma_wait3A_472 = arith.constant 0 : i32
      %dma_wait3A_473 = tpu.memref_slice %arg12[%run_scoped3A_28, %run_scoped3A_29, %dma_wait3A_472] : memref<4x4x128xi32, #tpu.memory_space<vmem>> -> memref<1x1x128xi32, #tpu.memory_space<vmem>>
      %dma_wait3A_474 = tpu.memref_squeeze %dma_wait3A_473 : memref<1x1x128xi32, #tpu.memory_space<vmem>> -> memref<128xi32, #tpu.memory_space<vmem>>
      %dma_wait3A_475 = tpu.memref_slice %arg4[%add3A_27] : memref<65536xi32, #tpu.memory_space<hbm>> -> memref<128xi32, #tpu.memory_space<hbm>>
      tpu.wait_dma2 semaphore(%run_scoped3A_459 : memref<!tpu.dma_semaphore, #tpu.memory_space<semaphore_mem>>) src(%dma_wait3A_475 : memref<128xi32, #tpu.memory_space<hbm>>) dst(%dma_wait3A_474 : memref<128xi32, #tpu.memory_space<vmem>>)
      tpu.yield
    }) : () -> ()
    %add3A_30 = arith.constant 16384 : i32
    %add3A_31 = arith.addi %add3A_30, %add3A_23 : i32
    %run_scoped3A_32 = arith.constant 1 : i32
    %run_scoped3A_33 = arith.constant 1 : i32
    "tpu.region"() ({
      %run_scoped3A_459 = tpu.sem_alloc : memref<!tpu.dma_semaphore, #tpu.memory_space<semaphore_mem>>
      %dma_start3A_460 = arith.constant 0 : i32
      %dma_start3A_461 = tpu.memref_slice %arg12[%run_scoped3A_32, %run_scoped3A_33, %dma_start3A_460] : memref<4x4x128xi32, #tpu.memory_space<vmem>> -> memref<1x1x128xi32, #tpu.memory_space<vmem>>
      %dma_start3A_462 = tpu.memref_squeeze %dma_start3A_461 : memref<1x1x128xi32, #tpu.memory_space<vmem>> -> memref<128xi32, #tpu.memory_space<vmem>>
      %dma_start3A_463 = tpu.memref_slice %arg4[%add3A_31] : memref<65536xi32, #tpu.memory_space<hbm>> -> memref<128xi32, #tpu.memory_space<hbm>>
      %dma_start3A_464 = arith.constant 0 : i32
      %dma_start3A_465 = tpu.memref_slice %arg12[%run_scoped3A_32, %run_scoped3A_33, %dma_start3A_464] : memref<4x4x128xi32, #tpu.memory_space<vmem>> -> memref<1x1x128xi32, #tpu.memory_space<vmem>>
      %dma_start3A_466 = tpu.memref_squeeze %dma_start3A_465 : memref<1x1x128xi32, #tpu.memory_space<vmem>> -> memref<128xi32, #tpu.memory_space<vmem>>
      %dma_start3A_467 = tpu.memref_slice %arg4[%add3A_31] : memref<65536xi32, #tpu.memory_space<hbm>> -> memref<128xi32, #tpu.memory_space<hbm>>
      tpu.enqueue_dma source(%dma_start3A_467 : memref<128xi32, #tpu.memory_space<hbm>>) target(%dma_start3A_466 : memref<128xi32, #tpu.memory_space<vmem>>) target_semaphore(%run_scoped3A_459 : memref<!tpu.dma_semaphore, #tpu.memory_space<semaphore_mem>>)
      %dma_wait3A_468 = arith.constant 0 : i32
      %dma_wait3A_469 = tpu.memref_slice %arg12[%run_scoped3A_32, %run_scoped3A_33, %dma_wait3A_468] : memref<4x4x128xi32, #tpu.memory_space<vmem>> -> memref<1x1x128xi32, #tpu.memory_space<vmem>>
      %dma_wait3A_470 = tpu.memref_squeeze %dma_wait3A_469 : memref<1x1x128xi32, #tpu.memory_space<vmem>> -> memref<128xi32, #tpu.memory_space<vmem>>
      %dma_wait3A_471 = tpu.memref_slice %arg4[%add3A_31] : memref<65536xi32, #tpu.memory_space<hbm>> -> memref<128xi32, #tpu.memory_space<hbm>>
      %dma_wait3A_472 = arith.constant 0 : i32
      %dma_wait3A_473 = tpu.memref_slice %arg12[%run_scoped3A_32, %run_scoped3A_33, %dma_wait3A_472] : memref<4x4x128xi32, #tpu.memory_space<vmem>> -> memref<1x1x128xi32, #tpu.memory_space<vmem>>
      %dma_wait3A_474 = tpu.memref_squeeze %dma_wait3A_473 : memref<1x1x128xi32, #tpu.memory_space<vmem>> -> memref<128xi32, #tpu.memory_space<vmem>>
      %dma_wait3A_475 = tpu.memref_slice %arg4[%add3A_31] : memref<65536xi32, #tpu.memory_space<hbm>> -> memref<128xi32, #tpu.memory_space<hbm>>
      tpu.wait_dma2 semaphore(%run_scoped3A_459 : memref<!tpu.dma_semaphore, #tpu.memory_space<semaphore_mem>>) src(%dma_wait3A_475 : memref<128xi32, #tpu.memory_space<hbm>>) dst(%dma_wait3A_474 : memref<128xi32, #tpu.memory_space<vmem>>)
      tpu.yield
    }) : () -> ()
    %add3A_34 = arith.constant 32768 : i32
    %add3A_35 = arith.addi %add3A_34, %add3A_23 : i32
    %run_scoped3A_36 = arith.constant 1 : i32
    %run_scoped3A_37 = arith.constant 2 : i32
    "tpu.region"() ({
      %run_scoped3A_459 = tpu.sem_alloc : memref<!tpu.dma_semaphore, #tpu.memory_space<semaphore_mem>>
      %dma_start3A_460 = arith.constant 0 : i32
      %dma_start3A_461 = tpu.memref_slice %arg12[%run_scoped3A_36, %run_scoped3A_37, %dma_start3A_460] : memref<4x4x128xi32, #tpu.memory_space<vmem>> -> memref<1x1x128xi32, #tpu.memory_space<vmem>>
      %dma_start3A_462 = tpu.memref_squeeze %dma_start3A_461 : memref<1x1x128xi32, #tpu.memory_space<vmem>> -> memref<128xi32, #tpu.memory_space<vmem>>
      %dma_start3A_463 = tpu.memref_slice %arg4[%add3A_35] : memref<65536xi32, #tpu.memory_space<hbm>> -> memref<128xi32, #tpu.memory_space<hbm>>
      %dma_start3A_464 = arith.constant 0 : i32
      %dma_start3A_465 = tpu.memref_slice %arg12[%run_scoped3A_36, %run_scoped3A_37, %dma_start3A_464] : memref<4x4x128xi32, #tpu.memory_space<vmem>> -> memref<1x1x128xi32, #tpu.memory_space<vmem>>
      %dma_start3A_466 = tpu.memref_squeeze %dma_start3A_465 : memref<1x1x128xi32, #tpu.memory_space<vmem>> -> memref<128xi32, #tpu.memory_space<vmem>>
      %dma_start3A_467 = tpu.memref_slice %arg4[%add3A_35] : memref<65536xi32, #tpu.memory_space<hbm>> -> memref<128xi32, #tpu.memory_space<hbm>>
      tpu.enqueue_dma source(%dma_start3A_467 : memref<128xi32, #tpu.memory_space<hbm>>) target(%dma_start3A_466 : memref<128xi32, #tpu.memory_space<vmem>>) target_semaphore(%run_scoped3A_459 : memref<!tpu.dma_semaphore, #tpu.memory_space<semaphore_mem>>)
      %dma_wait3A_468 = arith.constant 0 : i32
      %dma_wait3A_469 = tpu.memref_slice %arg12[%run_scoped3A_36, %run_scoped3A_37, %dma_wait3A_468] : memref<4x4x128xi32, #tpu.memory_space<vmem>> -> memref<1x1x128xi32, #tpu.memory_space<vmem>>
      %dma_wait3A_470 = tpu.memref_squeeze %dma_wait3A_469 : memref<1x1x128xi32, #tpu.memory_space<vmem>> -> memref<128xi32, #tpu.memory_space<vmem>>
      %dma_wait3A_471 = tpu.memref_slice %arg4[%add3A_35] : memref<65536xi32, #tpu.memory_space<hbm>> -> memref<128xi32, #tpu.memory_space<hbm>>
      %dma_wait3A_472 = arith.constant 0 : i32
      %dma_wait3A_473 = tpu.memref_slice %arg12[%run_scoped3A_36, %run_scoped3A_37, %dma_wait3A_472] : memref<4x4x128xi32, #tpu.memory_space<vmem>> -> memref<1x1x128xi32, #tpu.memory_space<vmem>>
      %dma_wait3A_474 = tpu.memref_squeeze %dma_wait3A_473 : memref<1x1x128xi32, #tpu.memory_space<vmem>> -> memref<128xi32, #tpu.memory_space<vmem>>
      %dma_wait3A_475 = tpu.memref_slice %arg4[%add3A_35] : memref<65536xi32, #tpu.memory_space<hbm>> -> memref<128xi32, #tpu.memory_space<hbm>>
      tpu.wait_dma2 semaphore(%run_scoped3A_459 : memref<!tpu.dma_semaphore, #tpu.memory_space<semaphore_mem>>) src(%dma_wait3A_475 : memref<128xi32, #tpu.memory_space<hbm>>) dst(%dma_wait3A_474 : memref<128xi32, #tpu.memory_space<vmem>>)
      tpu.yield
    }) : () -> ()
    %add3A_38 = arith.constant 49152 : i32
    %add3A_39 = arith.addi %add3A_38, %add3A_23 : i32
    %run_scoped3A_40 = arith.constant 1 : i32
    %run_scoped3A_41 = arith.constant 3 : i32
    "tpu.region"() ({
      %run_scoped3A_459 = tpu.sem_alloc : memref<!tpu.dma_semaphore, #tpu.memory_space<semaphore_mem>>
      %dma_start3A_460 = arith.constant 0 : i32
      %dma_start3A_461 = tpu.memref_slice %arg12[%run_scoped3A_40, %run_scoped3A_41, %dma_start3A_460] : memref<4x4x128xi32, #tpu.memory_space<vmem>> -> memref<1x1x128xi32, #tpu.memory_space<vmem>>
      %dma_start3A_462 = tpu.memref_squeeze %dma_start3A_461 : memref<1x1x128xi32, #tpu.memory_space<vmem>> -> memref<128xi32, #tpu.memory_space<vmem>>
      %dma_start3A_463 = tpu.memref_slice %arg4[%add3A_39] : memref<65536xi32, #tpu.memory_space<hbm>> -> memref<128xi32, #tpu.memory_space<hbm>>
      %dma_start3A_464 = arith.constant 0 : i32
      %dma_start3A_465 = tpu.memref_slice %arg12[%run_scoped3A_40, %run_scoped3A_41, %dma_start3A_464] : memref<4x4x128xi32, #tpu.memory_space<vmem>> -> memref<1x1x128xi32, #tpu.memory_space<vmem>>
      %dma_start3A_466 = tpu.memref_squeeze %dma_start3A_465 : memref<1x1x128xi32, #tpu.memory_space<vmem>> -> memref<128xi32, #tpu.memory_space<vmem>>
      %dma_start3A_467 = tpu.memref_slice %arg4[%add3A_39] : memref<65536xi32, #tpu.memory_space<hbm>> -> memref<128xi32, #tpu.memory_space<hbm>>
      tpu.enqueue_dma source(%dma_start3A_467 : memref<128xi32, #tpu.memory_space<hbm>>) target(%dma_start3A_466 : memref<128xi32, #tpu.memory_space<vmem>>) target_semaphore(%run_scoped3A_459 : memref<!tpu.dma_semaphore, #tpu.memory_space<semaphore_mem>>)
      %dma_wait3A_468 = arith.constant 0 : i32
      %dma_wait3A_469 = tpu.memref_slice %arg12[%run_scoped3A_40, %run_scoped3A_41, %dma_wait3A_468] : memref<4x4x128xi32, #tpu.memory_space<vmem>> -> memref<1x1x128xi32, #tpu.memory_space<vmem>>
      %dma_wait3A_470 = tpu.memref_squeeze %dma_wait3A_469 : memref<1x1x128xi32, #tpu.memory_space<vmem>> -> memref<128xi32, #tpu.memory_space<vmem>>
      %dma_wait3A_471 = tpu.memref_slice %arg4[%add3A_39] : memref<65536xi32, #tpu.memory_space<hbm>> -> memref<128xi32, #tpu.memory_space<hbm>>
      %dma_wait3A_472 = arith.constant 0 : i32
      %dma_wait3A_473 = tpu.memref_slice %arg12[%run_scoped3A_40, %run_scoped3A_41, %dma_wait3A_472] : memref<4x4x128xi32, #tpu.memory_space<vmem>> -> memref<1x1x128xi32, #tpu.memory_space<vmem>>
      %dma_wait3A_474 = tpu.memref_squeeze %dma_wait3A_473 : memref<1x1x128xi32, #tpu.memory_space<vmem>> -> memref<128xi32, #tpu.memory_space<vmem>>
      %dma_wait3A_475 = tpu.memref_slice %arg4[%add3A_39] : memref<65536xi32, #tpu.memory_space<hbm>> -> memref<128xi32, #tpu.memory_space<hbm>>
      tpu.wait_dma2 semaphore(%run_scoped3A_459 : memref<!tpu.dma_semaphore, #tpu.memory_space<semaphore_mem>>) src(%dma_wait3A_475 : memref<128xi32, #tpu.memory_space<hbm>>) dst(%dma_wait3A_474 : memref<128xi32, #tpu.memory_space<vmem>>)
      tpu.yield
    }) : () -> ()
    %add3A_42 = arith.constant 256 : i32
    %add3A_43 = arith.addi %mul3A_2, %add3A_42 : i32
    %run_scoped3A_44 = arith.constant 2 : i32
    "tpu.region"() ({
      %run_scoped3A_459 = tpu.sem_alloc : memref<!tpu.dma_semaphore, #tpu.memory_space<semaphore_mem>>
      %dma_start3A_460 = arith.constant 0 : i32
      %dma_start3A_461 = tpu.memref_slice %arg10[%run_scoped3A_44, %dma_start3A_460] : memref<4x128xi32, #tpu.memory_space<vmem>> -> memref<1x128xi32, #tpu.memory_space<vmem>>
      %dma_start3A_462 = tpu.memref_squeeze %dma_start3A_461 : memref<1x128xi32, #tpu.memory_space<vmem>> -> memref<128xi32, #tpu.memory_space<vmem>>
      %dma_start3A_463 = tpu.memref_slice %arg2[%add3A_43] : memref<16384xi32, #tpu.memory_space<hbm>> -> memref<128xi32, #tpu.memory_space<hbm>>
      %dma_start3A_464 = arith.constant 0 : i32
      %dma_start3A_465 = tpu.memref_slice %arg10[%run_scoped3A_44, %dma_start3A_464] : memref<4x128xi32, #tpu.memory_space<vmem>> -> memref<1x128xi32, #tpu.memory_space<vmem>>
      %dma_start3A_466 = tpu.memref_squeeze %dma_start3A_465 : memref<1x128xi32, #tpu.memory_space<vmem>> -> memref<128xi32, #tpu.memory_space<vmem>>
      %dma_start3A_467 = tpu.memref_slice %arg2[%add3A_43] : memref<16384xi32, #tpu.memory_space<hbm>> -> memref<128xi32, #tpu.memory_space<hbm>>
      tpu.enqueue_dma source(%dma_start3A_467 : memref<128xi32, #tpu.memory_space<hbm>>) target(%dma_start3A_466 : memref<128xi32, #tpu.memory_space<vmem>>) target_semaphore(%run_scoped3A_459 : memref<!tpu.dma_semaphore, #tpu.memory_space<semaphore_mem>>)
      %dma_wait3A_468 = arith.constant 0 : i32
      %dma_wait3A_469 = tpu.memref_slice %arg10[%run_scoped3A_44, %dma_wait3A_468] : memref<4x128xi32, #tpu.memory_space<vmem>> -> memref<1x128xi32, #tpu.memory_space<vmem>>
      %dma_wait3A_470 = tpu.memref_squeeze %dma_wait3A_469 : memref<1x128xi32, #tpu.memory_space<vmem>> -> memref<128xi32, #tpu.memory_space<vmem>>
      %dma_wait3A_471 = tpu.memref_slice %arg2[%add3A_43] : memref<16384xi32, #tpu.memory_space<hbm>> -> memref<128xi32, #tpu.memory_space<hbm>>
      %dma_wait3A_472 = arith.constant 0 : i32
      %dma_wait3A_473 = tpu.memref_slice %arg10[%run_scoped3A_44, %dma_wait3A_472] : memref<4x128xi32, #tpu.memory_space<vmem>> -> memref<1x128xi32, #tpu.memory_space<vmem>>
      %dma_wait3A_474 = tpu.memref_squeeze %dma_wait3A_473 : memref<1x128xi32, #tpu.memory_space<vmem>> -> memref<128xi32, #tpu.memory_space<vmem>>
      %dma_wait3A_475 = tpu.memref_slice %arg2[%add3A_43] : memref<16384xi32, #tpu.memory_space<hbm>> -> memref<128xi32, #tpu.memory_space<hbm>>
      tpu.wait_dma2 semaphore(%run_scoped3A_459 : memref<!tpu.dma_semaphore, #tpu.memory_space<semaphore_mem>>) src(%dma_wait3A_475 : memref<128xi32, #tpu.memory_space<hbm>>) dst(%dma_wait3A_474 : memref<128xi32, #tpu.memory_space<vmem>>)
      tpu.yield
    }) : () -> ()
    %run_scoped3A_45 = arith.constant 2 : i32
    "tpu.region"() ({
      %run_scoped3A_459 = tpu.sem_alloc : memref<!tpu.dma_semaphore, #tpu.memory_space<semaphore_mem>>
      %dma_start3A_460 = arith.constant 0 : i32
      %dma_start3A_461 = tpu.memref_slice %arg11[%run_scoped3A_45, %dma_start3A_460] : memref<4x128xi32, #tpu.memory_space<vmem>> -> memref<1x128xi32, #tpu.memory_space<vmem>>
      %dma_start3A_462 = tpu.memref_squeeze %dma_start3A_461 : memref<1x128xi32, #tpu.memory_space<vmem>> -> memref<128xi32, #tpu.memory_space<vmem>>
      %dma_start3A_463 = tpu.memref_slice %arg3[%add3A_43] : memref<16384xi32, #tpu.memory_space<hbm>> -> memref<128xi32, #tpu.memory_space<hbm>>
      %dma_start3A_464 = arith.constant 0 : i32
      %dma_start3A_465 = tpu.memref_slice %arg11[%run_scoped3A_45, %dma_start3A_464] : memref<4x128xi32, #tpu.memory_space<vmem>> -> memref<1x128xi32, #tpu.memory_space<vmem>>
      %dma_start3A_466 = tpu.memref_squeeze %dma_start3A_465 : memref<1x128xi32, #tpu.memory_space<vmem>> -> memref<128xi32, #tpu.memory_space<vmem>>
      %dma_start3A_467 = tpu.memref_slice %arg3[%add3A_43] : memref<16384xi32, #tpu.memory_space<hbm>> -> memref<128xi32, #tpu.memory_space<hbm>>
      tpu.enqueue_dma source(%dma_start3A_467 : memref<128xi32, #tpu.memory_space<hbm>>) target(%dma_start3A_466 : memref<128xi32, #tpu.memory_space<vmem>>) target_semaphore(%run_scoped3A_459 : memref<!tpu.dma_semaphore, #tpu.memory_space<semaphore_mem>>)
      %dma_wait3A_468 = arith.constant 0 : i32
      %dma_wait3A_469 = tpu.memref_slice %arg11[%run_scoped3A_45, %dma_wait3A_468] : memref<4x128xi32, #tpu.memory_space<vmem>> -> memref<1x128xi32, #tpu.memory_space<vmem>>
      %dma_wait3A_470 = tpu.memref_squeeze %dma_wait3A_469 : memref<1x128xi32, #tpu.memory_space<vmem>> -> memref<128xi32, #tpu.memory_space<vmem>>
      %dma_wait3A_471 = tpu.memref_slice %arg3[%add3A_43] : memref<16384xi32, #tpu.memory_space<hbm>> -> memref<128xi32, #tpu.memory_space<hbm>>
      %dma_wait3A_472 = arith.constant 0 : i32
      %dma_wait3A_473 = tpu.memref_slice %arg11[%run_scoped3A_45, %dma_wait3A_472] : memref<4x128xi32, #tpu.memory_space<vmem>> -> memref<1x128xi32, #tpu.memory_space<vmem>>
      %dma_wait3A_474 = tpu.memref_squeeze %dma_wait3A_473 : memref<1x128xi32, #tpu.memory_space<vmem>> -> memref<128xi32, #tpu.memory_space<vmem>>
      %dma_wait3A_475 = tpu.memref_slice %arg3[%add3A_43] : memref<16384xi32, #tpu.memory_space<hbm>> -> memref<128xi32, #tpu.memory_space<hbm>>
      tpu.wait_dma2 semaphore(%run_scoped3A_459 : memref<!tpu.dma_semaphore, #tpu.memory_space<semaphore_mem>>) src(%dma_wait3A_475 : memref<128xi32, #tpu.memory_space<hbm>>) dst(%dma_wait3A_474 : memref<128xi32, #tpu.memory_space<vmem>>)
      tpu.yield
    }) : () -> ()
    %add3A_46 = arith.constant 0 : i32
    %add3A_47 = arith.addi %add3A_46, %add3A_43 : i32
    %run_scoped3A_48 = arith.constant 2 : i32
    %run_scoped3A_49 = arith.constant 0 : i32
    "tpu.region"() ({
      %run_scoped3A_459 = tpu.sem_alloc : memref<!tpu.dma_semaphore, #tpu.memory_space<semaphore_mem>>
      %dma_start3A_460 = arith.constant 0 : i32
      %dma_start3A_461 = tpu.memref_slice %arg12[%run_scoped3A_48, %run_scoped3A_49, %dma_start3A_460] : memref<4x4x128xi32, #tpu.memory_space<vmem>> -> memref<1x1x128xi32, #tpu.memory_space<vmem>>
      %dma_start3A_462 = tpu.memref_squeeze %dma_start3A_461 : memref<1x1x128xi32, #tpu.memory_space<vmem>> -> memref<128xi32, #tpu.memory_space<vmem>>
      %dma_start3A_463 = tpu.memref_slice %arg4[%add3A_47] : memref<65536xi32, #tpu.memory_space<hbm>> -> memref<128xi32, #tpu.memory_space<hbm>>
      %dma_start3A_464 = arith.constant 0 : i32
      %dma_start3A_465 = tpu.memref_slice %arg12[%run_scoped3A_48, %run_scoped3A_49, %dma_start3A_464] : memref<4x4x128xi32, #tpu.memory_space<vmem>> -> memref<1x1x128xi32, #tpu.memory_space<vmem>>
      %dma_start3A_466 = tpu.memref_squeeze %dma_start3A_465 : memref<1x1x128xi32, #tpu.memory_space<vmem>> -> memref<128xi32, #tpu.memory_space<vmem>>
      %dma_start3A_467 = tpu.memref_slice %arg4[%add3A_47] : memref<65536xi32, #tpu.memory_space<hbm>> -> memref<128xi32, #tpu.memory_space<hbm>>
      tpu.enqueue_dma source(%dma_start3A_467 : memref<128xi32, #tpu.memory_space<hbm>>) target(%dma_start3A_466 : memref<128xi32, #tpu.memory_space<vmem>>) target_semaphore(%run_scoped3A_459 : memref<!tpu.dma_semaphore, #tpu.memory_space<semaphore_mem>>)
      %dma_wait3A_468 = arith.constant 0 : i32
      %dma_wait3A_469 = tpu.memref_slice %arg12[%run_scoped3A_48, %run_scoped3A_49, %dma_wait3A_468] : memref<4x4x128xi32, #tpu.memory_space<vmem>> -> memref<1x1x128xi32, #tpu.memory_space<vmem>>
      %dma_wait3A_470 = tpu.memref_squeeze %dma_wait3A_469 : memref<1x1x128xi32, #tpu.memory_space<vmem>> -> memref<128xi32, #tpu.memory_space<vmem>>
      %dma_wait3A_471 = tpu.memref_slice %arg4[%add3A_47] : memref<65536xi32, #tpu.memory_space<hbm>> -> memref<128xi32, #tpu.memory_space<hbm>>
      %dma_wait3A_472 = arith.constant 0 : i32
      %dma_wait3A_473 = tpu.memref_slice %arg12[%run_scoped3A_48, %run_scoped3A_49, %dma_wait3A_472] : memref<4x4x128xi32, #tpu.memory_space<vmem>> -> memref<1x1x128xi32, #tpu.memory_space<vmem>>
      %dma_wait3A_474 = tpu.memref_squeeze %dma_wait3A_473 : memref<1x1x128xi32, #tpu.memory_space<vmem>> -> memref<128xi32, #tpu.memory_space<vmem>>
      %dma_wait3A_475 = tpu.memref_slice %arg4[%add3A_47] : memref<65536xi32, #tpu.memory_space<hbm>> -> memref<128xi32, #tpu.memory_space<hbm>>
      tpu.wait_dma2 semaphore(%run_scoped3A_459 : memref<!tpu.dma_semaphore, #tpu.memory_space<semaphore_mem>>) src(%dma_wait3A_475 : memref<128xi32, #tpu.memory_space<hbm>>) dst(%dma_wait3A_474 : memref<128xi32, #tpu.memory_space<vmem>>)
      tpu.yield
    }) : () -> ()
    %add3A_50 = arith.constant 16384 : i32
    %add3A_51 = arith.addi %add3A_50, %add3A_43 : i32
    %run_scoped3A_52 = arith.constant 2 : i32
    %run_scoped3A_53 = arith.constant 1 : i32
    "tpu.region"() ({
      %run_scoped3A_459 = tpu.sem_alloc : memref<!tpu.dma_semaphore, #tpu.memory_space<semaphore_mem>>
      %dma_start3A_460 = arith.constant 0 : i32
      %dma_start3A_461 = tpu.memref_slice %arg12[%run_scoped3A_52, %run_scoped3A_53, %dma_start3A_460] : memref<4x4x128xi32, #tpu.memory_space<vmem>> -> memref<1x1x128xi32, #tpu.memory_space<vmem>>
      %dma_start3A_462 = tpu.memref_squeeze %dma_start3A_461 : memref<1x1x128xi32, #tpu.memory_space<vmem>> -> memref<128xi32, #tpu.memory_space<vmem>>
      %dma_start3A_463 = tpu.memref_slice %arg4[%add3A_51] : memref<65536xi32, #tpu.memory_space<hbm>> -> memref<128xi32, #tpu.memory_space<hbm>>
      %dma_start3A_464 = arith.constant 0 : i32
      %dma_start3A_465 = tpu.memref_slice %arg12[%run_scoped3A_52, %run_scoped3A_53, %dma_start3A_464] : memref<4x4x128xi32, #tpu.memory_space<vmem>> -> memref<1x1x128xi32, #tpu.memory_space<vmem>>
      %dma_start3A_466 = tpu.memref_squeeze %dma_start3A_465 : memref<1x1x128xi32, #tpu.memory_space<vmem>> -> memref<128xi32, #tpu.memory_space<vmem>>
      %dma_start3A_467 = tpu.memref_slice %arg4[%add3A_51] : memref<65536xi32, #tpu.memory_space<hbm>> -> memref<128xi32, #tpu.memory_space<hbm>>
      tpu.enqueue_dma source(%dma_start3A_467 : memref<128xi32, #tpu.memory_space<hbm>>) target(%dma_start3A_466 : memref<128xi32, #tpu.memory_space<vmem>>) target_semaphore(%run_scoped3A_459 : memref<!tpu.dma_semaphore, #tpu.memory_space<semaphore_mem>>)
      %dma_wait3A_468 = arith.constant 0 : i32
      %dma_wait3A_469 = tpu.memref_slice %arg12[%run_scoped3A_52, %run_scoped3A_53, %dma_wait3A_468] : memref<4x4x128xi32, #tpu.memory_space<vmem>> -> memref<1x1x128xi32, #tpu.memory_space<vmem>>
      %dma_wait3A_470 = tpu.memref_squeeze %dma_wait3A_469 : memref<1x1x128xi32, #tpu.memory_space<vmem>> -> memref<128xi32, #tpu.memory_space<vmem>>
      %dma_wait3A_471 = tpu.memref_slice %arg4[%add3A_51] : memref<65536xi32, #tpu.memory_space<hbm>> -> memref<128xi32, #tpu.memory_space<hbm>>
      %dma_wait3A_472 = arith.constant 0 : i32
      %dma_wait3A_473 = tpu.memref_slice %arg12[%run_scoped3A_52, %run_scoped3A_53, %dma_wait3A_472] : memref<4x4x128xi32, #tpu.memory_space<vmem>> -> memref<1x1x128xi32, #tpu.memory_space<vmem>>
      %dma_wait3A_474 = tpu.memref_squeeze %dma_wait3A_473 : memref<1x1x128xi32, #tpu.memory_space<vmem>> -> memref<128xi32, #tpu.memory_space<vmem>>
      %dma_wait3A_475 = tpu.memref_slice %arg4[%add3A_51] : memref<65536xi32, #tpu.memory_space<hbm>> -> memref<128xi32, #tpu.memory_space<hbm>>
      tpu.wait_dma2 semaphore(%run_scoped3A_459 : memref<!tpu.dma_semaphore, #tpu.memory_space<semaphore_mem>>) src(%dma_wait3A_475 : memref<128xi32, #tpu.memory_space<hbm>>) dst(%dma_wait3A_474 : memref<128xi32, #tpu.memory_space<vmem>>)
      tpu.yield
    }) : () -> ()
    %add3A_54 = arith.constant 32768 : i32
    %add3A_55 = arith.addi %add3A_54, %add3A_43 : i32
    %run_scoped3A_56 = arith.constant 2 : i32
    %run_scoped3A_57 = arith.constant 2 : i32
    "tpu.region"() ({
      %run_scoped3A_459 = tpu.sem_alloc : memref<!tpu.dma_semaphore, #tpu.memory_space<semaphore_mem>>
      %dma_start3A_460 = arith.constant 0 : i32
      %dma_start3A_461 = tpu.memref_slice %arg12[%run_scoped3A_56, %run_scoped3A_57, %dma_start3A_460] : memref<4x4x128xi32, #tpu.memory_space<vmem>> -> memref<1x1x128xi32, #tpu.memory_space<vmem>>
      %dma_start3A_462 = tpu.memref_squeeze %dma_start3A_461 : memref<1x1x128xi32, #tpu.memory_space<vmem>> -> memref<128xi32, #tpu.memory_space<vmem>>
      %dma_start3A_463 = tpu.memref_slice %arg4[%add3A_55] : memref<65536xi32, #tpu.memory_space<hbm>> -> memref<128xi32, #tpu.memory_space<hbm>>
      %dma_start3A_464 = arith.constant 0 : i32
      %dma_start3A_465 = tpu.memref_slice %arg12[%run_scoped3A_56, %run_scoped3A_57, %dma_start3A_464] : memref<4x4x128xi32, #tpu.memory_space<vmem>> -> memref<1x1x128xi32, #tpu.memory_space<vmem>>
      %dma_start3A_466 = tpu.memref_squeeze %dma_start3A_465 : memref<1x1x128xi32, #tpu.memory_space<vmem>> -> memref<128xi32, #tpu.memory_space<vmem>>
      %dma_start3A_467 = tpu.memref_slice %arg4[%add3A_55] : memref<65536xi32, #tpu.memory_space<hbm>> -> memref<128xi32, #tpu.memory_space<hbm>>
      tpu.enqueue_dma source(%dma_start3A_467 : memref<128xi32, #tpu.memory_space<hbm>>) target(%dma_start3A_466 : memref<128xi32, #tpu.memory_space<vmem>>) target_semaphore(%run_scoped3A_459 : memref<!tpu.dma_semaphore, #tpu.memory_space<semaphore_mem>>)
      %dma_wait3A_468 = arith.constant 0 : i32
      %dma_wait3A_469 = tpu.memref_slice %arg12[%run_scoped3A_56, %run_scoped3A_57, %dma_wait3A_468] : memref<4x4x128xi32, #tpu.memory_space<vmem>> -> memref<1x1x128xi32, #tpu.memory_space<vmem>>
      %dma_wait3A_470 = tpu.memref_squeeze %dma_wait3A_469 : memref<1x1x128xi32, #tpu.memory_space<vmem>> -> memref<128xi32, #tpu.memory_space<vmem>>
      %dma_wait3A_471 = tpu.memref_slice %arg4[%add3A_55] : memref<65536xi32, #tpu.memory_space<hbm>> -> memref<128xi32, #tpu.memory_space<hbm>>
      %dma_wait3A_472 = arith.constant 0 : i32
      %dma_wait3A_473 = tpu.memref_slice %arg12[%run_scoped3A_56, %run_scoped3A_57, %dma_wait3A_472] : memref<4x4x128xi32, #tpu.memory_space<vmem>> -> memref<1x1x128xi32, #tpu.memory_space<vmem>>
      %dma_wait3A_474 = tpu.memref_squeeze %dma_wait3A_473 : memref<1x1x128xi32, #tpu.memory_space<vmem>> -> memref<128xi32, #tpu.memory_space<vmem>>
      %dma_wait3A_475 = tpu.memref_slice %arg4[%add3A_55] : memref<65536xi32, #tpu.memory_space<hbm>> -> memref<128xi32, #tpu.memory_space<hbm>>
      tpu.wait_dma2 semaphore(%run_scoped3A_459 : memref<!tpu.dma_semaphore, #tpu.memory_space<semaphore_mem>>) src(%dma_wait3A_475 : memref<128xi32, #tpu.memory_space<hbm>>) dst(%dma_wait3A_474 : memref<128xi32, #tpu.memory_space<vmem>>)
      tpu.yield
    }) : () -> ()
    %add3A_58 = arith.constant 49152 : i32
    %add3A_59 = arith.addi %add3A_58, %add3A_43 : i32
    %run_scoped3A_60 = arith.constant 2 : i32
    %run_scoped3A_61 = arith.constant 3 : i32
    "tpu.region"() ({
      %run_scoped3A_459 = tpu.sem_alloc : memref<!tpu.dma_semaphore, #tpu.memory_space<semaphore_mem>>
      %dma_start3A_460 = arith.constant 0 : i32
      %dma_start3A_461 = tpu.memref_slice %arg12[%run_scoped3A_60, %run_scoped3A_61, %dma_start3A_460] : memref<4x4x128xi32, #tpu.memory_space<vmem>> -> memref<1x1x128xi32, #tpu.memory_space<vmem>>
      %dma_start3A_462 = tpu.memref_squeeze %dma_start3A_461 : memref<1x1x128xi32, #tpu.memory_space<vmem>> -> memref<128xi32, #tpu.memory_space<vmem>>
      %dma_start3A_463 = tpu.memref_slice %arg4[%add3A_59] : memref<65536xi32, #tpu.memory_space<hbm>> -> memref<128xi32, #tpu.memory_space<hbm>>
      %dma_start3A_464 = arith.constant 0 : i32
      %dma_start3A_465 = tpu.memref_slice %arg12[%run_scoped3A_60, %run_scoped3A_61, %dma_start3A_464] : memref<4x4x128xi32, #tpu.memory_space<vmem>> -> memref<1x1x128xi32, #tpu.memory_space<vmem>>
      %dma_start3A_466 = tpu.memref_squeeze %dma_start3A_465 : memref<1x1x128xi32, #tpu.memory_space<vmem>> -> memref<128xi32, #tpu.memory_space<vmem>>
      %dma_start3A_467 = tpu.memref_slice %arg4[%add3A_59] : memref<65536xi32, #tpu.memory_space<hbm>> -> memref<128xi32, #tpu.memory_space<hbm>>
      tpu.enqueue_dma source(%dma_start3A_467 : memref<128xi32, #tpu.memory_space<hbm>>) target(%dma_start3A_466 : memref<128xi32, #tpu.memory_space<vmem>>) target_semaphore(%run_scoped3A_459 : memref<!tpu.dma_semaphore, #tpu.memory_space<semaphore_mem>>)
      %dma_wait3A_468 = arith.constant 0 : i32
      %dma_wait3A_469 = tpu.memref_slice %arg12[%run_scoped3A_60, %run_scoped3A_61, %dma_wait3A_468] : memref<4x4x128xi32, #tpu.memory_space<vmem>> -> memref<1x1x128xi32, #tpu.memory_space<vmem>>
      %dma_wait3A_470 = tpu.memref_squeeze %dma_wait3A_469 : memref<1x1x128xi32, #tpu.memory_space<vmem>> -> memref<128xi32, #tpu.memory_space<vmem>>
      %dma_wait3A_471 = tpu.memref_slice %arg4[%add3A_59] : memref<65536xi32, #tpu.memory_space<hbm>> -> memref<128xi32, #tpu.memory_space<hbm>>
      %dma_wait3A_472 = arith.constant 0 : i32
      %dma_wait3A_473 = tpu.memref_slice %arg12[%run_scoped3A_60, %run_scoped3A_61, %dma_wait3A_472] : memref<4x4x128xi32, #tpu.memory_space<vmem>> -> memref<1x1x128xi32, #tpu.memory_space<vmem>>
      %dma_wait3A_474 = tpu.memref_squeeze %dma_wait3A_473 : memref<1x1x128xi32, #tpu.memory_space<vmem>> -> memref<128xi32, #tpu.memory_space<vmem>>
      %dma_wait3A_475 = tpu.memref_slice %arg4[%add3A_59] : memref<65536xi32, #tpu.memory_space<hbm>> -> memref<128xi32, #tpu.memory_space<hbm>>
      tpu.wait_dma2 semaphore(%run_scoped3A_459 : memref<!tpu.dma_semaphore, #tpu.memory_space<semaphore_mem>>) src(%dma_wait3A_475 : memref<128xi32, #tpu.memory_space<hbm>>) dst(%dma_wait3A_474 : memref<128xi32, #tpu.memory_space<vmem>>)
      tpu.yield
    }) : () -> ()
    %add3A_62 = arith.constant 384 : i32
    %add3A_63 = arith.addi %mul3A_2, %add3A_62 : i32
    %run_scoped3A_64 = arith.constant 3 : i32
    "tpu.region"() ({
      %run_scoped3A_459 = tpu.sem_alloc : memref<!tpu.dma_semaphore, #tpu.memory_space<semaphore_mem>>
      %dma_start3A_460 = arith.constant 0 : i32
      %dma_start3A_461 = tpu.memref_slice %arg10[%run_scoped3A_64, %dma_start3A_460] : memref<4x128xi32, #tpu.memory_space<vmem>> -> memref<1x128xi32, #tpu.memory_space<vmem>>
      %dma_start3A_462 = tpu.memref_squeeze %dma_start3A_461 : memref<1x128xi32, #tpu.memory_space<vmem>> -> memref<128xi32, #tpu.memory_space<vmem>>
      %dma_start3A_463 = tpu.memref_slice %arg2[%add3A_63] : memref<16384xi32, #tpu.memory_space<hbm>> -> memref<128xi32, #tpu.memory_space<hbm>>
      %dma_start3A_464 = arith.constant 0 : i32
      %dma_start3A_465 = tpu.memref_slice %arg10[%run_scoped3A_64, %dma_start3A_464] : memref<4x128xi32, #tpu.memory_space<vmem>> -> memref<1x128xi32, #tpu.memory_space<vmem>>
      %dma_start3A_466 = tpu.memref_squeeze %dma_start3A_465 : memref<1x128xi32, #tpu.memory_space<vmem>> -> memref<128xi32, #tpu.memory_space<vmem>>
      %dma_start3A_467 = tpu.memref_slice %arg2[%add3A_63] : memref<16384xi32, #tpu.memory_space<hbm>> -> memref<128xi32, #tpu.memory_space<hbm>>
      tpu.enqueue_dma source(%dma_start3A_467 : memref<128xi32, #tpu.memory_space<hbm>>) target(%dma_start3A_466 : memref<128xi32, #tpu.memory_space<vmem>>) target_semaphore(%run_scoped3A_459 : memref<!tpu.dma_semaphore, #tpu.memory_space<semaphore_mem>>)
      %dma_wait3A_468 = arith.constant 0 : i32
      %dma_wait3A_469 = tpu.memref_slice %arg10[%run_scoped3A_64, %dma_wait3A_468] : memref<4x128xi32, #tpu.memory_space<vmem>> -> memref<1x128xi32, #tpu.memory_space<vmem>>
      %dma_wait3A_470 = tpu.memref_squeeze %dma_wait3A_469 : memref<1x128xi32, #tpu.memory_space<vmem>> -> memref<128xi32, #tpu.memory_space<vmem>>
      %dma_wait3A_471 = tpu.memref_slice %arg2[%add3A_63] : memref<16384xi32, #tpu.memory_space<hbm>> -> memref<128xi32, #tpu.memory_space<hbm>>
      %dma_wait3A_472 = arith.constant 0 : i32
      %dma_wait3A_473 = tpu.memref_slice %arg10[%run_scoped3A_64, %dma_wait3A_472] : memref<4x128xi32, #tpu.memory_space<vmem>> -> memref<1x128xi32, #tpu.memory_space<vmem>>
      %dma_wait3A_474 = tpu.memref_squeeze %dma_wait3A_473 : memref<1x128xi32, #tpu.memory_space<vmem>> -> memref<128xi32, #tpu.memory_space<vmem>>
      %dma_wait3A_475 = tpu.memref_slice %arg2[%add3A_63] : memref<16384xi32, #tpu.memory_space<hbm>> -> memref<128xi32, #tpu.memory_space<hbm>>
      tpu.wait_dma2 semaphore(%run_scoped3A_459 : memref<!tpu.dma_semaphore, #tpu.memory_space<semaphore_mem>>) src(%dma_wait3A_475 : memref<128xi32, #tpu.memory_space<hbm>>) dst(%dma_wait3A_474 : memref<128xi32, #tpu.memory_space<vmem>>)
      tpu.yield
    }) : () -> ()
    %run_scoped3A_65 = arith.constant 3 : i32
    "tpu.region"() ({
      %run_scoped3A_459 = tpu.sem_alloc : memref<!tpu.dma_semaphore, #tpu.memory_space<semaphore_mem>>
      %dma_start3A_460 = arith.constant 0 : i32
      %dma_start3A_461 = tpu.memref_slice %arg11[%run_scoped3A_65, %dma_start3A_460] : memref<4x128xi32, #tpu.memory_space<vmem>> -> memref<1x128xi32, #tpu.memory_space<vmem>>
      %dma_start3A_462 = tpu.memref_squeeze %dma_start3A_461 : memref<1x128xi32, #tpu.memory_space<vmem>> -> memref<128xi32, #tpu.memory_space<vmem>>
      %dma_start3A_463 = tpu.memref_slice %arg3[%add3A_63] : memref<16384xi32, #tpu.memory_space<hbm>> -> memref<128xi32, #tpu.memory_space<hbm>>
      %dma_start3A_464 = arith.constant 0 : i32
      %dma_start3A_465 = tpu.memref_slice %arg11[%run_scoped3A_65, %dma_start3A_464] : memref<4x128xi32, #tpu.memory_space<vmem>> -> memref<1x128xi32, #tpu.memory_space<vmem>>
      %dma_start3A_466 = tpu.memref_squeeze %dma_start3A_465 : memref<1x128xi32, #tpu.memory_space<vmem>> -> memref<128xi32, #tpu.memory_space<vmem>>
      %dma_start3A_467 = tpu.memref_slice %arg3[%add3A_63] : memref<16384xi32, #tpu.memory_space<hbm>> -> memref<128xi32, #tpu.memory_space<hbm>>
      tpu.enqueue_dma source(%dma_start3A_467 : memref<128xi32, #tpu.memory_space<hbm>>) target(%dma_start3A_466 : memref<128xi32, #tpu.memory_space<vmem>>) target_semaphore(%run_scoped3A_459 : memref<!tpu.dma_semaphore, #tpu.memory_space<semaphore_mem>>)
      %dma_wait3A_468 = arith.constant 0 : i32
      %dma_wait3A_469 = tpu.memref_slice %arg11[%run_scoped3A_65, %dma_wait3A_468] : memref<4x128xi32, #tpu.memory_space<vmem>> -> memref<1x128xi32, #tpu.memory_space<vmem>>
      %dma_wait3A_470 = tpu.memref_squeeze %dma_wait3A_469 : memref<1x128xi32, #tpu.memory_space<vmem>> -> memref<128xi32, #tpu.memory_space<vmem>>
      %dma_wait3A_471 = tpu.memref_slice %arg3[%add3A_63] : memref<16384xi32, #tpu.memory_space<hbm>> -> memref<128xi32, #tpu.memory_space<hbm>>
      %dma_wait3A_472 = arith.constant 0 : i32
      %dma_wait3A_473 = tpu.memref_slice %arg11[%run_scoped3A_65, %dma_wait3A_472] : memref<4x128xi32, #tpu.memory_space<vmem>> -> memref<1x128xi32, #tpu.memory_space<vmem>>
      %dma_wait3A_474 = tpu.memref_squeeze %dma_wait3A_473 : memref<1x128xi32, #tpu.memory_space<vmem>> -> memref<128xi32, #tpu.memory_space<vmem>>
      %dma_wait3A_475 = tpu.memref_slice %arg3[%add3A_63] : memref<16384xi32, #tpu.memory_space<hbm>> -> memref<128xi32, #tpu.memory_space<hbm>>
      tpu.wait_dma2 semaphore(%run_scoped3A_459 : memref<!tpu.dma_semaphore, #tpu.memory_space<semaphore_mem>>) src(%dma_wait3A_475 : memref<128xi32, #tpu.memory_space<hbm>>) dst(%dma_wait3A_474 : memref<128xi32, #tpu.memory_space<vmem>>)
      tpu.yield
    }) : () -> ()
    %add3A_66 = arith.constant 0 : i32
    %add3A_67 = arith.addi %add3A_66, %add3A_63 : i32
    %run_scoped3A_68 = arith.constant 3 : i32
    %run_scoped3A_69 = arith.constant 0 : i32
    "tpu.region"() ({
      %run_scoped3A_459 = tpu.sem_alloc : memref<!tpu.dma_semaphore, #tpu.memory_space<semaphore_mem>>
      %dma_start3A_460 = arith.constant 0 : i32
      %dma_start3A_461 = tpu.memref_slice %arg12[%run_scoped3A_68, %run_scoped3A_69, %dma_start3A_460] : memref<4x4x128xi32, #tpu.memory_space<vmem>> -> memref<1x1x128xi32, #tpu.memory_space<vmem>>
      %dma_start3A_462 = tpu.memref_squeeze %dma_start3A_461 : memref<1x1x128xi32, #tpu.memory_space<vmem>> -> memref<128xi32, #tpu.memory_space<vmem>>
      %dma_start3A_463 = tpu.memref_slice %arg4[%add3A_67] : memref<65536xi32, #tpu.memory_space<hbm>> -> memref<128xi32, #tpu.memory_space<hbm>>
      %dma_start3A_464 = arith.constant 0 : i32
      %dma_start3A_465 = tpu.memref_slice %arg12[%run_scoped3A_68, %run_scoped3A_69, %dma_start3A_464] : memref<4x4x128xi32, #tpu.memory_space<vmem>> -> memref<1x1x128xi32, #tpu.memory_space<vmem>>
      %dma_start3A_466 = tpu.memref_squeeze %dma_start3A_465 : memref<1x1x128xi32, #tpu.memory_space<vmem>> -> memref<128xi32, #tpu.memory_space<vmem>>
      %dma_start3A_467 = tpu.memref_slice %arg4[%add3A_67] : memref<65536xi32, #tpu.memory_space<hbm>> -> memref<128xi32, #tpu.memory_space<hbm>>
      tpu.enqueue_dma source(%dma_start3A_467 : memref<128xi32, #tpu.memory_space<hbm>>) target(%dma_start3A_466 : memref<128xi32, #tpu.memory_space<vmem>>) target_semaphore(%run_scoped3A_459 : memref<!tpu.dma_semaphore, #tpu.memory_space<semaphore_mem>>)
      %dma_wait3A_468 = arith.constant 0 : i32
      %dma_wait3A_469 = tpu.memref_slice %arg12[%run_scoped3A_68, %run_scoped3A_69, %dma_wait3A_468] : memref<4x4x128xi32, #tpu.memory_space<vmem>> -> memref<1x1x128xi32, #tpu.memory_space<vmem>>
      %dma_wait3A_470 = tpu.memref_squeeze %dma_wait3A_469 : memref<1x1x128xi32, #tpu.memory_space<vmem>> -> memref<128xi32, #tpu.memory_space<vmem>>
      %dma_wait3A_471 = tpu.memref_slice %arg4[%add3A_67] : memref<65536xi32, #tpu.memory_space<hbm>> -> memref<128xi32, #tpu.memory_space<hbm>>
      %dma_wait3A_472 = arith.constant 0 : i32
      %dma_wait3A_473 = tpu.memref_slice %arg12[%run_scoped3A_68, %run_scoped3A_69, %dma_wait3A_472] : memref<4x4x128xi32, #tpu.memory_space<vmem>> -> memref<1x1x128xi32, #tpu.memory_space<vmem>>
      %dma_wait3A_474 = tpu.memref_squeeze %dma_wait3A_473 : memref<1x1x128xi32, #tpu.memory_space<vmem>> -> memref<128xi32, #tpu.memory_space<vmem>>
      %dma_wait3A_475 = tpu.memref_slice %arg4[%add3A_67] : memref<65536xi32, #tpu.memory_space<hbm>> -> memref<128xi32, #tpu.memory_space<hbm>>
      tpu.wait_dma2 semaphore(%run_scoped3A_459 : memref<!tpu.dma_semaphore, #tpu.memory_space<semaphore_mem>>) src(%dma_wait3A_475 : memref<128xi32, #tpu.memory_space<hbm>>) dst(%dma_wait3A_474 : memref<128xi32, #tpu.memory_space<vmem>>)
      tpu.yield
    }) : () -> ()
    %add3A_70 = arith.constant 16384 : i32
    %add3A_71 = arith.addi %add3A_70, %add3A_63 : i32
    %run_scoped3A_72 = arith.constant 3 : i32
    %run_scoped3A_73 = arith.constant 1 : i32
    "tpu.region"() ({
      %run_scoped3A_459 = tpu.sem_alloc : memref<!tpu.dma_semaphore, #tpu.memory_space<semaphore_mem>>
      %dma_start3A_460 = arith.constant 0 : i32
      %dma_start3A_461 = tpu.memref_slice %arg12[%run_scoped3A_72, %run_scoped3A_73, %dma_start3A_460] : memref<4x4x128xi32, #tpu.memory_space<vmem>> -> memref<1x1x128xi32, #tpu.memory_space<vmem>>
      %dma_start3A_462 = tpu.memref_squeeze %dma_start3A_461 : memref<1x1x128xi32, #tpu.memory_space<vmem>> -> memref<128xi32, #tpu.memory_space<vmem>>
      %dma_start3A_463 = tpu.memref_slice %arg4[%add3A_71] : memref<65536xi32, #tpu.memory_space<hbm>> -> memref<128xi32, #tpu.memory_space<hbm>>
      %dma_start3A_464 = arith.constant 0 : i32
      %dma_start3A_465 = tpu.memref_slice %arg12[%run_scoped3A_72, %run_scoped3A_73, %dma_start3A_464] : memref<4x4x128xi32, #tpu.memory_space<vmem>> -> memref<1x1x128xi32, #tpu.memory_space<vmem>>
      %dma_start3A_466 = tpu.memref_squeeze %dma_start3A_465 : memref<1x1x128xi32, #tpu.memory_space<vmem>> -> memref<128xi32, #tpu.memory_space<vmem>>
      %dma_start3A_467 = tpu.memref_slice %arg4[%add3A_71] : memref<65536xi32, #tpu.memory_space<hbm>> -> memref<128xi32, #tpu.memory_space<hbm>>
      tpu.enqueue_dma source(%dma_start3A_467 : memref<128xi32, #tpu.memory_space<hbm>>) target(%dma_start3A_466 : memref<128xi32, #tpu.memory_space<vmem>>) target_semaphore(%run_scoped3A_459 : memref<!tpu.dma_semaphore, #tpu.memory_space<semaphore_mem>>)
      %dma_wait3A_468 = arith.constant 0 : i32
      %dma_wait3A_469 = tpu.memref_slice %arg12[%run_scoped3A_72, %run_scoped3A_73, %dma_wait3A_468] : memref<4x4x128xi32, #tpu.memory_space<vmem>> -> memref<1x1x128xi32, #tpu.memory_space<vmem>>
      %dma_wait3A_470 = tpu.memref_squeeze %dma_wait3A_469 : memref<1x1x128xi32, #tpu.memory_space<vmem>> -> memref<128xi32, #tpu.memory_space<vmem>>
      %dma_wait3A_471 = tpu.memref_slice %arg4[%add3A_71] : memref<65536xi32, #tpu.memory_space<hbm>> -> memref<128xi32, #tpu.memory_space<hbm>>
      %dma_wait3A_472 = arith.constant 0 : i32
      %dma_wait3A_473 = tpu.memref_slice %arg12[%run_scoped3A_72, %run_scoped3A_73, %dma_wait3A_472] : memref<4x4x128xi32, #tpu.memory_space<vmem>> -> memref<1x1x128xi32, #tpu.memory_space<vmem>>
      %dma_wait3A_474 = tpu.memref_squeeze %dma_wait3A_473 : memref<1x1x128xi32, #tpu.memory_space<vmem>> -> memref<128xi32, #tpu.memory_space<vmem>>
      %dma_wait3A_475 = tpu.memref_slice %arg4[%add3A_71] : memref<65536xi32, #tpu.memory_space<hbm>> -> memref<128xi32, #tpu.memory_space<hbm>>
      tpu.wait_dma2 semaphore(%run_scoped3A_459 : memref<!tpu.dma_semaphore, #tpu.memory_space<semaphore_mem>>) src(%dma_wait3A_475 : memref<128xi32, #tpu.memory_space<hbm>>) dst(%dma_wait3A_474 : memref<128xi32, #tpu.memory_space<vmem>>)
      tpu.yield
    }) : () -> ()
    %add3A_74 = arith.constant 32768 : i32
    %add3A_75 = arith.addi %add3A_74, %add3A_63 : i32
    %run_scoped3A_76 = arith.constant 3 : i32
    %run_scoped3A_77 = arith.constant 2 : i32
    "tpu.region"() ({
      %run_scoped3A_459 = tpu.sem_alloc : memref<!tpu.dma_semaphore, #tpu.memory_space<semaphore_mem>>
      %dma_start3A_460 = arith.constant 0 : i32
      %dma_start3A_461 = tpu.memref_slice %arg12[%run_scoped3A_76, %run_scoped3A_77, %dma_start3A_460] : memref<4x4x128xi32, #tpu.memory_space<vmem>> -> memref<1x1x128xi32, #tpu.memory_space<vmem>>
      %dma_start3A_462 = tpu.memref_squeeze %dma_start3A_461 : memref<1x1x128xi32, #tpu.memory_space<vmem>> -> memref<128xi32, #tpu.memory_space<vmem>>
      %dma_start3A_463 = tpu.memref_slice %arg4[%add3A_75] : memref<65536xi32, #tpu.memory_space<hbm>> -> memref<128xi32, #tpu.memory_space<hbm>>
      %dma_start3A_464 = arith.constant 0 : i32
      %dma_start3A_465 = tpu.memref_slice %arg12[%run_scoped3A_76, %run_scoped3A_77, %dma_start3A_464] : memref<4x4x128xi32, #tpu.memory_space<vmem>> -> memref<1x1x128xi32, #tpu.memory_space<vmem>>
      %dma_start3A_466 = tpu.memref_squeeze %dma_start3A_465 : memref<1x1x128xi32, #tpu.memory_space<vmem>> -> memref<128xi32, #tpu.memory_space<vmem>>
      %dma_start3A_467 = tpu.memref_slice %arg4[%add3A_75] : memref<65536xi32, #tpu.memory_space<hbm>> -> memref<128xi32, #tpu.memory_space<hbm>>
      tpu.enqueue_dma source(%dma_start3A_467 : memref<128xi32, #tpu.memory_space<hbm>>) target(%dma_start3A_466 : memref<128xi32, #tpu.memory_space<vmem>>) target_semaphore(%run_scoped3A_459 : memref<!tpu.dma_semaphore, #tpu.memory_space<semaphore_mem>>)
      %dma_wait3A_468 = arith.constant 0 : i32
      %dma_wait3A_469 = tpu.memref_slice %arg12[%run_scoped3A_76, %run_scoped3A_77, %dma_wait3A_468] : memref<4x4x128xi32, #tpu.memory_space<vmem>> -> memref<1x1x128xi32, #tpu.memory_space<vmem>>
      %dma_wait3A_470 = tpu.memref_squeeze %dma_wait3A_469 : memref<1x1x128xi32, #tpu.memory_space<vmem>> -> memref<128xi32, #tpu.memory_space<vmem>>
      %dma_wait3A_471 = tpu.memref_slice %arg4[%add3A_75] : memref<65536xi32, #tpu.memory_space<hbm>> -> memref<128xi32, #tpu.memory_space<hbm>>
      %dma_wait3A_472 = arith.constant 0 : i32
      %dma_wait3A_473 = tpu.memref_slice %arg12[%run_scoped3A_76, %run_scoped3A_77, %dma_wait3A_472] : memref<4x4x128xi32, #tpu.memory_space<vmem>> -> memref<1x1x128xi32, #tpu.memory_space<vmem>>
      %dma_wait3A_474 = tpu.memref_squeeze %dma_wait3A_473 : memref<1x1x128xi32, #tpu.memory_space<vmem>> -> memref<128xi32, #tpu.memory_space<vmem>>
      %dma_wait3A_475 = tpu.memref_slice %arg4[%add3A_75] : memref<65536xi32, #tpu.memory_space<hbm>> -> memref<128xi32, #tpu.memory_space<hbm>>
      tpu.wait_dma2 semaphore(%run_scoped3A_459 : memref<!tpu.dma_semaphore, #tpu.memory_space<semaphore_mem>>) src(%dma_wait3A_475 : memref<128xi32, #tpu.memory_space<hbm>>) dst(%dma_wait3A_474 : memref<128xi32, #tpu.memory_space<vmem>>)
      tpu.yield
    }) : () -> ()
    %add3A_78 = arith.constant 49152 : i32
    %add3A_79 = arith.addi %add3A_78, %add3A_63 : i32
    %run_scoped3A_80 = arith.constant 3 : i32
    %run_scoped3A_81 = arith.constant 3 : i32
    "tpu.region"() ({
      %run_scoped3A_459 = tpu.sem_alloc : memref<!tpu.dma_semaphore, #tpu.memory_space<semaphore_mem>>
      %dma_start3A_460 = arith.constant 0 : i32
      %dma_start3A_461 = tpu.memref_slice %arg12[%run_scoped3A_80, %run_scoped3A_81, %dma_start3A_460] : memref<4x4x128xi32, #tpu.memory_space<vmem>> -> memref<1x1x128xi32, #tpu.memory_space<vmem>>
      %dma_start3A_462 = tpu.memref_squeeze %dma_start3A_461 : memref<1x1x128xi32, #tpu.memory_space<vmem>> -> memref<128xi32, #tpu.memory_space<vmem>>
      %dma_start3A_463 = tpu.memref_slice %arg4[%add3A_79] : memref<65536xi32, #tpu.memory_space<hbm>> -> memref<128xi32, #tpu.memory_space<hbm>>
      %dma_start3A_464 = arith.constant 0 : i32
      %dma_start3A_465 = tpu.memref_slice %arg12[%run_scoped3A_80, %run_scoped3A_81, %dma_start3A_464] : memref<4x4x128xi32, #tpu.memory_space<vmem>> -> memref<1x1x128xi32, #tpu.memory_space<vmem>>
      %dma_start3A_466 = tpu.memref_squeeze %dma_start3A_465 : memref<1x1x128xi32, #tpu.memory_space<vmem>> -> memref<128xi32, #tpu.memory_space<vmem>>
      %dma_start3A_467 = tpu.memref_slice %arg4[%add3A_79] : memref<65536xi32, #tpu.memory_space<hbm>> -> memref<128xi32, #tpu.memory_space<hbm>>
      tpu.enqueue_dma source(%dma_start3A_467 : memref<128xi32, #tpu.memory_space<hbm>>) target(%dma_start3A_466 : memref<128xi32, #tpu.memory_space<vmem>>) target_semaphore(%run_scoped3A_459 : memref<!tpu.dma_semaphore, #tpu.memory_space<semaphore_mem>>)
      %dma_wait3A_468 = arith.constant 0 : i32
      %dma_wait3A_469 = tpu.memref_slice %arg12[%run_scoped3A_80, %run_scoped3A_81, %dma_wait3A_468] : memref<4x4x128xi32, #tpu.memory_space<vmem>> -> memref<1x1x128xi32, #tpu.memory_space<vmem>>
      %dma_wait3A_470 = tpu.memref_squeeze %dma_wait3A_469 : memref<1x1x128xi32, #tpu.memory_space<vmem>> -> memref<128xi32, #tpu.memory_space<vmem>>
      %dma_wait3A_471 = tpu.memref_slice %arg4[%add3A_79] : memref<65536xi32, #tpu.memory_space<hbm>> -> memref<128xi32, #tpu.memory_space<hbm>>
      %dma_wait3A_472 = arith.constant 0 : i32
      %dma_wait3A_473 = tpu.memref_slice %arg12[%run_scoped3A_80, %run_scoped3A_81, %dma_wait3A_472] : memref<4x4x128xi32, #tpu.memory_space<vmem>> -> memref<1x1x128xi32, #tpu.memory_space<vmem>>
      %dma_wait3A_474 = tpu.memref_squeeze %dma_wait3A_473 : memref<1x1x128xi32, #tpu.memory_space<vmem>> -> memref<128xi32, #tpu.memory_space<vmem>>
      %dma_wait3A_475 = tpu.memref_slice %arg4[%add3A_79] : memref<65536xi32, #tpu.memory_space<hbm>> -> memref<128xi32, #tpu.memory_space<hbm>>
      tpu.wait_dma2 semaphore(%run_scoped3A_459 : memref<!tpu.dma_semaphore, #tpu.memory_space<semaphore_mem>>) src(%dma_wait3A_475 : memref<128xi32, #tpu.memory_space<hbm>>) dst(%dma_wait3A_474 : memref<128xi32, #tpu.memory_space<vmem>>)
      tpu.yield
    }) : () -> ()
    %dma_start3A = arith.constant 0 : i32
    %dma_start3A_82 = arith.constant 0 : i32
    %dma_start3A_83 = tpu.memref_slice %arg10[%dma_start3A, %dma_start3A_82] : memref<4x128xi32, #tpu.memory_space<vmem>> -> memref<1x128xi32, #tpu.memory_space<vmem>>
    %dma_start3A_84 = tpu.memref_squeeze %dma_start3A_83 : memref<1x128xi32, #tpu.memory_space<vmem>> -> memref<128xi32, #tpu.memory_space<vmem>>
    %dma_start3A_85 = arith.constant 0 : i32
    %dma_start3A_86 = arith.constant 0 : i32
    %dma_start3A_87 = tpu.memref_slice %arg5[%dma_start3A_85, %dma_start3A_86] : memref<1000000x128xf32, #tpu.memory_space<hbm>> -> memref<1000000x128xf32, #tpu.memory_space<hbm>>
    tpu.enqueue_indirect_dma source(%dma_start3A_87 : memref<1000000x128xf32, #tpu.memory_space<hbm>>) target(%arg13 : memref<128x128xf32, #tpu.memory_space<vmem>>) offsets(%dma_start3A_84 : memref<128xi32, #tpu.memory_space<vmem>>) semaphore(%arg20 : memref<!tpu.dma_semaphore, #tpu.memory_space<semaphore_mem>>)
    %dma_start3A_88 = arith.constant 0 : i32
    %dma_start3A_89 = arith.constant 0 : i32
    %dma_start3A_90 = tpu.memref_slice %arg11[%dma_start3A_88, %dma_start3A_89] : memref<4x128xi32, #tpu.memory_space<vmem>> -> memref<1x128xi32, #tpu.memory_space<vmem>>
    %dma_start3A_91 = tpu.memref_squeeze %dma_start3A_90 : memref<1x128xi32, #tpu.memory_space<vmem>> -> memref<128xi32, #tpu.memory_space<vmem>>
    %dma_start3A_92 = arith.constant 0 : i32
    %dma_start3A_93 = arith.constant 0 : i32
    %dma_start3A_94 = tpu.memref_slice %arg6[%dma_start3A_92, %dma_start3A_93] : memref<100000x128xf32, #tpu.memory_space<hbm>> -> memref<100000x128xf32, #tpu.memory_space<hbm>>
    tpu.enqueue_indirect_dma source(%dma_start3A_94 : memref<100000x128xf32, #tpu.memory_space<hbm>>) target(%arg16 : memref<128x128xf32, #tpu.memory_space<vmem>>) offsets(%dma_start3A_91 : memref<128xi32, #tpu.memory_space<vmem>>) semaphore(%arg21 : memref<!tpu.dma_semaphore, #tpu.memory_space<semaphore_mem>>)
    %dma_start3A_95 = arith.constant 0 : i32
    %dma_start3A_96 = arith.constant 0 : i32
    %dma_start3A_97 = arith.constant 0 : i32
    %dma_start3A_98 = arith.constant 0 : i32
    %dma_start3A_99 = tpu.memref_slice %arg17[%dma_start3A_97, %dma_start3A_98] : memref<512x128xf32, #tpu.memory_space<vmem>> -> memref<128x128xf32, #tpu.memory_space<vmem>>
    %dma_start3A_100 = arith.constant 0 : i32
    %dma_start3A_101 = tpu.memref_slice %arg12[%dma_start3A_95, %dma_start3A_96, %dma_start3A_100] : memref<4x4x128xi32, #tpu.memory_space<vmem>> -> memref<1x1x128xi32, #tpu.memory_space<vmem>>
    %dma_start3A_102 = tpu.memref_squeeze %dma_start3A_101 : memref<1x1x128xi32, #tpu.memory_space<vmem>> -> memref<128xi32, #tpu.memory_space<vmem>>
    %dma_start3A_103 = arith.constant 0 : i32
    %dma_start3A_104 = arith.constant 0 : i32
    %dma_start3A_105 = tpu.memref_slice %arg6[%dma_start3A_103, %dma_start3A_104] : memref<100000x128xf32, #tpu.memory_space<hbm>> -> memref<100000x128xf32, #tpu.memory_space<hbm>>
    tpu.enqueue_indirect_dma source(%dma_start3A_105 : memref<100000x128xf32, #tpu.memory_space<hbm>>) target(%dma_start3A_99 : memref<128x128xf32, #tpu.memory_space<vmem>>) offsets(%dma_start3A_102 : memref<128xi32, #tpu.memory_space<vmem>>) semaphore(%arg21 : memref<!tpu.dma_semaphore, #tpu.memory_space<semaphore_mem>>)
    %dma_start3A_106 = arith.constant 0 : i32
    %dma_start3A_107 = arith.constant 1 : i32
    %dma_start3A_108 = arith.constant 128 : i32
    %dma_start3A_109 = arith.constant 0 : i32
    %dma_start3A_110 = tpu.memref_slice %arg17[%dma_start3A_108, %dma_start3A_109] : memref<512x128xf32, #tpu.memory_space<vmem>> -> memref<128x128xf32, #tpu.memory_space<vmem>>
    %dma_start3A_111 = arith.constant 0 : i32
    %dma_start3A_112 = tpu.memref_slice %arg12[%dma_start3A_106, %dma_start3A_107, %dma_start3A_111] : memref<4x4x128xi32, #tpu.memory_space<vmem>> -> memref<1x1x128xi32, #tpu.memory_space<vmem>>
    %dma_start3A_113 = tpu.memref_squeeze %dma_start3A_112 : memref<1x1x128xi32, #tpu.memory_space<vmem>> -> memref<128xi32, #tpu.memory_space<vmem>>
    %dma_start3A_114 = arith.constant 0 : i32
    %dma_start3A_115 = arith.constant 0 : i32
    %dma_start3A_116 = tpu.memref_slice %arg6[%dma_start3A_114, %dma_start3A_115] : memref<100000x128xf32, #tpu.memory_space<hbm>> -> memref<100000x128xf32, #tpu.memory_space<hbm>>
    tpu.enqueue_indirect_dma source(%dma_start3A_116 : memref<100000x128xf32, #tpu.memory_space<hbm>>) target(%dma_start3A_110 : memref<128x128xf32, #tpu.memory_space<vmem>>) offsets(%dma_start3A_113 : memref<128xi32, #tpu.memory_space<vmem>>) semaphore(%arg21 : memref<!tpu.dma_semaphore, #tpu.memory_space<semaphore_mem>>)
    %dma_start3A_117 = arith.constant 0 : i32
    %dma_start3A_118 = arith.constant 2 : i32
    %dma_start3A_119 = arith.constant 256 : i32
    %dma_start3A_120 = arith.constant 0 : i32
    %dma_start3A_121 = tpu.memref_slice %arg17[%dma_start3A_119, %dma_start3A_120] : memref<512x128xf32, #tpu.memory_space<vmem>> -> memref<128x128xf32, #tpu.memory_space<vmem>>
    %dma_start3A_122 = arith.constant 0 : i32
    %dma_start3A_123 = tpu.memref_slice %arg12[%dma_start3A_117, %dma_start3A_118, %dma_start3A_122] : memref<4x4x128xi32, #tpu.memory_space<vmem>> -> memref<1x1x128xi32, #tpu.memory_space<vmem>>
    %dma_start3A_124 = tpu.memref_squeeze %dma_start3A_123 : memref<1x1x128xi32, #tpu.memory_space<vmem>> -> memref<128xi32, #tpu.memory_space<vmem>>
    %dma_start3A_125 = arith.constant 0 : i32
    %dma_start3A_126 = arith.constant 0 : i32
    %dma_start3A_127 = tpu.memref_slice %arg6[%dma_start3A_125, %dma_start3A_126] : memref<100000x128xf32, #tpu.memory_space<hbm>> -> memref<100000x128xf32, #tpu.memory_space<hbm>>
    tpu.enqueue_indirect_dma source(%dma_start3A_127 : memref<100000x128xf32, #tpu.memory_space<hbm>>) target(%dma_start3A_121 : memref<128x128xf32, #tpu.memory_space<vmem>>) offsets(%dma_start3A_124 : memref<128xi32, #tpu.memory_space<vmem>>) semaphore(%arg21 : memref<!tpu.dma_semaphore, #tpu.memory_space<semaphore_mem>>)
    %dma_start3A_128 = arith.constant 0 : i32
    %dma_start3A_129 = arith.constant 3 : i32
    %dma_start3A_130 = arith.constant 384 : i32
    %dma_start3A_131 = arith.constant 0 : i32
    %dma_start3A_132 = tpu.memref_slice %arg17[%dma_start3A_130, %dma_start3A_131] : memref<512x128xf32, #tpu.memory_space<vmem>> -> memref<128x128xf32, #tpu.memory_space<vmem>>
    %dma_start3A_133 = arith.constant 0 : i32
    %dma_start3A_134 = tpu.memref_slice %arg12[%dma_start3A_128, %dma_start3A_129, %dma_start3A_133] : memref<4x4x128xi32, #tpu.memory_space<vmem>> -> memref<1x1x128xi32, #tpu.memory_space<vmem>>
    %dma_start3A_135 = tpu.memref_squeeze %dma_start3A_134 : memref<1x1x128xi32, #tpu.memory_space<vmem>> -> memref<128xi32, #tpu.memory_space<vmem>>
    %dma_start3A_136 = arith.constant 0 : i32
    %dma_start3A_137 = arith.constant 0 : i32
    %dma_start3A_138 = tpu.memref_slice %arg6[%dma_start3A_136, %dma_start3A_137] : memref<100000x128xf32, #tpu.memory_space<hbm>> -> memref<100000x128xf32, #tpu.memory_space<hbm>>
    tpu.enqueue_indirect_dma source(%dma_start3A_138 : memref<100000x128xf32, #tpu.memory_space<hbm>>) target(%dma_start3A_132 : memref<128x128xf32, #tpu.memory_space<vmem>>) offsets(%dma_start3A_135 : memref<128xi32, #tpu.memory_space<vmem>>) semaphore(%arg21 : memref<!tpu.dma_semaphore, #tpu.memory_space<semaphore_mem>>)
    %dma_wait3A = arith.constant 0 : i32
    %dma_wait3A_139 = arith.constant 0 : i32
    %dma_wait3A_140 = tpu.memref_slice %arg5[%dma_wait3A, %dma_wait3A_139] : memref<1000000x128xf32, #tpu.memory_space<hbm>> -> memref<128x128xf32, #tpu.memory_space<hbm>>
    %dma_wait3A_141 = arith.constant 0 : i32
    %dma_wait3A_142 = arith.constant 0 : i32
    %dma_wait3A_143 = tpu.memref_slice %arg5[%dma_wait3A_141, %dma_wait3A_142] : memref<1000000x128xf32, #tpu.memory_space<hbm>> -> memref<128x128xf32, #tpu.memory_space<hbm>>
    tpu.wait_dma2 semaphore(%arg20 : memref<!tpu.dma_semaphore, #tpu.memory_space<semaphore_mem>>) src(%dma_wait3A_143 : memref<128x128xf32, #tpu.memory_space<hbm>>) dst(%arg13 : memref<128x128xf32, #tpu.memory_space<vmem>>)
    %dma_start3A_144 = arith.constant 1 : i32
    %dma_start3A_145 = arith.constant 0 : i32
    %dma_start3A_146 = tpu.memref_slice %arg10[%dma_start3A_144, %dma_start3A_145] : memref<4x128xi32, #tpu.memory_space<vmem>> -> memref<1x128xi32, #tpu.memory_space<vmem>>
    %dma_start3A_147 = tpu.memref_squeeze %dma_start3A_146 : memref<1x128xi32, #tpu.memory_space<vmem>> -> memref<128xi32, #tpu.memory_space<vmem>>
    %dma_start3A_148 = arith.constant 0 : i32
    %dma_start3A_149 = arith.constant 0 : i32
    %dma_start3A_150 = tpu.memref_slice %arg5[%dma_start3A_148, %dma_start3A_149] : memref<1000000x128xf32, #tpu.memory_space<hbm>> -> memref<1000000x128xf32, #tpu.memory_space<hbm>>
    tpu.enqueue_indirect_dma source(%dma_start3A_150 : memref<1000000x128xf32, #tpu.memory_space<hbm>>) target(%arg14 : memref<128x128xf32, #tpu.memory_space<vmem>>) offsets(%dma_start3A_147 : memref<128xi32, #tpu.memory_space<vmem>>) semaphore(%arg20 : memref<!tpu.dma_semaphore, #tpu.memory_space<semaphore_mem>>)
    %dma_wait3A_151 = arith.constant 0 : i32
    %dma_wait3A_152 = arith.constant 0 : i32
    %dma_wait3A_153 = tpu.memref_slice %arg6[%dma_wait3A_151, %dma_wait3A_152] : memref<100000x128xf32, #tpu.memory_space<hbm>> -> memref<128x128xf32, #tpu.memory_space<hbm>>
    %dma_wait3A_154 = arith.constant 0 : i32
    %dma_wait3A_155 = arith.constant 0 : i32
    %dma_wait3A_156 = tpu.memref_slice %arg6[%dma_wait3A_154, %dma_wait3A_155] : memref<100000x128xf32, #tpu.memory_space<hbm>> -> memref<128x128xf32, #tpu.memory_space<hbm>>
    tpu.wait_dma2 semaphore(%arg21 : memref<!tpu.dma_semaphore, #tpu.memory_space<semaphore_mem>>) src(%dma_wait3A_156 : memref<128x128xf32, #tpu.memory_space<hbm>>) dst(%arg16 : memref<128x128xf32, #tpu.memory_space<vmem>>)
    %dma_wait3A_157 = arith.constant 0 : i32
    %dma_wait3A_158 = arith.constant 0 : i32
    %dma_wait3A_159 = tpu.memref_slice %arg6[%dma_wait3A_157, %dma_wait3A_158] : memref<100000x128xf32, #tpu.memory_space<hbm>> -> memref<512x128xf32, #tpu.memory_space<hbm>>
    %dma_wait3A_160 = arith.constant 0 : i32
    %dma_wait3A_161 = arith.constant 0 : i32
    %dma_wait3A_162 = tpu.memref_slice %arg6[%dma_wait3A_160, %dma_wait3A_161] : memref<100000x128xf32, #tpu.memory_space<hbm>> -> memref<512x128xf32, #tpu.memory_space<hbm>>
    tpu.wait_dma2 semaphore(%arg21 : memref<!tpu.dma_semaphore, #tpu.memory_space<semaphore_mem>>) src(%dma_wait3A_162 : memref<512x128xf32, #tpu.memory_space<hbm>>) dst(%arg17 : memref<512x128xf32, #tpu.memory_space<vmem>>)
    %scan3A = arith.constant 0 : i32
    %scan3A_163 = arith.constant 0 : i32
    %scan3A_164 = arith.constant 8 : i32
    %scan3A_165 = arith.addi %scan3A_163, %scan3A_164 : i32
    %scan3A_166 = arith.constant 1 : i32
    scf.for %scan3A_459 = %scan3A_163 to %scan3A_165 step %scan3A_166  : i32 {
      %mul3A_460 = arith.constant 16 : i32
      %mul3A_461 = arith.muli %scan3A_459, %mul3A_460 : i32
      %add3A_462 = vector.broadcast %mul3A_461 : i32 to vector<16xi32>
      %add3A_463 = arith.addi %iota3A, %add3A_462 : vector<16xi32>
      %broadcast_in_dim3A = arith.constant 0.000000e+00 : f32
      %broadcast_in_dim3A_464 = vector.broadcast %broadcast_in_dim3A : f32 to vector<16xf32>
      %scan3A_465 = arith.constant 0 : i32
      %scan3A_466 = arith.constant 16 : i32
      %scan3A_467 = arith.addi %scan3A_465, %scan3A_466 : i32
      %scan3A_468 = arith.constant 1 : i32
      %scan3A_469:5 = scf.for %scan3A_492 = %scan3A_465 to %scan3A_467 step %scan3A_468 iter_args(%scan3A_493 = %broadcast_in_dim3A_464, %scan3A_494 = %broadcast_in_dim3A_464, %scan3A_495 = %broadcast_in_dim3A_464, %scan3A_496 = %broadcast_in_dim3A_464, %scan3A_497 = %broadcast_in_dim3A_464) -> (vector<16xf32>, vector<16xf32>, vector<16xf32>, vector<16xf32>, vector<16xf32>)  : i32 {
        %mul3A_498 = arith.constant 4 : i32
        %mul3A_499 = arith.muli %scan3A_492, %mul3A_498 : i32
        %add3A_500 = arith.constant 0 : i32
        %add3A_501 = arith.addi %mul3A_499, %add3A_500 : i32
        %broadcast_in_dim3A_502 = arith.constant 0 : i32
        %broadcast_in_dim3A_503 = vector.broadcast %broadcast_in_dim3A_502 : i32 to vector<16xi32>
        %add3A_504 = vector.broadcast %add3A_501 : i32 to vector<16xi32>
        %add3A_505 = arith.addi %broadcast_in_dim3A_503, %add3A_504 : vector<16xi32>
        %gather3A = tpu.vector_load_idx %arg13[%add3A_463, %add3A_505] : memref<128x128xf32, #tpu.memory_space<vmem>>[vector<16xi32>, vector<16xi32>], vector<16xf32>,
        tpu.vector_store_idx %arg15[%add3A_505, %add3A_463], %gather3A : memref<64x128xf32, #tpu.memory_space<vmem>>[vector<16xi32>, vector<16xi32>], vector<16xf32>,
        %gather3A_506 = tpu.vector_load_idx %arg16[%add3A_463, %add3A_505] : memref<128x128xf32, #tpu.memory_space<vmem>>[vector<16xi32>, vector<16xi32>], vector<16xf32>,
        %mul3A_507 = arith.mulf %gather3A, %gather3A_506 : vector<16xf32>
        %add3A_508 = arith.addf %scan3A_493, %mul3A_507 : vector<16xf32>
        %add3A_509 = arith.constant 0 : i32
        %add3A_510 = vector.broadcast %add3A_509 : i32 to vector<16xi32>
        %add3A_511 = arith.addi %add3A_463, %add3A_510 : vector<16xi32>
        %gather3A_512 = tpu.vector_load_idx %arg17[%add3A_511, %add3A_505] : memref<512x128xf32, #tpu.memory_space<vmem>>[vector<16xi32>, vector<16xi32>], vector<16xf32>,
        %mul3A_513 = arith.mulf %gather3A, %gather3A_512 : vector<16xf32>
        %add3A_514 = arith.addf %scan3A_494, %mul3A_513 : vector<16xf32>
        %add3A_515 = arith.constant 128 : i32
        %add3A_516 = vector.broadcast %add3A_515 : i32 to vector<16xi32>
        %add3A_517 = arith.addi %add3A_463, %add3A_516 : vector<16xi32>
        %gather3A_518 = tpu.vector_load_idx %arg17[%add3A_517, %add3A_505] : memref<512x128xf32, #tpu.memory_space<vmem>>[vector<16xi32>, vector<16xi32>], vector<16xf32>,
        %mul3A_519 = arith.mulf %gather3A, %gather3A_518 : vector<16xf32>
        %add3A_520 = arith.addf %scan3A_495, %mul3A_519 : vector<16xf32>
        %add3A_521 = arith.constant 256 : i32
        %add3A_522 = vector.broadcast %add3A_521 : i32 to vector<16xi32>
        %add3A_523 = arith.addi %add3A_463, %add3A_522 : vector<16xi32>
        %gather3A_524 = tpu.vector_load_idx %arg17[%add3A_523, %add3A_505] : memref<512x128xf32, #tpu.memory_space<vmem>>[vector<16xi32>, vector<16xi32>], vector<16xf32>,
        %mul3A_525 = arith.mulf %gather3A, %gather3A_524 : vector<16xf32>
        %add3A_526 = arith.addf %scan3A_496, %mul3A_525 : vector<16xf32>
        %add3A_527 = arith.constant 384 : i32
        %add3A_528 = vector.broadcast %add3A_527 : i32 to vector<16xi32>
        %add3A_529 = arith.addi %add3A_463, %add3A_528 : vector<16xi32>
        %gather3A_530 = tpu.vector_load_idx %arg17[%add3A_529, %add3A_505] : memref<512x128xf32, #tpu.memory_space<vmem>>[vector<16xi32>, vector<16xi32>], vector<16xf32>,
        %mul3A_531 = arith.mulf %gather3A, %gather3A_530 : vector<16xf32>
        %add3A_532 = arith.addf %scan3A_497, %mul3A_531 : vector<16xf32>
        %mul3A_533 = arith.constant 4 : i32
        %mul3A_534 = arith.muli %scan3A_492, %mul3A_533 : i32
        %add3A_535 = arith.constant 1 : i32
        %add3A_536 = arith.addi %mul3A_534, %add3A_535 : i32
        %broadcast_in_dim3A_537 = arith.constant 0 : i32
        %broadcast_in_dim3A_538 = vector.broadcast %broadcast_in_dim3A_537 : i32 to vector<16xi32>
        %add3A_539 = vector.broadcast %add3A_536 : i32 to vector<16xi32>
        %add3A_540 = arith.addi %broadcast_in_dim3A_538, %add3A_539 : vector<16xi32>
        %gather3A_541 = tpu.vector_load_idx %arg13[%add3A_463, %add3A_540] : memref<128x128xf32, #tpu.memory_space<vmem>>[vector<16xi32>, vector<16xi32>], vector<16xf32>,
        tpu.vector_store_idx %arg15[%add3A_540, %add3A_463], %gather3A_541 : memref<64x128xf32, #tpu.memory_space<vmem>>[vector<16xi32>, vector<16xi32>], vector<16xf32>,
        %gather3A_542 = tpu.vector_load_idx %arg16[%add3A_463, %add3A_540] : memref<128x128xf32, #tpu.memory_space<vmem>>[vector<16xi32>, vector<16xi32>], vector<16xf32>,
        %mul3A_543 = arith.mulf %gather3A_541, %gather3A_542 : vector<16xf32>
        %add3A_544 = arith.addf %add3A_508, %mul3A_543 : vector<16xf32>
        %add3A_545 = arith.constant 0 : i32
        %add3A_546 = vector.broadcast %add3A_545 : i32 to vector<16xi32>
        %add3A_547 = arith.addi %add3A_463, %add3A_546 : vector<16xi32>
        %gather3A_548 = tpu.vector_load_idx %arg17[%add3A_547, %add3A_540] : memref<512x128xf32, #tpu.memory_space<vmem>>[vector<16xi32>, vector<16xi32>], vector<16xf32>,
        %mul3A_549 = arith.mulf %gather3A_541, %gather3A_548 : vector<16xf32>
        %add3A_550 = arith.addf %add3A_514, %mul3A_549 : vector<16xf32>
        %add3A_551 = arith.constant 128 : i32
        %add3A_552 = vector.broadcast %add3A_551 : i32 to vector<16xi32>
        %add3A_553 = arith.addi %add3A_463, %add3A_552 : vector<16xi32>
        %gather3A_554 = tpu.vector_load_idx %arg17[%add3A_553, %add3A_540] : memref<512x128xf32, #tpu.memory_space<vmem>>[vector<16xi32>, vector<16xi32>], vector<16xf32>,
        %mul3A_555 = arith.mulf %gather3A_541, %gather3A_554 : vector<16xf32>
        %add3A_556 = arith.addf %add3A_520, %mul3A_555 : vector<16xf32>
        %add3A_557 = arith.constant 256 : i32
        %add3A_558 = vector.broadcast %add3A_557 : i32 to vector<16xi32>
        %add3A_559 = arith.addi %add3A_463, %add3A_558 : vector<16xi32>
        %gather3A_560 = tpu.vector_load_idx %arg17[%add3A_559, %add3A_540] : memref<512x128xf32, #tpu.memory_space<vmem>>[vector<16xi32>, vector<16xi32>], vector<16xf32>,
        %mul3A_561 = arith.mulf %gather3A_541, %gather3A_560 : vector<16xf32>
        %add3A_562 = arith.addf %add3A_526, %mul3A_561 : vector<16xf32>
        %add3A_563 = arith.constant 384 : i32
        %add3A_564 = vector.broadcast %add3A_563 : i32 to vector<16xi32>
        %add3A_565 = arith.addi %add3A_463, %add3A_564 : vector<16xi32>
        %gather3A_566 = tpu.vector_load_idx %arg17[%add3A_565, %add3A_540] : memref<512x128xf32, #tpu.memory_space<vmem>>[vector<16xi32>, vector<16xi32>], vector<16xf32>,
        %mul3A_567 = arith.mulf %gather3A_541, %gather3A_566 : vector<16xf32>
        %add3A_568 = arith.addf %add3A_532, %mul3A_567 : vector<16xf32>
        %mul3A_569 = arith.constant 4 : i32
        %mul3A_570 = arith.muli %scan3A_492, %mul3A_569 : i32
        %add3A_571 = arith.constant 2 : i32
        %add3A_572 = arith.addi %mul3A_570, %add3A_571 : i32
        %broadcast_in_dim3A_573 = arith.constant 0 : i32
        %broadcast_in_dim3A_574 = vector.broadcast %broadcast_in_dim3A_573 : i32 to vector<16xi32>
        %add3A_575 = vector.broadcast %add3A_572 : i32 to vector<16xi32>
        %add3A_576 = arith.addi %broadcast_in_dim3A_574, %add3A_575 : vector<16xi32>
        %gather3A_577 = tpu.vector_load_idx %arg13[%add3A_463, %add3A_576] : memref<128x128xf32, #tpu.memory_space<vmem>>[vector<16xi32>, vector<16xi32>], vector<16xf32>,
        tpu.vector_store_idx %arg15[%add3A_576, %add3A_463], %gather3A_577 : memref<64x128xf32, #tpu.memory_space<vmem>>[vector<16xi32>, vector<16xi32>], vector<16xf32>,
        %gather3A_578 = tpu.vector_load_idx %arg16[%add3A_463, %add3A_576] : memref<128x128xf32, #tpu.memory_space<vmem>>[vector<16xi32>, vector<16xi32>], vector<16xf32>,
        %mul3A_579 = arith.mulf %gather3A_577, %gather3A_578 : vector<16xf32>
        %add3A_580 = arith.addf %add3A_544, %mul3A_579 : vector<16xf32>
        %add3A_581 = arith.constant 0 : i32
        %add3A_582 = vector.broadcast %add3A_581 : i32 to vector<16xi32>
        %add3A_583 = arith.addi %add3A_463, %add3A_582 : vector<16xi32>
        %gather3A_584 = tpu.vector_load_idx %arg17[%add3A_583, %add3A_576] : memref<512x128xf32, #tpu.memory_space<vmem>>[vector<16xi32>, vector<16xi32>], vector<16xf32>,
        %mul3A_585 = arith.mulf %gather3A_577, %gather3A_584 : vector<16xf32>
        %add3A_586 = arith.addf %add3A_550, %mul3A_585 : vector<16xf32>
        %add3A_587 = arith.constant 128 : i32
        %add3A_588 = vector.broadcast %add3A_587 : i32 to vector<16xi32>
        %add3A_589 = arith.addi %add3A_463, %add3A_588 : vector<16xi32>
        %gather3A_590 = tpu.vector_load_idx %arg17[%add3A_589, %add3A_576] : memref<512x128xf32, #tpu.memory_space<vmem>>[vector<16xi32>, vector<16xi32>], vector<16xf32>,
        %mul3A_591 = arith.mulf %gather3A_577, %gather3A_590 : vector<16xf32>
        %add3A_592 = arith.addf %add3A_556, %mul3A_591 : vector<16xf32>
        %add3A_593 = arith.constant 256 : i32
        %add3A_594 = vector.broadcast %add3A_593 : i32 to vector<16xi32>
        %add3A_595 = arith.addi %add3A_463, %add3A_594 : vector<16xi32>
        %gather3A_596 = tpu.vector_load_idx %arg17[%add3A_595, %add3A_576] : memref<512x128xf32, #tpu.memory_space<vmem>>[vector<16xi32>, vector<16xi32>], vector<16xf32>,
        %mul3A_597 = arith.mulf %gather3A_577, %gather3A_596 : vector<16xf32>
        %add3A_598 = arith.addf %add3A_562, %mul3A_597 : vector<16xf32>
        %add3A_599 = arith.constant 384 : i32
        %add3A_600 = vector.broadcast %add3A_599 : i32 to vector<16xi32>
        %add3A_601 = arith.addi %add3A_463, %add3A_600 : vector<16xi32>
        %gather3A_602 = tpu.vector_load_idx %arg17[%add3A_601, %add3A_576] : memref<512x128xf32, #tpu.memory_space<vmem>>[vector<16xi32>, vector<16xi32>], vector<16xf32>,
        %mul3A_603 = arith.mulf %gather3A_577, %gather3A_602 : vector<16xf32>
        %add3A_604 = arith.addf %add3A_568, %mul3A_603 : vector<16xf32>
        %mul3A_605 = arith.constant 4 : i32
        %mul3A_606 = arith.muli %scan3A_492, %mul3A_605 : i32
        %add3A_607 = arith.constant 3 : i32
        %add3A_608 = arith.addi %mul3A_606, %add3A_607 : i32
        %broadcast_in_dim3A_609 = arith.constant 0 : i32
        %broadcast_in_dim3A_610 = vector.broadcast %broadcast_in_dim3A_609 : i32 to vector<16xi32>
        %add3A_611 = vector.broadcast %add3A_608 : i32 to vector<16xi32>
        %add3A_612 = arith.addi %broadcast_in_dim3A_610, %add3A_611 : vector<16xi32>
        %gather3A_613 = tpu.vector_load_idx %arg13[%add3A_463, %add3A_612] : memref<128x128xf32, #tpu.memory_space<vmem>>[vector<16xi32>, vector<16xi32>], vector<16xf32>,
        tpu.vector_store_idx %arg15[%add3A_612, %add3A_463], %gather3A_613 : memref<64x128xf32, #tpu.memory_space<vmem>>[vector<16xi32>, vector<16xi32>], vector<16xf32>,
        %gather3A_614 = tpu.vector_load_idx %arg16[%add3A_463, %add3A_612] : memref<128x128xf32, #tpu.memory_space<vmem>>[vector<16xi32>, vector<16xi32>], vector<16xf32>,
        %mul3A_615 = arith.mulf %gather3A_613, %gather3A_614 : vector<16xf32>
        %add3A_616 = arith.addf %add3A_580, %mul3A_615 : vector<16xf32>
        %add3A_617 = arith.constant 0 : i32
        %add3A_618 = vector.broadcast %add3A_617 : i32 to vector<16xi32>
        %add3A_619 = arith.addi %add3A_463, %add3A_618 : vector<16xi32>
        %gather3A_620 = tpu.vector_load_idx %arg17[%add3A_619, %add3A_612] : memref<512x128xf32, #tpu.memory_space<vmem>>[vector<16xi32>, vector<16xi32>], vector<16xf32>,
        %mul3A_621 = arith.mulf %gather3A_613, %gather3A_620 : vector<16xf32>
        %add3A_622 = arith.addf %add3A_586, %mul3A_621 : vector<16xf32>
        %add3A_623 = arith.constant 128 : i32
        %add3A_624 = vector.broadcast %add3A_623 : i32 to vector<16xi32>
        %add3A_625 = arith.addi %add3A_463, %add3A_624 : vector<16xi32>
        %gather3A_626 = tpu.vector_load_idx %arg17[%add3A_625, %add3A_612] : memref<512x128xf32, #tpu.memory_space<vmem>>[vector<16xi32>, vector<16xi32>], vector<16xf32>,
        %mul3A_627 = arith.mulf %gather3A_613, %gather3A_626 : vector<16xf32>
        %add3A_628 = arith.addf %add3A_592, %mul3A_627 : vector<16xf32>
        %add3A_629 = arith.constant 256 : i32
        %add3A_630 = vector.broadcast %add3A_629 : i32 to vector<16xi32>
        %add3A_631 = arith.addi %add3A_463, %add3A_630 : vector<16xi32>
        %gather3A_632 = tpu.vector_load_idx %arg17[%add3A_631, %add3A_612] : memref<512x128xf32, #tpu.memory_space<vmem>>[vector<16xi32>, vector<16xi32>], vector<16xf32>,
        %mul3A_633 = arith.mulf %gather3A_613, %gather3A_632 : vector<16xf32>
        %add3A_634 = arith.addf %add3A_598, %mul3A_633 : vector<16xf32>
        %add3A_635 = arith.constant 384 : i32
        %add3A_636 = vector.broadcast %add3A_635 : i32 to vector<16xi32>
        %add3A_637 = arith.addi %add3A_463, %add3A_636 : vector<16xi32>
        %gather3A_638 = tpu.vector_load_idx %arg17[%add3A_637, %add3A_612] : memref<512x128xf32, #tpu.memory_space<vmem>>[vector<16xi32>, vector<16xi32>], vector<16xf32>,
        %mul3A_639 = arith.mulf %gather3A_613, %gather3A_638 : vector<16xf32>
        %add3A_640 = arith.addf %add3A_604, %mul3A_639 : vector<16xf32>
        scf.yield %add3A_616, %add3A_622, %add3A_628, %add3A_634, %add3A_640 : vector<16xf32>, vector<16xf32>, vector<16xf32>, vector<16xf32>, vector<16xf32>
      }
      %scan3A_470 = arith.constant 16 : i32
      %mul3A_471 = arith.constant 16 : i32
      %mul3A_472 = arith.muli %scan3A_459, %mul3A_471 : i32
      %add3A_473 = arith.constant 0 : i32
      %add3A_474 = arith.addi %add3A_473, %mul3A_472 : i32
      %swap3A = arith.index_cast %add3A_474 : i32 to index
      %swap3A_475 = tpu.vector_load %arg18[%swap3A] {strides = array<i32>} : memref<512xf32, #tpu.memory_space<vmem>>, vector<16xf32>,
      tpu.vector_store %arg18[%swap3A], %scan3A_469#0 {strides = array<i32>} : memref<512xf32, #tpu.memory_space<vmem>>, vector<16xf32>,
      %swap3A_476 = arith.constant 0 : i32
      %swap3A_477 = arith.index_cast %swap3A_476 : i32 to index
      %swap3A_478 = arith.index_cast %add3A_474 : i32 to index
      %swap3A_479 = tpu.vector_load %arg19[%swap3A_477, %swap3A_478] {strides = array<i32>} : memref<4x512xf32, #tpu.memory_space<vmem>>, vector<16xf32>,
      tpu.vector_store %arg19[%swap3A_477, %swap3A_478], %scan3A_469#1 {strides = array<i32>} : memref<4x512xf32, #tpu.memory_space<vmem>>, vector<16xf32>,
      %swap3A_480 = arith.constant 1 : i32
      %swap3A_481 = arith.index_cast %swap3A_480 : i32 to index
      %swap3A_482 = arith.index_cast %add3A_474 : i32 to index
      %swap3A_483 = tpu.vector_load %arg19[%swap3A_481, %swap3A_482] {strides = array<i32>} : memref<4x512xf32, #tpu.memory_space<vmem>>, vector<16xf32>,
      tpu.vector_store %arg19[%swap3A_481, %swap3A_482], %scan3A_469#2 {strides = array<i32>} : memref<4x512xf32, #tpu.memory_space<vmem>>, vector<16xf32>,
      %swap3A_484 = arith.constant 2 : i32
      %swap3A_485 = arith.index_cast %swap3A_484 : i32 to index
      %swap3A_486 = arith.index_cast %add3A_474 : i32 to index
      %swap3A_487 = tpu.vector_load %arg19[%swap3A_485, %swap3A_486] {strides = array<i32>} : memref<4x512xf32, #tpu.memory_space<vmem>>, vector<16xf32>,
      tpu.vector_store %arg19[%swap3A_485, %swap3A_486], %scan3A_469#3 {strides = array<i32>} : memref<4x512xf32, #tpu.memory_space<vmem>>, vector<16xf32>,
      %swap3A_488 = arith.constant 3 : i32
      %swap3A_489 = arith.index_cast %swap3A_488 : i32 to index
      %swap3A_490 = arith.index_cast %add3A_474 : i32 to index
      %swap3A_491 = tpu.vector_load %arg19[%swap3A_489, %swap3A_490] {strides = array<i32>} : memref<4x512xf32, #tpu.memory_space<vmem>>, vector<16xf32>,
      tpu.vector_store %arg19[%swap3A_489, %swap3A_490], %scan3A_469#4 {strides = array<i32>} : memref<4x512xf32, #tpu.memory_space<vmem>>, vector<16xf32>,
    }
    %scan3A_167 = arith.constant 8 : i32
    %add3A_168 = arith.constant 0 : i32
    %add3A_169 = arith.addi %mul3A_2, %add3A_168 : i32
    %add3A_170 = arith.constant 0 : i32
    %add3A_171 = arith.addi %add3A_170, %add3A_169 : i32
    "tpu.region"() ({
      %run_scoped3A_459 = tpu.sem_alloc : memref<!tpu.dma_semaphore, #tpu.memory_space<semaphore_mem>>
      %dma_start3A_460 = arith.constant 0 : i32
      %dma_start3A_461 = tpu.memref_slice %arg7[%dma_start3A_460, %add3A_171] : memref<64x65536xf32, #tpu.memory_space<hbm>> -> memref<64x128xf32, #tpu.memory_space<hbm>>
      %dma_start3A_462 = arith.constant 0 : i32
      %dma_start3A_463 = tpu.memref_slice %arg7[%dma_start3A_462, %add3A_171] : memref<64x65536xf32, #tpu.memory_space<hbm>> -> memref<64x128xf32, #tpu.memory_space<hbm>>
      tpu.enqueue_dma source(%arg15 : memref<64x128xf32, #tpu.memory_space<vmem>>) target(%dma_start3A_463 : memref<64x128xf32, #tpu.memory_space<hbm>>) target_semaphore(%run_scoped3A_459 : memref<!tpu.dma_semaphore, #tpu.memory_space<semaphore_mem>>)
      %dma_wait3A_464 = arith.constant 0 : i32
      %dma_wait3A_465 = tpu.memref_slice %arg7[%dma_wait3A_464, %add3A_171] : memref<64x65536xf32, #tpu.memory_space<hbm>> -> memref<64x128xf32, #tpu.memory_space<hbm>>
      %dma_wait3A_466 = arith.constant 0 : i32
      %dma_wait3A_467 = tpu.memref_slice %arg7[%dma_wait3A_466, %add3A_171] : memref<64x65536xf32, #tpu.memory_space<hbm>> -> memref<64x128xf32, #tpu.memory_space<hbm>>
      tpu.wait_dma2 semaphore(%run_scoped3A_459 : memref<!tpu.dma_semaphore, #tpu.memory_space<semaphore_mem>>) src(%arg15 : memref<64x128xf32, #tpu.memory_space<vmem>>) dst(%dma_wait3A_467 : memref<64x128xf32, #tpu.memory_space<hbm>>)
      tpu.yield
    }) : () -> ()
    %add3A_172 = arith.constant 16384 : i32
    %add3A_173 = arith.addi %add3A_172, %add3A_169 : i32
    "tpu.region"() ({
      %run_scoped3A_459 = tpu.sem_alloc : memref<!tpu.dma_semaphore, #tpu.memory_space<semaphore_mem>>
      %dma_start3A_460 = arith.constant 0 : i32
      %dma_start3A_461 = tpu.memref_slice %arg7[%dma_start3A_460, %add3A_173] : memref<64x65536xf32, #tpu.memory_space<hbm>> -> memref<64x128xf32, #tpu.memory_space<hbm>>
      %dma_start3A_462 = arith.constant 0 : i32
      %dma_start3A_463 = tpu.memref_slice %arg7[%dma_start3A_462, %add3A_173] : memref<64x65536xf32, #tpu.memory_space<hbm>> -> memref<64x128xf32, #tpu.memory_space<hbm>>
      tpu.enqueue_dma source(%arg15 : memref<64x128xf32, #tpu.memory_space<vmem>>) target(%dma_start3A_463 : memref<64x128xf32, #tpu.memory_space<hbm>>) target_semaphore(%run_scoped3A_459 : memref<!tpu.dma_semaphore, #tpu.memory_space<semaphore_mem>>)
      %dma_wait3A_464 = arith.constant 0 : i32
      %dma_wait3A_465 = tpu.memref_slice %arg7[%dma_wait3A_464, %add3A_173] : memref<64x65536xf32, #tpu.memory_space<hbm>> -> memref<64x128xf32, #tpu.memory_space<hbm>>
      %dma_wait3A_466 = arith.constant 0 : i32
      %dma_wait3A_467 = tpu.memref_slice %arg7[%dma_wait3A_466, %add3A_173] : memref<64x65536xf32, #tpu.memory_space<hbm>> -> memref<64x128xf32, #tpu.memory_space<hbm>>
      tpu.wait_dma2 semaphore(%run_scoped3A_459 : memref<!tpu.dma_semaphore, #tpu.memory_space<semaphore_mem>>) src(%arg15 : memref<64x128xf32, #tpu.memory_space<vmem>>) dst(%dma_wait3A_467 : memref<64x128xf32, #tpu.memory_space<hbm>>)
      tpu.yield
    }) : () -> ()
    %add3A_174 = arith.constant 32768 : i32
    %add3A_175 = arith.addi %add3A_174, %add3A_169 : i32
    "tpu.region"() ({
      %run_scoped3A_459 = tpu.sem_alloc : memref<!tpu.dma_semaphore, #tpu.memory_space<semaphore_mem>>
      %dma_start3A_460 = arith.constant 0 : i32
      %dma_start3A_461 = tpu.memref_slice %arg7[%dma_start3A_460, %add3A_175] : memref<64x65536xf32, #tpu.memory_space<hbm>> -> memref<64x128xf32, #tpu.memory_space<hbm>>
      %dma_start3A_462 = arith.constant 0 : i32
      %dma_start3A_463 = tpu.memref_slice %arg7[%dma_start3A_462, %add3A_175] : memref<64x65536xf32, #tpu.memory_space<hbm>> -> memref<64x128xf32, #tpu.memory_space<hbm>>
      tpu.enqueue_dma source(%arg15 : memref<64x128xf32, #tpu.memory_space<vmem>>) target(%dma_start3A_463 : memref<64x128xf32, #tpu.memory_space<hbm>>) target_semaphore(%run_scoped3A_459 : memref<!tpu.dma_semaphore, #tpu.memory_space<semaphore_mem>>)
      %dma_wait3A_464 = arith.constant 0 : i32
      %dma_wait3A_465 = tpu.memref_slice %arg7[%dma_wait3A_464, %add3A_175] : memref<64x65536xf32, #tpu.memory_space<hbm>> -> memref<64x128xf32, #tpu.memory_space<hbm>>
      %dma_wait3A_466 = arith.constant 0 : i32
      %dma_wait3A_467 = tpu.memref_slice %arg7[%dma_wait3A_466, %add3A_175] : memref<64x65536xf32, #tpu.memory_space<hbm>> -> memref<64x128xf32, #tpu.memory_space<hbm>>
      tpu.wait_dma2 semaphore(%run_scoped3A_459 : memref<!tpu.dma_semaphore, #tpu.memory_space<semaphore_mem>>) src(%arg15 : memref<64x128xf32, #tpu.memory_space<vmem>>) dst(%dma_wait3A_467 : memref<64x128xf32, #tpu.memory_space<hbm>>)
      tpu.yield
    }) : () -> ()
    %add3A_176 = arith.constant 49152 : i32
    %add3A_177 = arith.addi %add3A_176, %add3A_169 : i32
    "tpu.region"() ({
      %run_scoped3A_459 = tpu.sem_alloc : memref<!tpu.dma_semaphore, #tpu.memory_space<semaphore_mem>>
      %dma_start3A_460 = arith.constant 0 : i32
      %dma_start3A_461 = tpu.memref_slice %arg7[%dma_start3A_460, %add3A_177] : memref<64x65536xf32, #tpu.memory_space<hbm>> -> memref<64x128xf32, #tpu.memory_space<hbm>>
      %dma_start3A_462 = arith.constant 0 : i32
      %dma_start3A_463 = tpu.memref_slice %arg7[%dma_start3A_462, %add3A_177] : memref<64x65536xf32, #tpu.memory_space<hbm>> -> memref<64x128xf32, #tpu.memory_space<hbm>>
      tpu.enqueue_dma source(%arg15 : memref<64x128xf32, #tpu.memory_space<vmem>>) target(%dma_start3A_463 : memref<64x128xf32, #tpu.memory_space<hbm>>) target_semaphore(%run_scoped3A_459 : memref<!tpu.dma_semaphore, #tpu.memory_space<semaphore_mem>>)
      %dma_wait3A_464 = arith.constant 0 : i32
      %dma_wait3A_465 = tpu.memref_slice %arg7[%dma_wait3A_464, %add3A_177] : memref<64x65536xf32, #tpu.memory_space<hbm>> -> memref<64x128xf32, #tpu.memory_space<hbm>>
      %dma_wait3A_466 = arith.constant 0 : i32
      %dma_wait3A_467 = tpu.memref_slice %arg7[%dma_wait3A_466, %add3A_177] : memref<64x65536xf32, #tpu.memory_space<hbm>> -> memref<64x128xf32, #tpu.memory_space<hbm>>
      tpu.wait_dma2 semaphore(%run_scoped3A_459 : memref<!tpu.dma_semaphore, #tpu.memory_space<semaphore_mem>>) src(%arg15 : memref<64x128xf32, #tpu.memory_space<vmem>>) dst(%dma_wait3A_467 : memref<64x128xf32, #tpu.memory_space<hbm>>)
      tpu.yield
    }) : () -> ()
    %dma_start3A_178 = arith.constant 1 : i32
    %dma_start3A_179 = arith.constant 0 : i32
    %dma_start3A_180 = tpu.memref_slice %arg11[%dma_start3A_178, %dma_start3A_179] : memref<4x128xi32, #tpu.memory_space<vmem>> -> memref<1x128xi32, #tpu.memory_space<vmem>>
    %dma_start3A_181 = tpu.memref_squeeze %dma_start3A_180 : memref<1x128xi32, #tpu.memory_space<vmem>> -> memref<128xi32, #tpu.memory_space<vmem>>
    %dma_start3A_182 = arith.constant 0 : i32
    %dma_start3A_183 = arith.constant 0 : i32
    %dma_start3A_184 = tpu.memref_slice %arg6[%dma_start3A_182, %dma_start3A_183] : memref<100000x128xf32, #tpu.memory_space<hbm>> -> memref<100000x128xf32, #tpu.memory_space<hbm>>
    tpu.enqueue_indirect_dma source(%dma_start3A_184 : memref<100000x128xf32, #tpu.memory_space<hbm>>) target(%arg16 : memref<128x128xf32, #tpu.memory_space<vmem>>) offsets(%dma_start3A_181 : memref<128xi32, #tpu.memory_space<vmem>>) semaphore(%arg21 : memref<!tpu.dma_semaphore, #tpu.memory_space<semaphore_mem>>)
    %dma_start3A_185 = arith.constant 1 : i32
    %dma_start3A_186 = arith.constant 0 : i32
    %dma_start3A_187 = arith.constant 0 : i32
    %dma_start3A_188 = arith.constant 0 : i32
    %dma_start3A_189 = tpu.memref_slice %arg17[%dma_start3A_187, %dma_start3A_188] : memref<512x128xf32, #tpu.memory_space<vmem>> -> memref<128x128xf32, #tpu.memory_space<vmem>>
    %dma_start3A_190 = arith.constant 0 : i32
    %dma_start3A_191 = tpu.memref_slice %arg12[%dma_start3A_185, %dma_start3A_186, %dma_start3A_190] : memref<4x4x128xi32, #tpu.memory_space<vmem>> -> memref<1x1x128xi32, #tpu.memory_space<vmem>>
    %dma_start3A_192 = tpu.memref_squeeze %dma_start3A_191 : memref<1x1x128xi32, #tpu.memory_space<vmem>> -> memref<128xi32, #tpu.memory_space<vmem>>
    %dma_start3A_193 = arith.constant 0 : i32
    %dma_start3A_194 = arith.constant 0 : i32
    %dma_start3A_195 = tpu.memref_slice %arg6[%dma_start3A_193, %dma_start3A_194] : memref<100000x128xf32, #tpu.memory_space<hbm>> -> memref<100000x128xf32, #tpu.memory_space<hbm>>
    tpu.enqueue_indirect_dma source(%dma_start3A_195 : memref<100000x128xf32, #tpu.memory_space<hbm>>) target(%dma_start3A_189 : memref<128x128xf32, #tpu.memory_space<vmem>>) offsets(%dma_start3A_192 : memref<128xi32, #tpu.memory_space<vmem>>) semaphore(%arg21 : memref<!tpu.dma_semaphore, #tpu.memory_space<semaphore_mem>>)
    %dma_start3A_196 = arith.constant 1 : i32
    %dma_start3A_197 = arith.constant 1 : i32
    %dma_start3A_198 = arith.constant 128 : i32
    %dma_start3A_199 = arith.constant 0 : i32
    %dma_start3A_200 = tpu.memref_slice %arg17[%dma_start3A_198, %dma_start3A_199] : memref<512x128xf32, #tpu.memory_space<vmem>> -> memref<128x128xf32, #tpu.memory_space<vmem>>
    %dma_start3A_201 = arith.constant 0 : i32
    %dma_start3A_202 = tpu.memref_slice %arg12[%dma_start3A_196, %dma_start3A_197, %dma_start3A_201] : memref<4x4x128xi32, #tpu.memory_space<vmem>> -> memref<1x1x128xi32, #tpu.memory_space<vmem>>
    %dma_start3A_203 = tpu.memref_squeeze %dma_start3A_202 : memref<1x1x128xi32, #tpu.memory_space<vmem>> -> memref<128xi32, #tpu.memory_space<vmem>>
    %dma_start3A_204 = arith.constant 0 : i32
    %dma_start3A_205 = arith.constant 0 : i32
    %dma_start3A_206 = tpu.memref_slice %arg6[%dma_start3A_204, %dma_start3A_205] : memref<100000x128xf32, #tpu.memory_space<hbm>> -> memref<100000x128xf32, #tpu.memory_space<hbm>>
    tpu.enqueue_indirect_dma source(%dma_start3A_206 : memref<100000x128xf32, #tpu.memory_space<hbm>>) target(%dma_start3A_200 : memref<128x128xf32, #tpu.memory_space<vmem>>) offsets(%dma_start3A_203 : memref<128xi32, #tpu.memory_space<vmem>>) semaphore(%arg21 : memref<!tpu.dma_semaphore, #tpu.memory_space<semaphore_mem>>)
    %dma_start3A_207 = arith.constant 1 : i32
    %dma_start3A_208 = arith.constant 2 : i32
    %dma_start3A_209 = arith.constant 256 : i32
    %dma_start3A_210 = arith.constant 0 : i32
    %dma_start3A_211 = tpu.memref_slice %arg17[%dma_start3A_209, %dma_start3A_210] : memref<512x128xf32, #tpu.memory_space<vmem>> -> memref<128x128xf32, #tpu.memory_space<vmem>>
    %dma_start3A_212 = arith.constant 0 : i32
    %dma_start3A_213 = tpu.memref_slice %arg12[%dma_start3A_207, %dma_start3A_208, %dma_start3A_212] : memref<4x4x128xi32, #tpu.memory_space<vmem>> -> memref<1x1x128xi32, #tpu.memory_space<vmem>>
    %dma_start3A_214 = tpu.memref_squeeze %dma_start3A_213 : memref<1x1x128xi32, #tpu.memory_space<vmem>> -> memref<128xi32, #tpu.memory_space<vmem>>
    %dma_start3A_215 = arith.constant 0 : i32
    %dma_start3A_216 = arith.constant 0 : i32
    %dma_start3A_217 = tpu.memref_slice %arg6[%dma_start3A_215, %dma_start3A_216] : memref<100000x128xf32, #tpu.memory_space<hbm>> -> memref<100000x128xf32, #tpu.memory_space<hbm>>
    tpu.enqueue_indirect_dma source(%dma_start3A_217 : memref<100000x128xf32, #tpu.memory_space<hbm>>) target(%dma_start3A_211 : memref<128x128xf32, #tpu.memory_space<vmem>>) offsets(%dma_start3A_214 : memref<128xi32, #tpu.memory_space<vmem>>) semaphore(%arg21 : memref<!tpu.dma_semaphore, #tpu.memory_space<semaphore_mem>>)
    %dma_start3A_218 = arith.constant 1 : i32
    %dma_start3A_219 = arith.constant 3 : i32
    %dma_start3A_220 = arith.constant 384 : i32
    %dma_start3A_221 = arith.constant 0 : i32
    %dma_start3A_222 = tpu.memref_slice %arg17[%dma_start3A_220, %dma_start3A_221] : memref<512x128xf32, #tpu.memory_space<vmem>> -> memref<128x128xf32, #tpu.memory_space<vmem>>
    %dma_start3A_223 = arith.constant 0 : i32
    %dma_start3A_224 = tpu.memref_slice %arg12[%dma_start3A_218, %dma_start3A_219, %dma_start3A_223] : memref<4x4x128xi32, #tpu.memory_space<vmem>> -> memref<1x1x128xi32, #tpu.memory_space<vmem>>
    %dma_start3A_225 = tpu.memref_squeeze %dma_start3A_224 : memref<1x1x128xi32, #tpu.memory_space<vmem>> -> memref<128xi32, #tpu.memory_space<vmem>>
    %dma_start3A_226 = arith.constant 0 : i32
    %dma_start3A_227 = arith.constant 0 : i32
    %dma_start3A_228 = tpu.memref_slice %arg6[%dma_start3A_226, %dma_start3A_227] : memref<100000x128xf32, #tpu.memory_space<hbm>> -> memref<100000x128xf32, #tpu.memory_space<hbm>>
    tpu.enqueue_indirect_dma source(%dma_start3A_228 : memref<100000x128xf32, #tpu.memory_space<hbm>>) target(%dma_start3A_222 : memref<128x128xf32, #tpu.memory_space<vmem>>) offsets(%dma_start3A_225 : memref<128xi32, #tpu.memory_space<vmem>>) semaphore(%arg21 : memref<!tpu.dma_semaphore, #tpu.memory_space<semaphore_mem>>)
    %dma_wait3A_229 = arith.constant 0 : i32
    %dma_wait3A_230 = arith.constant 0 : i32
    %dma_wait3A_231 = tpu.memref_slice %arg5[%dma_wait3A_229, %dma_wait3A_230] : memref<1000000x128xf32, #tpu.memory_space<hbm>> -> memref<128x128xf32, #tpu.memory_space<hbm>>
    %dma_wait3A_232 = arith.constant 0 : i32
    %dma_wait3A_233 = arith.constant 0 : i32
    %dma_wait3A_234 = tpu.memref_slice %arg5[%dma_wait3A_232, %dma_wait3A_233] : memref<1000000x128xf32, #tpu.memory_space<hbm>> -> memref<128x128xf32, #tpu.memory_space<hbm>>
    tpu.wait_dma2 semaphore(%arg20 : memref<!tpu.dma_semaphore, #tpu.memory_space<semaphore_mem>>) src(%dma_wait3A_234 : memref<128x128xf32, #tpu.memory_space<hbm>>) dst(%arg14 : memref<128x128xf32, #tpu.memory_space<vmem>>)
    %dma_start3A_235 = arith.constant 2 : i32
    %dma_start3A_236 = arith.constant 0 : i32
    %dma_start3A_237 = tpu.memref_slice %arg10[%dma_start3A_235, %dma_start3A_236] : memref<4x128xi32, #tpu.memory_space<vmem>> -> memref<1x128xi32, #tpu.memory_space<vmem>>
    %dma_start3A_238 = tpu.memref_squeeze %dma_start3A_237 : memref<1x128xi32, #tpu.memory_space<vmem>> -> memref<128xi32, #tpu.memory_space<vmem>>
    %dma_start3A_239 = arith.constant 0 : i32
    %dma_start3A_240 = arith.constant 0 : i32
    %dma_start3A_241 = tpu.memref_slice %arg5[%dma_start3A_239, %dma_start3A_240] : memref<1000000x128xf32, #tpu.memory_space<hbm>> -> memref<1000000x128xf32, #tpu.memory_space<hbm>>
    tpu.enqueue_indirect_dma source(%dma_start3A_241 : memref<1000000x128xf32, #tpu.memory_space<hbm>>) target(%arg13 : memref<128x128xf32, #tpu.memory_space<vmem>>) offsets(%dma_start3A_238 : memref<128xi32, #tpu.memory_space<vmem>>) semaphore(%arg20 : memref<!tpu.dma_semaphore, #tpu.memory_space<semaphore_mem>>)
    %dma_wait3A_242 = arith.constant 0 : i32
    %dma_wait3A_243 = arith.constant 0 : i32
    %dma_wait3A_244 = tpu.memref_slice %arg6[%dma_wait3A_242, %dma_wait3A_243] : memref<100000x128xf32, #tpu.memory_space<hbm>> -> memref<128x128xf32, #tpu.memory_space<hbm>>
    %dma_wait3A_245 = arith.constant 0 : i32
    %dma_wait3A_246 = arith.constant 0 : i32
    %dma_wait3A_247 = tpu.memref_slice %arg6[%dma_wait3A_245, %dma_wait3A_246] : memref<100000x128xf32, #tpu.memory_space<hbm>> -> memref<128x128xf32, #tpu.memory_space<hbm>>
    tpu.wait_dma2 semaphore(%arg21 : memref<!tpu.dma_semaphore, #tpu.memory_space<semaphore_mem>>) src(%dma_wait3A_247 : memref<128x128xf32, #tpu.memory_space<hbm>>) dst(%arg16 : memref<128x128xf32, #tpu.memory_space<vmem>>)
    %dma_wait3A_248 = arith.constant 0 : i32
    %dma_wait3A_249 = arith.constant 0 : i32
    %dma_wait3A_250 = tpu.memref_slice %arg6[%dma_wait3A_248, %dma_wait3A_249] : memref<100000x128xf32, #tpu.memory_space<hbm>> -> memref<512x128xf32, #tpu.memory_space<hbm>>
    %dma_wait3A_251 = arith.constant 0 : i32
    %dma_wait3A_252 = arith.constant 0 : i32
    %dma_wait3A_253 = tpu.memref_slice %arg6[%dma_wait3A_251, %dma_wait3A_252] : memref<100000x128xf32, #tpu.memory_space<hbm>> -> memref<512x128xf32, #tpu.memory_space<hbm>>
    tpu.wait_dma2 semaphore(%arg21 : memref<!tpu.dma_semaphore, #tpu.memory_space<semaphore_mem>>) src(%dma_wait3A_253 : memref<512x128xf32, #tpu.memory_space<hbm>>) dst(%arg17 : memref<512x128xf32, #tpu.memory_space<vmem>>)
    %scan3A_254 = arith.constant 0 : i32
    %scan3A_255 = arith.constant 0 : i32
    %scan3A_256 = arith.constant 8 : i32
    %scan3A_257 = arith.addi %scan3A_255, %scan3A_256 : i32
    %scan3A_258 = arith.constant 1 : i32
    scf.for %scan3A_459 = %scan3A_255 to %scan3A_257 step %scan3A_258  : i32 {
      %mul3A_460 = arith.constant 16 : i32
      %mul3A_461 = arith.muli %scan3A_459, %mul3A_460 : i32
      %add3A_462 = vector.broadcast %mul3A_461 : i32 to vector<16xi32>
      %add3A_463 = arith.addi %iota3A, %add3A_462 : vector<16xi32>
      %broadcast_in_dim3A = arith.constant 0.000000e+00 : f32
      %broadcast_in_dim3A_464 = vector.broadcast %broadcast_in_dim3A : f32 to vector<16xf32>
      %scan3A_465 = arith.constant 0 : i32
      %scan3A_466 = arith.constant 16 : i32
      %scan3A_467 = arith.addi %scan3A_465, %scan3A_466 : i32
      %scan3A_468 = arith.constant 1 : i32
      %scan3A_469:5 = scf.for %scan3A_492 = %scan3A_465 to %scan3A_467 step %scan3A_468 iter_args(%scan3A_493 = %broadcast_in_dim3A_464, %scan3A_494 = %broadcast_in_dim3A_464, %scan3A_495 = %broadcast_in_dim3A_464, %scan3A_496 = %broadcast_in_dim3A_464, %scan3A_497 = %broadcast_in_dim3A_464) -> (vector<16xf32>, vector<16xf32>, vector<16xf32>, vector<16xf32>, vector<16xf32>)  : i32 {
        %mul3A_498 = arith.constant 4 : i32
        %mul3A_499 = arith.muli %scan3A_492, %mul3A_498 : i32
        %add3A_500 = arith.constant 0 : i32
        %add3A_501 = arith.addi %mul3A_499, %add3A_500 : i32
        %broadcast_in_dim3A_502 = arith.constant 0 : i32
        %broadcast_in_dim3A_503 = vector.broadcast %broadcast_in_dim3A_502 : i32 to vector<16xi32>
        %add3A_504 = vector.broadcast %add3A_501 : i32 to vector<16xi32>
        %add3A_505 = arith.addi %broadcast_in_dim3A_503, %add3A_504 : vector<16xi32>
        %gather3A = tpu.vector_load_idx %arg14[%add3A_463, %add3A_505] : memref<128x128xf32, #tpu.memory_space<vmem>>[vector<16xi32>, vector<16xi32>], vector<16xf32>,
        tpu.vector_store_idx %arg15[%add3A_505, %add3A_463], %gather3A : memref<64x128xf32, #tpu.memory_space<vmem>>[vector<16xi32>, vector<16xi32>], vector<16xf32>,
        %gather3A_506 = tpu.vector_load_idx %arg16[%add3A_463, %add3A_505] : memref<128x128xf32, #tpu.memory_space<vmem>>[vector<16xi32>, vector<16xi32>], vector<16xf32>,
        %mul3A_507 = arith.mulf %gather3A, %gather3A_506 : vector<16xf32>
        %add3A_508 = arith.addf %scan3A_493, %mul3A_507 : vector<16xf32>
        %add3A_509 = arith.constant 0 : i32
        %add3A_510 = vector.broadcast %add3A_509 : i32 to vector<16xi32>
        %add3A_511 = arith.addi %add3A_463, %add3A_510 : vector<16xi32>
        %gather3A_512 = tpu.vector_load_idx %arg17[%add3A_511, %add3A_505] : memref<512x128xf32, #tpu.memory_space<vmem>>[vector<16xi32>, vector<16xi32>], vector<16xf32>,
        %mul3A_513 = arith.mulf %gather3A, %gather3A_512 : vector<16xf32>
        %add3A_514 = arith.addf %scan3A_494, %mul3A_513 : vector<16xf32>
        %add3A_515 = arith.constant 128 : i32
        %add3A_516 = vector.broadcast %add3A_515 : i32 to vector<16xi32>
        %add3A_517 = arith.addi %add3A_463, %add3A_516 : vector<16xi32>
        %gather3A_518 = tpu.vector_load_idx %arg17[%add3A_517, %add3A_505] : memref<512x128xf32, #tpu.memory_space<vmem>>[vector<16xi32>, vector<16xi32>], vector<16xf32>,
        %mul3A_519 = arith.mulf %gather3A, %gather3A_518 : vector<16xf32>
        %add3A_520 = arith.addf %scan3A_495, %mul3A_519 : vector<16xf32>
        %add3A_521 = arith.constant 256 : i32
        %add3A_522 = vector.broadcast %add3A_521 : i32 to vector<16xi32>
        %add3A_523 = arith.addi %add3A_463, %add3A_522 : vector<16xi32>
        %gather3A_524 = tpu.vector_load_idx %arg17[%add3A_523, %add3A_505] : memref<512x128xf32, #tpu.memory_space<vmem>>[vector<16xi32>, vector<16xi32>], vector<16xf32>,
        %mul3A_525 = arith.mulf %gather3A, %gather3A_524 : vector<16xf32>
        %add3A_526 = arith.addf %scan3A_496, %mul3A_525 : vector<16xf32>
        %add3A_527 = arith.constant 384 : i32
        %add3A_528 = vector.broadcast %add3A_527 : i32 to vector<16xi32>
        %add3A_529 = arith.addi %add3A_463, %add3A_528 : vector<16xi32>
        %gather3A_530 = tpu.vector_load_idx %arg17[%add3A_529, %add3A_505] : memref<512x128xf32, #tpu.memory_space<vmem>>[vector<16xi32>, vector<16xi32>], vector<16xf32>,
        %mul3A_531 = arith.mulf %gather3A, %gather3A_530 : vector<16xf32>
        %add3A_532 = arith.addf %scan3A_497, %mul3A_531 : vector<16xf32>
        %mul3A_533 = arith.constant 4 : i32
        %mul3A_534 = arith.muli %scan3A_492, %mul3A_533 : i32
        %add3A_535 = arith.constant 1 : i32
        %add3A_536 = arith.addi %mul3A_534, %add3A_535 : i32
        %broadcast_in_dim3A_537 = arith.constant 0 : i32
        %broadcast_in_dim3A_538 = vector.broadcast %broadcast_in_dim3A_537 : i32 to vector<16xi32>
        %add3A_539 = vector.broadcast %add3A_536 : i32 to vector<16xi32>
        %add3A_540 = arith.addi %broadcast_in_dim3A_538, %add3A_539 : vector<16xi32>
        %gather3A_541 = tpu.vector_load_idx %arg14[%add3A_463, %add3A_540] : memref<128x128xf32, #tpu.memory_space<vmem>>[vector<16xi32>, vector<16xi32>], vector<16xf32>,
        tpu.vector_store_idx %arg15[%add3A_540, %add3A_463], %gather3A_541 : memref<64x128xf32, #tpu.memory_space<vmem>>[vector<16xi32>, vector<16xi32>], vector<16xf32>,
        %gather3A_542 = tpu.vector_load_idx %arg16[%add3A_463, %add3A_540] : memref<128x128xf32, #tpu.memory_space<vmem>>[vector<16xi32>, vector<16xi32>], vector<16xf32>,
        %mul3A_543 = arith.mulf %gather3A_541, %gather3A_542 : vector<16xf32>
        %add3A_544 = arith.addf %add3A_508, %mul3A_543 : vector<16xf32>
        %add3A_545 = arith.constant 0 : i32
        %add3A_546 = vector.broadcast %add3A_545 : i32 to vector<16xi32>
        %add3A_547 = arith.addi %add3A_463, %add3A_546 : vector<16xi32>
        %gather3A_548 = tpu.vector_load_idx %arg17[%add3A_547, %add3A_540] : memref<512x128xf32, #tpu.memory_space<vmem>>[vector<16xi32>, vector<16xi32>], vector<16xf32>,
        %mul3A_549 = arith.mulf %gather3A_541, %gather3A_548 : vector<16xf32>
        %add3A_550 = arith.addf %add3A_514, %mul3A_549 : vector<16xf32>
        %add3A_551 = arith.constant 128 : i32
        %add3A_552 = vector.broadcast %add3A_551 : i32 to vector<16xi32>
        %add3A_553 = arith.addi %add3A_463, %add3A_552 : vector<16xi32>
        %gather3A_554 = tpu.vector_load_idx %arg17[%add3A_553, %add3A_540] : memref<512x128xf32, #tpu.memory_space<vmem>>[vector<16xi32>, vector<16xi32>], vector<16xf32>,
        %mul3A_555 = arith.mulf %gather3A_541, %gather3A_554 : vector<16xf32>
        %add3A_556 = arith.addf %add3A_520, %mul3A_555 : vector<16xf32>
        %add3A_557 = arith.constant 256 : i32
        %add3A_558 = vector.broadcast %add3A_557 : i32 to vector<16xi32>
        %add3A_559 = arith.addi %add3A_463, %add3A_558 : vector<16xi32>
        %gather3A_560 = tpu.vector_load_idx %arg17[%add3A_559, %add3A_540] : memref<512x128xf32, #tpu.memory_space<vmem>>[vector<16xi32>, vector<16xi32>], vector<16xf32>,
        %mul3A_561 = arith.mulf %gather3A_541, %gather3A_560 : vector<16xf32>
        %add3A_562 = arith.addf %add3A_526, %mul3A_561 : vector<16xf32>
        %add3A_563 = arith.constant 384 : i32
        %add3A_564 = vector.broadcast %add3A_563 : i32 to vector<16xi32>
        %add3A_565 = arith.addi %add3A_463, %add3A_564 : vector<16xi32>
        %gather3A_566 = tpu.vector_load_idx %arg17[%add3A_565, %add3A_540] : memref<512x128xf32, #tpu.memory_space<vmem>>[vector<16xi32>, vector<16xi32>], vector<16xf32>,
        %mul3A_567 = arith.mulf %gather3A_541, %gather3A_566 : vector<16xf32>
        %add3A_568 = arith.addf %add3A_532, %mul3A_567 : vector<16xf32>
        %mul3A_569 = arith.constant 4 : i32
        %mul3A_570 = arith.muli %scan3A_492, %mul3A_569 : i32
        %add3A_571 = arith.constant 2 : i32
        %add3A_572 = arith.addi %mul3A_570, %add3A_571 : i32
        %broadcast_in_dim3A_573 = arith.constant 0 : i32
        %broadcast_in_dim3A_574 = vector.broadcast %broadcast_in_dim3A_573 : i32 to vector<16xi32>
        %add3A_575 = vector.broadcast %add3A_572 : i32 to vector<16xi32>
        %add3A_576 = arith.addi %broadcast_in_dim3A_574, %add3A_575 : vector<16xi32>
        %gather3A_577 = tpu.vector_load_idx %arg14[%add3A_463, %add3A_576] : memref<128x128xf32, #tpu.memory_space<vmem>>[vector<16xi32>, vector<16xi32>], vector<16xf32>,
        tpu.vector_store_idx %arg15[%add3A_576, %add3A_463], %gather3A_577 : memref<64x128xf32, #tpu.memory_space<vmem>>[vector<16xi32>, vector<16xi32>], vector<16xf32>,
        %gather3A_578 = tpu.vector_load_idx %arg16[%add3A_463, %add3A_576] : memref<128x128xf32, #tpu.memory_space<vmem>>[vector<16xi32>, vector<16xi32>], vector<16xf32>,
        %mul3A_579 = arith.mulf %gather3A_577, %gather3A_578 : vector<16xf32>
        %add3A_580 = arith.addf %add3A_544, %mul3A_579 : vector<16xf32>
        %add3A_581 = arith.constant 0 : i32
        %add3A_582 = vector.broadcast %add3A_581 : i32 to vector<16xi32>
        %add3A_583 = arith.addi %add3A_463, %add3A_582 : vector<16xi32>
        %gather3A_584 = tpu.vector_load_idx %arg17[%add3A_583, %add3A_576] : memref<512x128xf32, #tpu.memory_space<vmem>>[vector<16xi32>, vector<16xi32>], vector<16xf32>,
        %mul3A_585 = arith.mulf %gather3A_577, %gather3A_584 : vector<16xf32>
        %add3A_586 = arith.addf %add3A_550, %mul3A_585 : vector<16xf32>
        %add3A_587 = arith.constant 128 : i32
        %add3A_588 = vector.broadcast %add3A_587 : i32 to vector<16xi32>
        %add3A_589 = arith.addi %add3A_463, %add3A_588 : vector<16xi32>
        %gather3A_590 = tpu.vector_load_idx %arg17[%add3A_589, %add3A_576] : memref<512x128xf32, #tpu.memory_space<vmem>>[vector<16xi32>, vector<16xi32>], vector<16xf32>,
        %mul3A_591 = arith.mulf %gather3A_577, %gather3A_590 : vector<16xf32>
        %add3A_592 = arith.addf %add3A_556, %mul3A_591 : vector<16xf32>
        %add3A_593 = arith.constant 256 : i32
        %add3A_594 = vector.broadcast %add3A_593 : i32 to vector<16xi32>
        %add3A_595 = arith.addi %add3A_463, %add3A_594 : vector<16xi32>
        %gather3A_596 = tpu.vector_load_idx %arg17[%add3A_595, %add3A_576] : memref<512x128xf32, #tpu.memory_space<vmem>>[vector<16xi32>, vector<16xi32>], vector<16xf32>,
        %mul3A_597 = arith.mulf %gather3A_577, %gather3A_596 : vector<16xf32>
        %add3A_598 = arith.addf %add3A_562, %mul3A_597 : vector<16xf32>
        %add3A_599 = arith.constant 384 : i32
        %add3A_600 = vector.broadcast %add3A_599 : i32 to vector<16xi32>
        %add3A_601 = arith.addi %add3A_463, %add3A_600 : vector<16xi32>
        %gather3A_602 = tpu.vector_load_idx %arg17[%add3A_601, %add3A_576] : memref<512x128xf32, #tpu.memory_space<vmem>>[vector<16xi32>, vector<16xi32>], vector<16xf32>,
        %mul3A_603 = arith.mulf %gather3A_577, %gather3A_602 : vector<16xf32>
        %add3A_604 = arith.addf %add3A_568, %mul3A_603 : vector<16xf32>
        %mul3A_605 = arith.constant 4 : i32
        %mul3A_606 = arith.muli %scan3A_492, %mul3A_605 : i32
        %add3A_607 = arith.constant 3 : i32
        %add3A_608 = arith.addi %mul3A_606, %add3A_607 : i32
        %broadcast_in_dim3A_609 = arith.constant 0 : i32
        %broadcast_in_dim3A_610 = vector.broadcast %broadcast_in_dim3A_609 : i32 to vector<16xi32>
        %add3A_611 = vector.broadcast %add3A_608 : i32 to vector<16xi32>
        %add3A_612 = arith.addi %broadcast_in_dim3A_610, %add3A_611 : vector<16xi32>
        %gather3A_613 = tpu.vector_load_idx %arg14[%add3A_463, %add3A_612] : memref<128x128xf32, #tpu.memory_space<vmem>>[vector<16xi32>, vector<16xi32>], vector<16xf32>,
        tpu.vector_store_idx %arg15[%add3A_612, %add3A_463], %gather3A_613 : memref<64x128xf32, #tpu.memory_space<vmem>>[vector<16xi32>, vector<16xi32>], vector<16xf32>,
        %gather3A_614 = tpu.vector_load_idx %arg16[%add3A_463, %add3A_612] : memref<128x128xf32, #tpu.memory_space<vmem>>[vector<16xi32>, vector<16xi32>], vector<16xf32>,
        %mul3A_615 = arith.mulf %gather3A_613, %gather3A_614 : vector<16xf32>
        %add3A_616 = arith.addf %add3A_580, %mul3A_615 : vector<16xf32>
        %add3A_617 = arith.constant 0 : i32
        %add3A_618 = vector.broadcast %add3A_617 : i32 to vector<16xi32>
        %add3A_619 = arith.addi %add3A_463, %add3A_618 : vector<16xi32>
        %gather3A_620 = tpu.vector_load_idx %arg17[%add3A_619, %add3A_612] : memref<512x128xf32, #tpu.memory_space<vmem>>[vector<16xi32>, vector<16xi32>], vector<16xf32>,
        %mul3A_621 = arith.mulf %gather3A_613, %gather3A_620 : vector<16xf32>
        %add3A_622 = arith.addf %add3A_586, %mul3A_621 : vector<16xf32>
        %add3A_623 = arith.constant 128 : i32
        %add3A_624 = vector.broadcast %add3A_623 : i32 to vector<16xi32>
        %add3A_625 = arith.addi %add3A_463, %add3A_624 : vector<16xi32>
        %gather3A_626 = tpu.vector_load_idx %arg17[%add3A_625, %add3A_612] : memref<512x128xf32, #tpu.memory_space<vmem>>[vector<16xi32>, vector<16xi32>], vector<16xf32>,
        %mul3A_627 = arith.mulf %gather3A_613, %gather3A_626 : vector<16xf32>
        %add3A_628 = arith.addf %add3A_592, %mul3A_627 : vector<16xf32>
        %add3A_629 = arith.constant 256 : i32
        %add3A_630 = vector.broadcast %add3A_629 : i32 to vector<16xi32>
        %add3A_631 = arith.addi %add3A_463, %add3A_630 : vector<16xi32>
        %gather3A_632 = tpu.vector_load_idx %arg17[%add3A_631, %add3A_612] : memref<512x128xf32, #tpu.memory_space<vmem>>[vector<16xi32>, vector<16xi32>], vector<16xf32>,
        %mul3A_633 = arith.mulf %gather3A_613, %gather3A_632 : vector<16xf32>
        %add3A_634 = arith.addf %add3A_598, %mul3A_633 : vector<16xf32>
        %add3A_635 = arith.constant 384 : i32
        %add3A_636 = vector.broadcast %add3A_635 : i32 to vector<16xi32>
        %add3A_637 = arith.addi %add3A_463, %add3A_636 : vector<16xi32>
        %gather3A_638 = tpu.vector_load_idx %arg17[%add3A_637, %add3A_612] : memref<512x128xf32, #tpu.memory_space<vmem>>[vector<16xi32>, vector<16xi32>], vector<16xf32>,
        %mul3A_639 = arith.mulf %gather3A_613, %gather3A_638 : vector<16xf32>
        %add3A_640 = arith.addf %add3A_604, %mul3A_639 : vector<16xf32>
        scf.yield %add3A_616, %add3A_622, %add3A_628, %add3A_634, %add3A_640 : vector<16xf32>, vector<16xf32>, vector<16xf32>, vector<16xf32>, vector<16xf32>
      }
      %scan3A_470 = arith.constant 16 : i32
      %mul3A_471 = arith.constant 16 : i32
      %mul3A_472 = arith.muli %scan3A_459, %mul3A_471 : i32
      %add3A_473 = arith.constant 128 : i32
      %add3A_474 = arith.addi %add3A_473, %mul3A_472 : i32
      %swap3A = arith.index_cast %add3A_474 : i32 to index
      %swap3A_475 = tpu.vector_load %arg18[%swap3A] {strides = array<i32>} : memref<512xf32, #tpu.memory_space<vmem>>, vector<16xf32>,
      tpu.vector_store %arg18[%swap3A], %scan3A_469#0 {strides = array<i32>} : memref<512xf32, #tpu.memory_space<vmem>>, vector<16xf32>,
      %swap3A_476 = arith.constant 0 : i32
      %swap3A_477 = arith.index_cast %swap3A_476 : i32 to index
      %swap3A_478 = arith.index_cast %add3A_474 : i32 to index
      %swap3A_479 = tpu.vector_load %arg19[%swap3A_477, %swap3A_478] {strides = array<i32>} : memref<4x512xf32, #tpu.memory_space<vmem>>, vector<16xf32>,
      tpu.vector_store %arg19[%swap3A_477, %swap3A_478], %scan3A_469#1 {strides = array<i32>} : memref<4x512xf32, #tpu.memory_space<vmem>>, vector<16xf32>,
      %swap3A_480 = arith.constant 1 : i32
      %swap3A_481 = arith.index_cast %swap3A_480 : i32 to index
      %swap3A_482 = arith.index_cast %add3A_474 : i32 to index
      %swap3A_483 = tpu.vector_load %arg19[%swap3A_481, %swap3A_482] {strides = array<i32>} : memref<4x512xf32, #tpu.memory_space<vmem>>, vector<16xf32>,
      tpu.vector_store %arg19[%swap3A_481, %swap3A_482], %scan3A_469#2 {strides = array<i32>} : memref<4x512xf32, #tpu.memory_space<vmem>>, vector<16xf32>,
      %swap3A_484 = arith.constant 2 : i32
      %swap3A_485 = arith.index_cast %swap3A_484 : i32 to index
      %swap3A_486 = arith.index_cast %add3A_474 : i32 to index
      %swap3A_487 = tpu.vector_load %arg19[%swap3A_485, %swap3A_486] {strides = array<i32>} : memref<4x512xf32, #tpu.memory_space<vmem>>, vector<16xf32>,
      tpu.vector_store %arg19[%swap3A_485, %swap3A_486], %scan3A_469#3 {strides = array<i32>} : memref<4x512xf32, #tpu.memory_space<vmem>>, vector<16xf32>,
      %swap3A_488 = arith.constant 3 : i32
      %swap3A_489 = arith.index_cast %swap3A_488 : i32 to index
      %swap3A_490 = arith.index_cast %add3A_474 : i32 to index
      %swap3A_491 = tpu.vector_load %arg19[%swap3A_489, %swap3A_490] {strides = array<i32>} : memref<4x512xf32, #tpu.memory_space<vmem>>, vector<16xf32>,
      tpu.vector_store %arg19[%swap3A_489, %swap3A_490], %scan3A_469#4 {strides = array<i32>} : memref<4x512xf32, #tpu.memory_space<vmem>>, vector<16xf32>,
    }
    %scan3A_259 = arith.constant 8 : i32
    %add3A_260 = arith.constant 128 : i32
    %add3A_261 = arith.addi %mul3A_2, %add3A_260 : i32
    %add3A_262 = arith.constant 0 : i32
    %add3A_263 = arith.addi %add3A_262, %add3A_261 : i32
    "tpu.region"() ({
      %run_scoped3A_459 = tpu.sem_alloc : memref<!tpu.dma_semaphore, #tpu.memory_space<semaphore_mem>>
      %dma_start3A_460 = arith.constant 0 : i32
      %dma_start3A_461 = tpu.memref_slice %arg7[%dma_start3A_460, %add3A_263] : memref<64x65536xf32, #tpu.memory_space<hbm>> -> memref<64x128xf32, #tpu.memory_space<hbm>>
      %dma_start3A_462 = arith.constant 0 : i32
      %dma_start3A_463 = tpu.memref_slice %arg7[%dma_start3A_462, %add3A_263] : memref<64x65536xf32, #tpu.memory_space<hbm>> -> memref<64x128xf32, #tpu.memory_space<hbm>>
      tpu.enqueue_dma source(%arg15 : memref<64x128xf32, #tpu.memory_space<vmem>>) target(%dma_start3A_463 : memref<64x128xf32, #tpu.memory_space<hbm>>) target_semaphore(%run_scoped3A_459 : memref<!tpu.dma_semaphore, #tpu.memory_space<semaphore_mem>>)
      %dma_wait3A_464 = arith.constant 0 : i32
      %dma_wait3A_465 = tpu.memref_slice %arg7[%dma_wait3A_464, %add3A_263] : memref<64x65536xf32, #tpu.memory_space<hbm>> -> memref<64x128xf32, #tpu.memory_space<hbm>>
      %dma_wait3A_466 = arith.constant 0 : i32
      %dma_wait3A_467 = tpu.memref_slice %arg7[%dma_wait3A_466, %add3A_263] : memref<64x65536xf32, #tpu.memory_space<hbm>> -> memref<64x128xf32, #tpu.memory_space<hbm>>
      tpu.wait_dma2 semaphore(%run_scoped3A_459 : memref<!tpu.dma_semaphore, #tpu.memory_space<semaphore_mem>>) src(%arg15 : memref<64x128xf32, #tpu.memory_space<vmem>>) dst(%dma_wait3A_467 : memref<64x128xf32, #tpu.memory_space<hbm>>)
      tpu.yield
    }) : () -> ()
    %add3A_264 = arith.constant 16384 : i32
    %add3A_265 = arith.addi %add3A_264, %add3A_261 : i32
    "tpu.region"() ({
      %run_scoped3A_459 = tpu.sem_alloc : memref<!tpu.dma_semaphore, #tpu.memory_space<semaphore_mem>>
      %dma_start3A_460 = arith.constant 0 : i32
      %dma_start3A_461 = tpu.memref_slice %arg7[%dma_start3A_460, %add3A_265] : memref<64x65536xf32, #tpu.memory_space<hbm>> -> memref<64x128xf32, #tpu.memory_space<hbm>>
      %dma_start3A_462 = arith.constant 0 : i32
      %dma_start3A_463 = tpu.memref_slice %arg7[%dma_start3A_462, %add3A_265] : memref<64x65536xf32, #tpu.memory_space<hbm>> -> memref<64x128xf32, #tpu.memory_space<hbm>>
      tpu.enqueue_dma source(%arg15 : memref<64x128xf32, #tpu.memory_space<vmem>>) target(%dma_start3A_463 : memref<64x128xf32, #tpu.memory_space<hbm>>) target_semaphore(%run_scoped3A_459 : memref<!tpu.dma_semaphore, #tpu.memory_space<semaphore_mem>>)
      %dma_wait3A_464 = arith.constant 0 : i32
      %dma_wait3A_465 = tpu.memref_slice %arg7[%dma_wait3A_464, %add3A_265] : memref<64x65536xf32, #tpu.memory_space<hbm>> -> memref<64x128xf32, #tpu.memory_space<hbm>>
      %dma_wait3A_466 = arith.constant 0 : i32
      %dma_wait3A_467 = tpu.memref_slice %arg7[%dma_wait3A_466, %add3A_265] : memref<64x65536xf32, #tpu.memory_space<hbm>> -> memref<64x128xf32, #tpu.memory_space<hbm>>
      tpu.wait_dma2 semaphore(%run_scoped3A_459 : memref<!tpu.dma_semaphore, #tpu.memory_space<semaphore_mem>>) src(%arg15 : memref<64x128xf32, #tpu.memory_space<vmem>>) dst(%dma_wait3A_467 : memref<64x128xf32, #tpu.memory_space<hbm>>)
      tpu.yield
    }) : () -> ()
    %add3A_266 = arith.constant 32768 : i32
    %add3A_267 = arith.addi %add3A_266, %add3A_261 : i32
    "tpu.region"() ({
      %run_scoped3A_459 = tpu.sem_alloc : memref<!tpu.dma_semaphore, #tpu.memory_space<semaphore_mem>>
      %dma_start3A_460 = arith.constant 0 : i32
      %dma_start3A_461 = tpu.memref_slice %arg7[%dma_start3A_460, %add3A_267] : memref<64x65536xf32, #tpu.memory_space<hbm>> -> memref<64x128xf32, #tpu.memory_space<hbm>>
      %dma_start3A_462 = arith.constant 0 : i32
      %dma_start3A_463 = tpu.memref_slice %arg7[%dma_start3A_462, %add3A_267] : memref<64x65536xf32, #tpu.memory_space<hbm>> -> memref<64x128xf32, #tpu.memory_space<hbm>>
      tpu.enqueue_dma source(%arg15 : memref<64x128xf32, #tpu.memory_space<vmem>>) target(%dma_start3A_463 : memref<64x128xf32, #tpu.memory_space<hbm>>) target_semaphore(%run_scoped3A_459 : memref<!tpu.dma_semaphore, #tpu.memory_space<semaphore_mem>>)
      %dma_wait3A_464 = arith.constant 0 : i32
      %dma_wait3A_465 = tpu.memref_slice %arg7[%dma_wait3A_464, %add3A_267] : memref<64x65536xf32, #tpu.memory_space<hbm>> -> memref<64x128xf32, #tpu.memory_space<hbm>>
      %dma_wait3A_466 = arith.constant 0 : i32
      %dma_wait3A_467 = tpu.memref_slice %arg7[%dma_wait3A_466, %add3A_267] : memref<64x65536xf32, #tpu.memory_space<hbm>> -> memref<64x128xf32, #tpu.memory_space<hbm>>
      tpu.wait_dma2 semaphore(%run_scoped3A_459 : memref<!tpu.dma_semaphore, #tpu.memory_space<semaphore_mem>>) src(%arg15 : memref<64x128xf32, #tpu.memory_space<vmem>>) dst(%dma_wait3A_467 : memref<64x128xf32, #tpu.memory_space<hbm>>)
      tpu.yield
    }) : () -> ()
    %add3A_268 = arith.constant 49152 : i32
    %add3A_269 = arith.addi %add3A_268, %add3A_261 : i32
    "tpu.region"() ({
      %run_scoped3A_459 = tpu.sem_alloc : memref<!tpu.dma_semaphore, #tpu.memory_space<semaphore_mem>>
      %dma_start3A_460 = arith.constant 0 : i32
      %dma_start3A_461 = tpu.memref_slice %arg7[%dma_start3A_460, %add3A_269] : memref<64x65536xf32, #tpu.memory_space<hbm>> -> memref<64x128xf32, #tpu.memory_space<hbm>>
      %dma_start3A_462 = arith.constant 0 : i32
      %dma_start3A_463 = tpu.memref_slice %arg7[%dma_start3A_462, %add3A_269] : memref<64x65536xf32, #tpu.memory_space<hbm>> -> memref<64x128xf32, #tpu.memory_space<hbm>>
      tpu.enqueue_dma source(%arg15 : memref<64x128xf32, #tpu.memory_space<vmem>>) target(%dma_start3A_463 : memref<64x128xf32, #tpu.memory_space<hbm>>) target_semaphore(%run_scoped3A_459 : memref<!tpu.dma_semaphore, #tpu.memory_space<semaphore_mem>>)
      %dma_wait3A_464 = arith.constant 0 : i32
      %dma_wait3A_465 = tpu.memref_slice %arg7[%dma_wait3A_464, %add3A_269] : memref<64x65536xf32, #tpu.memory_space<hbm>> -> memref<64x128xf32, #tpu.memory_space<hbm>>
      %dma_wait3A_466 = arith.constant 0 : i32
      %dma_wait3A_467 = tpu.memref_slice %arg7[%dma_wait3A_466, %add3A_269] : memref<64x65536xf32, #tpu.memory_space<hbm>> -> memref<64x128xf32, #tpu.memory_space<hbm>>
      tpu.wait_dma2 semaphore(%run_scoped3A_459 : memref<!tpu.dma_semaphore, #tpu.memory_space<semaphore_mem>>) src(%arg15 : memref<64x128xf32, #tpu.memory_space<vmem>>) dst(%dma_wait3A_467 : memref<64x128xf32, #tpu.memory_space<hbm>>)
      tpu.yield
    }) : () -> ()
    %dma_start3A_270 = arith.constant 2 : i32
    %dma_start3A_271 = arith.constant 0 : i32
    %dma_start3A_272 = tpu.memref_slice %arg11[%dma_start3A_270, %dma_start3A_271] : memref<4x128xi32, #tpu.memory_space<vmem>> -> memref<1x128xi32, #tpu.memory_space<vmem>>
    %dma_start3A_273 = tpu.memref_squeeze %dma_start3A_272 : memref<1x128xi32, #tpu.memory_space<vmem>> -> memref<128xi32, #tpu.memory_space<vmem>>
    %dma_start3A_274 = arith.constant 0 : i32
    %dma_start3A_275 = arith.constant 0 : i32
    %dma_start3A_276 = tpu.memref_slice %arg6[%dma_start3A_274, %dma_start3A_275] : memref<100000x128xf32, #tpu.memory_space<hbm>> -> memref<100000x128xf32, #tpu.memory_space<hbm>>
    tpu.enqueue_indirect_dma source(%dma_start3A_276 : memref<100000x128xf32, #tpu.memory_space<hbm>>) target(%arg16 : memref<128x128xf32, #tpu.memory_space<vmem>>) offsets(%dma_start3A_273 : memref<128xi32, #tpu.memory_space<vmem>>) semaphore(%arg21 : memref<!tpu.dma_semaphore, #tpu.memory_space<semaphore_mem>>)
    %dma_start3A_277 = arith.constant 2 : i32
    %dma_start3A_278 = arith.constant 0 : i32
    %dma_start3A_279 = arith.constant 0 : i32
    %dma_start3A_280 = arith.constant 0 : i32
    %dma_start3A_281 = tpu.memref_slice %arg17[%dma_start3A_279, %dma_start3A_280] : memref<512x128xf32, #tpu.memory_space<vmem>> -> memref<128x128xf32, #tpu.memory_space<vmem>>
    %dma_start3A_282 = arith.constant 0 : i32
    %dma_start3A_283 = tpu.memref_slice %arg12[%dma_start3A_277, %dma_start3A_278, %dma_start3A_282] : memref<4x4x128xi32, #tpu.memory_space<vmem>> -> memref<1x1x128xi32, #tpu.memory_space<vmem>>
    %dma_start3A_284 = tpu.memref_squeeze %dma_start3A_283 : memref<1x1x128xi32, #tpu.memory_space<vmem>> -> memref<128xi32, #tpu.memory_space<vmem>>
    %dma_start3A_285 = arith.constant 0 : i32
    %dma_start3A_286 = arith.constant 0 : i32
    %dma_start3A_287 = tpu.memref_slice %arg6[%dma_start3A_285, %dma_start3A_286] : memref<100000x128xf32, #tpu.memory_space<hbm>> -> memref<100000x128xf32, #tpu.memory_space<hbm>>
    tpu.enqueue_indirect_dma source(%dma_start3A_287 : memref<100000x128xf32, #tpu.memory_space<hbm>>) target(%dma_start3A_281 : memref<128x128xf32, #tpu.memory_space<vmem>>) offsets(%dma_start3A_284 : memref<128xi32, #tpu.memory_space<vmem>>) semaphore(%arg21 : memref<!tpu.dma_semaphore, #tpu.memory_space<semaphore_mem>>)
    %dma_start3A_288 = arith.constant 2 : i32
    %dma_start3A_289 = arith.constant 1 : i32
    %dma_start3A_290 = arith.constant 128 : i32
    %dma_start3A_291 = arith.constant 0 : i32
    %dma_start3A_292 = tpu.memref_slice %arg17[%dma_start3A_290, %dma_start3A_291] : memref<512x128xf32, #tpu.memory_space<vmem>> -> memref<128x128xf32, #tpu.memory_space<vmem>>
    %dma_start3A_293 = arith.constant 0 : i32
    %dma_start3A_294 = tpu.memref_slice %arg12[%dma_start3A_288, %dma_start3A_289, %dma_start3A_293] : memref<4x4x128xi32, #tpu.memory_space<vmem>> -> memref<1x1x128xi32, #tpu.memory_space<vmem>>
    %dma_start3A_295 = tpu.memref_squeeze %dma_start3A_294 : memref<1x1x128xi32, #tpu.memory_space<vmem>> -> memref<128xi32, #tpu.memory_space<vmem>>
    %dma_start3A_296 = arith.constant 0 : i32
    %dma_start3A_297 = arith.constant 0 : i32
    %dma_start3A_298 = tpu.memref_slice %arg6[%dma_start3A_296, %dma_start3A_297] : memref<100000x128xf32, #tpu.memory_space<hbm>> -> memref<100000x128xf32, #tpu.memory_space<hbm>>
    tpu.enqueue_indirect_dma source(%dma_start3A_298 : memref<100000x128xf32, #tpu.memory_space<hbm>>) target(%dma_start3A_292 : memref<128x128xf32, #tpu.memory_space<vmem>>) offsets(%dma_start3A_295 : memref<128xi32, #tpu.memory_space<vmem>>) semaphore(%arg21 : memref<!tpu.dma_semaphore, #tpu.memory_space<semaphore_mem>>)
    %dma_start3A_299 = arith.constant 2 : i32
    %dma_start3A_300 = arith.constant 2 : i32
    %dma_start3A_301 = arith.constant 256 : i32
    %dma_start3A_302 = arith.constant 0 : i32
    %dma_start3A_303 = tpu.memref_slice %arg17[%dma_start3A_301, %dma_start3A_302] : memref<512x128xf32, #tpu.memory_space<vmem>> -> memref<128x128xf32, #tpu.memory_space<vmem>>
    %dma_start3A_304 = arith.constant 0 : i32
    %dma_start3A_305 = tpu.memref_slice %arg12[%dma_start3A_299, %dma_start3A_300, %dma_start3A_304] : memref<4x4x128xi32, #tpu.memory_space<vmem>> -> memref<1x1x128xi32, #tpu.memory_space<vmem>>
    %dma_start3A_306 = tpu.memref_squeeze %dma_start3A_305 : memref<1x1x128xi32, #tpu.memory_space<vmem>> -> memref<128xi32, #tpu.memory_space<vmem>>
    %dma_start3A_307 = arith.constant 0 : i32
    %dma_start3A_308 = arith.constant 0 : i32
    %dma_start3A_309 = tpu.memref_slice %arg6[%dma_start3A_307, %dma_start3A_308] : memref<100000x128xf32, #tpu.memory_space<hbm>> -> memref<100000x128xf32, #tpu.memory_space<hbm>>
    tpu.enqueue_indirect_dma source(%dma_start3A_309 : memref<100000x128xf32, #tpu.memory_space<hbm>>) target(%dma_start3A_303 : memref<128x128xf32, #tpu.memory_space<vmem>>) offsets(%dma_start3A_306 : memref<128xi32, #tpu.memory_space<vmem>>) semaphore(%arg21 : memref<!tpu.dma_semaphore, #tpu.memory_space<semaphore_mem>>)
    %dma_start3A_310 = arith.constant 2 : i32
    %dma_start3A_311 = arith.constant 3 : i32
    %dma_start3A_312 = arith.constant 384 : i32
    %dma_start3A_313 = arith.constant 0 : i32
    %dma_start3A_314 = tpu.memref_slice %arg17[%dma_start3A_312, %dma_start3A_313] : memref<512x128xf32, #tpu.memory_space<vmem>> -> memref<128x128xf32, #tpu.memory_space<vmem>>
    %dma_start3A_315 = arith.constant 0 : i32
    %dma_start3A_316 = tpu.memref_slice %arg12[%dma_start3A_310, %dma_start3A_311, %dma_start3A_315] : memref<4x4x128xi32, #tpu.memory_space<vmem>> -> memref<1x1x128xi32, #tpu.memory_space<vmem>>
    %dma_start3A_317 = tpu.memref_squeeze %dma_start3A_316 : memref<1x1x128xi32, #tpu.memory_space<vmem>> -> memref<128xi32, #tpu.memory_space<vmem>>
    %dma_start3A_318 = arith.constant 0 : i32
    %dma_start3A_319 = arith.constant 0 : i32
    %dma_start3A_320 = tpu.memref_slice %arg6[%dma_start3A_318, %dma_start3A_319] : memref<100000x128xf32, #tpu.memory_space<hbm>> -> memref<100000x128xf32, #tpu.memory_space<hbm>>
    tpu.enqueue_indirect_dma source(%dma_start3A_320 : memref<100000x128xf32, #tpu.memory_space<hbm>>) target(%dma_start3A_314 : memref<128x128xf32, #tpu.memory_space<vmem>>) offsets(%dma_start3A_317 : memref<128xi32, #tpu.memory_space<vmem>>) semaphore(%arg21 : memref<!tpu.dma_semaphore, #tpu.memory_space<semaphore_mem>>)
    %dma_wait3A_321 = arith.constant 0 : i32
    %dma_wait3A_322 = arith.constant 0 : i32
    %dma_wait3A_323 = tpu.memref_slice %arg5[%dma_wait3A_321, %dma_wait3A_322] : memref<1000000x128xf32, #tpu.memory_space<hbm>> -> memref<128x128xf32, #tpu.memory_space<hbm>>
    %dma_wait3A_324 = arith.constant 0 : i32
    %dma_wait3A_325 = arith.constant 0 : i32
    %dma_wait3A_326 = tpu.memref_slice %arg5[%dma_wait3A_324, %dma_wait3A_325] : memref<1000000x128xf32, #tpu.memory_space<hbm>> -> memref<128x128xf32, #tpu.memory_space<hbm>>
    tpu.wait_dma2 semaphore(%arg20 : memref<!tpu.dma_semaphore, #tpu.memory_space<semaphore_mem>>) src(%dma_wait3A_326 : memref<128x128xf32, #tpu.memory_space<hbm>>) dst(%arg13 : memref<128x128xf32, #tpu.memory_space<vmem>>)
    %dma_start3A_327 = arith.constant 3 : i32
    %dma_start3A_328 = arith.constant 0 : i32
    %dma_start3A_329 = tpu.memref_slice %arg10[%dma_start3A_327, %dma_start3A_328] : memref<4x128xi32, #tpu.memory_space<vmem>> -> memref<1x128xi32, #tpu.memory_space<vmem>>
    %dma_start3A_330 = tpu.memref_squeeze %dma_start3A_329 : memref<1x128xi32, #tpu.memory_space<vmem>> -> memref<128xi32, #tpu.memory_space<vmem>>
    %dma_start3A_331 = arith.constant 0 : i32
    %dma_start3A_332 = arith.constant 0 : i32
    %dma_start3A_333 = tpu.memref_slice %arg5[%dma_start3A_331, %dma_start3A_332] : memref<1000000x128xf32, #tpu.memory_space<hbm>> -> memref<1000000x128xf32, #tpu.memory_space<hbm>>
    tpu.enqueue_indirect_dma source(%dma_start3A_333 : memref<1000000x128xf32, #tpu.memory_space<hbm>>) target(%arg14 : memref<128x128xf32, #tpu.memory_space<vmem>>) offsets(%dma_start3A_330 : memref<128xi32, #tpu.memory_space<vmem>>) semaphore(%arg20 : memref<!tpu.dma_semaphore, #tpu.memory_space<semaphore_mem>>)
    %dma_wait3A_334 = arith.constant 0 : i32
    %dma_wait3A_335 = arith.constant 0 : i32
    %dma_wait3A_336 = tpu.memref_slice %arg6[%dma_wait3A_334, %dma_wait3A_335] : memref<100000x128xf32, #tpu.memory_space<hbm>> -> memref<128x128xf32, #tpu.memory_space<hbm>>
    %dma_wait3A_337 = arith.constant 0 : i32
    %dma_wait3A_338 = arith.constant 0 : i32
    %dma_wait3A_339 = tpu.memref_slice %arg6[%dma_wait3A_337, %dma_wait3A_338] : memref<100000x128xf32, #tpu.memory_space<hbm>> -> memref<128x128xf32, #tpu.memory_space<hbm>>
    tpu.wait_dma2 semaphore(%arg21 : memref<!tpu.dma_semaphore, #tpu.memory_space<semaphore_mem>>) src(%dma_wait3A_339 : memref<128x128xf32, #tpu.memory_space<hbm>>) dst(%arg16 : memref<128x128xf32, #tpu.memory_space<vmem>>)
    %dma_wait3A_340 = arith.constant 0 : i32
    %dma_wait3A_341 = arith.constant 0 : i32
    %dma_wait3A_342 = tpu.memref_slice %arg6[%dma_wait3A_340, %dma_wait3A_341] : memref<100000x128xf32, #tpu.memory_space<hbm>> -> memref<512x128xf32, #tpu.memory_space<hbm>>
    %dma_wait3A_343 = arith.constant 0 : i32
    %dma_wait3A_344 = arith.constant 0 : i32
    %dma_wait3A_345 = tpu.memref_slice %arg6[%dma_wait3A_343, %dma_wait3A_344] : memref<100000x128xf32, #tpu.memory_space<hbm>> -> memref<512x128xf32, #tpu.memory_space<hbm>>
    tpu.wait_dma2 semaphore(%arg21 : memref<!tpu.dma_semaphore, #tpu.memory_space<semaphore_mem>>) src(%dma_wait3A_345 : memref<512x128xf32, #tpu.memory_space<hbm>>) dst(%arg17 : memref<512x128xf32, #tpu.memory_space<vmem>>)
    %scan3A_346 = arith.constant 0 : i32
    %scan3A_347 = arith.constant 0 : i32
    %scan3A_348 = arith.constant 8 : i32
    %scan3A_349 = arith.addi %scan3A_347, %scan3A_348 : i32
    %scan3A_350 = arith.constant 1 : i32
    scf.for %scan3A_459 = %scan3A_347 to %scan3A_349 step %scan3A_350  : i32 {
      %mul3A_460 = arith.constant 16 : i32
      %mul3A_461 = arith.muli %scan3A_459, %mul3A_460 : i32
      %add3A_462 = vector.broadcast %mul3A_461 : i32 to vector<16xi32>
      %add3A_463 = arith.addi %iota3A, %add3A_462 : vector<16xi32>
      %broadcast_in_dim3A = arith.constant 0.000000e+00 : f32
      %broadcast_in_dim3A_464 = vector.broadcast %broadcast_in_dim3A : f32 to vector<16xf32>
      %scan3A_465 = arith.constant 0 : i32
      %scan3A_466 = arith.constant 16 : i32
      %scan3A_467 = arith.addi %scan3A_465, %scan3A_466 : i32
      %scan3A_468 = arith.constant 1 : i32
      %scan3A_469:5 = scf.for %scan3A_492 = %scan3A_465 to %scan3A_467 step %scan3A_468 iter_args(%scan3A_493 = %broadcast_in_dim3A_464, %scan3A_494 = %broadcast_in_dim3A_464, %scan3A_495 = %broadcast_in_dim3A_464, %scan3A_496 = %broadcast_in_dim3A_464, %scan3A_497 = %broadcast_in_dim3A_464) -> (vector<16xf32>, vector<16xf32>, vector<16xf32>, vector<16xf32>, vector<16xf32>)  : i32 {
        %mul3A_498 = arith.constant 4 : i32
        %mul3A_499 = arith.muli %scan3A_492, %mul3A_498 : i32
        %add3A_500 = arith.constant 0 : i32
        %add3A_501 = arith.addi %mul3A_499, %add3A_500 : i32
        %broadcast_in_dim3A_502 = arith.constant 0 : i32
        %broadcast_in_dim3A_503 = vector.broadcast %broadcast_in_dim3A_502 : i32 to vector<16xi32>
        %add3A_504 = vector.broadcast %add3A_501 : i32 to vector<16xi32>
        %add3A_505 = arith.addi %broadcast_in_dim3A_503, %add3A_504 : vector<16xi32>
        %gather3A = tpu.vector_load_idx %arg13[%add3A_463, %add3A_505] : memref<128x128xf32, #tpu.memory_space<vmem>>[vector<16xi32>, vector<16xi32>], vector<16xf32>,
        tpu.vector_store_idx %arg15[%add3A_505, %add3A_463], %gather3A : memref<64x128xf32, #tpu.memory_space<vmem>>[vector<16xi32>, vector<16xi32>], vector<16xf32>,
        %gather3A_506 = tpu.vector_load_idx %arg16[%add3A_463, %add3A_505] : memref<128x128xf32, #tpu.memory_space<vmem>>[vector<16xi32>, vector<16xi32>], vector<16xf32>,
        %mul3A_507 = arith.mulf %gather3A, %gather3A_506 : vector<16xf32>
        %add3A_508 = arith.addf %scan3A_493, %mul3A_507 : vector<16xf32>
        %add3A_509 = arith.constant 0 : i32
        %add3A_510 = vector.broadcast %add3A_509 : i32 to vector<16xi32>
        %add3A_511 = arith.addi %add3A_463, %add3A_510 : vector<16xi32>
        %gather3A_512 = tpu.vector_load_idx %arg17[%add3A_511, %add3A_505] : memref<512x128xf32, #tpu.memory_space<vmem>>[vector<16xi32>, vector<16xi32>], vector<16xf32>,
        %mul3A_513 = arith.mulf %gather3A, %gather3A_512 : vector<16xf32>
        %add3A_514 = arith.addf %scan3A_494, %mul3A_513 : vector<16xf32>
        %add3A_515 = arith.constant 128 : i32
        %add3A_516 = vector.broadcast %add3A_515 : i32 to vector<16xi32>
        %add3A_517 = arith.addi %add3A_463, %add3A_516 : vector<16xi32>
        %gather3A_518 = tpu.vector_load_idx %arg17[%add3A_517, %add3A_505] : memref<512x128xf32, #tpu.memory_space<vmem>>[vector<16xi32>, vector<16xi32>], vector<16xf32>,
        %mul3A_519 = arith.mulf %gather3A, %gather3A_518 : vector<16xf32>
        %add3A_520 = arith.addf %scan3A_495, %mul3A_519 : vector<16xf32>
        %add3A_521 = arith.constant 256 : i32
        %add3A_522 = vector.broadcast %add3A_521 : i32 to vector<16xi32>
        %add3A_523 = arith.addi %add3A_463, %add3A_522 : vector<16xi32>
        %gather3A_524 = tpu.vector_load_idx %arg17[%add3A_523, %add3A_505] : memref<512x128xf32, #tpu.memory_space<vmem>>[vector<16xi32>, vector<16xi32>], vector<16xf32>,
        %mul3A_525 = arith.mulf %gather3A, %gather3A_524 : vector<16xf32>
        %add3A_526 = arith.addf %scan3A_496, %mul3A_525 : vector<16xf32>
        %add3A_527 = arith.constant 384 : i32
        %add3A_528 = vector.broadcast %add3A_527 : i32 to vector<16xi32>
        %add3A_529 = arith.addi %add3A_463, %add3A_528 : vector<16xi32>
        %gather3A_530 = tpu.vector_load_idx %arg17[%add3A_529, %add3A_505] : memref<512x128xf32, #tpu.memory_space<vmem>>[vector<16xi32>, vector<16xi32>], vector<16xf32>,
        %mul3A_531 = arith.mulf %gather3A, %gather3A_530 : vector<16xf32>
        %add3A_532 = arith.addf %scan3A_497, %mul3A_531 : vector<16xf32>
        %mul3A_533 = arith.constant 4 : i32
        %mul3A_534 = arith.muli %scan3A_492, %mul3A_533 : i32
        %add3A_535 = arith.constant 1 : i32
        %add3A_536 = arith.addi %mul3A_534, %add3A_535 : i32
        %broadcast_in_dim3A_537 = arith.constant 0 : i32
        %broadcast_in_dim3A_538 = vector.broadcast %broadcast_in_dim3A_537 : i32 to vector<16xi32>
        %add3A_539 = vector.broadcast %add3A_536 : i32 to vector<16xi32>
        %add3A_540 = arith.addi %broadcast_in_dim3A_538, %add3A_539 : vector<16xi32>
        %gather3A_541 = tpu.vector_load_idx %arg13[%add3A_463, %add3A_540] : memref<128x128xf32, #tpu.memory_space<vmem>>[vector<16xi32>, vector<16xi32>], vector<16xf32>,
        tpu.vector_store_idx %arg15[%add3A_540, %add3A_463], %gather3A_541 : memref<64x128xf32, #tpu.memory_space<vmem>>[vector<16xi32>, vector<16xi32>], vector<16xf32>,
        %gather3A_542 = tpu.vector_load_idx %arg16[%add3A_463, %add3A_540] : memref<128x128xf32, #tpu.memory_space<vmem>>[vector<16xi32>, vector<16xi32>], vector<16xf32>,
        %mul3A_543 = arith.mulf %gather3A_541, %gather3A_542 : vector<16xf32>
        %add3A_544 = arith.addf %add3A_508, %mul3A_543 : vector<16xf32>
        %add3A_545 = arith.constant 0 : i32
        %add3A_546 = vector.broadcast %add3A_545 : i32 to vector<16xi32>
        %add3A_547 = arith.addi %add3A_463, %add3A_546 : vector<16xi32>
        %gather3A_548 = tpu.vector_load_idx %arg17[%add3A_547, %add3A_540] : memref<512x128xf32, #tpu.memory_space<vmem>>[vector<16xi32>, vector<16xi32>], vector<16xf32>,
        %mul3A_549 = arith.mulf %gather3A_541, %gather3A_548 : vector<16xf32>
        %add3A_550 = arith.addf %add3A_514, %mul3A_549 : vector<16xf32>
        %add3A_551 = arith.constant 128 : i32
        %add3A_552 = vector.broadcast %add3A_551 : i32 to vector<16xi32>
        %add3A_553 = arith.addi %add3A_463, %add3A_552 : vector<16xi32>
        %gather3A_554 = tpu.vector_load_idx %arg17[%add3A_553, %add3A_540] : memref<512x128xf32, #tpu.memory_space<vmem>>[vector<16xi32>, vector<16xi32>], vector<16xf32>,
        %mul3A_555 = arith.mulf %gather3A_541, %gather3A_554 : vector<16xf32>
        %add3A_556 = arith.addf %add3A_520, %mul3A_555 : vector<16xf32>
        %add3A_557 = arith.constant 256 : i32
        %add3A_558 = vector.broadcast %add3A_557 : i32 to vector<16xi32>
        %add3A_559 = arith.addi %add3A_463, %add3A_558 : vector<16xi32>
        %gather3A_560 = tpu.vector_load_idx %arg17[%add3A_559, %add3A_540] : memref<512x128xf32, #tpu.memory_space<vmem>>[vector<16xi32>, vector<16xi32>], vector<16xf32>,
        %mul3A_561 = arith.mulf %gather3A_541, %gather3A_560 : vector<16xf32>
        %add3A_562 = arith.addf %add3A_526, %mul3A_561 : vector<16xf32>
        %add3A_563 = arith.constant 384 : i32
        %add3A_564 = vector.broadcast %add3A_563 : i32 to vector<16xi32>
        %add3A_565 = arith.addi %add3A_463, %add3A_564 : vector<16xi32>
        %gather3A_566 = tpu.vector_load_idx %arg17[%add3A_565, %add3A_540] : memref<512x128xf32, #tpu.memory_space<vmem>>[vector<16xi32>, vector<16xi32>], vector<16xf32>,
        %mul3A_567 = arith.mulf %gather3A_541, %gather3A_566 : vector<16xf32>
        %add3A_568 = arith.addf %add3A_532, %mul3A_567 : vector<16xf32>
        %mul3A_569 = arith.constant 4 : i32
        %mul3A_570 = arith.muli %scan3A_492, %mul3A_569 : i32
        %add3A_571 = arith.constant 2 : i32
        %add3A_572 = arith.addi %mul3A_570, %add3A_571 : i32
        %broadcast_in_dim3A_573 = arith.constant 0 : i32
        %broadcast_in_dim3A_574 = vector.broadcast %broadcast_in_dim3A_573 : i32 to vector<16xi32>
        %add3A_575 = vector.broadcast %add3A_572 : i32 to vector<16xi32>
        %add3A_576 = arith.addi %broadcast_in_dim3A_574, %add3A_575 : vector<16xi32>
        %gather3A_577 = tpu.vector_load_idx %arg13[%add3A_463, %add3A_576] : memref<128x128xf32, #tpu.memory_space<vmem>>[vector<16xi32>, vector<16xi32>], vector<16xf32>,
        tpu.vector_store_idx %arg15[%add3A_576, %add3A_463], %gather3A_577 : memref<64x128xf32, #tpu.memory_space<vmem>>[vector<16xi32>, vector<16xi32>], vector<16xf32>,
        %gather3A_578 = tpu.vector_load_idx %arg16[%add3A_463, %add3A_576] : memref<128x128xf32, #tpu.memory_space<vmem>>[vector<16xi32>, vector<16xi32>], vector<16xf32>,
        %mul3A_579 = arith.mulf %gather3A_577, %gather3A_578 : vector<16xf32>
        %add3A_580 = arith.addf %add3A_544, %mul3A_579 : vector<16xf32>
        %add3A_581 = arith.constant 0 : i32
        %add3A_582 = vector.broadcast %add3A_581 : i32 to vector<16xi32>
        %add3A_583 = arith.addi %add3A_463, %add3A_582 : vector<16xi32>
        %gather3A_584 = tpu.vector_load_idx %arg17[%add3A_583, %add3A_576] : memref<512x128xf32, #tpu.memory_space<vmem>>[vector<16xi32>, vector<16xi32>], vector<16xf32>,
        %mul3A_585 = arith.mulf %gather3A_577, %gather3A_584 : vector<16xf32>
        %add3A_586 = arith.addf %add3A_550, %mul3A_585 : vector<16xf32>
        %add3A_587 = arith.constant 128 : i32
        %add3A_588 = vector.broadcast %add3A_587 : i32 to vector<16xi32>
        %add3A_589 = arith.addi %add3A_463, %add3A_588 : vector<16xi32>
        %gather3A_590 = tpu.vector_load_idx %arg17[%add3A_589, %add3A_576] : memref<512x128xf32, #tpu.memory_space<vmem>>[vector<16xi32>, vector<16xi32>], vector<16xf32>,
        %mul3A_591 = arith.mulf %gather3A_577, %gather3A_590 : vector<16xf32>
        %add3A_592 = arith.addf %add3A_556, %mul3A_591 : vector<16xf32>
        %add3A_593 = arith.constant 256 : i32
        %add3A_594 = vector.broadcast %add3A_593 : i32 to vector<16xi32>
        %add3A_595 = arith.addi %add3A_463, %add3A_594 : vector<16xi32>
        %gather3A_596 = tpu.vector_load_idx %arg17[%add3A_595, %add3A_576] : memref<512x128xf32, #tpu.memory_space<vmem>>[vector<16xi32>, vector<16xi32>], vector<16xf32>,
        %mul3A_597 = arith.mulf %gather3A_577, %gather3A_596 : vector<16xf32>
        %add3A_598 = arith.addf %add3A_562, %mul3A_597 : vector<16xf32>
        %add3A_599 = arith.constant 384 : i32
        %add3A_600 = vector.broadcast %add3A_599 : i32 to vector<16xi32>
        %add3A_601 = arith.addi %add3A_463, %add3A_600 : vector<16xi32>
        %gather3A_602 = tpu.vector_load_idx %arg17[%add3A_601, %add3A_576] : memref<512x128xf32, #tpu.memory_space<vmem>>[vector<16xi32>, vector<16xi32>], vector<16xf32>,
        %mul3A_603 = arith.mulf %gather3A_577, %gather3A_602 : vector<16xf32>
        %add3A_604 = arith.addf %add3A_568, %mul3A_603 : vector<16xf32>
        %mul3A_605 = arith.constant 4 : i32
        %mul3A_606 = arith.muli %scan3A_492, %mul3A_605 : i32
        %add3A_607 = arith.constant 3 : i32
        %add3A_608 = arith.addi %mul3A_606, %add3A_607 : i32
        %broadcast_in_dim3A_609 = arith.constant 0 : i32
        %broadcast_in_dim3A_610 = vector.broadcast %broadcast_in_dim3A_609 : i32 to vector<16xi32>
        %add3A_611 = vector.broadcast %add3A_608 : i32 to vector<16xi32>
        %add3A_612 = arith.addi %broadcast_in_dim3A_610, %add3A_611 : vector<16xi32>
        %gather3A_613 = tpu.vector_load_idx %arg13[%add3A_463, %add3A_612] : memref<128x128xf32, #tpu.memory_space<vmem>>[vector<16xi32>, vector<16xi32>], vector<16xf32>,
        tpu.vector_store_idx %arg15[%add3A_612, %add3A_463], %gather3A_613 : memref<64x128xf32, #tpu.memory_space<vmem>>[vector<16xi32>, vector<16xi32>], vector<16xf32>,
        %gather3A_614 = tpu.vector_load_idx %arg16[%add3A_463, %add3A_612] : memref<128x128xf32, #tpu.memory_space<vmem>>[vector<16xi32>, vector<16xi32>], vector<16xf32>,
        %mul3A_615 = arith.mulf %gather3A_613, %gather3A_614 : vector<16xf32>
        %add3A_616 = arith.addf %add3A_580, %mul3A_615 : vector<16xf32>
        %add3A_617 = arith.constant 0 : i32
        %add3A_618 = vector.broadcast %add3A_617 : i32 to vector<16xi32>
        %add3A_619 = arith.addi %add3A_463, %add3A_618 : vector<16xi32>
        %gather3A_620 = tpu.vector_load_idx %arg17[%add3A_619, %add3A_612] : memref<512x128xf32, #tpu.memory_space<vmem>>[vector<16xi32>, vector<16xi32>], vector<16xf32>,
        %mul3A_621 = arith.mulf %gather3A_613, %gather3A_620 : vector<16xf32>
        %add3A_622 = arith.addf %add3A_586, %mul3A_621 : vector<16xf32>
        %add3A_623 = arith.constant 128 : i32
        %add3A_624 = vector.broadcast %add3A_623 : i32 to vector<16xi32>
        %add3A_625 = arith.addi %add3A_463, %add3A_624 : vector<16xi32>
        %gather3A_626 = tpu.vector_load_idx %arg17[%add3A_625, %add3A_612] : memref<512x128xf32, #tpu.memory_space<vmem>>[vector<16xi32>, vector<16xi32>], vector<16xf32>,
        %mul3A_627 = arith.mulf %gather3A_613, %gather3A_626 : vector<16xf32>
        %add3A_628 = arith.addf %add3A_592, %mul3A_627 : vector<16xf32>
        %add3A_629 = arith.constant 256 : i32
        %add3A_630 = vector.broadcast %add3A_629 : i32 to vector<16xi32>
        %add3A_631 = arith.addi %add3A_463, %add3A_630 : vector<16xi32>
        %gather3A_632 = tpu.vector_load_idx %arg17[%add3A_631, %add3A_612] : memref<512x128xf32, #tpu.memory_space<vmem>>[vector<16xi32>, vector<16xi32>], vector<16xf32>,
        %mul3A_633 = arith.mulf %gather3A_613, %gather3A_632 : vector<16xf32>
        %add3A_634 = arith.addf %add3A_598, %mul3A_633 : vector<16xf32>
        %add3A_635 = arith.constant 384 : i32
        %add3A_636 = vector.broadcast %add3A_635 : i32 to vector<16xi32>
        %add3A_637 = arith.addi %add3A_463, %add3A_636 : vector<16xi32>
        %gather3A_638 = tpu.vector_load_idx %arg17[%add3A_637, %add3A_612] : memref<512x128xf32, #tpu.memory_space<vmem>>[vector<16xi32>, vector<16xi32>], vector<16xf32>,
        %mul3A_639 = arith.mulf %gather3A_613, %gather3A_638 : vector<16xf32>
        %add3A_640 = arith.addf %add3A_604, %mul3A_639 : vector<16xf32>
        scf.yield %add3A_616, %add3A_622, %add3A_628, %add3A_634, %add3A_640 : vector<16xf32>, vector<16xf32>, vector<16xf32>, vector<16xf32>, vector<16xf32>
      }
      %scan3A_470 = arith.constant 16 : i32
      %mul3A_471 = arith.constant 16 : i32
      %mul3A_472 = arith.muli %scan3A_459, %mul3A_471 : i32
      %add3A_473 = arith.constant 256 : i32
      %add3A_474 = arith.addi %add3A_473, %mul3A_472 : i32
      %swap3A = arith.index_cast %add3A_474 : i32 to index
      %swap3A_475 = tpu.vector_load %arg18[%swap3A] {strides = array<i32>} : memref<512xf32, #tpu.memory_space<vmem>>, vector<16xf32>,
      tpu.vector_store %arg18[%swap3A], %scan3A_469#0 {strides = array<i32>} : memref<512xf32, #tpu.memory_space<vmem>>, vector<16xf32>,
      %swap3A_476 = arith.constant 0 : i32
      %swap3A_477 = arith.index_cast %swap3A_476 : i32 to index
      %swap3A_478 = arith.index_cast %add3A_474 : i32 to index
      %swap3A_479 = tpu.vector_load %arg19[%swap3A_477, %swap3A_478] {strides = array<i32>} : memref<4x512xf32, #tpu.memory_space<vmem>>, vector<16xf32>,
      tpu.vector_store %arg19[%swap3A_477, %swap3A_478], %scan3A_469#1 {strides = array<i32>} : memref<4x512xf32, #tpu.memory_space<vmem>>, vector<16xf32>,
      %swap3A_480 = arith.constant 1 : i32
      %swap3A_481 = arith.index_cast %swap3A_480 : i32 to index
      %swap3A_482 = arith.index_cast %add3A_474 : i32 to index
      %swap3A_483 = tpu.vector_load %arg19[%swap3A_481, %swap3A_482] {strides = array<i32>} : memref<4x512xf32, #tpu.memory_space<vmem>>, vector<16xf32>,
      tpu.vector_store %arg19[%swap3A_481, %swap3A_482], %scan3A_469#2 {strides = array<i32>} : memref<4x512xf32, #tpu.memory_space<vmem>>, vector<16xf32>,
      %swap3A_484 = arith.constant 2 : i32
      %swap3A_485 = arith.index_cast %swap3A_484 : i32 to index
      %swap3A_486 = arith.index_cast %add3A_474 : i32 to index
      %swap3A_487 = tpu.vector_load %arg19[%swap3A_485, %swap3A_486] {strides = array<i32>} : memref<4x512xf32, #tpu.memory_space<vmem>>, vector<16xf32>,
      tpu.vector_store %arg19[%swap3A_485, %swap3A_486], %scan3A_469#3 {strides = array<i32>} : memref<4x512xf32, #tpu.memory_space<vmem>>, vector<16xf32>,
      %swap3A_488 = arith.constant 3 : i32
      %swap3A_489 = arith.index_cast %swap3A_488 : i32 to index
      %swap3A_490 = arith.index_cast %add3A_474 : i32 to index
      %swap3A_491 = tpu.vector_load %arg19[%swap3A_489, %swap3A_490] {strides = array<i32>} : memref<4x512xf32, #tpu.memory_space<vmem>>, vector<16xf32>,
      tpu.vector_store %arg19[%swap3A_489, %swap3A_490], %scan3A_469#4 {strides = array<i32>} : memref<4x512xf32, #tpu.memory_space<vmem>>, vector<16xf32>,
    }
    %scan3A_351 = arith.constant 8 : i32
    %add3A_352 = arith.constant 256 : i32
    %add3A_353 = arith.addi %mul3A_2, %add3A_352 : i32
    %add3A_354 = arith.constant 0 : i32
    %add3A_355 = arith.addi %add3A_354, %add3A_353 : i32
    "tpu.region"() ({
      %run_scoped3A_459 = tpu.sem_alloc : memref<!tpu.dma_semaphore, #tpu.memory_space<semaphore_mem>>
      %dma_start3A_460 = arith.constant 0 : i32
      %dma_start3A_461 = tpu.memref_slice %arg7[%dma_start3A_460, %add3A_355] : memref<64x65536xf32, #tpu.memory_space<hbm>> -> memref<64x128xf32, #tpu.memory_space<hbm>>
      %dma_start3A_462 = arith.constant 0 : i32
      %dma_start3A_463 = tpu.memref_slice %arg7[%dma_start3A_462, %add3A_355] : memref<64x65536xf32, #tpu.memory_space<hbm>> -> memref<64x128xf32, #tpu.memory_space<hbm>>
      tpu.enqueue_dma source(%arg15 : memref<64x128xf32, #tpu.memory_space<vmem>>) target(%dma_start3A_463 : memref<64x128xf32, #tpu.memory_space<hbm>>) target_semaphore(%run_scoped3A_459 : memref<!tpu.dma_semaphore, #tpu.memory_space<semaphore_mem>>)
      %dma_wait3A_464 = arith.constant 0 : i32
      %dma_wait3A_465 = tpu.memref_slice %arg7[%dma_wait3A_464, %add3A_355] : memref<64x65536xf32, #tpu.memory_space<hbm>> -> memref<64x128xf32, #tpu.memory_space<hbm>>
      %dma_wait3A_466 = arith.constant 0 : i32
      %dma_wait3A_467 = tpu.memref_slice %arg7[%dma_wait3A_466, %add3A_355] : memref<64x65536xf32, #tpu.memory_space<hbm>> -> memref<64x128xf32, #tpu.memory_space<hbm>>
      tpu.wait_dma2 semaphore(%run_scoped3A_459 : memref<!tpu.dma_semaphore, #tpu.memory_space<semaphore_mem>>) src(%arg15 : memref<64x128xf32, #tpu.memory_space<vmem>>) dst(%dma_wait3A_467 : memref<64x128xf32, #tpu.memory_space<hbm>>)
      tpu.yield
    }) : () -> ()
    %add3A_356 = arith.constant 16384 : i32
    %add3A_357 = arith.addi %add3A_356, %add3A_353 : i32
    "tpu.region"() ({
      %run_scoped3A_459 = tpu.sem_alloc : memref<!tpu.dma_semaphore, #tpu.memory_space<semaphore_mem>>
      %dma_start3A_460 = arith.constant 0 : i32
      %dma_start3A_461 = tpu.memref_slice %arg7[%dma_start3A_460, %add3A_357] : memref<64x65536xf32, #tpu.memory_space<hbm>> -> memref<64x128xf32, #tpu.memory_space<hbm>>
      %dma_start3A_462 = arith.constant 0 : i32
      %dma_start3A_463 = tpu.memref_slice %arg7[%dma_start3A_462, %add3A_357] : memref<64x65536xf32, #tpu.memory_space<hbm>> -> memref<64x128xf32, #tpu.memory_space<hbm>>
      tpu.enqueue_dma source(%arg15 : memref<64x128xf32, #tpu.memory_space<vmem>>) target(%dma_start3A_463 : memref<64x128xf32, #tpu.memory_space<hbm>>) target_semaphore(%run_scoped3A_459 : memref<!tpu.dma_semaphore, #tpu.memory_space<semaphore_mem>>)
      %dma_wait3A_464 = arith.constant 0 : i32
      %dma_wait3A_465 = tpu.memref_slice %arg7[%dma_wait3A_464, %add3A_357] : memref<64x65536xf32, #tpu.memory_space<hbm>> -> memref<64x128xf32, #tpu.memory_space<hbm>>
      %dma_wait3A_466 = arith.constant 0 : i32
      %dma_wait3A_467 = tpu.memref_slice %arg7[%dma_wait3A_466, %add3A_357] : memref<64x65536xf32, #tpu.memory_space<hbm>> -> memref<64x128xf32, #tpu.memory_space<hbm>>
      tpu.wait_dma2 semaphore(%run_scoped3A_459 : memref<!tpu.dma_semaphore, #tpu.memory_space<semaphore_mem>>) src(%arg15 : memref<64x128xf32, #tpu.memory_space<vmem>>) dst(%dma_wait3A_467 : memref<64x128xf32, #tpu.memory_space<hbm>>)
      tpu.yield
    }) : () -> ()
    %add3A_358 = arith.constant 32768 : i32
    %add3A_359 = arith.addi %add3A_358, %add3A_353 : i32
    "tpu.region"() ({
      %run_scoped3A_459 = tpu.sem_alloc : memref<!tpu.dma_semaphore, #tpu.memory_space<semaphore_mem>>
      %dma_start3A_460 = arith.constant 0 : i32
      %dma_start3A_461 = tpu.memref_slice %arg7[%dma_start3A_460, %add3A_359] : memref<64x65536xf32, #tpu.memory_space<hbm>> -> memref<64x128xf32, #tpu.memory_space<hbm>>
      %dma_start3A_462 = arith.constant 0 : i32
      %dma_start3A_463 = tpu.memref_slice %arg7[%dma_start3A_462, %add3A_359] : memref<64x65536xf32, #tpu.memory_space<hbm>> -> memref<64x128xf32, #tpu.memory_space<hbm>>
      tpu.enqueue_dma source(%arg15 : memref<64x128xf32, #tpu.memory_space<vmem>>) target(%dma_start3A_463 : memref<64x128xf32, #tpu.memory_space<hbm>>) target_semaphore(%run_scoped3A_459 : memref<!tpu.dma_semaphore, #tpu.memory_space<semaphore_mem>>)
      %dma_wait3A_464 = arith.constant 0 : i32
      %dma_wait3A_465 = tpu.memref_slice %arg7[%dma_wait3A_464, %add3A_359] : memref<64x65536xf32, #tpu.memory_space<hbm>> -> memref<64x128xf32, #tpu.memory_space<hbm>>
      %dma_wait3A_466 = arith.constant 0 : i32
      %dma_wait3A_467 = tpu.memref_slice %arg7[%dma_wait3A_466, %add3A_359] : memref<64x65536xf32, #tpu.memory_space<hbm>> -> memref<64x128xf32, #tpu.memory_space<hbm>>
      tpu.wait_dma2 semaphore(%run_scoped3A_459 : memref<!tpu.dma_semaphore, #tpu.memory_space<semaphore_mem>>) src(%arg15 : memref<64x128xf32, #tpu.memory_space<vmem>>) dst(%dma_wait3A_467 : memref<64x128xf32, #tpu.memory_space<hbm>>)
      tpu.yield
    }) : () -> ()
    %add3A_360 = arith.constant 49152 : i32
    %add3A_361 = arith.addi %add3A_360, %add3A_353 : i32
    "tpu.region"() ({
      %run_scoped3A_459 = tpu.sem_alloc : memref<!tpu.dma_semaphore, #tpu.memory_space<semaphore_mem>>
      %dma_start3A_460 = arith.constant 0 : i32
      %dma_start3A_461 = tpu.memref_slice %arg7[%dma_start3A_460, %add3A_361] : memref<64x65536xf32, #tpu.memory_space<hbm>> -> memref<64x128xf32, #tpu.memory_space<hbm>>
      %dma_start3A_462 = arith.constant 0 : i32
      %dma_start3A_463 = tpu.memref_slice %arg7[%dma_start3A_462, %add3A_361] : memref<64x65536xf32, #tpu.memory_space<hbm>> -> memref<64x128xf32, #tpu.memory_space<hbm>>
      tpu.enqueue_dma source(%arg15 : memref<64x128xf32, #tpu.memory_space<vmem>>) target(%dma_start3A_463 : memref<64x128xf32, #tpu.memory_space<hbm>>) target_semaphore(%run_scoped3A_459 : memref<!tpu.dma_semaphore, #tpu.memory_space<semaphore_mem>>)
      %dma_wait3A_464 = arith.constant 0 : i32
      %dma_wait3A_465 = tpu.memref_slice %arg7[%dma_wait3A_464, %add3A_361] : memref<64x65536xf32, #tpu.memory_space<hbm>> -> memref<64x128xf32, #tpu.memory_space<hbm>>
      %dma_wait3A_466 = arith.constant 0 : i32
      %dma_wait3A_467 = tpu.memref_slice %arg7[%dma_wait3A_466, %add3A_361] : memref<64x65536xf32, #tpu.memory_space<hbm>> -> memref<64x128xf32, #tpu.memory_space<hbm>>
      tpu.wait_dma2 semaphore(%run_scoped3A_459 : memref<!tpu.dma_semaphore, #tpu.memory_space<semaphore_mem>>) src(%arg15 : memref<64x128xf32, #tpu.memory_space<vmem>>) dst(%dma_wait3A_467 : memref<64x128xf32, #tpu.memory_space<hbm>>)
      tpu.yield
    }) : () -> ()
    %dma_start3A_362 = arith.constant 3 : i32
    %dma_start3A_363 = arith.constant 0 : i32
    %dma_start3A_364 = tpu.memref_slice %arg11[%dma_start3A_362, %dma_start3A_363] : memref<4x128xi32, #tpu.memory_space<vmem>> -> memref<1x128xi32, #tpu.memory_space<vmem>>
    %dma_start3A_365 = tpu.memref_squeeze %dma_start3A_364 : memref<1x128xi32, #tpu.memory_space<vmem>> -> memref<128xi32, #tpu.memory_space<vmem>>
    %dma_start3A_366 = arith.constant 0 : i32
    %dma_start3A_367 = arith.constant 0 : i32
    %dma_start3A_368 = tpu.memref_slice %arg6[%dma_start3A_366, %dma_start3A_367] : memref<100000x128xf32, #tpu.memory_space<hbm>> -> memref<100000x128xf32, #tpu.memory_space<hbm>>
    tpu.enqueue_indirect_dma source(%dma_start3A_368 : memref<100000x128xf32, #tpu.memory_space<hbm>>) target(%arg16 : memref<128x128xf32, #tpu.memory_space<vmem>>) offsets(%dma_start3A_365 : memref<128xi32, #tpu.memory_space<vmem>>) semaphore(%arg21 : memref<!tpu.dma_semaphore, #tpu.memory_space<semaphore_mem>>)
    %dma_start3A_369 = arith.constant 3 : i32
    %dma_start3A_370 = arith.constant 0 : i32
    %dma_start3A_371 = arith.constant 0 : i32
    %dma_start3A_372 = arith.constant 0 : i32
    %dma_start3A_373 = tpu.memref_slice %arg17[%dma_start3A_371, %dma_start3A_372] : memref<512x128xf32, #tpu.memory_space<vmem>> -> memref<128x128xf32, #tpu.memory_space<vmem>>
    %dma_start3A_374 = arith.constant 0 : i32
    %dma_start3A_375 = tpu.memref_slice %arg12[%dma_start3A_369, %dma_start3A_370, %dma_start3A_374] : memref<4x4x128xi32, #tpu.memory_space<vmem>> -> memref<1x1x128xi32, #tpu.memory_space<vmem>>
    %dma_start3A_376 = tpu.memref_squeeze %dma_start3A_375 : memref<1x1x128xi32, #tpu.memory_space<vmem>> -> memref<128xi32, #tpu.memory_space<vmem>>
    %dma_start3A_377 = arith.constant 0 : i32
    %dma_start3A_378 = arith.constant 0 : i32
    %dma_start3A_379 = tpu.memref_slice %arg6[%dma_start3A_377, %dma_start3A_378] : memref<100000x128xf32, #tpu.memory_space<hbm>> -> memref<100000x128xf32, #tpu.memory_space<hbm>>
    tpu.enqueue_indirect_dma source(%dma_start3A_379 : memref<100000x128xf32, #tpu.memory_space<hbm>>) target(%dma_start3A_373 : memref<128x128xf32, #tpu.memory_space<vmem>>) offsets(%dma_start3A_376 : memref<128xi32, #tpu.memory_space<vmem>>) semaphore(%arg21 : memref<!tpu.dma_semaphore, #tpu.memory_space<semaphore_mem>>)
    %dma_start3A_380 = arith.constant 3 : i32
    %dma_start3A_381 = arith.constant 1 : i32
    %dma_start3A_382 = arith.constant 128 : i32
    %dma_start3A_383 = arith.constant 0 : i32
    %dma_start3A_384 = tpu.memref_slice %arg17[%dma_start3A_382, %dma_start3A_383] : memref<512x128xf32, #tpu.memory_space<vmem>> -> memref<128x128xf32, #tpu.memory_space<vmem>>
    %dma_start3A_385 = arith.constant 0 : i32
    %dma_start3A_386 = tpu.memref_slice %arg12[%dma_start3A_380, %dma_start3A_381, %dma_start3A_385] : memref<4x4x128xi32, #tpu.memory_space<vmem>> -> memref<1x1x128xi32, #tpu.memory_space<vmem>>
    %dma_start3A_387 = tpu.memref_squeeze %dma_start3A_386 : memref<1x1x128xi32, #tpu.memory_space<vmem>> -> memref<128xi32, #tpu.memory_space<vmem>>
    %dma_start3A_388 = arith.constant 0 : i32
    %dma_start3A_389 = arith.constant 0 : i32
    %dma_start3A_390 = tpu.memref_slice %arg6[%dma_start3A_388, %dma_start3A_389] : memref<100000x128xf32, #tpu.memory_space<hbm>> -> memref<100000x128xf32, #tpu.memory_space<hbm>>
    tpu.enqueue_indirect_dma source(%dma_start3A_390 : memref<100000x128xf32, #tpu.memory_space<hbm>>) target(%dma_start3A_384 : memref<128x128xf32, #tpu.memory_space<vmem>>) offsets(%dma_start3A_387 : memref<128xi32, #tpu.memory_space<vmem>>) semaphore(%arg21 : memref<!tpu.dma_semaphore, #tpu.memory_space<semaphore_mem>>)
    %dma_start3A_391 = arith.constant 3 : i32
    %dma_start3A_392 = arith.constant 2 : i32
    %dma_start3A_393 = arith.constant 256 : i32
    %dma_start3A_394 = arith.constant 0 : i32
    %dma_start3A_395 = tpu.memref_slice %arg17[%dma_start3A_393, %dma_start3A_394] : memref<512x128xf32, #tpu.memory_space<vmem>> -> memref<128x128xf32, #tpu.memory_space<vmem>>
    %dma_start3A_396 = arith.constant 0 : i32
    %dma_start3A_397 = tpu.memref_slice %arg12[%dma_start3A_391, %dma_start3A_392, %dma_start3A_396] : memref<4x4x128xi32, #tpu.memory_space<vmem>> -> memref<1x1x128xi32, #tpu.memory_space<vmem>>
    %dma_start3A_398 = tpu.memref_squeeze %dma_start3A_397 : memref<1x1x128xi32, #tpu.memory_space<vmem>> -> memref<128xi32, #tpu.memory_space<vmem>>
    %dma_start3A_399 = arith.constant 0 : i32
    %dma_start3A_400 = arith.constant 0 : i32
    %dma_start3A_401 = tpu.memref_slice %arg6[%dma_start3A_399, %dma_start3A_400] : memref<100000x128xf32, #tpu.memory_space<hbm>> -> memref<100000x128xf32, #tpu.memory_space<hbm>>
    tpu.enqueue_indirect_dma source(%dma_start3A_401 : memref<100000x128xf32, #tpu.memory_space<hbm>>) target(%dma_start3A_395 : memref<128x128xf32, #tpu.memory_space<vmem>>) offsets(%dma_start3A_398 : memref<128xi32, #tpu.memory_space<vmem>>) semaphore(%arg21 : memref<!tpu.dma_semaphore, #tpu.memory_space<semaphore_mem>>)
    %dma_start3A_402 = arith.constant 3 : i32
    %dma_start3A_403 = arith.constant 3 : i32
    %dma_start3A_404 = arith.constant 384 : i32
    %dma_start3A_405 = arith.constant 0 : i32
    %dma_start3A_406 = tpu.memref_slice %arg17[%dma_start3A_404, %dma_start3A_405] : memref<512x128xf32, #tpu.memory_space<vmem>> -> memref<128x128xf32, #tpu.memory_space<vmem>>
    %dma_start3A_407 = arith.constant 0 : i32
    %dma_start3A_408 = tpu.memref_slice %arg12[%dma_start3A_402, %dma_start3A_403, %dma_start3A_407] : memref<4x4x128xi32, #tpu.memory_space<vmem>> -> memref<1x1x128xi32, #tpu.memory_space<vmem>>
    %dma_start3A_409 = tpu.memref_squeeze %dma_start3A_408 : memref<1x1x128xi32, #tpu.memory_space<vmem>> -> memref<128xi32, #tpu.memory_space<vmem>>
    %dma_start3A_410 = arith.constant 0 : i32
    %dma_start3A_411 = arith.constant 0 : i32
    %dma_start3A_412 = tpu.memref_slice %arg6[%dma_start3A_410, %dma_start3A_411] : memref<100000x128xf32, #tpu.memory_space<hbm>> -> memref<100000x128xf32, #tpu.memory_space<hbm>>
    tpu.enqueue_indirect_dma source(%dma_start3A_412 : memref<100000x128xf32, #tpu.memory_space<hbm>>) target(%dma_start3A_406 : memref<128x128xf32, #tpu.memory_space<vmem>>) offsets(%dma_start3A_409 : memref<128xi32, #tpu.memory_space<vmem>>) semaphore(%arg21 : memref<!tpu.dma_semaphore, #tpu.memory_space<semaphore_mem>>)
    %dma_wait3A_413 = arith.constant 0 : i32
    %dma_wait3A_414 = arith.constant 0 : i32
    %dma_wait3A_415 = tpu.memref_slice %arg5[%dma_wait3A_413, %dma_wait3A_414] : memref<1000000x128xf32, #tpu.memory_space<hbm>> -> memref<128x128xf32, #tpu.memory_space<hbm>>
    %dma_wait3A_416 = arith.constant 0 : i32
    %dma_wait3A_417 = arith.constant 0 : i32
    %dma_wait3A_418 = tpu.memref_slice %arg5[%dma_wait3A_416, %dma_wait3A_417] : memref<1000000x128xf32, #tpu.memory_space<hbm>> -> memref<128x128xf32, #tpu.memory_space<hbm>>
    tpu.wait_dma2 semaphore(%arg20 : memref<!tpu.dma_semaphore, #tpu.memory_space<semaphore_mem>>) src(%dma_wait3A_418 : memref<128x128xf32, #tpu.memory_space<hbm>>) dst(%arg14 : memref<128x128xf32, #tpu.memory_space<vmem>>)
    %dma_wait3A_419 = arith.constant 0 : i32
    %dma_wait3A_420 = arith.constant 0 : i32
    %dma_wait3A_421 = tpu.memref_slice %arg6[%dma_wait3A_419, %dma_wait3A_420] : memref<100000x128xf32, #tpu.memory_space<hbm>> -> memref<128x128xf32, #tpu.memory_space<hbm>>
    %dma_wait3A_422 = arith.constant 0 : i32
    %dma_wait3A_423 = arith.constant 0 : i32
    %dma_wait3A_424 = tpu.memref_slice %arg6[%dma_wait3A_422, %dma_wait3A_423] : memref<100000x128xf32, #tpu.memory_space<hbm>> -> memref<128x128xf32, #tpu.memory_space<hbm>>
    tpu.wait_dma2 semaphore(%arg21 : memref<!tpu.dma_semaphore, #tpu.memory_space<semaphore_mem>>) src(%dma_wait3A_424 : memref<128x128xf32, #tpu.memory_space<hbm>>) dst(%arg16 : memref<128x128xf32, #tpu.memory_space<vmem>>)
    %dma_wait3A_425 = arith.constant 0 : i32
    %dma_wait3A_426 = arith.constant 0 : i32
    %dma_wait3A_427 = tpu.memref_slice %arg6[%dma_wait3A_425, %dma_wait3A_426] : memref<100000x128xf32, #tpu.memory_space<hbm>> -> memref<512x128xf32, #tpu.memory_space<hbm>>
    %dma_wait3A_428 = arith.constant 0 : i32
    %dma_wait3A_429 = arith.constant 0 : i32
    %dma_wait3A_430 = tpu.memref_slice %arg6[%dma_wait3A_428, %dma_wait3A_429] : memref<100000x128xf32, #tpu.memory_space<hbm>> -> memref<512x128xf32, #tpu.memory_space<hbm>>
    tpu.wait_dma2 semaphore(%arg21 : memref<!tpu.dma_semaphore, #tpu.memory_space<semaphore_mem>>) src(%dma_wait3A_430 : memref<512x128xf32, #tpu.memory_space<hbm>>) dst(%arg17 : memref<512x128xf32, #tpu.memory_space<vmem>>)
    %scan3A_431 = arith.constant 0 : i32
    %scan3A_432 = arith.constant 0 : i32
    %scan3A_433 = arith.constant 8 : i32
    %scan3A_434 = arith.addi %scan3A_432, %scan3A_433 : i32
    %scan3A_435 = arith.constant 1 : i32
    scf.for %scan3A_459 = %scan3A_432 to %scan3A_434 step %scan3A_435  : i32 {
      %mul3A_460 = arith.constant 16 : i32
      %mul3A_461 = arith.muli %scan3A_459, %mul3A_460 : i32
      %add3A_462 = vector.broadcast %mul3A_461 : i32 to vector<16xi32>
      %add3A_463 = arith.addi %iota3A, %add3A_462 : vector<16xi32>
      %broadcast_in_dim3A = arith.constant 0.000000e+00 : f32
      %broadcast_in_dim3A_464 = vector.broadcast %broadcast_in_dim3A : f32 to vector<16xf32>
      %scan3A_465 = arith.constant 0 : i32
      %scan3A_466 = arith.constant 16 : i32
      %scan3A_467 = arith.addi %scan3A_465, %scan3A_466 : i32
      %scan3A_468 = arith.constant 1 : i32
      %scan3A_469:5 = scf.for %scan3A_492 = %scan3A_465 to %scan3A_467 step %scan3A_468 iter_args(%scan3A_493 = %broadcast_in_dim3A_464, %scan3A_494 = %broadcast_in_dim3A_464, %scan3A_495 = %broadcast_in_dim3A_464, %scan3A_496 = %broadcast_in_dim3A_464, %scan3A_497 = %broadcast_in_dim3A_464) -> (vector<16xf32>, vector<16xf32>, vector<16xf32>, vector<16xf32>, vector<16xf32>)  : i32 {
        %mul3A_498 = arith.constant 4 : i32
        %mul3A_499 = arith.muli %scan3A_492, %mul3A_498 : i32
        %add3A_500 = arith.constant 0 : i32
        %add3A_501 = arith.addi %mul3A_499, %add3A_500 : i32
        %broadcast_in_dim3A_502 = arith.constant 0 : i32
        %broadcast_in_dim3A_503 = vector.broadcast %broadcast_in_dim3A_502 : i32 to vector<16xi32>
        %add3A_504 = vector.broadcast %add3A_501 : i32 to vector<16xi32>
        %add3A_505 = arith.addi %broadcast_in_dim3A_503, %add3A_504 : vector<16xi32>
        %gather3A = tpu.vector_load_idx %arg14[%add3A_463, %add3A_505] : memref<128x128xf32, #tpu.memory_space<vmem>>[vector<16xi32>, vector<16xi32>], vector<16xf32>,
        tpu.vector_store_idx %arg15[%add3A_505, %add3A_463], %gather3A : memref<64x128xf32, #tpu.memory_space<vmem>>[vector<16xi32>, vector<16xi32>], vector<16xf32>,
        %gather3A_506 = tpu.vector_load_idx %arg16[%add3A_463, %add3A_505] : memref<128x128xf32, #tpu.memory_space<vmem>>[vector<16xi32>, vector<16xi32>], vector<16xf32>,
        %mul3A_507 = arith.mulf %gather3A, %gather3A_506 : vector<16xf32>
        %add3A_508 = arith.addf %scan3A_493, %mul3A_507 : vector<16xf32>
        %add3A_509 = arith.constant 0 : i32
        %add3A_510 = vector.broadcast %add3A_509 : i32 to vector<16xi32>
        %add3A_511 = arith.addi %add3A_463, %add3A_510 : vector<16xi32>
        %gather3A_512 = tpu.vector_load_idx %arg17[%add3A_511, %add3A_505] : memref<512x128xf32, #tpu.memory_space<vmem>>[vector<16xi32>, vector<16xi32>], vector<16xf32>,
        %mul3A_513 = arith.mulf %gather3A, %gather3A_512 : vector<16xf32>
        %add3A_514 = arith.addf %scan3A_494, %mul3A_513 : vector<16xf32>
        %add3A_515 = arith.constant 128 : i32
        %add3A_516 = vector.broadcast %add3A_515 : i32 to vector<16xi32>
        %add3A_517 = arith.addi %add3A_463, %add3A_516 : vector<16xi32>
        %gather3A_518 = tpu.vector_load_idx %arg17[%add3A_517, %add3A_505] : memref<512x128xf32, #tpu.memory_space<vmem>>[vector<16xi32>, vector<16xi32>], vector<16xf32>,
        %mul3A_519 = arith.mulf %gather3A, %gather3A_518 : vector<16xf32>
        %add3A_520 = arith.addf %scan3A_495, %mul3A_519 : vector<16xf32>
        %add3A_521 = arith.constant 256 : i32
        %add3A_522 = vector.broadcast %add3A_521 : i32 to vector<16xi32>
        %add3A_523 = arith.addi %add3A_463, %add3A_522 : vector<16xi32>
        %gather3A_524 = tpu.vector_load_idx %arg17[%add3A_523, %add3A_505] : memref<512x128xf32, #tpu.memory_space<vmem>>[vector<16xi32>, vector<16xi32>], vector<16xf32>,
        %mul3A_525 = arith.mulf %gather3A, %gather3A_524 : vector<16xf32>
        %add3A_526 = arith.addf %scan3A_496, %mul3A_525 : vector<16xf32>
        %add3A_527 = arith.constant 384 : i32
        %add3A_528 = vector.broadcast %add3A_527 : i32 to vector<16xi32>
        %add3A_529 = arith.addi %add3A_463, %add3A_528 : vector<16xi32>
        %gather3A_530 = tpu.vector_load_idx %arg17[%add3A_529, %add3A_505] : memref<512x128xf32, #tpu.memory_space<vmem>>[vector<16xi32>, vector<16xi32>], vector<16xf32>,
        %mul3A_531 = arith.mulf %gather3A, %gather3A_530 : vector<16xf32>
        %add3A_532 = arith.addf %scan3A_497, %mul3A_531 : vector<16xf32>
        %mul3A_533 = arith.constant 4 : i32
        %mul3A_534 = arith.muli %scan3A_492, %mul3A_533 : i32
        %add3A_535 = arith.constant 1 : i32
        %add3A_536 = arith.addi %mul3A_534, %add3A_535 : i32
        %broadcast_in_dim3A_537 = arith.constant 0 : i32
        %broadcast_in_dim3A_538 = vector.broadcast %broadcast_in_dim3A_537 : i32 to vector<16xi32>
        %add3A_539 = vector.broadcast %add3A_536 : i32 to vector<16xi32>
        %add3A_540 = arith.addi %broadcast_in_dim3A_538, %add3A_539 : vector<16xi32>
        %gather3A_541 = tpu.vector_load_idx %arg14[%add3A_463, %add3A_540] : memref<128x128xf32, #tpu.memory_space<vmem>>[vector<16xi32>, vector<16xi32>], vector<16xf32>,
        tpu.vector_store_idx %arg15[%add3A_540, %add3A_463], %gather3A_541 : memref<64x128xf32, #tpu.memory_space<vmem>>[vector<16xi32>, vector<16xi32>], vector<16xf32>,
        %gather3A_542 = tpu.vector_load_idx %arg16[%add3A_463, %add3A_540] : memref<128x128xf32, #tpu.memory_space<vmem>>[vector<16xi32>, vector<16xi32>], vector<16xf32>,
        %mul3A_543 = arith.mulf %gather3A_541, %gather3A_542 : vector<16xf32>
        %add3A_544 = arith.addf %add3A_508, %mul3A_543 : vector<16xf32>
        %add3A_545 = arith.constant 0 : i32
        %add3A_546 = vector.broadcast %add3A_545 : i32 to vector<16xi32>
        %add3A_547 = arith.addi %add3A_463, %add3A_546 : vector<16xi32>
        %gather3A_548 = tpu.vector_load_idx %arg17[%add3A_547, %add3A_540] : memref<512x128xf32, #tpu.memory_space<vmem>>[vector<16xi32>, vector<16xi32>], vector<16xf32>,
        %mul3A_549 = arith.mulf %gather3A_541, %gather3A_548 : vector<16xf32>
        %add3A_550 = arith.addf %add3A_514, %mul3A_549 : vector<16xf32>
        %add3A_551 = arith.constant 128 : i32
        %add3A_552 = vector.broadcast %add3A_551 : i32 to vector<16xi32>
        %add3A_553 = arith.addi %add3A_463, %add3A_552 : vector<16xi32>
        %gather3A_554 = tpu.vector_load_idx %arg17[%add3A_553, %add3A_540] : memref<512x128xf32, #tpu.memory_space<vmem>>[vector<16xi32>, vector<16xi32>], vector<16xf32>,
        %mul3A_555 = arith.mulf %gather3A_541, %gather3A_554 : vector<16xf32>
        %add3A_556 = arith.addf %add3A_520, %mul3A_555 : vector<16xf32>
        %add3A_557 = arith.constant 256 : i32
        %add3A_558 = vector.broadcast %add3A_557 : i32 to vector<16xi32>
        %add3A_559 = arith.addi %add3A_463, %add3A_558 : vector<16xi32>
        %gather3A_560 = tpu.vector_load_idx %arg17[%add3A_559, %add3A_540] : memref<512x128xf32, #tpu.memory_space<vmem>>[vector<16xi32>, vector<16xi32>], vector<16xf32>,
        %mul3A_561 = arith.mulf %gather3A_541, %gather3A_560 : vector<16xf32>
        %add3A_562 = arith.addf %add3A_526, %mul3A_561 : vector<16xf32>
        %add3A_563 = arith.constant 384 : i32
        %add3A_564 = vector.broadcast %add3A_563 : i32 to vector<16xi32>
        %add3A_565 = arith.addi %add3A_463, %add3A_564 : vector<16xi32>
        %gather3A_566 = tpu.vector_load_idx %arg17[%add3A_565, %add3A_540] : memref<512x128xf32, #tpu.memory_space<vmem>>[vector<16xi32>, vector<16xi32>], vector<16xf32>,
        %mul3A_567 = arith.mulf %gather3A_541, %gather3A_566 : vector<16xf32>
        %add3A_568 = arith.addf %add3A_532, %mul3A_567 : vector<16xf32>
        %mul3A_569 = arith.constant 4 : i32
        %mul3A_570 = arith.muli %scan3A_492, %mul3A_569 : i32
        %add3A_571 = arith.constant 2 : i32
        %add3A_572 = arith.addi %mul3A_570, %add3A_571 : i32
        %broadcast_in_dim3A_573 = arith.constant 0 : i32
        %broadcast_in_dim3A_574 = vector.broadcast %broadcast_in_dim3A_573 : i32 to vector<16xi32>
        %add3A_575 = vector.broadcast %add3A_572 : i32 to vector<16xi32>
        %add3A_576 = arith.addi %broadcast_in_dim3A_574, %add3A_575 : vector<16xi32>
        %gather3A_577 = tpu.vector_load_idx %arg14[%add3A_463, %add3A_576] : memref<128x128xf32, #tpu.memory_space<vmem>>[vector<16xi32>, vector<16xi32>], vector<16xf32>,
        tpu.vector_store_idx %arg15[%add3A_576, %add3A_463], %gather3A_577 : memref<64x128xf32, #tpu.memory_space<vmem>>[vector<16xi32>, vector<16xi32>], vector<16xf32>,
        %gather3A_578 = tpu.vector_load_idx %arg16[%add3A_463, %add3A_576] : memref<128x128xf32, #tpu.memory_space<vmem>>[vector<16xi32>, vector<16xi32>], vector<16xf32>,
        %mul3A_579 = arith.mulf %gather3A_577, %gather3A_578 : vector<16xf32>
        %add3A_580 = arith.addf %add3A_544, %mul3A_579 : vector<16xf32>
        %add3A_581 = arith.constant 0 : i32
        %add3A_582 = vector.broadcast %add3A_581 : i32 to vector<16xi32>
        %add3A_583 = arith.addi %add3A_463, %add3A_582 : vector<16xi32>
        %gather3A_584 = tpu.vector_load_idx %arg17[%add3A_583, %add3A_576] : memref<512x128xf32, #tpu.memory_space<vmem>>[vector<16xi32>, vector<16xi32>], vector<16xf32>,
        %mul3A_585 = arith.mulf %gather3A_577, %gather3A_584 : vector<16xf32>
        %add3A_586 = arith.addf %add3A_550, %mul3A_585 : vector<16xf32>
        %add3A_587 = arith.constant 128 : i32
        %add3A_588 = vector.broadcast %add3A_587 : i32 to vector<16xi32>
        %add3A_589 = arith.addi %add3A_463, %add3A_588 : vector<16xi32>
        %gather3A_590 = tpu.vector_load_idx %arg17[%add3A_589, %add3A_576] : memref<512x128xf32, #tpu.memory_space<vmem>>[vector<16xi32>, vector<16xi32>], vector<16xf32>,
        %mul3A_591 = arith.mulf %gather3A_577, %gather3A_590 : vector<16xf32>
        %add3A_592 = arith.addf %add3A_556, %mul3A_591 : vector<16xf32>
        %add3A_593 = arith.constant 256 : i32
        %add3A_594 = vector.broadcast %add3A_593 : i32 to vector<16xi32>
        %add3A_595 = arith.addi %add3A_463, %add3A_594 : vector<16xi32>
        %gather3A_596 = tpu.vector_load_idx %arg17[%add3A_595, %add3A_576] : memref<512x128xf32, #tpu.memory_space<vmem>>[vector<16xi32>, vector<16xi32>], vector<16xf32>,
        %mul3A_597 = arith.mulf %gather3A_577, %gather3A_596 : vector<16xf32>
        %add3A_598 = arith.addf %add3A_562, %mul3A_597 : vector<16xf32>
        %add3A_599 = arith.constant 384 : i32
        %add3A_600 = vector.broadcast %add3A_599 : i32 to vector<16xi32>
        %add3A_601 = arith.addi %add3A_463, %add3A_600 : vector<16xi32>
        %gather3A_602 = tpu.vector_load_idx %arg17[%add3A_601, %add3A_576] : memref<512x128xf32, #tpu.memory_space<vmem>>[vector<16xi32>, vector<16xi32>], vector<16xf32>,
        %mul3A_603 = arith.mulf %gather3A_577, %gather3A_602 : vector<16xf32>
        %add3A_604 = arith.addf %add3A_568, %mul3A_603 : vector<16xf32>
        %mul3A_605 = arith.constant 4 : i32
        %mul3A_606 = arith.muli %scan3A_492, %mul3A_605 : i32
        %add3A_607 = arith.constant 3 : i32
        %add3A_608 = arith.addi %mul3A_606, %add3A_607 : i32
        %broadcast_in_dim3A_609 = arith.constant 0 : i32
        %broadcast_in_dim3A_610 = vector.broadcast %broadcast_in_dim3A_609 : i32 to vector<16xi32>
        %add3A_611 = vector.broadcast %add3A_608 : i32 to vector<16xi32>
        %add3A_612 = arith.addi %broadcast_in_dim3A_610, %add3A_611 : vector<16xi32>
        %gather3A_613 = tpu.vector_load_idx %arg14[%add3A_463, %add3A_612] : memref<128x128xf32, #tpu.memory_space<vmem>>[vector<16xi32>, vector<16xi32>], vector<16xf32>,
        tpu.vector_store_idx %arg15[%add3A_612, %add3A_463], %gather3A_613 : memref<64x128xf32, #tpu.memory_space<vmem>>[vector<16xi32>, vector<16xi32>], vector<16xf32>,
        %gather3A_614 = tpu.vector_load_idx %arg16[%add3A_463, %add3A_612] : memref<128x128xf32, #tpu.memory_space<vmem>>[vector<16xi32>, vector<16xi32>], vector<16xf32>,
        %mul3A_615 = arith.mulf %gather3A_613, %gather3A_614 : vector<16xf32>
        %add3A_616 = arith.addf %add3A_580, %mul3A_615 : vector<16xf32>
        %add3A_617 = arith.constant 0 : i32
        %add3A_618 = vector.broadcast %add3A_617 : i32 to vector<16xi32>
        %add3A_619 = arith.addi %add3A_463, %add3A_618 : vector<16xi32>
        %gather3A_620 = tpu.vector_load_idx %arg17[%add3A_619, %add3A_612] : memref<512x128xf32, #tpu.memory_space<vmem>>[vector<16xi32>, vector<16xi32>], vector<16xf32>,
        %mul3A_621 = arith.mulf %gather3A_613, %gather3A_620 : vector<16xf32>
        %add3A_622 = arith.addf %add3A_586, %mul3A_621 : vector<16xf32>
        %add3A_623 = arith.constant 128 : i32
        %add3A_624 = vector.broadcast %add3A_623 : i32 to vector<16xi32>
        %add3A_625 = arith.addi %add3A_463, %add3A_624 : vector<16xi32>
        %gather3A_626 = tpu.vector_load_idx %arg17[%add3A_625, %add3A_612] : memref<512x128xf32, #tpu.memory_space<vmem>>[vector<16xi32>, vector<16xi32>], vector<16xf32>,
        %mul3A_627 = arith.mulf %gather3A_613, %gather3A_626 : vector<16xf32>
        %add3A_628 = arith.addf %add3A_592, %mul3A_627 : vector<16xf32>
        %add3A_629 = arith.constant 256 : i32
        %add3A_630 = vector.broadcast %add3A_629 : i32 to vector<16xi32>
        %add3A_631 = arith.addi %add3A_463, %add3A_630 : vector<16xi32>
        %gather3A_632 = tpu.vector_load_idx %arg17[%add3A_631, %add3A_612] : memref<512x128xf32, #tpu.memory_space<vmem>>[vector<16xi32>, vector<16xi32>], vector<16xf32>,
        %mul3A_633 = arith.mulf %gather3A_613, %gather3A_632 : vector<16xf32>
        %add3A_634 = arith.addf %add3A_598, %mul3A_633 : vector<16xf32>
        %add3A_635 = arith.constant 384 : i32
        %add3A_636 = vector.broadcast %add3A_635 : i32 to vector<16xi32>
        %add3A_637 = arith.addi %add3A_463, %add3A_636 : vector<16xi32>
        %gather3A_638 = tpu.vector_load_idx %arg17[%add3A_637, %add3A_612] : memref<512x128xf32, #tpu.memory_space<vmem>>[vector<16xi32>, vector<16xi32>], vector<16xf32>,
        %mul3A_639 = arith.mulf %gather3A_613, %gather3A_638 : vector<16xf32>
        %add3A_640 = arith.addf %add3A_604, %mul3A_639 : vector<16xf32>
        scf.yield %add3A_616, %add3A_622, %add3A_628, %add3A_634, %add3A_640 : vector<16xf32>, vector<16xf32>, vector<16xf32>, vector<16xf32>, vector<16xf32>
      }
      %scan3A_470 = arith.constant 16 : i32
      %mul3A_471 = arith.constant 16 : i32
      %mul3A_472 = arith.muli %scan3A_459, %mul3A_471 : i32
      %add3A_473 = arith.constant 384 : i32
      %add3A_474 = arith.addi %add3A_473, %mul3A_472 : i32
      %swap3A = arith.index_cast %add3A_474 : i32 to index
      %swap3A_475 = tpu.vector_load %arg18[%swap3A] {strides = array<i32>} : memref<512xf32, #tpu.memory_space<vmem>>, vector<16xf32>,
      tpu.vector_store %arg18[%swap3A], %scan3A_469#0 {strides = array<i32>} : memref<512xf32, #tpu.memory_space<vmem>>, vector<16xf32>,
      %swap3A_476 = arith.constant 0 : i32
      %swap3A_477 = arith.index_cast %swap3A_476 : i32 to index
      %swap3A_478 = arith.index_cast %add3A_474 : i32 to index
      %swap3A_479 = tpu.vector_load %arg19[%swap3A_477, %swap3A_478] {strides = array<i32>} : memref<4x512xf32, #tpu.memory_space<vmem>>, vector<16xf32>,
      tpu.vector_store %arg19[%swap3A_477, %swap3A_478], %scan3A_469#1 {strides = array<i32>} : memref<4x512xf32, #tpu.memory_space<vmem>>, vector<16xf32>,
      %swap3A_480 = arith.constant 1 : i32
      %swap3A_481 = arith.index_cast %swap3A_480 : i32 to index
      %swap3A_482 = arith.index_cast %add3A_474 : i32 to index
      %swap3A_483 = tpu.vector_load %arg19[%swap3A_481, %swap3A_482] {strides = array<i32>} : memref<4x512xf32, #tpu.memory_space<vmem>>, vector<16xf32>,
      tpu.vector_store %arg19[%swap3A_481, %swap3A_482], %scan3A_469#2 {strides = array<i32>} : memref<4x512xf32, #tpu.memory_space<vmem>>, vector<16xf32>,
      %swap3A_484 = arith.constant 2 : i32
      %swap3A_485 = arith.index_cast %swap3A_484 : i32 to index
      %swap3A_486 = arith.index_cast %add3A_474 : i32 to index
      %swap3A_487 = tpu.vector_load %arg19[%swap3A_485, %swap3A_486] {strides = array<i32>} : memref<4x512xf32, #tpu.memory_space<vmem>>, vector<16xf32>,
      tpu.vector_store %arg19[%swap3A_485, %swap3A_486], %scan3A_469#3 {strides = array<i32>} : memref<4x512xf32, #tpu.memory_space<vmem>>, vector<16xf32>,
      %swap3A_488 = arith.constant 3 : i32
      %swap3A_489 = arith.index_cast %swap3A_488 : i32 to index
      %swap3A_490 = arith.index_cast %add3A_474 : i32 to index
      %swap3A_491 = tpu.vector_load %arg19[%swap3A_489, %swap3A_490] {strides = array<i32>} : memref<4x512xf32, #tpu.memory_space<vmem>>, vector<16xf32>,
      tpu.vector_store %arg19[%swap3A_489, %swap3A_490], %scan3A_469#4 {strides = array<i32>} : memref<4x512xf32, #tpu.memory_space<vmem>>, vector<16xf32>,
    }
    %scan3A_436 = arith.constant 8 : i32
    %add3A_437 = arith.constant 384 : i32
    %add3A_438 = arith.addi %mul3A_2, %add3A_437 : i32
    %add3A_439 = arith.constant 0 : i32
    %add3A_440 = arith.addi %add3A_439, %add3A_438 : i32
    "tpu.region"() ({
      %run_scoped3A_459 = tpu.sem_alloc : memref<!tpu.dma_semaphore, #tpu.memory_space<semaphore_mem>>
      %dma_start3A_460 = arith.constant 0 : i32
      %dma_start3A_461 = tpu.memref_slice %arg7[%dma_start3A_460, %add3A_440] : memref<64x65536xf32, #tpu.memory_space<hbm>> -> memref<64x128xf32, #tpu.memory_space<hbm>>
      %dma_start3A_462 = arith.constant 0 : i32
      %dma_start3A_463 = tpu.memref_slice %arg7[%dma_start3A_462, %add3A_440] : memref<64x65536xf32, #tpu.memory_space<hbm>> -> memref<64x128xf32, #tpu.memory_space<hbm>>
      tpu.enqueue_dma source(%arg15 : memref<64x128xf32, #tpu.memory_space<vmem>>) target(%dma_start3A_463 : memref<64x128xf32, #tpu.memory_space<hbm>>) target_semaphore(%run_scoped3A_459 : memref<!tpu.dma_semaphore, #tpu.memory_space<semaphore_mem>>)
      %dma_wait3A_464 = arith.constant 0 : i32
      %dma_wait3A_465 = tpu.memref_slice %arg7[%dma_wait3A_464, %add3A_440] : memref<64x65536xf32, #tpu.memory_space<hbm>> -> memref<64x128xf32, #tpu.memory_space<hbm>>
      %dma_wait3A_466 = arith.constant 0 : i32
      %dma_wait3A_467 = tpu.memref_slice %arg7[%dma_wait3A_466, %add3A_440] : memref<64x65536xf32, #tpu.memory_space<hbm>> -> memref<64x128xf32, #tpu.memory_space<hbm>>
      tpu.wait_dma2 semaphore(%run_scoped3A_459 : memref<!tpu.dma_semaphore, #tpu.memory_space<semaphore_mem>>) src(%arg15 : memref<64x128xf32, #tpu.memory_space<vmem>>) dst(%dma_wait3A_467 : memref<64x128xf32, #tpu.memory_space<hbm>>)
      tpu.yield
    }) : () -> ()
    %add3A_441 = arith.constant 16384 : i32
    %add3A_442 = arith.addi %add3A_441, %add3A_438 : i32
    "tpu.region"() ({
      %run_scoped3A_459 = tpu.sem_alloc : memref<!tpu.dma_semaphore, #tpu.memory_space<semaphore_mem>>
      %dma_start3A_460 = arith.constant 0 : i32
      %dma_start3A_461 = tpu.memref_slice %arg7[%dma_start3A_460, %add3A_442] : memref<64x65536xf32, #tpu.memory_space<hbm>> -> memref<64x128xf32, #tpu.memory_space<hbm>>
      %dma_start3A_462 = arith.constant 0 : i32
      %dma_start3A_463 = tpu.memref_slice %arg7[%dma_start3A_462, %add3A_442] : memref<64x65536xf32, #tpu.memory_space<hbm>> -> memref<64x128xf32, #tpu.memory_space<hbm>>
      tpu.enqueue_dma source(%arg15 : memref<64x128xf32, #tpu.memory_space<vmem>>) target(%dma_start3A_463 : memref<64x128xf32, #tpu.memory_space<hbm>>) target_semaphore(%run_scoped3A_459 : memref<!tpu.dma_semaphore, #tpu.memory_space<semaphore_mem>>)
      %dma_wait3A_464 = arith.constant 0 : i32
      %dma_wait3A_465 = tpu.memref_slice %arg7[%dma_wait3A_464, %add3A_442] : memref<64x65536xf32, #tpu.memory_space<hbm>> -> memref<64x128xf32, #tpu.memory_space<hbm>>
      %dma_wait3A_466 = arith.constant 0 : i32
      %dma_wait3A_467 = tpu.memref_slice %arg7[%dma_wait3A_466, %add3A_442] : memref<64x65536xf32, #tpu.memory_space<hbm>> -> memref<64x128xf32, #tpu.memory_space<hbm>>
      tpu.wait_dma2 semaphore(%run_scoped3A_459 : memref<!tpu.dma_semaphore, #tpu.memory_space<semaphore_mem>>) src(%arg15 : memref<64x128xf32, #tpu.memory_space<vmem>>) dst(%dma_wait3A_467 : memref<64x128xf32, #tpu.memory_space<hbm>>)
      tpu.yield
    }) : () -> ()
    %add3A_443 = arith.constant 32768 : i32
    %add3A_444 = arith.addi %add3A_443, %add3A_438 : i32
    "tpu.region"() ({
      %run_scoped3A_459 = tpu.sem_alloc : memref<!tpu.dma_semaphore, #tpu.memory_space<semaphore_mem>>
      %dma_start3A_460 = arith.constant 0 : i32
      %dma_start3A_461 = tpu.memref_slice %arg7[%dma_start3A_460, %add3A_444] : memref<64x65536xf32, #tpu.memory_space<hbm>> -> memref<64x128xf32, #tpu.memory_space<hbm>>
      %dma_start3A_462 = arith.constant 0 : i32
      %dma_start3A_463 = tpu.memref_slice %arg7[%dma_start3A_462, %add3A_444] : memref<64x65536xf32, #tpu.memory_space<hbm>> -> memref<64x128xf32, #tpu.memory_space<hbm>>
      tpu.enqueue_dma source(%arg15 : memref<64x128xf32, #tpu.memory_space<vmem>>) target(%dma_start3A_463 : memref<64x128xf32, #tpu.memory_space<hbm>>) target_semaphore(%run_scoped3A_459 : memref<!tpu.dma_semaphore, #tpu.memory_space<semaphore_mem>>)
      %dma_wait3A_464 = arith.constant 0 : i32
      %dma_wait3A_465 = tpu.memref_slice %arg7[%dma_wait3A_464, %add3A_444] : memref<64x65536xf32, #tpu.memory_space<hbm>> -> memref<64x128xf32, #tpu.memory_space<hbm>>
      %dma_wait3A_466 = arith.constant 0 : i32
      %dma_wait3A_467 = tpu.memref_slice %arg7[%dma_wait3A_466, %add3A_444] : memref<64x65536xf32, #tpu.memory_space<hbm>> -> memref<64x128xf32, #tpu.memory_space<hbm>>
      tpu.wait_dma2 semaphore(%run_scoped3A_459 : memref<!tpu.dma_semaphore, #tpu.memory_space<semaphore_mem>>) src(%arg15 : memref<64x128xf32, #tpu.memory_space<vmem>>) dst(%dma_wait3A_467 : memref<64x128xf32, #tpu.memory_space<hbm>>)
      tpu.yield
    }) : () -> ()
    %add3A_445 = arith.constant 49152 : i32
    %add3A_446 = arith.addi %add3A_445, %add3A_438 : i32
    "tpu.region"() ({
      %run_scoped3A_459 = tpu.sem_alloc : memref<!tpu.dma_semaphore, #tpu.memory_space<semaphore_mem>>
      %dma_start3A_460 = arith.constant 0 : i32
      %dma_start3A_461 = tpu.memref_slice %arg7[%dma_start3A_460, %add3A_446] : memref<64x65536xf32, #tpu.memory_space<hbm>> -> memref<64x128xf32, #tpu.memory_space<hbm>>
      %dma_start3A_462 = arith.constant 0 : i32
      %dma_start3A_463 = tpu.memref_slice %arg7[%dma_start3A_462, %add3A_446] : memref<64x65536xf32, #tpu.memory_space<hbm>> -> memref<64x128xf32, #tpu.memory_space<hbm>>
      tpu.enqueue_dma source(%arg15 : memref<64x128xf32, #tpu.memory_space<vmem>>) target(%dma_start3A_463 : memref<64x128xf32, #tpu.memory_space<hbm>>) target_semaphore(%run_scoped3A_459 : memref<!tpu.dma_semaphore, #tpu.memory_space<semaphore_mem>>)
      %dma_wait3A_464 = arith.constant 0 : i32
      %dma_wait3A_465 = tpu.memref_slice %arg7[%dma_wait3A_464, %add3A_446] : memref<64x65536xf32, #tpu.memory_space<hbm>> -> memref<64x128xf32, #tpu.memory_space<hbm>>
      %dma_wait3A_466 = arith.constant 0 : i32
      %dma_wait3A_467 = tpu.memref_slice %arg7[%dma_wait3A_466, %add3A_446] : memref<64x65536xf32, #tpu.memory_space<hbm>> -> memref<64x128xf32, #tpu.memory_space<hbm>>
      tpu.wait_dma2 semaphore(%run_scoped3A_459 : memref<!tpu.dma_semaphore, #tpu.memory_space<semaphore_mem>>) src(%arg15 : memref<64x128xf32, #tpu.memory_space<vmem>>) dst(%dma_wait3A_467 : memref<64x128xf32, #tpu.memory_space<hbm>>)
      tpu.yield
    }) : () -> ()
    "tpu.region"() ({
      %run_scoped3A_459 = tpu.sem_alloc : memref<!tpu.dma_semaphore, #tpu.memory_space<semaphore_mem>>
      %dma_start3A_460 = tpu.memref_slice %arg8[%mul3A_2] : memref<16384xf32, #tpu.memory_space<hbm>> -> memref<512xf32, #tpu.memory_space<hbm>>
      %dma_start3A_461 = tpu.memref_slice %arg8[%mul3A_2] : memref<16384xf32, #tpu.memory_space<hbm>> -> memref<512xf32, #tpu.memory_space<hbm>>
      tpu.enqueue_dma source(%arg18 : memref<512xf32, #tpu.memory_space<vmem>>) target(%dma_start3A_461 : memref<512xf32, #tpu.memory_space<hbm>>) target_semaphore(%run_scoped3A_459 : memref<!tpu.dma_semaphore, #tpu.memory_space<semaphore_mem>>)
      %dma_wait3A_462 = tpu.memref_slice %arg8[%mul3A_2] : memref<16384xf32, #tpu.memory_space<hbm>> -> memref<512xf32, #tpu.memory_space<hbm>>
      %dma_wait3A_463 = tpu.memref_slice %arg8[%mul3A_2] : memref<16384xf32, #tpu.memory_space<hbm>> -> memref<512xf32, #tpu.memory_space<hbm>>
      tpu.wait_dma2 semaphore(%run_scoped3A_459 : memref<!tpu.dma_semaphore, #tpu.memory_space<semaphore_mem>>) src(%arg18 : memref<512xf32, #tpu.memory_space<vmem>>) dst(%dma_wait3A_463 : memref<512xf32, #tpu.memory_space<hbm>>)
      tpu.yield
    }) : () -> ()
    %add3A_447 = arith.constant 0 : i32
    %add3A_448 = arith.addi %add3A_447, %mul3A_2 : i32
    %run_scoped3A_449 = arith.constant 0 : i32
    "tpu.region"() ({
      %run_scoped3A_459 = tpu.sem_alloc : memref<!tpu.dma_semaphore, #tpu.memory_space<semaphore_mem>>
      %dma_start3A_460 = arith.constant 0 : i32
      %dma_start3A_461 = tpu.memref_slice %arg19[%run_scoped3A_449, %dma_start3A_460] : memref<4x512xf32, #tpu.memory_space<vmem>> -> memref<1x512xf32, #tpu.memory_space<vmem>>
      %dma_start3A_462 = tpu.memref_squeeze %dma_start3A_461 : memref<1x512xf32, #tpu.memory_space<vmem>> -> memref<512xf32, #tpu.memory_space<vmem>>
      %dma_start3A_463 = tpu.memref_slice %arg9[%add3A_448] : memref<65536xf32, #tpu.memory_space<hbm>> -> memref<512xf32, #tpu.memory_space<hbm>>
      %dma_start3A_464 = tpu.memref_slice %arg9[%add3A_448] : memref<65536xf32, #tpu.memory_space<hbm>> -> memref<512xf32, #tpu.memory_space<hbm>>
      %dma_start3A_465 = arith.constant 0 : i32
      %dma_start3A_466 = tpu.memref_slice %arg19[%run_scoped3A_449, %dma_start3A_465] : memref<4x512xf32, #tpu.memory_space<vmem>> -> memref<1x512xf32, #tpu.memory_space<vmem>>
      %dma_start3A_467 = tpu.memref_squeeze %dma_start3A_466 : memref<1x512xf32, #tpu.memory_space<vmem>> -> memref<512xf32, #tpu.memory_space<vmem>>
      tpu.enqueue_dma source(%dma_start3A_467 : memref<512xf32, #tpu.memory_space<vmem>>) target(%dma_start3A_464 : memref<512xf32, #tpu.memory_space<hbm>>) target_semaphore(%run_scoped3A_459 : memref<!tpu.dma_semaphore, #tpu.memory_space<semaphore_mem>>)
      %dma_wait3A_468 = arith.constant 0 : i32
      %dma_wait3A_469 = tpu.memref_slice %arg19[%run_scoped3A_449, %dma_wait3A_468] : memref<4x512xf32, #tpu.memory_space<vmem>> -> memref<1x512xf32, #tpu.memory_space<vmem>>
      %dma_wait3A_470 = tpu.memref_squeeze %dma_wait3A_469 : memref<1x512xf32, #tpu.memory_space<vmem>> -> memref<512xf32, #tpu.memory_space<vmem>>
      %dma_wait3A_471 = tpu.memref_slice %arg9[%add3A_448] : memref<65536xf32, #tpu.memory_space<hbm>> -> memref<512xf32, #tpu.memory_space<hbm>>
      %dma_wait3A_472 = tpu.memref_slice %arg9[%add3A_448] : memref<65536xf32, #tpu.memory_space<hbm>> -> memref<512xf32, #tpu.memory_space<hbm>>
      %dma_wait3A_473 = arith.constant 0 : i32
      %dma_wait3A_474 = tpu.memref_slice %arg19[%run_scoped3A_449, %dma_wait3A_473] : memref<4x512xf32, #tpu.memory_space<vmem>> -> memref<1x512xf32, #tpu.memory_space<vmem>>
      %dma_wait3A_475 = tpu.memref_squeeze %dma_wait3A_474 : memref<1x512xf32, #tpu.memory_space<vmem>> -> memref<512xf32, #tpu.memory_space<vmem>>
      tpu.wait_dma2 semaphore(%run_scoped3A_459 : memref<!tpu.dma_semaphore, #tpu.memory_space<semaphore_mem>>) src(%dma_wait3A_475 : memref<512xf32, #tpu.memory_space<vmem>>) dst(%dma_wait3A_472 : memref<512xf32, #tpu.memory_space<hbm>>)
      tpu.yield
    }) : () -> ()
    %add3A_450 = arith.constant 16384 : i32
    %add3A_451 = arith.addi %add3A_450, %mul3A_2 : i32
    %run_scoped3A_452 = arith.constant 1 : i32
    "tpu.region"() ({
      %run_scoped3A_459 = tpu.sem_alloc : memref<!tpu.dma_semaphore, #tpu.memory_space<semaphore_mem>>
      %dma_start3A_460 = arith.constant 0 : i32
      %dma_start3A_461 = tpu.memref_slice %arg19[%run_scoped3A_452, %dma_start3A_460] : memref<4x512xf32, #tpu.memory_space<vmem>> -> memref<1x512xf32, #tpu.memory_space<vmem>>
      %dma_start3A_462 = tpu.memref_squeeze %dma_start3A_461 : memref<1x512xf32, #tpu.memory_space<vmem>> -> memref<512xf32, #tpu.memory_space<vmem>>
      %dma_start3A_463 = tpu.memref_slice %arg9[%add3A_451] : memref<65536xf32, #tpu.memory_space<hbm>> -> memref<512xf32, #tpu.memory_space<hbm>>
      %dma_start3A_464 = tpu.memref_slice %arg9[%add3A_451] : memref<65536xf32, #tpu.memory_space<hbm>> -> memref<512xf32, #tpu.memory_space<hbm>>
      %dma_start3A_465 = arith.constant 0 : i32
      %dma_start3A_466 = tpu.memref_slice %arg19[%run_scoped3A_452, %dma_start3A_465] : memref<4x512xf32, #tpu.memory_space<vmem>> -> memref<1x512xf32, #tpu.memory_space<vmem>>
      %dma_start3A_467 = tpu.memref_squeeze %dma_start3A_466 : memref<1x512xf32, #tpu.memory_space<vmem>> -> memref<512xf32, #tpu.memory_space<vmem>>
      tpu.enqueue_dma source(%dma_start3A_467 : memref<512xf32, #tpu.memory_space<vmem>>) target(%dma_start3A_464 : memref<512xf32, #tpu.memory_space<hbm>>) target_semaphore(%run_scoped3A_459 : memref<!tpu.dma_semaphore, #tpu.memory_space<semaphore_mem>>)
      %dma_wait3A_468 = arith.constant 0 : i32
      %dma_wait3A_469 = tpu.memref_slice %arg19[%run_scoped3A_452, %dma_wait3A_468] : memref<4x512xf32, #tpu.memory_space<vmem>> -> memref<1x512xf32, #tpu.memory_space<vmem>>
      %dma_wait3A_470 = tpu.memref_squeeze %dma_wait3A_469 : memref<1x512xf32, #tpu.memory_space<vmem>> -> memref<512xf32, #tpu.memory_space<vmem>>
      %dma_wait3A_471 = tpu.memref_slice %arg9[%add3A_451] : memref<65536xf32, #tpu.memory_space<hbm>> -> memref<512xf32, #tpu.memory_space<hbm>>
      %dma_wait3A_472 = tpu.memref_slice %arg9[%add3A_451] : memref<65536xf32, #tpu.memory_space<hbm>> -> memref<512xf32, #tpu.memory_space<hbm>>
      %dma_wait3A_473 = arith.constant 0 : i32
      %dma_wait3A_474 = tpu.memref_slice %arg19[%run_scoped3A_452, %dma_wait3A_473] : memref<4x512xf32, #tpu.memory_space<vmem>> -> memref<1x512xf32, #tpu.memory_space<vmem>>
      %dma_wait3A_475 = tpu.memref_squeeze %dma_wait3A_474 : memref<1x512xf32, #tpu.memory_space<vmem>> -> memref<512xf32, #tpu.memory_space<vmem>>
      tpu.wait_dma2 semaphore(%run_scoped3A_459 : memref<!tpu.dma_semaphore, #tpu.memory_space<semaphore_mem>>) src(%dma_wait3A_475 : memref<512xf32, #tpu.memory_space<vmem>>) dst(%dma_wait3A_472 : memref<512xf32, #tpu.memory_space<hbm>>)
      tpu.yield
    }) : () -> ()
    %add3A_453 = arith.constant 32768 : i32
    %add3A_454 = arith.addi %add3A_453, %mul3A_2 : i32
    %run_scoped3A_455 = arith.constant 2 : i32
    "tpu.region"() ({
      %run_scoped3A_459 = tpu.sem_alloc : memref<!tpu.dma_semaphore, #tpu.memory_space<semaphore_mem>>
      %dma_start3A_460 = arith.constant 0 : i32
      %dma_start3A_461 = tpu.memref_slice %arg19[%run_scoped3A_455, %dma_start3A_460] : memref<4x512xf32, #tpu.memory_space<vmem>> -> memref<1x512xf32, #tpu.memory_space<vmem>>
      %dma_start3A_462 = tpu.memref_squeeze %dma_start3A_461 : memref<1x512xf32, #tpu.memory_space<vmem>> -> memref<512xf32, #tpu.memory_space<vmem>>
      %dma_start3A_463 = tpu.memref_slice %arg9[%add3A_454] : memref<65536xf32, #tpu.memory_space<hbm>> -> memref<512xf32, #tpu.memory_space<hbm>>
      %dma_start3A_464 = tpu.memref_slice %arg9[%add3A_454] : memref<65536xf32, #tpu.memory_space<hbm>> -> memref<512xf32, #tpu.memory_space<hbm>>
      %dma_start3A_465 = arith.constant 0 : i32
      %dma_start3A_466 = tpu.memref_slice %arg19[%run_scoped3A_455, %dma_start3A_465] : memref<4x512xf32, #tpu.memory_space<vmem>> -> memref<1x512xf32, #tpu.memory_space<vmem>>
      %dma_start3A_467 = tpu.memref_squeeze %dma_start3A_466 : memref<1x512xf32, #tpu.memory_space<vmem>> -> memref<512xf32, #tpu.memory_space<vmem>>
      tpu.enqueue_dma source(%dma_start3A_467 : memref<512xf32, #tpu.memory_space<vmem>>) target(%dma_start3A_464 : memref<512xf32, #tpu.memory_space<hbm>>) target_semaphore(%run_scoped3A_459 : memref<!tpu.dma_semaphore, #tpu.memory_space<semaphore_mem>>)
      %dma_wait3A_468 = arith.constant 0 : i32
      %dma_wait3A_469 = tpu.memref_slice %arg19[%run_scoped3A_455, %dma_wait3A_468] : memref<4x512xf32, #tpu.memory_space<vmem>> -> memref<1x512xf32, #tpu.memory_space<vmem>>
      %dma_wait3A_470 = tpu.memref_squeeze %dma_wait3A_469 : memref<1x512xf32, #tpu.memory_space<vmem>> -> memref<512xf32, #tpu.memory_space<vmem>>
      %dma_wait3A_471 = tpu.memref_slice %arg9[%add3A_454] : memref<65536xf32, #tpu.memory_space<hbm>> -> memref<512xf32, #tpu.memory_space<hbm>>
      %dma_wait3A_472 = tpu.memref_slice %arg9[%add3A_454] : memref<65536xf32, #tpu.memory_space<hbm>> -> memref<512xf32, #tpu.memory_space<hbm>>
      %dma_wait3A_473 = arith.constant 0 : i32
      %dma_wait3A_474 = tpu.memref_slice %arg19[%run_scoped3A_455, %dma_wait3A_473] : memref<4x512xf32, #tpu.memory_space<vmem>> -> memref<1x512xf32, #tpu.memory_space<vmem>>
      %dma_wait3A_475 = tpu.memref_squeeze %dma_wait3A_474 : memref<1x512xf32, #tpu.memory_space<vmem>> -> memref<512xf32, #tpu.memory_space<vmem>>
      tpu.wait_dma2 semaphore(%run_scoped3A_459 : memref<!tpu.dma_semaphore, #tpu.memory_space<semaphore_mem>>) src(%dma_wait3A_475 : memref<512xf32, #tpu.memory_space<vmem>>) dst(%dma_wait3A_472 : memref<512xf32, #tpu.memory_space<hbm>>)
      tpu.yield
    }) : () -> ()
    %add3A_456 = arith.constant 49152 : i32
    %add3A_457 = arith.addi %add3A_456, %mul3A_2 : i32
    %run_scoped3A_458 = arith.constant 3 : i32
    "tpu.region"() ({
      %run_scoped3A_459 = tpu.sem_alloc : memref<!tpu.dma_semaphore, #tpu.memory_space<semaphore_mem>>
      %dma_start3A_460 = arith.constant 0 : i32
      %dma_start3A_461 = tpu.memref_slice %arg19[%run_scoped3A_458, %dma_start3A_460] : memref<4x512xf32, #tpu.memory_space<vmem>> -> memref<1x512xf32, #tpu.memory_space<vmem>>
      %dma_start3A_462 = tpu.memref_squeeze %dma_start3A_461 : memref<1x512xf32, #tpu.memory_space<vmem>> -> memref<512xf32, #tpu.memory_space<vmem>>
      %dma_start3A_463 = tpu.memref_slice %arg9[%add3A_457] : memref<65536xf32, #tpu.memory_space<hbm>> -> memref<512xf32, #tpu.memory_space<hbm>>
      %dma_start3A_464 = tpu.memref_slice %arg9[%add3A_457] : memref<65536xf32, #tpu.memory_space<hbm>> -> memref<512xf32, #tpu.memory_space<hbm>>
      %dma_start3A_465 = arith.constant 0 : i32
      %dma_start3A_466 = tpu.memref_slice %arg19[%run_scoped3A_458, %dma_start3A_465] : memref<4x512xf32, #tpu.memory_space<vmem>> -> memref<1x512xf32, #tpu.memory_space<vmem>>
      %dma_start3A_467 = tpu.memref_squeeze %dma_start3A_466 : memref<1x512xf32, #tpu.memory_space<vmem>> -> memref<512xf32, #tpu.memory_space<vmem>>
      tpu.enqueue_dma source(%dma_start3A_467 : memref<512xf32, #tpu.memory_space<vmem>>) target(%dma_start3A_464 : memref<512xf32, #tpu.memory_space<hbm>>) target_semaphore(%run_scoped3A_459 : memref<!tpu.dma_semaphore, #tpu.memory_space<semaphore_mem>>)
      %dma_wait3A_468 = arith.constant 0 : i32
      %dma_wait3A_469 = tpu.memref_slice %arg19[%run_scoped3A_458, %dma_wait3A_468] : memref<4x512xf32, #tpu.memory_space<vmem>> -> memref<1x512xf32, #tpu.memory_space<vmem>>
      %dma_wait3A_470 = tpu.memref_squeeze %dma_wait3A_469 : memref<1x512xf32, #tpu.memory_space<vmem>> -> memref<512xf32, #tpu.memory_space<vmem>>
      %dma_wait3A_471 = tpu.memref_slice %arg9[%add3A_457] : memref<65536xf32, #tpu.memory_space<hbm>> -> memref<512xf32, #tpu.memory_space<hbm>>
      %dma_wait3A_472 = tpu.memref_slice %arg9[%add3A_457] : memref<65536xf32, #tpu.memory_space<hbm>> -> memref<512xf32, #tpu.memory_space<hbm>>
      %dma_wait3A_473 = arith.constant 0 : i32
      %dma_wait3A_474 = tpu.memref_slice %arg19[%run_scoped3A_458, %dma_wait3A_473] : memref<4x512xf32, #tpu.memory_space<vmem>> -> memref<1x512xf32, #tpu.memory_space<vmem>>
      %dma_wait3A_475 = tpu.memref_squeeze %dma_wait3A_474 : memref<1x512xf32, #tpu.memory_space<vmem>> -> memref<512xf32, #tpu.memory_space<vmem>>
      tpu.wait_dma2 semaphore(%run_scoped3A_459 : memref<!tpu.dma_semaphore, #tpu.memory_space<semaphore_mem>>) src(%dma_wait3A_475 : memref<512xf32, #tpu.memory_space<vmem>>) dst(%dma_wait3A_472 : memref<512xf32, #tpu.memory_space<hbm>>)
      tpu.yield
    }) : () -> ()
    return
  }
}

module attributes {stable_mosaic.version = 14 : i64} {
  func.func @_tc_body(%arg0: memref<16384xf32, #tpu.memory_space<vmem>>, %arg1: memref<65536xf32, #tpu.memory_space<vmem>>, %arg2: memref<16384xf32, #tpu.memory_space<vmem>>, %arg3: memref<65536xf32, #tpu.memory_space<vmem>>, %arg4: memref<1x1xf32, #tpu.memory_space<smem>>, %arg5: memref<1x1xf32, #tpu.memory_space<smem>>, %arg6: memref<1x1xf32, #tpu.memory_space<smem>>) attributes {dimension_semantics = [], scalar_prefetch = 0 : i64, scratch_operands = 0 : i64, tpu.core_type = #tpu.core_type<tc>} {
    %get3A = arith.constant 0 : index
    %get3A_0 = vector.load %arg0[%get3A] : memref<16384xf32, #tpu.memory_space<vmem>>, vector<16384xf32>
    %get3A_1 = arith.constant 0 : index
    %get3A_2 = vector.load %arg1[%get3A_1] : memref<65536xf32, #tpu.memory_space<vmem>>, vector<65536xf32>
    %logistic3A = arith.negf %get3A_0 : vector<16384xf32>
    %logistic3A_3 = math.exp %logistic3A : vector<16384xf32>
    %logistic3A_4 = arith.constant 1.000000e+00 : f32
    %logistic3A_5 = vector.broadcast %logistic3A_4 : f32 to vector<16384xf32>
    %logistic3A_6 = arith.addf %logistic3A_5, %logistic3A_3 : vector<16384xf32>
    %logistic3A_7 = arith.divf %logistic3A_5, %logistic3A_6 : vector<16384xf32>
    %swap3A = arith.constant 0 : index
    %swap3A_8 = vector.load %arg2[%swap3A] : memref<16384xf32, #tpu.memory_space<vmem>>, vector<16384xf32>
    tpu.vector_store %arg2[%swap3A], %logistic3A_7 {strides = array<i32>} : memref<16384xf32, #tpu.memory_space<vmem>>, vector<16384xf32>,
    %logistic3A_9 = arith.negf %get3A_2 : vector<65536xf32>
    %logistic3A_10 = math.exp %logistic3A_9 : vector<65536xf32>
    %logistic3A_11 = arith.constant 1.000000e+00 : f32
    %logistic3A_12 = vector.broadcast %logistic3A_11 : f32 to vector<65536xf32>
    %logistic3A_13 = arith.addf %logistic3A_12, %logistic3A_10 : vector<65536xf32>
    %logistic3A_14 = arith.divf %logistic3A_12, %logistic3A_13 : vector<65536xf32>
    %swap3A_15 = arith.constant 0 : index
    %swap3A_16 = vector.load %arg3[%swap3A_15] : memref<65536xf32, #tpu.memory_space<vmem>>, vector<65536xf32>
    tpu.vector_store %arg3[%swap3A_15], %logistic3A_14 {strides = array<i32>} : memref<65536xf32, #tpu.memory_space<vmem>>, vector<65536xf32>,
    %min3A = arith.constant 0.000000e+00 : f32
    %min3A_17 = vector.broadcast %min3A : f32 to vector<16384xf32>
    %min3A_18 = arith.minimumf %get3A_0, %min3A_17 : vector<16384xf32>
    %abs3A = math.absf %get3A_0 : vector<16384xf32>
    %neg3A = arith.constant 0.000000e+00 : f32
    %neg3A_19 = vector.broadcast %neg3A : f32 to vector<16384xf32>
    %neg3A_20 = arith.subf %neg3A_19, %abs3A : vector<16384xf32>
    %exp3A = math.exp %neg3A_20 : vector<16384xf32>
    %log1p3A = math.log1p %exp3A : vector<16384xf32>
    %sub3A = arith.subf %min3A_18, %log1p3A : vector<16384xf32>
    %neg3A_21 = arith.constant 0.000000e+00 : f32
    %neg3A_22 = vector.broadcast %neg3A_21 : f32 to vector<65536xf32>
    %neg3A_23 = arith.subf %neg3A_22, %get3A_2 : vector<65536xf32>
    %min3A_24 = arith.constant 0.000000e+00 : f32
    %min3A_25 = vector.broadcast %min3A_24 : f32 to vector<65536xf32>
    %min3A_26 = arith.minimumf %neg3A_23, %min3A_25 : vector<65536xf32>
    %abs3A_27 = math.absf %get3A_2 : vector<65536xf32>
    %neg3A_28 = arith.constant 0.000000e+00 : f32
    %neg3A_29 = vector.broadcast %neg3A_28 : f32 to vector<65536xf32>
    %neg3A_30 = arith.subf %neg3A_29, %abs3A_27 : vector<65536xf32>
    %exp3A_31 = math.exp %neg3A_30 : vector<65536xf32>
    %log1p3A_32 = math.log1p %exp3A_31 : vector<65536xf32>
    %sub3A_33 = arith.subf %min3A_26, %log1p3A_32 : vector<65536xf32>
    %reduce_sum3A = vector.shape_cast %sub3A : vector<16384xf32> to vector<1x16384xf32>
    %reduce_sum3A_34 = arith.constant dense<0.000000e+00> : vector<1xf32>
    %reduce_sum3A_35 = vector.multi_reduction <add>, %reduce_sum3A, %reduce_sum3A_34 [1] : vector<1x16384xf32> to vector<1xf32>
    %reduce_sum3A_36 = vector.shape_cast %reduce_sum3A_35 : vector<1xf32> to vector<1x1xf32>
    %reduce_sum3A_37 = vector.extract %reduce_sum3A_36[0, 0] : f32 from vector<1x1xf32>
    %neg3A_38 = arith.constant 0.000000e+00 : f32
    %neg3A_39 = arith.subf %neg3A_38, %reduce_sum3A_37 : f32
    %reduce_sum3A_40 = vector.shape_cast %sub3A_33 : vector<65536xf32> to vector<1x65536xf32>
    %reduce_sum3A_41 = arith.constant dense<0.000000e+00> : vector<1xf32>
    %reduce_sum3A_42 = vector.multi_reduction <add>, %reduce_sum3A_40, %reduce_sum3A_41 [1] : vector<1x65536xf32> to vector<1xf32>
    %reduce_sum3A_43 = vector.shape_cast %reduce_sum3A_42 : vector<1xf32> to vector<1x1xf32>
    %reduce_sum3A_44 = vector.extract %reduce_sum3A_43[0, 0] : f32 from vector<1x1xf32>
    %neg3A_45 = arith.constant 0.000000e+00 : f32
    %neg3A_46 = arith.subf %neg3A_45, %reduce_sum3A_44 : f32
    %swap3A_47 = arith.constant 0 : index
    %swap3A_48 = arith.constant 0 : index
    %swap3A_49 = memref.load %arg5[%swap3A_47, %swap3A_48] : memref<1x1xf32, #tpu.memory_space<smem>>
    memref.store %neg3A_39, %arg5[%swap3A_47, %swap3A_48] : memref<1x1xf32, #tpu.memory_space<smem>>
    %swap3A_50 = arith.constant 0 : index
    %swap3A_51 = arith.constant 0 : index
    %swap3A_52 = memref.load %arg6[%swap3A_50, %swap3A_51] : memref<1x1xf32, #tpu.memory_space<smem>>
    memref.store %neg3A_46, %arg6[%swap3A_50, %swap3A_51] : memref<1x1xf32, #tpu.memory_space<smem>>
    %add3A = arith.addf %neg3A_39, %neg3A_46 : f32
    %swap3A_53 = arith.constant 0 : index
    %swap3A_54 = arith.constant 0 : index
    %swap3A_55 = memref.load %arg4[%swap3A_53, %swap3A_54] : memref<1x1xf32, #tpu.memory_space<smem>>
    memref.store %add3A, %arg4[%swap3A_53, %swap3A_54] : memref<1x1xf32, #tpu.memory_space<smem>>
    return
  }
}

</mosaic_0001>

<sc_bundles>
// kernel: kernel.4.cloned.1.call-start
scs
__scs_entry_jumppad:
0x0: {  	(pc) =	sbr.rel $0x88, $3  }
0x1: {  	(tag) =	ssettag $0x0;
	lr =	simm.s32 $0x1  }
0x2: {  	[smem:$0x3F9C] =	sst lr;
	_ =	strace $0xD0000000  }
0x3: {  	_ = 	snop  }
0x4: {  	_ = 	snop  }
0x5: {  	_ = 	snop  }
0x6: {  	_ = 	snop  }
0x7: {  	_ = 	snop  }
__scs_overlays_trampoline_lowered:
0x8: {  	[smem:$0x3FAB] =	sst s0  }
0x9: {  	[smem:$0x3FAC] =	sst s1  }
0xa: {  	[smem:$0x3FAD] =	sst s2  }
0xb: {  	[smem:$0x3FAE] =	sst s3  }
0xc: {  	[smem:$0x3FAF] =	sst s4  }
0xd: {  	[smem:$0x3FB0] =	sst s5  }
0xe: {  	[smem:$0x3FB1] =	sst s6  }
0xf: {  	[smem:$0x3FB2] =	sst s7  }
0x10: {  	[smem:$0x3FB3] =	sst s8  }
0x11: {  	[smem:$0x3FB4] =	sst s9;
	s0 =	simm.s32 @!p0 $0x0  }
0x12: {  	s1 =	sld [smem:$0x3F9A];
	s0 =	simm.s32 @p0 $0x1  }
0x13: {  	[smem:$0x3FB5] =	sst s0;
	s0 =	simm.s32 @!p1 $0x0  }
0x14: {  	s2 =	sld [smem:$0x3F99];
	s0 =	simm.s32 @p1 $0x1  }
0x15: {  	[smem:$0x3FB6] =	sst s0;
	s0 =	simm.s32 @!p2 $0x0  }
0x16: {  	s3 =	sld [smem:$0x3FDB];
	s0 =	simm.s32 @p2 $0x1  }
0x17: {  	s4 =	simm.s32 $0x1BF5;
	[smem:$0x3FB8] =	sst s0  }
0x18: {  	s0 =	sld [smem:$0x3F9B];
	_ =	swait.ge [sflag:s4], $0x0  }
0x19: {  	s7 =	sld [smem:$0x3F9C]  }
0x1a: {  	s8 =	sadd.s32 $0xFFFFE003, lr  }
0x1b: {  	s9 =	sadd.s32 $0xFFFFFEF7, lr;
	s5 =	simm.s32 $0xFFFFFFFF;
	p2 =	slt.u32 s8, $0xFFFFF086  }
0x1c: {  	p1 =	slt.u32 s9, $0xF7A;
	s5 =	simm.s32 @!p2 $0x0  }
0x1d: {  	s5 =	simm.s32 @p1 $0x1;
	p0 =	seq.s32 s7, s2  }
0x1e: {  	s7 =	smul.u32 @!p0 $0xF7A, s2;
	p2 =	seq.s32 @!p0 s5, $0x0  }
0x1f: {  	s9 =	smul.u32 $0xF7A, s1;
	s8 =	simm.s32 @!p0 $0x1BF5;
	p2 =	por !p2, p0  }
0x20: {  	[sflag:s8] =	ssyncset.s32 @!p0 $0xFFFFF086;
	s6 =	sadd.s32 @!p0 s3, s7;
	s7 =	simm.s32 @!p0 $0x108  }
0x21: {  	s3 =	sadd.s32 s3, s9;
	s6 =	sadd.s32 @!p0 $0x88, s6;
	s7 =	simm.s32 @p2 $0x1082  }
0x22: {  	[simem:s7], [sflag:s8] =	dma.local @!p0 [hbm:s6], $0xF7A  }
0x23: {  	s9 =	sor.u32 $0xD0000000, s2;
	s6 =	simm.s32 $0x108;
	_ =	swait.ge @!p0 [sflag:s8], $0x0  }
0x24: {  	s3 =	sadd.s32 $0x88, s3;
	s6 =	simm.s32 @!p1 $0x1082;
	[sflag:s4] =	ssyncset.s32 $0xFFFFF086  }
0x25: {  	[simem:s6], [sflag:s4] =	dma.local [hbm:s3], $0xF7A  }
0x26: {  	[smem:$0x3F9C] =	sst s1;
	(tag) =	ssettag s2;
	_ =	strace s9  }
0x27: {  	s1 =	sld [smem:$0x3FAC]  }
0x28: {  	s2 =	sld [smem:$0x3FAD]  }
0x29: {  	s4 =	sld [smem:$0x3FAF]  }
0x2a: {  	p0 =	seq.s32 s5, $0x0;
	s5 =	sld [smem:$0x3FB0]  }
0x2b: {  	s6 =	sld [smem:$0x3FB1]  }
0x2c: {  	s7 =	sld [smem:$0x3FB2]  }
0x2d: {  	s3 =	simm.s32 $0x108;
	s8 =	sld [smem:$0x3FB3]  }
0x2e: {  	s3 =	simm.s32 @!p0 $0x1082;
	s9 =	sld [smem:$0x3FB4]  }
0x2f: {  	lr =	sadd.s32 s0, s3;
	s0 =	sld [smem:$0x3FAB]  }
0x30: {  	s3 =	sld [smem:$0x3FAE]  }
0x31: {  	[smem:$0x3FB7] =	sst s10  }
0x32: {  	s10 =	sld [smem:$0x3FB5];
	_ =	sdelay $0x3  }
0x33: {  	p0 =	seq.s32 s10, $0x1;
	s10 =	sld [smem:$0x3FB7];
	_ =	sdelay $0x3  }
0x34: {  	[smem:$0x3FB7] =	sst s10  }
0x35: {  	s10 =	sld [smem:$0x3FB6];
	_ =	sdelay $0x3  }
0x36: {  	p1 =	seq.s32 s10, $0x1;
	s10 =	sld [smem:$0x3FB7];
	_ =	sdelay $0x3  }
0x37: {  	[smem:$0x3FB7] =	sst s10  }
0x38: {  	s10 =	sld [smem:$0x3FB8]  }
0x39: {  	_ = 	snop;
	(pc) =	sbr.ind lr, $3  }
0x3a: {  	_ = 	snop  }
0x3b: {  	_ = 	snop  }
0x3c: {  	p2 =	seq.s32 s10, $0x1;
	s10 =	sld [smem:$0x3FB7]  }
0x3d: {  	_ =	shalt  }
0x3e: {  	_ =	shalt  }
0x3f: {  	_ =	shalt  }
0x40: {  	_ =	shalt  }
0x41: {  	_ =	shalt  }
0x42: {  	_ =	shalt  }
0x43: {  	_ =	shalt  }
0x44: {  	_ =	shalt  }
0x45: {  	_ =	shalt  }
0x46: {  	_ =	shalt  }
0x47: {  	_ =	shalt  }
0x48: {  	_ =	shalt  }
0x49: {  	_ =	shalt  }
0x4a: {  	_ =	shalt  }
0x4b: {  	_ =	shalt  }
0x4c: {  	_ =	shalt  }
0x4d: {  	_ =	shalt  }
0x4e: {  	_ =	shalt  }
0x4f: {  	_ =	shalt  }
0x50: {  	_ =	shalt  }
0x51: {  	_ =	shalt  }
0x52: {  	_ =	shalt  }
0x53: {  	_ =	shalt  }
0x54: {  	_ =	shalt  }
0x55: {  	_ =	shalt  }
0x56: {  	_ =	shalt  }
0x57: {  	_ =	shalt  }
0x58: {  	_ =	shalt  }
0x59: {  	_ =	shalt  }
0x5a: {  	_ =	shalt  }
0x5b: {  	_ =	shalt  }
0x5c: {  	_ =	shalt  }
0x5d: {  	_ =	shalt  }
0x5e: {  	_ =	shalt  }
0x5f: {  	_ =	shalt  }
0x60: {  	_ =	shalt  }
0x61: {  	_ =	shalt  }
0x62: {  	_ =	shalt  }
0x63: {  	_ =	shalt  }
0x64: {  	_ =	shalt  }
0x65: {  	_ =	shalt  }
0x66: {  	_ =	shalt  }
0x67: {  	_ =	shalt  }
0x68: {  	_ =	shalt  }
0x69: {  	_ =	shalt  }
0x6a: {  	_ =	shalt  }
0x6b: {  	_ =	shalt  }
0x6c: {  	_ =	shalt  }
0x6d: {  	_ =	shalt  }
0x6e: {  	_ =	shalt  }
0x6f: {  	_ =	shalt  }
0x70: {  	_ =	shalt  }
0x71: {  	_ =	shalt  }
0x72: {  	_ =	shalt  }
0x73: {  	_ =	shalt  }
0x74: {  	_ =	shalt  }
0x75: {  	_ =	shalt  }
0x76: {  	_ =	shalt  }
0x77: {  	_ =	shalt  }
0x78: {  	_ =	shalt  }
0x79: {  	_ =	shalt  }
0x7a: {  	_ =	shalt  }
0x7b: {  	_ =	shalt  }
0x7c: {  	_ =	shalt  }
0x7d: {  	_ =	shalt  }
0x7e: {  	_ =	shalt  }
0x7f: {  	_ =	shalt  }
0x80: {  	_ =	shalt  }
0x81: {  	_ =	shalt  }
0x82: {  	_ =	shalt  }
0x83: {  	_ =	shalt  }
0x84: {  	_ =	shalt  }
0x85: {  	_ =	shalt  }
0x86: {  	_ =	shalt  }
0x87: {  	_ =	shalt  }
.Lfunc_end0:
.L_simem_size_0:
called_computation_lowered:
.L_overlay_start_0:
0x88: {  	s2 =	sld [smem:$0x3FD9]  }
0x89: {  	s3 =	sld [smem:$0x3FFE];
	_ =	sdelay $0x1  }
0x8a: {  	s1 =	srdreg.scid  }
0x8b: {  	s0 =	sand.u32 $0x1, s1  }
0x8c: {  	s14 =	sshll.u32 s0, $0xA;
	s2 =	sadd.s32 s3, s2  }
0x8d: {  	s2 =	sadd.s32 s2, s14  }
0x8e: {  	[smem:$0x3FC3] =	sst s2  }
0x8f: {  	_ = 	snop  }
0x90: {  	s2 =	sld [smem:$0x3FD0]  }
0x91: {  	s15 =	sld [smem:$0x3FC9]  }
0x92: {  	s4 =	sld [smem:$0x3FC8]  }
0x93: {  	s6 =	simm.s32 $0xA;
	s7 =	simm.s32 $0x10;
	s5 =	sld [smem:$0x3FC7]  }
0x94: {  	[smem:s7], [sflag:s6] =	dma.local [hbm:s2], $0x1  }
0x95: {  	_ =	swait.eq [sflag:s6], $0x1  }
0x96: {  	s16 =	sld [smem:$0x10];
	[sflag:s6] =	ssyncset.done $0x0  }
0x97: {  	s17 =	sld [smem:$0x14];
	[sflag:s6] =	ssyncadd.s32 $0xFFFFFFFF  }
0x98: {  	s18 =	sld [smem:$0x15];
	(tm) =	ssettm $0x1  }
0x99: {  	s8 =	sld [smem:$0x3FFB];
	_ =	sdelay $0x3  }
0x9a: {  	_ =	strace s8  }
0x9b: {  	s8 =	sld [smem:$0x3FFC];
	_ =	sdelay $0x3  }
0x9c: {  	_ =	strace s8  }
0x9d: {  	s8 =	sld [smem:$0x3FFD];
	_ =	sdelay $0x3  }
0x9e: {  	_ =	strace s8  }
0x9f: {  	_ =	strace $0x8FFFFFFF  }
0xa0: {  	s19 =	sld [smem:$0x3FDB];
	_ =	sdelay $0x1  }
0xa1: {  	s9 =	simm.s32 $_scs_section_size  }
0xa2: {  	s10 =	simm.s32 $_size__tile_overlayer_lowered;
	s11 =	simm.s32 $_tile_overlayer_lowered  }
0xa3: {  	s22 =	simm.s32 $0x1BFF;
	s21 =	sshll.u32 s11, $0x1;
	s8 =	sadd.s32 s9, s19  }
0xa4: {  	s12 =	simm.s32 $0x0;
	s20 =	sshll.u32 s10, $0x1;
	s10 =	sadd.s32 s21, s8  }
0xa5: {  	[timem:s12], [sflag:s22] =	dma.local [hbm:s10], s20  }
0xa6: {  	_ =	swait.ge [sflag:s22], s20  }
0xa7: {  	s9 =	ssub.s32 $0x0, s20;
	[sflag:s22] =	ssyncset.done $0x0  }
0xa8: {  	[sflag:s22] =	ssyncadd.s32 s9;
	_ =	sdelay $0x1  }
0xa9: {  	s23 =	simm.s32 $0x1B8B  }
0xaa: {  	_ =	swait.ge [sflag:s23], $0x1  }
0xab: {  	[sflag:s23] =	ssyncset.done $0x0  }
0xac: {  	s25 =	simm.s32 $0x1B8E;
	s24 =	sld [smem:$0x3FFE];
	[sflag:s23] =	ssyncadd.s32 $0xFFFFFFFF  }
0xad: {  	s26 =	simm.s32 $execute0_lowered;
	[smem:$0x3FD2] =	sst s25  }
0xae: {  	s10 =	sshll.u32 s26, $0x1;
	_ =	strace $0x80000046;
	[dreg:$0x1] =	wrdreg $0xFFFFFFFF  }
0xaf: {  	s28 =	simm.s32 $_size_execute0_lowered;
	s8 =	sadd.s32 s8, s10;
	[dreg:$0x0] =	wrdreg $0x0  }
0xb0: {  	s10 =	sshll.u32 s28, $0x1;
	[dreg:$0x2] =	wrdreg s8  }
0xb1: {  	[dreg:$0x3] =	wrdreg s10  }
0xb2: {  	[dreg:$0x4] =	wrdreg $0xC0  }
0xb3: {  	_ =	task [dreg:s12], $0x5FFFF  }
0xb4: {  	[dreg:$0x1] =	wrdreg $0xFFFFFFFF  }
0xb5: {  	[dreg:$0x0] =	wrdreg $0x60  }
0xb6: {  	[dreg:$0x2] =	wrdreg s15  }
0xb7: {  	[dreg:$0x3] =	wrdreg s4  }
0xb8: {  	[dreg:$0x4] =	wrdreg s5  }
0xb9: {  	[dreg:$0x5] =	wrdreg s24  }
0xba: {  	[dreg:$0x6] =	wrdreg s16  }
0xbb: {  	[dreg:$0x7] =	wrdreg s17  }
0xbc: {  	[dreg:$0x8] =	wrdreg s18  }
0xbd: {  	[dreg:$0x9] =	wrdreg $0x9  }
0xbe: {  	_ =	task.clear_ibuf [dreg:s12], $0xAFFFF;
	_ =	strace $0x90000046  }
0xbf: {  	s29 =	simm.s32 $0x9;
	_ =	strace $0x80000048  }
0xc0: {  	_ =	swait.ge [sflag:s29], $0x1  }
0xc1: {  	[sflag:s29] =	ssyncadd.s32 $0xFFFFFFFF  }
0xc2: {  	_ =	strace $0x90000048  }
0xc3: {  	_ =	sfence  }
0xc4: {  	s30 =	sld [smem:$0x0];
	_ =	sdelay $0x2  }
0xc5: {  	s31 =	sshll.u32 s1, $0xD;
	s1 =	sshrl.u32 s1, $0x2  }
0xc6: {  	s3 =	sand.u32 $0x4000, s31;
	s1 =	sadd.s32 s1, s30  }
0xc7: {  	s0 =	sor.u32 s3, s0;
	s1 =	sshll.u32 s1, $0x11  }
0xc8: {  	s0 =	sor.u32 s1, s0  }
0xc9: {  	s0 =	sadd.s32 $0x8F2B, s0  }
0xca: {  	[sflag:s0] =	ssyncadd.remote.s32 $0x1  }
0xcb: {  	_ =	sfence.sel $0xFFFF  }
0xcc: {  	[dreg:$0x0] =	wrdreg $0xFFFFFFFF;
	(pc) =	sbr.abs _section_cstart, $3  }
0xcd: {  	[dreg:$0x1] =	wrdreg $0xFFFFFFFF  }
0xce: {  	_ =	task.clear_ibuf [dreg:s12], $0x2FFFF;
	_ =	strace $0x9FFFFFFF  }
0xcf: {  	(tm) =	ssettm $0x7FFFFFFF  }
tec
execute0_lowered:
.L_overlay_start_1:
0x0: {  	(tag) =	ssettag $0x1  }
0x1: {  	s7 =	rddreg [dreg:$0x0]  }
0x2: {  	s8 =	rddreg [dreg:$0x1]  }
0x3: {  	s1 =	rddreg [dreg:$0x2]  }
0x4: {  	s0 =	rddreg [dreg:$0x3]  }
0x5: {  	s5 =	rddreg [dreg:$0x4]  }
0x6: {  	s2 =	srdreg.scid;
	s4 =	rddreg [dreg:$0x5]  }
0x7: {  	s9 =	stileid.u32;
	s3 =	rddreg [dreg:$0x6];
	s6 =	sand.u32 $0x1, s2  }
0x8: {  	s9 =	sshll.u32 s9, $0xA;
	s2 =	simm.s32 $0x0;
	s10 =	sshll.u32 s6, $0x9  }
0x9: {  	s30 =	simm.s32 $0xAC00;
	[smem:$0x7FF] =	sst s2;
	s9 =	sor.u32 s10, s9  }
0xa: {  	s6 =	ssub.s32 $0x2, s6;
	s10 =	sshrl.u32 s9, $0x7;
	s13 =	sor.u32 $0x4080, s9  }
0xb: {  	_ =	strace $0x80000047;
	s12 =	sor.u32 $0x1, s10;
	s16 =	sshrl.u32 s13, $0x3  }
0xc: {  	s11 =	sshrl.u32 s6, $0x1;
	s29 =	sshll.u32 s12, $0x4;
	s17 =	sadd.s32 s1, s16  }
0xd: {  	s6 =	ssub.s32 s6, s11;
	s14 =	sadd.s32 s7, s29;
	[dreg:$0xb] =	wrdreg s17  }
0xe: {  	s16 =	sor.u32 $0x2, s10;
	s15 =	sadd.s32 s8, s29;
	[dreg:$0x8] =	wrdreg s14  }
0xf: {  	s12 =	sshll.u32 s12, $0x7;
	s11 =	sadd.s32 s1, s29;
	[dreg:$0x9] =	wrdreg s15  }
0x10: {  	s17 =	sshll.u32 s16, $0x4;
	s12 =	sadd.s32 s5, s12;
	[dreg:$0xa] =	wrdreg s11  }
0x11: {  	s11 =	sor.u32 $0x8080, s9;
	s20 =	sadd.s32 s7, s17;
	[dreg:$0x1f] =	wrdreg s12  }
0x12: {  	s18 =	sshrl.u32 s11, $0x3;
	[dreg:$0xe] =	wrdreg s20;
	s11 =	sadd.s32 s5, s11  }
0x13: {  	s10 =	sor.u32 $0x3, s10;
	s14 =	sadd.s32 s1, s18;
	[smem:$0x7ED] =	sst s11  }
0x14: {  	s15 =	sor.u32 $0xC080, s9;
	s18 =	sadd.s32 s8, s17;
	[dreg:$0xc] =	wrdreg s14  }
0x15: {  	s19 =	sshrl.u32 s15, $0x3;
	s17 =	sadd.s32 s1, s17;
	[dreg:$0xf] =	wrdreg s18  }
0x16: {  	s14 =	sadd.s32 s1, s19;
	[dreg:$0x10] =	wrdreg s17;
	s18 =	sshrl.u32 s9, $0x3  }
0x17: {  	s19 =	sor.u32 $0x8100, s9;
	[dreg:$0xd] =	wrdreg s14;
	s24 =	sadd.s32 s7, s18  }
0x18: {  	s23 =	sshrl.u32 s19, $0x3;
	s25 =	sadd.s32 s8, s18;
	[dreg:$0x14] =	wrdreg s24  }
0x19: {  	s14 =	sor.u32 $0x4100, s9;
	s17 =	sadd.s32 s1, s23;
	[dreg:$0x16] =	wrdreg s25  }
0x1a: {  	s21 =	sshrl.u32 s14, $0x3;
	s25 =	sadd.s32 s5, s13;
	[dreg:$0x12] =	wrdreg s17  }
0x1b: {  	s22 =	sadd.s32 s1, s21;
	s21 =	sshll.u32 s10, $0x4;
	[smem:$0x7EC] =	sst s25  }
0x1c: {  	s24 =	sor.u32 $0xC000, s9;
	[dreg:$0x11] =	wrdreg s22;
	s7 =	sadd.s32 s7, s21  }
0x1d: {  	s17 =	sor.u32 $0xC100, s9;
	s8 =	sadd.s32 s8, s21;
	[dreg:$0x15] =	wrdreg s7  }
0x1e: {  	s10 =	sshll.u32 s10, $0x7;
	s21 =	sadd.s32 s1, s21;
	[dreg:$0x17] =	wrdreg s8  }
0x1f: {  	s20 =	sshrl.u32 s17, $0x3;
	s10 =	sadd.s32 s5, s10;
	[dreg:$0x18] =	wrdreg s21  }
0x20: {  	s20 =	sadd.s32 s1, s20;
	s7 =	sor.u32 $0x4180, s9;
	[smem:$0x7F3] =	sst s10  }
0x21: {  	[dreg:$0x13] =	wrdreg s20;
	s26 =	sshrl.u32 s7, $0x3;
	s7 =	sadd.s32 s5, s7  }
0x22: {  	s23 =	sor.u32 $0xC180, s9;
	s8 =	sadd.s32 s1, s26;
	[smem:$0x7F4] =	sst s7  }
0x23: {  	s26 =	sshll.u32 s16, $0x7;
	s16 =	sadd.s32 s5, s19;
	[dreg:$0x19] =	wrdreg s8  }
0x24: {  	s20 =	sor.u32 $0x8180, s9;
	s19 =	sadd.s32 s5, s17;
	[smem:$0x7F1] =	sst s16  }
0x25: {  	s22 =	sshrl.u32 s20, $0x3;
	s20 =	sadd.s32 s5, s20;
	[smem:$0x7F2] =	sst s19  }
0x26: {  	s21 =	sor.u32 $0x4000, s9;
	s29 =	sadd.s32 s1, s22;
	[smem:$0x7F5] =	sst s20  }
0x27: {  	s22 =	sor.u32 $0x8000, s9;
	s9 =	sadd.s32 s5, s9;
	[dreg:$0x1a] =	wrdreg s29  }
0x28: {  	s28 =	simm.s32 $0x12C00;
	s8 =	sadd.s32 s5, s21;
	[dreg:$0x1b] =	wrdreg s9  }
0x29: {  	s31 =	simm.s32 $0x1AC00;
	s13 =	sadd.s32 s5, s26;
	[dreg:$0x1c] =	wrdreg s8  }
0x2a: {  	s7 =	simm.s32 $0x2;
	s26 =	sadd.s32 s4, s18;
	[smem:$0x7EF] =	sst s13  }
0x2b: {  	s9 =	sshrl.u32 s21, $0x3;
	s21 =	sadd.s32 s5, s22;
	[smem:$0x7FC] =	sst s26  }
0x2c: {  	s8 =	sshrl.u32 s22, $0x3;
	s22 =	sadd.s32 s5, s24;
	[dreg:$0x1d] =	wrdreg s21  }
0x2d: {  	s19 =	sadd.s32 $0x1000, s0;
	s29 =	sadd.s32 s5, s15;
	[dreg:$0x1e] =	wrdreg s22  }
0x2e: {  	s20 =	simm.s32 $0x280;
	s15 =	sadd.s32 s5, s14;
	[smem:$0x7EE] =	sst s29  }
0x2f: {  	s4 =	simm.s32 $0xEC00;
	s5 =	sadd.s32 s5, s23;
	[smem:$0x7F0] =	sst s15  }
0x30: {  	s14 =	sadd.s32 s3, s18;
	s21 =	sshrl.u32 s24, $0x3;
	[smem:$0x7F6] =	sst s5  }
0x31: {  	s22 =	sshrl.u32 s23, $0x3;
	s23 =	sadd.s32 s1, s18;
	s24 =	sadd.s32 s1, s9  }
0x32: {  	s25 =	sadd.s32 s1, s8;
	s15 =	sadd.s32 s3, s9;
	s16 =	sadd.s32 s3, s8  }
0x33: {  	s18 =	sadd.s32 $0x10C9E00, s0;
	s29 =	smax.u32 s6, $0x1;
	[smem:$0x7F8] =	sst s23  }
0x34: {  	s6 =	simm.s32 $0x1;
	s8 =	simm.s32 $0x0;
	[smem:$0x7F9] =	sst s24  }
0x35: {  	s5 =	sadd.s32 s1, s22;
	[smem:$0x7FA] =	sst s25;
	s1 =	sadd.s32 s1, s21  }
0x36: {  	v0 =	vlaneseq.u32;
	s17 =	sadd.s32 s3, s21;
	[smem:$0x7FD] =	sst s29;
	s21 =	simm.s32 $0x3  }
0x37: {  	v3 =	vmul.u32 $0x80, v0;
	s23 =	simm.s32 $0x400;
	s25 =	simm.s32 $0x80;
	s3 =	simm.s32 $0xC00  }
0x38: {  	s24 =	simm.s32 $0x4C00;
	s22 =	simm.s32 $0x80000;
	[smem:$0x7F7] =	sst s5  }
0x39: {  	v1 =	vor.u32 $0xC000, v3;
	v2 =	vor.u32 $0x8000, v3;
	v3 =	vor.u32 $0x4000, v3;
	[smem:$0x7FB] =	sst s1;
	s5 =	simm.s32 $0x16C00;
	s1 =	simm.s32 $0x8C00  }
.LBB2_1:
0x3a: {  	s0 =	rddreg [dreg:$0x14]  }
0x3b: {  	[tilespmem:s2], [sflag:$0x3] =	stream.linear.gather [hbm4b:s0+s2], $0x80, $0x38;
	[tilespmem:$0x1F600] =	vst v63  }
0x3c: {  	_ =	swait.ge [sflag:s21], $0x80  }
0x3d: {  	[sflag:s21] =	ssyncset.done $0x0  }
0x3e: {  	s9 =	simm.s32 $0x200;
	s11 =	rddreg [dreg:$0x16];
	[sflag:s21] =	ssyncadd.s32 $0xFFFFFF80  }
0x3f: {  	[tilespmem:s9], [sflag:$0x3] =	stream.linear.gather [hbm4b:s11+s2], $0x80, $0x38;
	[tilespmem:$0x1F600] =	vst v63  }
0x40: {  	_ =	swait.ge [sflag:s21], $0x80  }
0x41: {  	s12 =	sld [smem:$0x7F8]  }
0x42: {  	[sflag:s21] =	ssyncset.done $0x0  }
0x43: {  	[sflag:s21] =	ssyncadd.s32 $0xFFFFFF80  }
0x44: {  	[tilespmem:s23], [sflag:$0x3] =	stream.linear.gather [hbm4b:s12+s2], $0x80, $0x38;
	[tilespmem:$0x1F600] =	vst v63  }
0x45: {  	_ =	swait.ge [sflag:s21], $0x80  }
0x46: {  	s13 =	sld [smem:$0x7F9]  }
0x47: {  	[sflag:s21] =	ssyncset.done $0x0  }
0x48: {  	s10 =	simm.s32 $0x480;
	[sflag:s21] =	ssyncadd.s32 $0xFFFFFF80  }
0x49: {  	[tilespmem:s10], [sflag:$0x3] =	stream.linear.gather [hbm4b:s13+s2], $0x80, $0x38;
	[tilespmem:$0x1F600] =	vst v63  }
0x4a: {  	_ =	swait.ge [sflag:s21], $0x80  }
0x4b: {  	s26 =	sld [smem:$0x7FA]  }
0x4c: {  	[sflag:s21] =	ssyncset.done $0x0  }
0x4d: {  	s11 =	simm.s32 $0x500;
	[sflag:s21] =	ssyncadd.s32 $0xFFFFFF80  }
0x4e: {  	[tilespmem:s11], [sflag:$0x3] =	stream.linear.gather [hbm4b:s26+s2], $0x80, $0x38;
	[tilespmem:$0x1F600] =	vst v63  }
0x4f: {  	_ =	swait.ge [sflag:s21], $0x80  }
0x50: {  	s29 =	sld [smem:$0x7FB]  }
0x51: {  	[sflag:s21] =	ssyncset.done $0x0  }
0x52: {  	s12 =	simm.s32 $0x580;
	[sflag:s21] =	ssyncadd.s32 $0xFFFFFF80  }
0x53: {  	[tilespmem:s12], [sflag:$0x3] =	stream.linear.gather [hbm4b:s29+s2], $0x80, $0x38;
	[tilespmem:$0x1F600] =	vst v63  }
0x54: {  	_ =	swait.ge [sflag:s21], $0x80  }
0x55: {  	[sflag:s21] =	ssyncset.done $0x0  }
0x56: {  	s13 =	rddreg [dreg:$0x8];
	[sflag:s21] =	ssyncadd.s32 $0xFFFFFF80  }
0x57: {  	[tilespmem:s25], [sflag:$0x3] =	stream.linear.gather [hbm4b:s13+s2], $0x80, $0x38;
	[tilespmem:$0x1F600] =	vst v63  }
0x58: {  	_ =	swait.ge [sflag:s21], $0x80  }
0x59: {  	[sflag:s21] =	ssyncset.done $0x0  }
0x5a: {  	s26 =	rddreg [dreg:$0x9];
	[sflag:s21] =	ssyncadd.s32 $0xFFFFFF80  }
0x5b: {  	[tilespmem:s20], [sflag:$0x3] =	stream.linear.gather [hbm4b:s26+s2], $0x80, $0x38;
	[tilespmem:$0x1F600] =	vst v63  }
0x5c: {  	_ =	swait.ge [sflag:s21], $0x80  }
0x5d: {  	[sflag:s21] =	ssyncset.done $0x0  }
0x5e: {  	s13 =	simm.s32 $0x600;
	s29 =	rddreg [dreg:$0xa];
	[sflag:s21] =	ssyncadd.s32 $0xFFFFFF80  }
0x5f: {  	[tilespmem:s13], [sflag:$0x3] =	stream.linear.gather [hbm4b:s29+s2], $0x80, $0x38;
	[tilespmem:$0x1F600] =	vst v63  }
0x60: {  	_ =	swait.ge [sflag:s21], $0x80  }
0x61: {  	[sflag:s21] =	ssyncset.done $0x0  }
0x62: {  	s29 =	simm.s32 $0x680;
	s26 =	rddreg [dreg:$0xb];
	[sflag:s21] =	ssyncadd.s32 $0xFFFFFF80  }
0x63: {  	[tilespmem:s29], [sflag:$0x3] =	stream.linear.gather [hbm4b:s26+s2], $0x80, $0x38;
	[tilespmem:$0x1F600] =	vst v63  }
0x64: {  	_ =	swait.ge [sflag:s21], $0x80  }
0x65: {  	[sflag:s21] =	ssyncset.done $0x0  }
0x66: {  	s29 =	simm.s32 $0x700;
	s26 =	rddreg [dreg:$0xc];
	[sflag:s21] =	ssyncadd.s32 $0xFFFFFF80  }
0x67: {  	[tilespmem:s29], [sflag:$0x3] =	stream.linear.gather [hbm4b:s26+s2], $0x80, $0x38;
	[tilespmem:$0x1F600] =	vst v63  }
0x68: {  	_ =	swait.ge [sflag:s21], $0x80  }
0x69: {  	[sflag:s21] =	ssyncset.done $0x0  }
0x6a: {  	s29 =	simm.s32 $0x780;
	s26 =	rddreg [dreg:$0xd];
	[sflag:s21] =	ssyncadd.s32 $0xFFFFFF80  }
0x6b: {  	[tilespmem:s29], [sflag:$0x3] =	stream.linear.gather [hbm4b:s26+s2], $0x80, $0x38;
	[tilespmem:$0x1F600] =	vst v63  }
0x6c: {  	_ =	swait.ge [sflag:s21], $0x80  }
0x6d: {  	[sflag:s21] =	ssyncset.done $0x0  }
0x6e: {  	s29 =	simm.s32 $0x100;
	s26 =	rddreg [dreg:$0xe];
	[sflag:s21] =	ssyncadd.s32 $0xFFFFFF80  }
0x6f: {  	[tilespmem:s29], [sflag:$0x3] =	stream.linear.gather [hbm4b:s26+s2], $0x80, $0x38;
	[tilespmem:$0x1F600] =	vst v63  }
0x70: {  	_ =	swait.ge [sflag:s21], $0x80  }
0x71: {  	[sflag:s21] =	ssyncset.done $0x0  }
0x72: {  	s29 =	simm.s32 $0x300;
	s26 =	rddreg [dreg:$0xf];
	[sflag:s21] =	ssyncadd.s32 $0xFFFFFF80  }
0x73: {  	[tilespmem:s29], [sflag:$0x3] =	stream.linear.gather [hbm4b:s26+s2], $0x80, $0x38;
	[tilespmem:$0x1F600] =	vst v63  }
0x74: {  	_ =	swait.ge [sflag:s21], $0x80  }
0x75: {  	[sflag:s21] =	ssyncset.done $0x0  }
0x76: {  	s29 =	simm.s32 $0x800;
	s26 =	rddreg [dreg:$0x10];
	[sflag:s21] =	ssyncadd.s32 $0xFFFFFF80  }
0x77: {  	[tilespmem:s29], [sflag:$0x3] =	stream.linear.gather [hbm4b:s26+s2], $0x80, $0x38;
	[tilespmem:$0x1F600] =	vst v63  }
0x78: {  	_ =	swait.ge [sflag:s21], $0x80  }
0x79: {  	[sflag:s21] =	ssyncset.done $0x0  }
0x7a: {  	s29 =	simm.s32 $0x880;
	s26 =	rddreg [dreg:$0x11];
	[sflag:s21] =	ssyncadd.s32 $0xFFFFFF80  }
0x7b: {  	[tilespmem:s29], [sflag:$0x3] =	stream.linear.gather [hbm4b:s26+s2], $0x80, $0x38;
	[tilespmem:$0x1F600] =	vst v63  }
0x7c: {  	_ =	swait.ge [sflag:s21], $0x80  }
0x7d: {  	[sflag:s21] =	ssyncset.done $0x0  }
0x7e: {  	s29 =	simm.s32 $0x900;
	s26 =	rddreg [dreg:$0x12];
	[sflag:s21] =	ssyncadd.s32 $0xFFFFFF80  }
0x7f: {  	[tilespmem:s29], [sflag:$0x3] =	stream.linear.gather [hbm4b:s26+s2], $0x80, $0x38;
	[tilespmem:$0x1F600] =	vst v63  }
0x80: {  	_ =	swait.ge [sflag:s21], $0x80  }
0x81: {  	[sflag:s21] =	ssyncset.done $0x0  }
0x82: {  	s29 =	simm.s32 $0x980;
	s26 =	rddreg [dreg:$0x13];
	[sflag:s21] =	ssyncadd.s32 $0xFFFFFF80  }
0x83: {  	[tilespmem:s29], [sflag:$0x3] =	stream.linear.gather [hbm4b:s26+s2], $0x80, $0x38;
	[tilespmem:$0x1F600] =	vst v63  }
0x84: {  	_ =	swait.ge [sflag:s21], $0x80  }
0x85: {  	[sflag:s21] =	ssyncset.done $0x0  }
0x86: {  	s29 =	simm.s32 $0x180;
	s26 =	rddreg [dreg:$0x15];
	[sflag:s21] =	ssyncadd.s32 $0xFFFFFF80  }
0x87: {  	[tilespmem:s29], [sflag:$0x3] =	stream.linear.gather [hbm4b:s26+s2], $0x80, $0x38;
	[tilespmem:$0x1F600] =	vst v63  }
0x88: {  	_ =	swait.ge [sflag:s21], $0x80  }
0x89: {  	[sflag:s21] =	ssyncset.done $0x0  }
0x8a: {  	s29 =	simm.s32 $0x380;
	s26 =	rddreg [dreg:$0x17];
	[sflag:s21] =	ssyncadd.s32 $0xFFFFFF80  }
0x8b: {  	[tilespmem:s29], [sflag:$0x3] =	stream.linear.gather [hbm4b:s26+s2], $0x80, $0x38;
	[tilespmem:$0x1F600] =	vst v63  }
0x8c: {  	_ =	swait.ge [sflag:s21], $0x80  }
0x8d: {  	[sflag:s21] =	ssyncset.done $0x0  }
0x8e: {  	s29 =	simm.s32 $0xA00;
	s26 =	rddreg [dreg:$0x18];
	[sflag:s21] =	ssyncadd.s32 $0xFFFFFF80  }
0x8f: {  	[tilespmem:s29], [sflag:$0x3] =	stream.linear.gather [hbm4b:s26+s2], $0x80, $0x38;
	[tilespmem:$0x1F600] =	vst v63  }
0x90: {  	_ =	swait.ge [sflag:s21], $0x80  }
0x91: {  	[sflag:s21] =	ssyncset.done $0x0  }
0x92: {  	s29 =	simm.s32 $0xA80;
	s26 =	rddreg [dreg:$0x19];
	[sflag:s21] =	ssyncadd.s32 $0xFFFFFF80  }
0x93: {  	[tilespmem:s29], [sflag:$0x3] =	stream.linear.gather [hbm4b:s26+s2], $0x80, $0x38;
	[tilespmem:$0x1F600] =	vst v63  }
0x94: {  	_ =	swait.ge [sflag:s21], $0x80  }
0x95: {  	[sflag:s21] =	ssyncset.done $0x0  }
0x96: {  	s29 =	simm.s32 $0xB00;
	s26 =	rddreg [dreg:$0x1a];
	[sflag:s21] =	ssyncadd.s32 $0xFFFFFF80  }
0x97: {  	[tilespmem:s29], [sflag:$0x3] =	stream.linear.gather [hbm4b:s26+s2], $0x80, $0x38;
	[tilespmem:$0x1F600] =	vst v63  }
0x98: {  	_ =	swait.ge [sflag:s21], $0x80  }
0x99: {  	s26 =	sld [smem:$0x7F7]  }
0x9a: {  	[sflag:s21] =	ssyncset.done $0x0  }
0x9b: {  	s29 =	simm.s32 $0xB80;
	[sflag:s21] =	ssyncadd.s32 $0xFFFFFF80  }
0x9c: {  	[tilespmem:s29], [sflag:$0x3] =	stream.linear.gather [hbm4b:s26+s2], $0x80, $0x38;
	[tilespmem:$0x1F600] =	vst v63  }
0x9d: {  	_ =	swait.ge [sflag:s21], $0x80  }
0x9e: {  	[sflag:s21] =	ssyncset.done $0x0  }
0x9f: {  	[sflag:s21] =	ssyncadd.s32 $0xFFFFFF80  }
0xa0: {  	[tilespmem:s3], [sflag:$0x1] =	stream.indirect.gather [hbm4b:s18+s25], $0x80, s2, s25, $0xb8;
	[tilespmem:$0x1F600] =	vst v63  }
0xa1: {  	_ = 	snop  }
0xa2: {  	[tilespmem:s30], [sflag:$0x2] =	stream.indirect.gather [hbm4b:s19+s25], $0x80, s9, s25, $0xb8;
	[tilespmem:$0x1F600] =	vst v63  }
0xa3: {  	_ = 	snop  }
0xa4: {  	[tilespmem:s4], [sflag:$0x2] =	stream.indirect.gather [hbm4b:s19+s25], $0x80, s23, s25, $0xb8;
	[tilespmem:$0x1F600] =	vst v63  }
0xa5: {  	_ = 	snop  }
0xa6: {  	[tilespmem:s28], [sflag:$0x2] =	stream.indirect.gather [hbm4b:s19+s25], $0x80, s10, s25, $0xb8;
	[tilespmem:$0x1F600] =	vst v63  }
0xa7: {  	_ = 	snop  }
0xa8: {  	[tilespmem:s5], [sflag:$0x2] =	stream.indirect.gather [hbm4b:s19+s25], $0x80, s11, s25, $0xb8;
	[tilespmem:$0x1F600] =	vst v63  }
0xa9: {  	_ = 	snop  }
0xaa: {  	[tilespmem:s31], [sflag:$0x2] =	stream.indirect.gather [hbm4b:s19+s25], $0x80, s12, s25, $0xb8;
	[tilespmem:$0x1F600] =	vst v63  }
0xab: {  	_ =	swait.ge [sflag:s6], $0x4000  }
0xac: {  	[sflag:s6] =	ssyncset.done $0x0  }
0xad: {  	[sflag:s6] =	ssyncadd.s32 $0xFFFFC000  }
0xae: {  	[tilespmem:s24], [sflag:$0x1] =	stream.indirect.gather [hbm4b:s18+s25], $0x80, s25, s25, $0xb8;
	[tilespmem:$0x1F600] =	vst v63  }
0xaf: {  	_ =	swait.ge [sflag:s7], $0x4000  }
0xb0: {  	[sflag:s7] =	ssyncset.done $0x0  }
0xb1: {  	[sflag:s7] =	ssyncadd.s32 $0xFFFFC000  }
0xb2: {  	_ =	swait.ge [sflag:s7], $0x10000  }
0xb3: {  	[sflag:s7] =	ssyncset.done $0x0  }
0xb4: {  	s0 =	simm.s32 $0x0;
	[sflag:s7] =	ssyncadd.s32 $0xFFFF0000  }
.LBB2_2:
0xb5: {  	s9 =	sshll.u32 s0, $0x4  }
0xb6: {  	v6 =	vor.u32 s9, v0  }
0xb7: {  	s10 =	simm.s32 $0x0;
	v8 =	vshll.u32 v6, $0x7  }
0xb8: {  	v9 =	vor.u32 s10, v8;
	_ =	sdelay $0x2  }
0xb9: {  	v4 =	vmov s10  }
0xba: {  	v5 =	vmov s9;
	v4 =	vshll.u32 v4, $0x7  }
0xbb: {  	s11 =	simm.s32 $0x1;
	v7 =	vshll.u32 v5, $0x7;
	v11 =	vadd.s32 v6, v4;
	v10 =	vld.idx.msk [tilespmem:v9+s3+$0x0], $0xffff  }
0xbc: {  	v4 =	vor.u32 v1, v7;
	v13 =	vor.u32 s11, v8  }
0xbd: {  	v5 =	vor.u32 v2, v7;
	v12 =	vor.u32 s10, v4  }
0xbe: {  	v7 =	vor.u32 v3, v7;
	v14 =	vor.u32 s10, v5  }
0xbf: {  	v16 =	vmov s11;
	v15 =	vor.u32 s10, v7  }
0xc0: {  	[tilespmem:v11+s1+$0x0] =	vst.idx.msk $0xffff, v10;
	v11 =	vshll.u32 v16, $0x7  }
0xc1: {  	s12 =	simm.s32 $0x2;
	v17 =	vld.idx.msk [tilespmem:v13+s3+$0x0], $0xffff;
	v11 =	vadd.s32 v6, v11  }
0xc2: {  	v18 =	vor.u32 s12, v8;
	v16 =	vld.idx.msk [tilespmem:v12+s4+$0x0], $0xffff  }
0xc3: {  	v14 =	vld.idx.msk [tilespmem:v14+s4+$0x0], $0xffff;
	v12 =	vor.u32 s11, v4  }
0xc4: {  	v20 =	vor.u32 s11, v5;
	v15 =	vld.idx.msk [tilespmem:v15+s4+$0x0], $0xffff  }
0xc5: {  	v22 =	vmov s12;
	v19 =	vld.idx.msk [tilespmem:v9+s4+$0x0], $0xffff  }
0xc6: {  	v21 =	vld.idx.msk [tilespmem:v9+s30+$0x0], $0xffff;
	[tilespmem:v11+s1+$0x0] =	vst.idx.msk $0xffff, v17;
	v11 =	vshll.u32 v22, $0x7  }
0xc7: {  	s26 =	simm.s32 $0x3;
	v9 =	vor.u32 s11, v7;
	v22 =	vld.idx.msk [tilespmem:v18+s3+$0x0], $0xffff;
	v24 =	vadd.s32 v6, v11  }
0xc8: {  	v26 =	vor.u32 s26, v8;
	v23 =	vld.idx.msk [tilespmem:v12+s4+$0x0], $0xffff  }
0xc9: {  	v28 =	vimm.f32 $0.0e+00;
	v32 =	vor.u32 s12, v4;
	v35 =	vor.u32 s26, v4;
	v20 =	vld.idx.msk [tilespmem:v20+s4+$0x0], $0xffff  }
0xca: {  	v39 =	vor.u32 s26, v7;
	v40 =	vor.u32 s26, v5;
	v29 =	vmul.f32 v16, v10;
	v27 =	vld.idx.msk [tilespmem:v13+s4+$0x0], $0xffff  }
0xcb: {  	v16 =	vor.u32 s12, v7;
	v14 =	vmul.f32 v14, v10;
	v30 =	vld.idx.msk [tilespmem:v13+s30+$0x0], $0xffff;
	v13 =	vmov s26  }
0xcc: {  	v19 =	vmul.f32 v19, v10;
	v25 =	vld.idx.msk [tilespmem:v9+s4+$0x0], $0xffff;
	v31 =	vshll.u32 v13, $0x7;
	[tilespmem:v24+s1+$0x0] =	vst.idx.msk $0xffff, v22;
	v24 =	vor.u32 s12, v5  }
0xcd: {  	s29 =	simm.s32 $0x8;
	s10 =	simm.s32 $0x4;
	v34 =	vmul.f32 v15, v10;
	v21 =	vmul.f32 v21, v10;
	v31 =	vadd.s32 v6, v31;
	v13 =	vld.idx.msk [tilespmem:v26+s3+$0x0], $0xffff  }
0xce: {  	v10 =	vor.u32 s29, v8;
	v12 =	vor.u32 s10, v7;
	v11 =	vor.u32 s10, v8;
	v33 =	vld.idx.msk [tilespmem:v18+s30+$0x0], $0xffff  }
0xcf: {  	v15 =	vadd.f32 v19, v28;
	v14 =	vadd.f32 v14, v28;
	v19 =	vmul.f32 v20, v17;
	v20 =	vld.idx.msk [tilespmem:v18+s4+$0x0], $0xffff  }
0xd0: {  	v29 =	vadd.f32 v29, v28;
	v21 =	vadd.f32 v21, v28;
	v23 =	vmul.f32 v23, v17;
	v38 =	vld.idx.msk [tilespmem:v32+s4+$0x0], $0xffff  }
0xd1: {  	v30 =	vmul.f32 v30, v17;
	v18 =	vmul.f32 v25, v17;
	v37 =	vadd.f32 v19, v14;
	v19 =	vld.idx.msk [tilespmem:v24+s4+$0x0], $0xffff  }
0xd2: {  	v9 =	vor.u32 s29, v7;
	v36 =	vld.idx.msk [tilespmem:v16+s4+$0x0], $0xffff;
	v16 =	vmul.f32 v27, v17;
	v25 =	vor.u32 s10, v5;
	[tilespmem:v31+s1+$0x0] =	vst.idx.msk $0xffff, v13  }
0xd3: {  	v27 =	vor.u32 s10, v4;
	v14 =	vmov s10;
	v62 =	vadd.f32 v23, v29;
	v41 =	vld.idx.msk [tilespmem:v26+s30+$0x0], $0xffff  }
0xd4: {  	v63 =	vadd.f32 v30, v21;
	v30 =	vadd.f32 v34, v28;
	v61 =	vshll.u32 v14, $0x7;
	v24 =	vld.idx.msk [tilespmem:v35+s4+$0x0], $0xffff  }
0xd5: {  	s11 =	simm.s32 $0x5;
	v32 =	vadd.s32 v6, v61;
	v31 =	vmul.f32 v33, v22;
	v38 =	vmul.f32 v38, v22;
	v14 =	vld.idx.msk [tilespmem:v11+s3+$0x0], $0xffff  }
0xd6: {  	v17 =	vmul.f32 v20, v22;
	v23 =	vld.idx.msk [tilespmem:v40+s4+$0x0], $0xffff;
	v29 =	vmul.f32 v19, v22;
	v19 =	vor.u32 s11, v8  }
0xd7: {  	v20 =	vmul.f32 v36, v22;
	v33 =	vmov s11;
	v28 =	vadd.f32 v38, v62;
	v22 =	vld.idx.msk [tilespmem:v39+s4+$0x0], $0xffff  }
0xd8: {  	s26 =	simm.s32 $0xC;
	v26 =	vld.idx.msk [tilespmem:v26+s4+$0x0], $0xffff;
	v21 =	vadd.f32 v29, v37;
	v29 =	vadd.f32 v31, v63;
	v31 =	vmul.f32 v41, v13  }
.LBB2_3:
0xd9: {  	p0 =	sne.s32 s26, $0x3C;
	v33 =	vshll.u32 v33, $0x7;
	v18 =	vadd.f32 v18, v30;
	v24 =	vmul.f32 v24, v13;
	s12 =	smov.u32 s26;
	s26 =	sadd.s32 $0x4, s26  }
0xda: {  	v30 =	vor.u32 s12, v7;
	[tilespmem:v32+s1+$0x0] =	vst.idx.msk $0xffff, v14;
	v32 =	vadd.s32 v6, v33;
	v29 =	vadd.f32 v31, v29  }
0xdb: {  	v15 =	vadd.f32 v16, v15;
	v16 =	vmul.f32 v23, v13;
	v31 =	vld.idx.msk [tilespmem:v19+s3+$0x0], $0xffff;
	v23 =	vadd.f32 v24, v28  }
0xdc: {  	s13 =	sadd.s32 $0x2, s10;
	v18 =	vadd.f32 v20, v18;
	v20 =	vmul.f32 v22, v13;
	v24 =	vld.idx.msk [tilespmem:v27+s4+$0x0], $0xffff  }
0xdd: {  	v13 =	vmul.f32 v26, v13;
	v16 =	vadd.f32 v16, v21;
	v22 =	vld.idx.msk [tilespmem:v25+s4+$0x0], $0xffff;
	v25 =	vor.u32 s13, v8  }
0xde: {  	v15 =	vadd.f32 v17, v15;
	v26 =	vor.u32 s11, v4;
	v27 =	vmov s13;
	v21 =	vld.idx.msk [tilespmem:v12+s4+$0x0], $0xffff;
	v12 =	vmovc v9;
	v9 =	vmovc v30  }
0xdf: {  	v28 =	vor.u32 s11, v5;
	v27 =	vshll.u32 v27, $0x7;
	v30 =	vadd.f32 v20, v18;
	v17 =	vld.idx.msk [tilespmem:v11+s4+$0x0], $0xffff  }
0xe0: {  	v20 =	vor.u32 s11, v7;
	v13 =	vadd.f32 v13, v15;
	v18 =	vld.idx.msk [tilespmem:v11+s30+$0x0], $0xffff;
	v11 =	vmov v10  }
0xe1: {  	[tilespmem:v32+s1+$0x0] =	vst.idx.msk $0xffff, v31  }
0xe2: {  	v24 =	vmul.f32 v24, v14;
	v33 =	vld.idx.msk [tilespmem:v25+s3+$0x0], $0xffff  }
0xe3: {  	s11 =	sadd.s32 $0x3, s10;
	s10 =	smov.u32 s29;
	s29 =	smov.u32 s12;
	v10 =	vmul.f32 v22, v14;
	v22 =	vld.idx.msk [tilespmem:v26+s4+$0x0], $0xffff;
	v26 =	vadd.s32 v6, v27  }
0xe4: {  	v15 =	vmov s11;
	v21 =	vmul.f32 v21, v14;
	v27 =	vld.idx.msk [tilespmem:v28+s4+$0x0], $0xffff;
	v28 =	vor.u32 s11, v8  }
0xe5: {  	v32 =	vshll.u32 v15, $0x7;
	v17 =	vmul.f32 v17, v14;
	v20 =	vld.idx.msk [tilespmem:v20+s4+$0x0], $0xffff  }
0xe6: {  	v34 =	vmul.f32 v18, v14;
	v14 =	vld.idx.msk [tilespmem:v19+s4+$0x0], $0xffff  }
0xe7: {  	v15 =	vadd.f32 v17, v13;
	v17 =	vld.idx.msk [tilespmem:v19+s30+$0x0], $0xffff;
	v19 =	vor.u32 s13, v7  }
0xe8: {  	[tilespmem:v26+s1+$0x0] =	vst.idx.msk $0xffff, v33;
	v26 =	vor.u32 s13, v5  }
0xe9: {  	v35 =	vor.u32 s13, v4;
	v22 =	vmul.f32 v22, v31;
	v13 =	vld.idx.msk [tilespmem:v28+s3+$0x0], $0xffff  }
0xea: {  	v32 =	vadd.s32 v6, v32;
	v36 =	vadd.f32 v10, v16;
	v27 =	vmul.f32 v27, v31;
	v37 =	vld.idx.msk [tilespmem:v25+s30+$0x0], $0xffff  }
0xeb: {  	v38 =	vor.u32 s11, v4;
	v18 =	vmul.f32 v20, v31;
	v20 =	vld.idx.msk [tilespmem:v25+s4+$0x0], $0xffff  }
0xec: {  	v10 =	vor.u32 s29, v8;
	v16 =	vmul.f32 v14, v31;
	v36 =	vadd.f32 v27, v36;
	v19 =	vld.idx.msk [tilespmem:v19+s4+$0x0], $0xffff  }
0xed: {  	v31 =	vmul.f32 v17, v31;
	v26 =	vld.idx.msk [tilespmem:v26+s4+$0x0], $0xffff  }
0xee: {  	v39 =	vor.u32 s11, v7;
	v40 =	vor.u32 s11, v5;
	v35 =	vld.idx.msk [tilespmem:v35+s4+$0x0], $0xffff  }
0xef: {  	[tilespmem:v32+s1+$0x0] =	vst.idx.msk $0xffff, v13  }
0xf0: {  	v25 =	vor.u32 s10, v5;
	v27 =	vor.u32 s10, v4;
	v37 =	vmul.f32 v37, v33;
	v41 =	vld.idx.msk [tilespmem:v28+s30+$0x0], $0xffff  }
0xf1: {  	v23 =	vadd.f32 v24, v23;
	v32 =	vmov s10;
	v17 =	vmul.f32 v20, v33;
	v24 =	vld.idx.msk [tilespmem:v38+s4+$0x0], $0xffff  }
.Ltmp0:
0xf2: {  	v29 =	vadd.f32 v34, v29;
	v32 =	vshll.u32 v32, $0x7;
	v20 =	vmul.f32 v19, v33;
	v14 =	vld.idx.msk [tilespmem:v11+s3+$0x0], $0xffff;
	(pc) =	sbr.rel @p0 .LBB2_3-.Ltmp0, $4  }
0xf3: {  	s11 =	sadd.s32 $0x1, s10;
	v34 =	vadd.f32 v22, v23;
	v32 =	vadd.s32 v6, v32;
	v26 =	vmul.f32 v26, v33;
	v23 =	vld.idx.msk [tilespmem:v40+s4+$0x0], $0xffff  }
0xf4: {  	v29 =	vadd.f32 v31, v29;
	v19 =	vor.u32 s11, v8;
	v31 =	vmul.f32 v35, v33;
	v22 =	vld.idx.msk [tilespmem:v39+s4+$0x0], $0xffff  }
0xf5: {  	v30 =	vadd.f32 v21, v30;
	v33 =	vmov s11;
	v21 =	vadd.f32 v26, v36;
	v26 =	vld.idx.msk [tilespmem:v28+s4+$0x0], $0xffff  }
0xf6: {  	v29 =	vadd.f32 v37, v29;
	v28 =	vadd.f32 v31, v34;
	v31 =	vmul.f32 v41, v13  }
0xf7: {  	_ =	sdelay $0x3  }
0xf8: {  	[tilespmem:v32+s1+$0x0] =	vst.idx.msk $0xffff, v14;
	v62 =	vshll.u32 v33, $0x7  }
0xf9: {  	s12 =	sadd.s32 $0x2, s10;
	v33 =	vld.idx.msk [tilespmem:v19+s3+$0x0], $0xffff;
	v32 =	vadd.s32 v6, v62  }
0xfa: {  	v27 =	vld.idx.msk [tilespmem:v27+s4+$0x0], $0xffff;
	v34 =	vor.u32 s12, v8  }
0xfb: {  	v35 =	vor.u32 s11, v4;
	v25 =	vld.idx.msk [tilespmem:v25+s4+$0x0], $0xffff  }
0xfc: {  	v37 =	vor.u32 s11, v5;
	v12 =	vld.idx.msk [tilespmem:v12+s4+$0x0], $0xffff  }
0xfd: {  	v38 =	vor.u32 s11, v7;
	v36 =	vld.idx.msk [tilespmem:v11+s4+$0x0], $0xffff;
	v39 =	vmov s12  }
0xfe: {  	v63 =	vld.idx.msk [tilespmem:v11+s30+$0x0], $0xffff;
	v48 =	vshll.u32 v39, $0x7;
	[tilespmem:v32+s1+$0x0] =	vst.idx.msk $0xffff, v33  }
0xff: {  	s11 =	sadd.s32 $0x3, s10;
	v32 =	vadd.s32 v6, v48;
	v39 =	vld.idx.msk [tilespmem:v34+s3+$0x0], $0xffff  }
0x100: {  	v40 =	vor.u32 s11, v8;
	v35 =	vld.idx.msk [tilespmem:v35+s4+$0x0], $0xffff  }
0x101: {  	v18 =	vadd.f32 v18, v30;
	v37 =	vld.idx.msk [tilespmem:v37+s4+$0x0], $0xffff  }
0x102: {  	v24 =	vmul.f32 v24, v13;
	v53 =	vmov s29;
	v15 =	vadd.f32 v16, v15;
	v38 =	vld.idx.msk [tilespmem:v38+s4+$0x0], $0xffff  }
0x103: {  	v57 =	vor.u32 s29, v4;
	v42 =	vor.u32 s12, v7;
	v43 =	vmov s11;
	v41 =	vld.idx.msk [tilespmem:v19+s4+$0x0], $0xffff  }
0x104: {  	v59 =	vor.u32 s29, v5;
	v50 =	vor.u32 s12, v5;
	v43 =	vshll.u32 v43, $0x7;
	v49 =	vld.idx.msk [tilespmem:v19+s30+$0x0], $0xffff;
	[tilespmem:v32+s1+$0x0] =	vst.idx.msk $0xffff, v39  }
0x105: {  	v44 =	vor.u32 s12, v4;
	v47 =	vor.u32 s11, v4;
	v43 =	vadd.s32 v6, v43;
	v45 =	vld.idx.msk [tilespmem:v40+s3+$0x0], $0xffff  }
0x106: {  	s13 =	sadd.s32 $0x1, s29;
	v51 =	vor.u32 s11, v5;
	v29 =	vadd.f32 v31, v29;
	v52 =	vor.u32 s11, v7;
	v46 =	vld.idx.msk [tilespmem:v34+s30+$0x0], $0xffff  }
0x107: {  	v55 =	vshll.u32 v53, $0x7;
	v23 =	vmul.f32 v23, v13;
	v53 =	vor.u32 s13, v7;
	v34 =	vld.idx.msk [tilespmem:v34+s4+$0x0], $0xffff  }
0x108: {  	v54 =	vadd.f32 v24, v28;
	v18 =	vadd.f32 v20, v18;
	v22 =	vmul.f32 v22, v13;
	v42 =	vld.idx.msk [tilespmem:v42+s4+$0x0], $0xffff  }
0x109: {  	v28 =	vadd.s32 v6, v55;
	v15 =	vadd.f32 v17, v15;
	v56 =	vmul.f32 v26, v13;
	v32 =	vld.idx.msk [tilespmem:v50+s4+$0x0], $0xffff  }
0x10a: {  	v62 =	vmov s13;
	v21 =	vadd.f32 v23, v21;
	v18 =	vadd.f32 v22, v18;
	v30 =	vld.idx.msk [tilespmem:v44+s4+$0x0], $0xffff;
	[tilespmem:v43+s1+$0x0] =	vst.idx.msk $0xffff, v45  }
0x10b: {  	v13 =	vadd.f32 v56, v15;
	v58 =	vmul.f32 v27, v14;
	v61 =	vmul.f32 v36, v14;
	v20 =	vld.idx.msk [tilespmem:v10+s3+$0x0], $0xffff  }
0x10c: {  	v60 =	vmul.f32 v25, v14;
	v12 =	vmul.f32 v12, v14;
	v43 =	vor.u32 s13, v8;
	v24 =	vld.idx.msk [tilespmem:v40+s30+$0x0], $0xffff  }
0x10d: {  	s26 =	sadd.s32 $0x2, s29;
	v11 =	vmul.f32 v63, v14;
	v14 =	vshll.u32 v62, $0x7;
	v13 =	vadd.f32 v61, v13;
	v26 =	vld.idx.msk [tilespmem:v47+s4+$0x0], $0xffff  }
0x10e: {  	v48 =	vor.u32 s26, v8;
	v15 =	vadd.f32 v60, v21;
	v16 =	vadd.f32 v58, v54;
	v23 =	vld.idx.msk [tilespmem:v51+s4+$0x0], $0xffff  }
0x10f: {  	v14 =	vadd.s32 v6, v14;
	v11 =	vadd.f32 v11, v29;
	v12 =	vadd.f32 v12, v18;
	v31 =	vld.idx.msk [tilespmem:v52+s4+$0x0], $0xffff  }
0x110: {  	s29 =	sadd.s32 $0x3, s29;
	v55 =	vmov s26;
	v63 =	vmul.f32 v35, v33;
	v19 =	vmul.f32 v49, v33;
	v36 =	vld.idx.msk [tilespmem:v40+s4+$0x0], $0xffff;
	[tilespmem:v28+s1+$0x0] =	vst.idx.msk $0xffff, v20  }
0x111: {  	v58 =	vor.u32 s29, v8;
	v49 =	vor.u32 s13, v4;
	v44 =	vmul.f32 v38, v33;
	v21 =	vld.idx.msk [tilespmem:v43+s3+$0x0], $0xffff  }
0x112: {  	v16 =	vadd.f32 v63, v16;
	v11 =	vadd.f32 v19, v11;
	v63 =	vor.u32 s26, v7;
	v17 =	vld.idx.msk [tilespmem:v57+s4+$0x0], $0xffff  }
0x113: {  	v12 =	vadd.f32 v44, v12;
	v54 =	vmul.f32 v46, v39;
	v32 =	vmul.f32 v32, v39;
	v47 =	vld.idx.msk [tilespmem:v59+s4+$0x0], $0xffff  }
0x114: {  	v30 =	vmul.f32 v30, v39;
	v60 =	vmul.f32 v42, v39;
	v51 =	vor.u32 s13, v5;
	v9 =	vld.idx.msk [tilespmem:v9+s4+$0x0], $0xffff  }
0x115: {  	v42 =	vor.u32 s26, v4;
	v4 =	vor.u32 s29, v4;
	v40 =	vmul.f32 v37, v33;
	v50 =	vld.idx.msk [tilespmem:v10+s4+$0x0], $0xffff  }
0x116: {  	v33 =	vmul.f32 v41, v33;
	v41 =	vor.u32 s26, v5;
	v52 =	vld.idx.msk [tilespmem:v10+s30+$0x0], $0xffff;
	[tilespmem:v14+s1+$0x0] =	vst.idx.msk $0xffff, v21;
	v14 =	vshll.u32 v55, $0x7  }
0x117: {  	v11 =	vadd.f32 v54, v11;
	v16 =	vadd.f32 v30, v16;
	v18 =	vld.idx.msk [tilespmem:v48+s3+$0x0], $0xffff;
	v14 =	vadd.s32 v6, v14  }
0x118: {  	v5 =	vor.u32 s29, v5;
	v12 =	vadd.f32 v60, v12;
	v15 =	vadd.f32 v40, v15;
	v56 =	vld.idx.msk [tilespmem:v49+s4+$0x0], $0xffff  }
0x119: {  	v13 =	vadd.f32 v33, v13;
	v40 =	vmov s29;
	v24 =	vmul.f32 v24, v45;
	v57 =	vld.idx.msk [tilespmem:v51+s4+$0x0], $0xffff  }
0x11a: {  	v15 =	vadd.f32 v32, v15;
	v26 =	vmul.f32 v26, v45;
	v23 =	vmul.f32 v23, v45;
	v19 =	vld.idx.msk [tilespmem:v53+s4+$0x0], $0xffff  }
0x11b: {  	v32 =	vshll.u32 v40, $0x7;
	v31 =	vmul.f32 v31, v45;
	v59 =	vmul.f32 v34, v39;
	v61 =	vld.idx.msk [tilespmem:v43+s4+$0x0], $0xffff  }
0x11c: {  	v36 =	vmul.f32 v36, v45;
	v11 =	vadd.f32 v24, v11;
	v62 =	vld.idx.msk [tilespmem:v43+s30+$0x0], $0xffff;
	[tilespmem:v14+s1+$0x0] =	vst.idx.msk $0xffff, v18  }
0x11d: {  	v45 =	vadd.s32 v6, v32;
	v16 =	vadd.f32 v26, v16;
	v13 =	vadd.f32 v59, v13;
	v43 =	vld.idx.msk [tilespmem:v58+s3+$0x0], $0xffff  }
0x11e: {  	v15 =	vadd.f32 v23, v15;
	v12 =	vadd.f32 v31, v12;
	v17 =	vmul.f32 v17, v20;
	v44 =	vld.idx.msk [tilespmem:v48+s30+$0x0], $0xffff  }
0x11f: {  	v13 =	vadd.f32 v36, v13;
	v22 =	vmul.f32 v47, v20;
	v28 =	vmul.f32 v50, v20;
	v46 =	vld.idx.msk [tilespmem:v48+s4+$0x0], $0xffff  }
0x120: {  	v9 =	vmul.f32 v9, v20;
	v10 =	vmul.f32 v52, v20;
	v47 =	vld.idx.msk [tilespmem:v63+s4+$0x0], $0xffff;
	v48 =	vor.u32 s29, v7  }
0x121: {  	v15 =	vadd.f32 v22, v15;
	v52 =	vadd.f32 v28, v13;
	v49 =	vmul.f32 v56, v21;
	v14 =	vld.idx.msk [tilespmem:v41+s4+$0x0], $0xffff  }
0x122: {  	v51 =	vmul.f32 v57, v21;
	v53 =	vmul.f32 v19, v21;
	v50 =	vld.idx.msk [tilespmem:v42+s4+$0x0], $0xffff;
	[tilespmem:v45+s1+$0x0] =	vst.idx.msk $0xffff, v43  }
0x123: {  	v10 =	vadd.f32 v10, v11;
	v54 =	vmul.f32 v61, v21;
	v21 =	vmul.f32 v62, v21;
	v55 =	vld.idx.msk [tilespmem:v58+s30+$0x0], $0xffff  }
0x124: {  	v16 =	vadd.f32 v17, v16;
	v9 =	vadd.f32 v9, v12;
	v8 =	vld.idx.msk [tilespmem:v58+s4+$0x0], $0xffff  }
0x125: {  	v15 =	vadd.f32 v51, v15;
	v10 =	vadd.f32 v21, v10;
	v7 =	vld.idx.msk [tilespmem:v48+s4+$0x0], $0xffff  }
0x126: {  	v59 =	vadd.f32 v49, v16;
	v6 =	vadd.f32 v54, v52;
	v56 =	vmul.f32 v44, v18;
	v5 =	vld.idx.msk [tilespmem:v5+s4+$0x0], $0xffff  }
0x127: {  	v9 =	vadd.f32 v53, v9;
	v57 =	vmul.f32 v46, v18;
	v14 =	vmul.f32 v14, v18;
	v4 =	vld.idx.msk [tilespmem:v4+s4+$0x0], $0xffff  }
0x128: {  	v58 =	vmul.f32 v47, v18;
	v10 =	vadd.f32 v56, v10;
	v60 =	vmul.f32 v55, v43  }
0x129: {  	v61 =	vmul.f32 v50, v18;
	v6 =	vadd.f32 v57, v6;
	v8 =	vmul.f32 v8, v43  }
0x12a: {  	s0 =	sadd.s32 $0x1, s0;
	v9 =	vadd.f32 v58, v9;
	v7 =	vmul.f32 v7, v43;
	v10 =	vadd.f32 v60, v10  }
0x12b: {  	p0 =	sne.s32 s0, $0x8;
	v62 =	vadd.f32 v14, v15;
	v5 =	vmul.f32 v5, v43;
	v6 =	vadd.f32 v8, v6  }
.Ltmp1:
0x12c: {  	v63 =	vadd.f32 v61, v59;
	v4 =	vmul.f32 v4, v43;
	v7 =	vadd.f32 v7, v9;
	[tilespmem:s9+$0x1EC00] =	vst v10;
	(pc) =	sbr.rel @p0 .LBB2_2-.Ltmp1, $4  }
0x12d: {  	v5 =	vadd.f32 v5, v62;
	[tilespmem:s9+$0x1EE00] =	vst v6  }
0x12e: {  	v4 =	vadd.f32 v4, v63;
	[tilespmem:s9+$0x1EE80] =	vst v7  }
0x12f: {  	[tilespmem:s9+$0x1EF00] =	vst v5  }
0x130: {  	[tilespmem:s9+$0x1EF80] =	vst v4  }
0x131: {  	s0 =	rddreg [dreg:$0x1b]  }
0x132: {  	[hbm4b:s0+s23] =	stream.strided.scatter [tilespmem:s1], [sflag:$0x3], $0x2000, s22, s23, $0x38;
	[tilespmem:$0x1F600] =	vst v63  }
0x133: {  	_ =	swait.ge [sflag:s21], $0x2000  }
0x134: {  	[sflag:s21] =	ssyncset.done $0x0  }
0x135: {  	s9 =	rddreg [dreg:$0x1c];
	[sflag:s21] =	ssyncadd.s32 $0xFFFFE000  }
0x136: {  	[hbm4b:s9+s23] =	stream.strided.scatter [tilespmem:s1], [sflag:$0x3], $0x2000, s22, s23, $0x38;
	[tilespmem:$0x1F600] =	vst v63  }
0x137: {  	_ =	swait.ge [sflag:s21], $0x2000  }
0x138: {  	[sflag:s21] =	ssyncset.done $0x0  }
0x139: {  	s10 =	rddreg [dreg:$0x1d];
	[sflag:s21] =	ssyncadd.s32 $0xFFFFE000  }
0x13a: {  	[hbm4b:s10+s23] =	stream.strided.scatter [tilespmem:s1], [sflag:$0x3], $0x2000, s22, s23, $0x38;
	[tilespmem:$0x1F600] =	vst v63  }
0x13b: {  	_ =	swait.ge [sflag:s21], $0x2000  }
0x13c: {  	[sflag:s21] =	ssyncset.done $0x0  }
0x13d: {  	s11 =	rddreg [dreg:$0x1e];
	[sflag:s21] =	ssyncadd.s32 $0xFFFFE000  }
0x13e: {  	[hbm4b:s11+s23] =	stream.strided.scatter [tilespmem:s1], [sflag:$0x3], $0x2000, s22, s23, $0x38;
	[tilespmem:$0x1F600] =	vst v63  }
0x13f: {  	_ =	swait.ge [sflag:s21], $0x2000  }
0x140: {  	[sflag:s21] =	ssyncset.done $0x0  }
0x141: {  	[sflag:s21] =	ssyncadd.s32 $0xFFFFE000  }
0x142: {  	[tilespmem:s30], [sflag:$0x2] =	stream.indirect.gather [hbm4b:s19+s25], $0x80, s20, s25, $0xb8;
	[tilespmem:$0x1F600] =	vst v63  }
0x143: {  	s12 =	simm.s32 $0x600  }
0x144: {  	[tilespmem:s4], [sflag:$0x2] =	stream.indirect.gather [hbm4b:s19+s25], $0x80, s12, s25, $0xb8;
	[tilespmem:$0x1F600] =	vst v63  }
0x145: {  	s13 =	simm.s32 $0x680  }
0x146: {  	[tilespmem:s28], [sflag:$0x2] =	stream.indirect.gather [hbm4b:s19+s25], $0x80, s13, s25, $0xb8;
	[tilespmem:$0x1F600] =	vst v63  }
0x147: {  	s20 =	simm.s32 $0x700  }
0x148: {  	[tilespmem:s5], [sflag:$0x2] =	stream.indirect.gather [hbm4b:s19+s25], $0x80, s20, s25, $0xb8;
	[tilespmem:$0x1F600] =	vst v63  }
0x149: {  	s26 =	simm.s32 $0x780  }
0x14a: {  	[tilespmem:s31], [sflag:$0x2] =	stream.indirect.gather [hbm4b:s19+s25], $0x80, s26, s25, $0xb8;
	[tilespmem:$0x1F600] =	vst v63  }
0x14b: {  	_ =	swait.ge [sflag:s6], $0x4000  }
0x14c: {  	[sflag:s6] =	ssyncset.done $0x0  }
0x14d: {  	s29 =	simm.s32 $0x100;
	[sflag:s6] =	ssyncadd.s32 $0xFFFFC000  }
0x14e: {  	[tilespmem:s3], [sflag:$0x1] =	stream.indirect.gather [hbm4b:s18+s25], $0x80, s29, s25, $0xb8;
	[tilespmem:$0x1F600] =	vst v63  }
0x14f: {  	_ =	swait.ge [sflag:s7], $0x4000  }
0x150: {  	[sflag:s7] =	ssyncset.done $0x0  }
0x151: {  	[sflag:s7] =	ssyncadd.s32 $0xFFFFC000  }
0x152: {  	_ =	swait.ge [sflag:s7], $0x10000  }
0x153: {  	[sflag:s7] =	ssyncset.done $0x0  }
0x154: {  	s0 =	simm.s32 $0x0;
	s9 =	simm.s32 $0x0;
	[sflag:s7] =	ssyncadd.s32 $0xFFFF0000  }
.LBB2_6:
0x155: {  	s29 =	sshll.u32 s9, $0x4  }
0x156: {  	v6 =	vor.u32 s29, v0  }
0x157: {  	v8 =	vshll.u32 v6, $0x7  }
0x158: {  	v9 =	vor.u32 s0, v8;
	_ =	sdelay $0x2  }
0x159: {  	v4 =	vmov s0  }
0x15a: {  	v5 =	vmov s29;
	v4 =	vshll.u32 v4, $0x7  }
0x15b: {  	s10 =	simm.s32 $0x1;
	v7 =	vshll.u32 v5, $0x7;
	v11 =	vadd.s32 v6, v4;
	v10 =	vld.idx.msk [tilespmem:v9+s24+$0x0], $0xffff  }
0x15c: {  	v4 =	vor.u32 v1, v7;
	v13 =	vor.u32 s10, v8  }
0x15d: {  	v5 =	vor.u32 v2, v7;
	v12 =	vor.u32 s0, v4  }
0x15e: {  	v7 =	vor.u32 v3, v7;
	v14 =	vor.u32 s0, v5  }
0x15f: {  	v16 =	vmov s10;
	v15 =	vor.u32 s0, v7  }
0x160: {  	[tilespmem:v11+s1+$0x0] =	vst.idx.msk $0xffff, v10;
	v11 =	vshll.u32 v16, $0x7  }
0x161: {  	s11 =	simm.s32 $0x2;
	v17 =	vld.idx.msk [tilespmem:v13+s24+$0x0], $0xffff;
	v11 =	vadd.s32 v6, v11  }
0x162: {  	v18 =	vor.u32 s11, v8;
	v16 =	vld.idx.msk [tilespmem:v12+s4+$0x0], $0xffff  }
0x163: {  	v14 =	vld.idx.msk [tilespmem:v14+s4+$0x0], $0xffff;
	v12 =	vor.u32 s10, v4  }
0x164: {  	v20 =	vor.u32 s10, v5;
	v15 =	vld.idx.msk [tilespmem:v15+s4+$0x0], $0xffff  }
0x165: {  	v22 =	vmov s11;
	v19 =	vld.idx.msk [tilespmem:v9+s4+$0x0], $0xffff  }
0x166: {  	v21 =	vld.idx.msk [tilespmem:v9+s30+$0x0], $0xffff;
	[tilespmem:v11+s1+$0x0] =	vst.idx.msk $0xffff, v17;
	v11 =	vshll.u32 v22, $0x7  }
0x167: {  	s12 =	simm.s32 $0x3;
	v9 =	vor.u32 s10, v7;
	v22 =	vld.idx.msk [tilespmem:v18+s24+$0x0], $0xffff;
	v24 =	vadd.s32 v6, v11  }
0x168: {  	v26 =	vor.u32 s12, v8;
	v23 =	vld.idx.msk [tilespmem:v12+s4+$0x0], $0xffff  }
0x169: {  	v28 =	vimm.f32 $0.0e+00;
	v32 =	vor.u32 s11, v4;
	v35 =	vor.u32 s12, v4;
	v20 =	vld.idx.msk [tilespmem:v20+s4+$0x0], $0xffff  }
0x16a: {  	v39 =	vor.u32 s12, v7;
	v40 =	vor.u32 s12, v5;
	v29 =	vmul.f32 v16, v10;
	v27 =	vld.idx.msk [tilespmem:v13+s4+$0x0], $0xffff  }
0x16b: {  	v16 =	vor.u32 s11, v7;
	v14 =	vmul.f32 v14, v10;
	v30 =	vld.idx.msk [tilespmem:v13+s30+$0x0], $0xffff;
	v13 =	vmov s12  }
0x16c: {  	v19 =	vmul.f32 v19, v10;
	v25 =	vld.idx.msk [tilespmem:v9+s4+$0x0], $0xffff;
	v31 =	vshll.u32 v13, $0x7;
	[tilespmem:v24+s1+$0x0] =	vst.idx.msk $0xffff, v22;
	v24 =	vor.u32 s11, v5  }
0x16d: {  	s26 =	simm.s32 $0x4;
	s10 =	simm.s32 $0x8;
	v34 =	vmul.f32 v15, v10;
	v21 =	vmul.f32 v21, v10;
	v31 =	vadd.s32 v6, v31;
	v13 =	vld.idx.msk [tilespmem:v26+s24+$0x0], $0xffff  }
0x16e: {  	v10 =	vor.u32 s10, v8;
	v12 =	vor.u32 s26, v7;
	v11 =	vor.u32 s26, v8;
	v33 =	vld.idx.msk [tilespmem:v18+s30+$0x0], $0xffff  }
0x16f: {  	v15 =	vadd.f32 v19, v28;
	v14 =	vadd.f32 v14, v28;
	v19 =	vmul.f32 v20, v17;
	v20 =	vld.idx.msk [tilespmem:v18+s4+$0x0], $0xffff  }
0x170: {  	v29 =	vadd.f32 v29, v28;
	v21 =	vadd.f32 v21, v28;
	v23 =	vmul.f32 v23, v17;
	v38 =	vld.idx.msk [tilespmem:v32+s4+$0x0], $0xffff  }
0x171: {  	v30 =	vmul.f32 v30, v17;
	v18 =	vmul.f32 v25, v17;
	v37 =	vadd.f32 v19, v14;
	v19 =	vld.idx.msk [tilespmem:v24+s4+$0x0], $0xffff  }
0x172: {  	v9 =	vor.u32 s10, v7;
	v36 =	vld.idx.msk [tilespmem:v16+s4+$0x0], $0xffff;
	v16 =	vmul.f32 v27, v17;
	v25 =	vor.u32 s26, v5;
	[tilespmem:v31+s1+$0x0] =	vst.idx.msk $0xffff, v13  }
0x173: {  	v27 =	vor.u32 s26, v4;
	v14 =	vmov s26;
	v62 =	vadd.f32 v23, v29;
	v41 =	vld.idx.msk [tilespmem:v26+s30+$0x0], $0xffff  }
0x174: {  	v63 =	vadd.f32 v30, v21;
	v30 =	vadd.f32 v34, v28;
	v61 =	vshll.u32 v14, $0x7;
	v24 =	vld.idx.msk [tilespmem:v35+s4+$0x0], $0xffff  }
0x175: {  	s12 =	simm.s32 $0x5;
	v32 =	vadd.s32 v6, v61;
	v31 =	vmul.f32 v33, v22;
	v38 =	vmul.f32 v38, v22;
	v14 =	vld.idx.msk [tilespmem:v11+s24+$0x0], $0xffff  }
0x176: {  	v17 =	vmul.f32 v20, v22;
	v23 =	vld.idx.msk [tilespmem:v40+s4+$0x0], $0xffff;
	v29 =	vmul.f32 v19, v22;
	v19 =	vor.u32 s12, v8  }
0x177: {  	v20 =	vmul.f32 v36, v22;
	v33 =	vmov s12;
	v28 =	vadd.f32 v38, v62;
	v22 =	vld.idx.msk [tilespmem:v39+s4+$0x0], $0xffff  }
0x178: {  	s11 =	simm.s32 $0xC;
	v26 =	vld.idx.msk [tilespmem:v26+s4+$0x0], $0xffff;
	v21 =	vadd.f32 v29, v37;
	v29 =	vadd.f32 v31, v63;
	v31 =	vmul.f32 v41, v13  }
.LBB2_7:
0x179: {  	p0 =	sne.s32 s11, $0x3C;
	v33 =	vshll.u32 v33, $0x7;
	v18 =	vadd.f32 v18, v30;
	v24 =	vmul.f32 v24, v13;
	s13 =	smov.u32 s11;
	s11 =	sadd.s32 $0x4, s11  }
0x17a: {  	v30 =	vor.u32 s13, v7;
	[tilespmem:v32+s1+$0x0] =	vst.idx.msk $0xffff, v14;
	v32 =	vadd.s32 v6, v33;
	v29 =	vadd.f32 v31, v29  }
0x17b: {  	v15 =	vadd.f32 v16, v15;
	v16 =	vmul.f32 v23, v13;
	v31 =	vld.idx.msk [tilespmem:v19+s24+$0x0], $0xffff;
	v23 =	vadd.f32 v24, v28  }
0x17c: {  	s20 =	sadd.s32 $0x2, s26;
	v18 =	vadd.f32 v20, v18;
	v20 =	vmul.f32 v22, v13;
	v24 =	vld.idx.msk [tilespmem:v27+s4+$0x0], $0xffff  }
0x17d: {  	v13 =	vmul.f32 v26, v13;
	v16 =	vadd.f32 v16, v21;
	v22 =	vld.idx.msk [tilespmem:v25+s4+$0x0], $0xffff;
	v25 =	vor.u32 s20, v8  }
0x17e: {  	v15 =	vadd.f32 v17, v15;
	v26 =	vor.u32 s12, v4;
	v27 =	vmov s20;
	v21 =	vld.idx.msk [tilespmem:v12+s4+$0x0], $0xffff;
	v12 =	vmovc v9;
	v9 =	vmovc v30  }
0x17f: {  	v28 =	vor.u32 s12, v5;
	v27 =	vshll.u32 v27, $0x7;
	v30 =	vadd.f32 v20, v18;
	v17 =	vld.idx.msk [tilespmem:v11+s4+$0x0], $0xffff  }
0x180: {  	v20 =	vor.u32 s12, v7;
	v13 =	vadd.f32 v13, v15;
	v18 =	vld.idx.msk [tilespmem:v11+s30+$0x0], $0xffff;
	v11 =	vmov v10  }
0x181: {  	[tilespmem:v32+s1+$0x0] =	vst.idx.msk $0xffff, v31  }
0x182: {  	v24 =	vmul.f32 v24, v14;
	v33 =	vld.idx.msk [tilespmem:v25+s24+$0x0], $0xffff  }
0x183: {  	s12 =	sadd.s32 $0x3, s26;
	s26 =	smov.u32 s10;
	s10 =	smov.u32 s13;
	v10 =	vmul.f32 v22, v14;
	v22 =	vld.idx.msk [tilespmem:v26+s4+$0x0], $0xffff;
	v26 =	vadd.s32 v6, v27  }
0x184: {  	v15 =	vmov s12;
	v21 =	vmul.f32 v21, v14;
	v27 =	vld.idx.msk [tilespmem:v28+s4+$0x0], $0xffff;
	v28 =	vor.u32 s12, v8  }
0x185: {  	v32 =	vshll.u32 v15, $0x7;
	v17 =	vmul.f32 v17, v14;
	v20 =	vld.idx.msk [tilespmem:v20+s4+$0x0], $0xffff  }
0x186: {  	v34 =	vmul.f32 v18, v14;
	v14 =	vld.idx.msk [tilespmem:v19+s4+$0x0], $0xffff  }
0x187: {  	v15 =	vadd.f32 v17, v13;
	v17 =	vld.idx.msk [tilespmem:v19+s30+$0x0], $0xffff;
	v19 =	vor.u32 s20, v7  }
0x188: {  	[tilespmem:v26+s1+$0x0] =	vst.idx.msk $0xffff, v33;
	v26 =	vor.u32 s20, v5  }
0x189: {  	v35 =	vor.u32 s20, v4;
	v22 =	vmul.f32 v22, v31;
	v13 =	vld.idx.msk [tilespmem:v28+s24+$0x0], $0xffff  }
0x18a: {  	v32 =	vadd.s32 v6, v32;
	v36 =	vadd.f32 v10, v16;
	v27 =	vmul.f32 v27, v31;
	v37 =	vld.idx.msk [tilespmem:v25+s30+$0x0], $0xffff  }
0x18b: {  	v38 =	vor.u32 s12, v4;
	v18 =	vmul.f32 v20, v31;
	v20 =	vld.idx.msk [tilespmem:v25+s4+$0x0], $0xffff  }
0x18c: {  	v10 =	vor.u32 s10, v8;
	v16 =	vmul.f32 v14, v31;
	v36 =	vadd.f32 v27, v36;
	v19 =	vld.idx.msk [tilespmem:v19+s4+$0x0], $0xffff  }
0x18d: {  	v31 =	vmul.f32 v17, v31;
	v26 =	vld.idx.msk [tilespmem:v26+s4+$0x0], $0xffff  }
0x18e: {  	v39 =	vor.u32 s12, v7;
	v40 =	vor.u32 s12, v5;
	v35 =	vld.idx.msk [tilespmem:v35+s4+$0x0], $0xffff  }
0x18f: {  	[tilespmem:v32+s1+$0x0] =	vst.idx.msk $0xffff, v13  }
0x190: {  	v25 =	vor.u32 s26, v5;
	v27 =	vor.u32 s26, v4;
	v37 =	vmul.f32 v37, v33;
	v41 =	vld.idx.msk [tilespmem:v28+s30+$0x0], $0xffff  }
0x191: {  	v23 =	vadd.f32 v24, v23;
	v32 =	vmov s26;
	v17 =	vmul.f32 v20, v33;
	v24 =	vld.idx.msk [tilespmem:v38+s4+$0x0], $0xffff  }
.Ltmp2:
0x192: {  	v29 =	vadd.f32 v34, v29;
	v32 =	vshll.u32 v32, $0x7;
	v20 =	vmul.f32 v19, v33;
	v14 =	vld.idx.msk [tilespmem:v11+s24+$0x0], $0xffff;
	(pc) =	sbr.rel @p0 .LBB2_7-.Ltmp2, $4  }
0x193: {  	s12 =	sadd.s32 $0x1, s26;
	v34 =	vadd.f32 v22, v23;
	v32 =	vadd.s32 v6, v32;
	v26 =	vmul.f32 v26, v33;
	v23 =	vld.idx.msk [tilespmem:v40+s4+$0x0], $0xffff  }
0x194: {  	v29 =	vadd.f32 v31, v29;
	v19 =	vor.u32 s12, v8;
	v31 =	vmul.f32 v35, v33;
	v22 =	vld.idx.msk [tilespmem:v39+s4+$0x0], $0xffff  }
0x195: {  	v30 =	vadd.f32 v21, v30;
	v33 =	vmov s12;
	v21 =	vadd.f32 v26, v36;
	v26 =	vld.idx.msk [tilespmem:v28+s4+$0x0], $0xffff  }
0x196: {  	v29 =	vadd.f32 v37, v29;
	v28 =	vadd.f32 v31, v34;
	v31 =	vmul.f32 v41, v13  }
0x197: {  	_ =	sdelay $0x3  }
0x198: {  	[tilespmem:v32+s1+$0x0] =	vst.idx.msk $0xffff, v14;
	v62 =	vshll.u32 v33, $0x7  }
0x199: {  	s11 =	sadd.s32 $0x2, s26;
	v33 =	vld.idx.msk [tilespmem:v19+s24+$0x0], $0xffff;
	v32 =	vadd.s32 v6, v62  }
0x19a: {  	v27 =	vld.idx.msk [tilespmem:v27+s4+$0x0], $0xffff;
	v34 =	vor.u32 s11, v8  }
0x19b: {  	v35 =	vor.u32 s12, v4;
	v25 =	vld.idx.msk [tilespmem:v25+s4+$0x0], $0xffff  }
0x19c: {  	v37 =	vor.u32 s12, v5;
	v12 =	vld.idx.msk [tilespmem:v12+s4+$0x0], $0xffff  }
0x19d: {  	v38 =	vor.u32 s12, v7;
	v36 =	vld.idx.msk [tilespmem:v11+s4+$0x0], $0xffff;
	v39 =	vmov s11  }
0x19e: {  	v63 =	vld.idx.msk [tilespmem:v11+s30+$0x0], $0xffff;
	v48 =	vshll.u32 v39, $0x7;
	[tilespmem:v32+s1+$0x0] =	vst.idx.msk $0xffff, v33  }
0x19f: {  	s26 =	sadd.s32 $0x3, s26;
	v32 =	vadd.s32 v6, v48;
	v39 =	vld.idx.msk [tilespmem:v34+s24+$0x0], $0xffff  }
0x1a0: {  	v40 =	vor.u32 s26, v8;
	v35 =	vld.idx.msk [tilespmem:v35+s4+$0x0], $0xffff  }
0x1a1: {  	v18 =	vadd.f32 v18, v30;
	v37 =	vld.idx.msk [tilespmem:v37+s4+$0x0], $0xffff  }
0x1a2: {  	v24 =	vmul.f32 v24, v13;
	v53 =	vmov s10;
	v15 =	vadd.f32 v16, v15;
	v38 =	vld.idx.msk [tilespmem:v38+s4+$0x0], $0xffff  }
0x1a3: {  	v57 =	vor.u32 s10, v4;
	v42 =	vor.u32 s11, v7;
	v43 =	vmov s26;
	v41 =	vld.idx.msk [tilespmem:v19+s4+$0x0], $0xffff  }
0x1a4: {  	v59 =	vor.u32 s10, v5;
	v50 =	vor.u32 s11, v5;
	v43 =	vshll.u32 v43, $0x7;
	v49 =	vld.idx.msk [tilespmem:v19+s30+$0x0], $0xffff;
	[tilespmem:v32+s1+$0x0] =	vst.idx.msk $0xffff, v39  }
0x1a5: {  	v44 =	vor.u32 s11, v4;
	v47 =	vor.u32 s26, v4;
	v43 =	vadd.s32 v6, v43;
	v45 =	vld.idx.msk [tilespmem:v40+s24+$0x0], $0xffff  }
0x1a6: {  	s13 =	sadd.s32 $0x1, s10;
	v51 =	vor.u32 s26, v5;
	v29 =	vadd.f32 v31, v29;
	v52 =	vor.u32 s26, v7;
	v46 =	vld.idx.msk [tilespmem:v34+s30+$0x0], $0xffff  }
0x1a7: {  	v55 =	vshll.u32 v53, $0x7;
	v23 =	vmul.f32 v23, v13;
	v53 =	vor.u32 s13, v7;
	v34 =	vld.idx.msk [tilespmem:v34+s4+$0x0], $0xffff  }
0x1a8: {  	v54 =	vadd.f32 v24, v28;
	v18 =	vadd.f32 v20, v18;
	v22 =	vmul.f32 v22, v13;
	v42 =	vld.idx.msk [tilespmem:v42+s4+$0x0], $0xffff  }
0x1a9: {  	v28 =	vadd.s32 v6, v55;
	v15 =	vadd.f32 v17, v15;
	v56 =	vmul.f32 v26, v13;
	v32 =	vld.idx.msk [tilespmem:v50+s4+$0x0], $0xffff  }
0x1aa: {  	v62 =	vmov s13;
	v21 =	vadd.f32 v23, v21;
	v18 =	vadd.f32 v22, v18;
	v30 =	vld.idx.msk [tilespmem:v44+s4+$0x0], $0xffff;
	[tilespmem:v43+s1+$0x0] =	vst.idx.msk $0xffff, v45  }
0x1ab: {  	v13 =	vadd.f32 v56, v15;
	v58 =	vmul.f32 v27, v14;
	v61 =	vmul.f32 v36, v14;
	v20 =	vld.idx.msk [tilespmem:v10+s24+$0x0], $0xffff  }
0x1ac: {  	v60 =	vmul.f32 v25, v14;
	v12 =	vmul.f32 v12, v14;
	v43 =	vor.u32 s13, v8;
	v24 =	vld.idx.msk [tilespmem:v40+s30+$0x0], $0xffff  }
0x1ad: {  	s20 =	sadd.s32 $0x2, s10;
	v11 =	vmul.f32 v63, v14;
	v14 =	vshll.u32 v62, $0x7;
	v13 =	vadd.f32 v61, v13;
	v26 =	vld.idx.msk [tilespmem:v47+s4+$0x0], $0xffff  }
0x1ae: {  	v48 =	vor.u32 s20, v8;
	v15 =	vadd.f32 v60, v21;
	v16 =	vadd.f32 v58, v54;
	v23 =	vld.idx.msk [tilespmem:v51+s4+$0x0], $0xffff  }
0x1af: {  	v14 =	vadd.s32 v6, v14;
	v11 =	vadd.f32 v11, v29;
	v12 =	vadd.f32 v12, v18;
	v31 =	vld.idx.msk [tilespmem:v52+s4+$0x0], $0xffff  }
0x1b0: {  	s26 =	sadd.s32 $0x3, s10;
	v55 =	vmov s20;
	v63 =	vmul.f32 v35, v33;
	v19 =	vmul.f32 v49, v33;
	v36 =	vld.idx.msk [tilespmem:v40+s4+$0x0], $0xffff;
	[tilespmem:v28+s1+$0x0] =	vst.idx.msk $0xffff, v20  }
0x1b1: {  	v58 =	vor.u32 s26, v8;
	v49 =	vor.u32 s13, v4;
	v44 =	vmul.f32 v38, v33;
	v21 =	vld.idx.msk [tilespmem:v43+s24+$0x0], $0xffff  }
0x1b2: {  	v16 =	vadd.f32 v63, v16;
	v11 =	vadd.f32 v19, v11;
	v63 =	vor.u32 s20, v7;
	v17 =	vld.idx.msk [tilespmem:v57+s4+$0x0], $0xffff  }
0x1b3: {  	v12 =	vadd.f32 v44, v12;
	v54 =	vmul.f32 v46, v39;
	v32 =	vmul.f32 v32, v39;
	v47 =	vld.idx.msk [tilespmem:v59+s4+$0x0], $0xffff  }
0x1b4: {  	v30 =	vmul.f32 v30, v39;
	v60 =	vmul.f32 v42, v39;
	v51 =	vor.u32 s13, v5;
	v9 =	vld.idx.msk [tilespmem:v9+s4+$0x0], $0xffff  }
0x1b5: {  	v42 =	vor.u32 s20, v4;
	v4 =	vor.u32 s26, v4;
	v40 =	vmul.f32 v37, v33;
	v50 =	vld.idx.msk [tilespmem:v10+s4+$0x0], $0xffff  }
0x1b6: {  	v33 =	vmul.f32 v41, v33;
	v41 =	vor.u32 s20, v5;
	v52 =	vld.idx.msk [tilespmem:v10+s30+$0x0], $0xffff;
	[tilespmem:v14+s1+$0x0] =	vst.idx.msk $0xffff, v21;
	v14 =	vshll.u32 v55, $0x7  }
0x1b7: {  	v11 =	vadd.f32 v54, v11;
	v16 =	vadd.f32 v30, v16;
	v18 =	vld.idx.msk [tilespmem:v48+s24+$0x0], $0xffff;
	v14 =	vadd.s32 v6, v14  }
0x1b8: {  	v5 =	vor.u32 s26, v5;
	v12 =	vadd.f32 v60, v12;
	v15 =	vadd.f32 v40, v15;
	v56 =	vld.idx.msk [tilespmem:v49+s4+$0x0], $0xffff  }
0x1b9: {  	v13 =	vadd.f32 v33, v13;
	v40 =	vmov s26;
	v24 =	vmul.f32 v24, v45;
	v57 =	vld.idx.msk [tilespmem:v51+s4+$0x0], $0xffff  }
0x1ba: {  	v15 =	vadd.f32 v32, v15;
	v26 =	vmul.f32 v26, v45;
	v23 =	vmul.f32 v23, v45;
	v19 =	vld.idx.msk [tilespmem:v53+s4+$0x0], $0xffff  }
0x1bb: {  	v32 =	vshll.u32 v40, $0x7;
	v31 =	vmul.f32 v31, v45;
	v59 =	vmul.f32 v34, v39;
	v61 =	vld.idx.msk [tilespmem:v43+s4+$0x0], $0xffff  }
0x1bc: {  	v36 =	vmul.f32 v36, v45;
	v11 =	vadd.f32 v24, v11;
	v62 =	vld.idx.msk [tilespmem:v43+s30+$0x0], $0xffff;
	[tilespmem:v14+s1+$0x0] =	vst.idx.msk $0xffff, v18  }
0x1bd: {  	v45 =	vadd.s32 v6, v32;
	v16 =	vadd.f32 v26, v16;
	v13 =	vadd.f32 v59, v13;
	v43 =	vld.idx.msk [tilespmem:v58+s24+$0x0], $0xffff  }
0x1be: {  	v15 =	vadd.f32 v23, v15;
	v12 =	vadd.f32 v31, v12;
	v17 =	vmul.f32 v17, v20;
	v44 =	vld.idx.msk [tilespmem:v48+s30+$0x0], $0xffff  }
0x1bf: {  	v13 =	vadd.f32 v36, v13;
	v22 =	vmul.f32 v47, v20;
	v28 =	vmul.f32 v50, v20;
	v46 =	vld.idx.msk [tilespmem:v48+s4+$0x0], $0xffff  }
0x1c0: {  	v9 =	vmul.f32 v9, v20;
	v10 =	vmul.f32 v52, v20;
	v47 =	vld.idx.msk [tilespmem:v63+s4+$0x0], $0xffff;
	v48 =	vor.u32 s26, v7  }
0x1c1: {  	v15 =	vadd.f32 v22, v15;
	v52 =	vadd.f32 v28, v13;
	v49 =	vmul.f32 v56, v21;
	v14 =	vld.idx.msk [tilespmem:v41+s4+$0x0], $0xffff  }
0x1c2: {  	v51 =	vmul.f32 v57, v21;
	v53 =	vmul.f32 v19, v21;
	v50 =	vld.idx.msk [tilespmem:v42+s4+$0x0], $0xffff;
	[tilespmem:v45+s1+$0x0] =	vst.idx.msk $0xffff, v43  }
0x1c3: {  	v10 =	vadd.f32 v10, v11;
	v54 =	vmul.f32 v61, v21;
	v21 =	vmul.f32 v62, v21;
	v55 =	vld.idx.msk [tilespmem:v58+s30+$0x0], $0xffff  }
0x1c4: {  	v16 =	vadd.f32 v17, v16;
	v9 =	vadd.f32 v9, v12;
	v8 =	vld.idx.msk [tilespmem:v58+s4+$0x0], $0xffff  }
0x1c5: {  	v15 =	vadd.f32 v51, v15;
	v10 =	vadd.f32 v21, v10;
	v7 =	vld.idx.msk [tilespmem:v48+s4+$0x0], $0xffff  }
0x1c6: {  	v59 =	vadd.f32 v49, v16;
	v6 =	vadd.f32 v54, v52;
	v56 =	vmul.f32 v44, v18;
	v5 =	vld.idx.msk [tilespmem:v5+s4+$0x0], $0xffff  }
0x1c7: {  	v9 =	vadd.f32 v53, v9;
	v57 =	vmul.f32 v46, v18;
	v14 =	vmul.f32 v14, v18;
	v4 =	vld.idx.msk [tilespmem:v4+s4+$0x0], $0xffff  }
0x1c8: {  	v58 =	vmul.f32 v47, v18;
	v10 =	vadd.f32 v56, v10;
	v60 =	vmul.f32 v55, v43  }
0x1c9: {  	v61 =	vmul.f32 v50, v18;
	v6 =	vadd.f32 v57, v6;
	v8 =	vmul.f32 v8, v43  }
0x1ca: {  	s9 =	sadd.s32 $0x1, s9;
	v9 =	vadd.f32 v58, v9;
	v7 =	vmul.f32 v7, v43;
	v10 =	vadd.f32 v60, v10  }
0x1cb: {  	p0 =	sne.s32 s9, $0x8;
	v62 =	vadd.f32 v14, v15;
	v5 =	vmul.f32 v5, v43;
	v6 =	vadd.f32 v8, v6  }
.Ltmp3:
0x1cc: {  	v63 =	vadd.f32 v61, v59;
	v4 =	vmul.f32 v4, v43;
	v7 =	vadd.f32 v7, v9;
	[tilespmem:s29+$0x1EC80] =	vst v10;
	(pc) =	sbr.rel @p0 .LBB2_6-.Ltmp3, $4  }
0x1cd: {  	v5 =	vadd.f32 v5, v62;
	[tilespmem:s29+$0x1F000] =	vst v6  }
0x1ce: {  	v4 =	vadd.f32 v4, v63;
	[tilespmem:s29+$0x1F080] =	vst v7  }
0x1cf: {  	[tilespmem:s29+$0x1F100] =	vst v5  }
0x1d0: {  	[tilespmem:s29+$0x1F180] =	vst v4  }
0x1d1: {  	s0 =	rddreg [dreg:$0x1f]  }
0x1d2: {  	[hbm4b:s0+s23] =	stream.strided.scatter [tilespmem:s1], [sflag:$0x3], $0x2000, s22, s23, $0x38;
	[tilespmem:$0x1F600] =	vst v63  }
0x1d3: {  	_ =	swait.ge [sflag:s21], $0x2000  }
0x1d4: {  	s29 =	sld [smem:$0x7EC]  }
0x1d5: {  	[sflag:s21] =	ssyncset.done $0x0  }
0x1d6: {  	[sflag:s21] =	ssyncadd.s32 $0xFFFFE000  }
0x1d7: {  	[hbm4b:s29+s23] =	stream.strided.scatter [tilespmem:s1], [sflag:$0x3], $0x2000, s22, s23, $0x38;
	[tilespmem:$0x1F600] =	vst v63  }
0x1d8: {  	_ =	swait.ge [sflag:s21], $0x2000  }
0x1d9: {  	s9 =	sld [smem:$0x7ED]  }
0x1da: {  	[sflag:s21] =	ssyncset.done $0x0  }
0x1db: {  	[sflag:s21] =	ssyncadd.s32 $0xFFFFE000  }
0x1dc: {  	[hbm4b:s9+s23] =	stream.strided.scatter [tilespmem:s1], [sflag:$0x3], $0x2000, s22, s23, $0x38;
	[tilespmem:$0x1F600] =	vst v63  }
0x1dd: {  	_ =	swait.ge [sflag:s21], $0x2000  }
0x1de: {  	s10 =	sld [smem:$0x7EE]  }
0x1df: {  	[sflag:s21] =	ssyncset.done $0x0  }
0x1e0: {  	[sflag:s21] =	ssyncadd.s32 $0xFFFFE000  }
0x1e1: {  	[hbm4b:s10+s23] =	stream.strided.scatter [tilespmem:s1], [sflag:$0x3], $0x2000, s22, s23, $0x38;
	[tilespmem:$0x1F600] =	vst v63  }
0x1e2: {  	_ =	swait.ge [sflag:s21], $0x2000  }
0x1e3: {  	[sflag:s21] =	ssyncset.done $0x0  }
0x1e4: {  	s11 =	simm.s32 $0x300;
	[sflag:s21] =	ssyncadd.s32 $0xFFFFE000  }
0x1e5: {  	[tilespmem:s30], [sflag:$0x2] =	stream.indirect.gather [hbm4b:s19+s25], $0x80, s11, s25, $0xb8;
	[tilespmem:$0x1F600] =	vst v63  }
0x1e6: {  	s12 =	simm.s32 $0x800  }
0x1e7: {  	[tilespmem:s4], [sflag:$0x2] =	stream.indirect.gather [hbm4b:s19+s25], $0x80, s12, s25, $0xb8;
	[tilespmem:$0x1F600] =	vst v63  }
0x1e8: {  	s13 =	simm.s32 $0x880  }
0x1e9: {  	[tilespmem:s28], [sflag:$0x2] =	stream.indirect.gather [hbm4b:s19+s25], $0x80, s13, s25, $0xb8;
	[tilespmem:$0x1F600] =	vst v63  }
0x1ea: {  	s20 =	simm.s32 $0x900  }
0x1eb: {  	[tilespmem:s5], [sflag:$0x2] =	stream.indirect.gather [hbm4b:s19+s25], $0x80, s20, s25, $0xb8;
	[tilespmem:$0x1F600] =	vst v63  }
0x1ec: {  	s26 =	simm.s32 $0x980  }
0x1ed: {  	[tilespmem:s31], [sflag:$0x2] =	stream.indirect.gather [hbm4b:s19+s25], $0x80, s26, s25, $0xb8;
	[tilespmem:$0x1F600] =	vst v63  }
0x1ee: {  	_ =	swait.ge [sflag:s6], $0x4000  }
0x1ef: {  	[sflag:s6] =	ssyncset.done $0x0  }
0x1f0: {  	s29 =	simm.s32 $0x180;
	[sflag:s6] =	ssyncadd.s32 $0xFFFFC000  }
0x1f1: {  	[tilespmem:s24], [sflag:$0x1] =	stream.indirect.gather [hbm4b:s18+s25], $0x80, s29, s25, $0xb8;
	[tilespmem:$0x1F600] =	vst v63  }
0x1f2: {  	_ =	swait.ge [sflag:s7], $0x4000  }
0x1f3: {  	[sflag:s7] =	ssyncset.done $0x0  }
0x1f4: {  	[sflag:s7] =	ssyncadd.s32 $0xFFFFC000  }
0x1f5: {  	_ =	swait.ge [sflag:s7], $0x10000  }
0x1f6: {  	[sflag:s7] =	ssyncset.done $0x0  }
0x1f7: {  	s0 =	simm.s32 $0x0;
	s9 =	simm.s32 $0x0;
	[sflag:s7] =	ssyncadd.s32 $0xFFFF0000  }
.LBB2_10:
0x1f8: {  	s29 =	sshll.u32 s9, $0x4  }
0x1f9: {  	v6 =	vor.u32 s29, v0  }
0x1fa: {  	v8 =	vshll.u32 v6, $0x7  }
0x1fb: {  	v9 =	vor.u32 s0, v8;
	_ =	sdelay $0x2  }
0x1fc: {  	v4 =	vmov s0  }
0x1fd: {  	v5 =	vmov s29;
	v4 =	vshll.u32 v4, $0x7  }
0x1fe: {  	s10 =	simm.s32 $0x1;
	v7 =	vshll.u32 v5, $0x7;
	v11 =	vadd.s32 v6, v4;
	v10 =	vld.idx.msk [tilespmem:v9+s3+$0x0], $0xffff  }
0x1ff: {  	v4 =	vor.u32 v1, v7;
	v13 =	vor.u32 s10, v8  }
0x200: {  	v5 =	vor.u32 v2, v7;
	v12 =	vor.u32 s0, v4  }
0x201: {  	v7 =	vor.u32 v3, v7;
	v14 =	vor.u32 s0, v5  }
0x202: {  	v16 =	vmov s10;
	v15 =	vor.u32 s0, v7  }
0x203: {  	[tilespmem:v11+s1+$0x0] =	vst.idx.msk $0xffff, v10;
	v11 =	vshll.u32 v16, $0x7  }
0x204: {  	s11 =	simm.s32 $0x2;
	v17 =	vld.idx.msk [tilespmem:v13+s3+$0x0], $0xffff;
	v11 =	vadd.s32 v6, v11  }
0x205: {  	v18 =	vor.u32 s11, v8;
	v16 =	vld.idx.msk [tilespmem:v12+s4+$0x0], $0xffff  }
0x206: {  	v14 =	vld.idx.msk [tilespmem:v14+s4+$0x0], $0xffff;
	v12 =	vor.u32 s10, v4  }
0x207: {  	v20 =	vor.u32 s10, v5;
	v15 =	vld.idx.msk [tilespmem:v15+s4+$0x0], $0xffff  }
0x208: {  	v22 =	vmov s11;
	v19 =	vld.idx.msk [tilespmem:v9+s4+$0x0], $0xffff  }
0x209: {  	v21 =	vld.idx.msk [tilespmem:v9+s30+$0x0], $0xffff;
	[tilespmem:v11+s1+$0x0] =	vst.idx.msk $0xffff, v17;
	v11 =	vshll.u32 v22, $0x7  }
0x20a: {  	s12 =	simm.s32 $0x3;
	v9 =	vor.u32 s10, v7;
	v22 =	vld.idx.msk [tilespmem:v18+s3+$0x0], $0xffff;
	v24 =	vadd.s32 v6, v11  }
0x20b: {  	v26 =	vor.u32 s12, v8;
	v23 =	vld.idx.msk [tilespmem:v12+s4+$0x0], $0xffff  }
0x20c: {  	v28 =	vimm.f32 $0.0e+00;
	v32 =	vor.u32 s11, v4;
	v35 =	vor.u32 s12, v4;
	v20 =	vld.idx.msk [tilespmem:v20+s4+$0x0], $0xffff  }
0x20d: {  	v39 =	vor.u32 s12, v7;
	v40 =	vor.u32 s12, v5;
	v29 =	vmul.f32 v16, v10;
	v27 =	vld.idx.msk [tilespmem:v13+s4+$0x0], $0xffff  }
0x20e: {  	v16 =	vor.u32 s11, v7;
	v14 =	vmul.f32 v14, v10;
	v30 =	vld.idx.msk [tilespmem:v13+s30+$0x0], $0xffff;
	v13 =	vmov s12  }
0x20f: {  	v19 =	vmul.f32 v19, v10;
	v25 =	vld.idx.msk [tilespmem:v9+s4+$0x0], $0xffff;
	v31 =	vshll.u32 v13, $0x7;
	[tilespmem:v24+s1+$0x0] =	vst.idx.msk $0xffff, v22;
	v24 =	vor.u32 s11, v5  }
0x210: {  	s26 =	simm.s32 $0x4;
	s10 =	simm.s32 $0x8;
	v34 =	vmul.f32 v15, v10;
	v21 =	vmul.f32 v21, v10;
	v31 =	vadd.s32 v6, v31;
	v13 =	vld.idx.msk [tilespmem:v26+s3+$0x0], $0xffff  }
0x211: {  	v10 =	vor.u32 s10, v8;
	v12 =	vor.u32 s26, v7;
	v11 =	vor.u32 s26, v8;
	v33 =	vld.idx.msk [tilespmem:v18+s30+$0x0], $0xffff  }
0x212: {  	v15 =	vadd.f32 v19, v28;
	v14 =	vadd.f32 v14, v28;
	v19 =	vmul.f32 v20, v17;
	v20 =	vld.idx.msk [tilespmem:v18+s4+$0x0], $0xffff  }
0x213: {  	v29 =	vadd.f32 v29, v28;
	v21 =	vadd.f32 v21, v28;
	v23 =	vmul.f32 v23, v17;
	v38 =	vld.idx.msk [tilespmem:v32+s4+$0x0], $0xffff  }
0x214: {  	v30 =	vmul.f32 v30, v17;
	v18 =	vmul.f32 v25, v17;
	v37 =	vadd.f32 v19, v14;
	v19 =	vld.idx.msk [tilespmem:v24+s4+$0x0], $0xffff  }
0x215: {  	v9 =	vor.u32 s10, v7;
	v36 =	vld.idx.msk [tilespmem:v16+s4+$0x0], $0xffff;
	v16 =	vmul.f32 v27, v17;
	v25 =	vor.u32 s26, v5;
	[tilespmem:v31+s1+$0x0] =	vst.idx.msk $0xffff, v13  }
0x216: {  	v27 =	vor.u32 s26, v4;
	v14 =	vmov s26;
	v62 =	vadd.f32 v23, v29;
	v41 =	vld.idx.msk [tilespmem:v26+s30+$0x0], $0xffff  }
0x217: {  	v63 =	vadd.f32 v30, v21;
	v30 =	vadd.f32 v34, v28;
	v61 =	vshll.u32 v14, $0x7;
	v24 =	vld.idx.msk [tilespmem:v35+s4+$0x0], $0xffff  }
0x218: {  	s12 =	simm.s32 $0x5;
	v32 =	vadd.s32 v6, v61;
	v31 =	vmul.f32 v33, v22;
	v38 =	vmul.f32 v38, v22;
	v14 =	vld.idx.msk [tilespmem:v11+s3+$0x0], $0xffff  }
0x219: {  	v17 =	vmul.f32 v20, v22;
	v23 =	vld.idx.msk [tilespmem:v40+s4+$0x0], $0xffff;
	v29 =	vmul.f32 v19, v22;
	v19 =	vor.u32 s12, v8  }
0x21a: {  	v20 =	vmul.f32 v36, v22;
	v33 =	vmov s12;
	v28 =	vadd.f32 v38, v62;
	v22 =	vld.idx.msk [tilespmem:v39+s4+$0x0], $0xffff  }
0x21b: {  	s11 =	simm.s32 $0xC;
	v26 =	vld.idx.msk [tilespmem:v26+s4+$0x0], $0xffff;
	v21 =	vadd.f32 v29, v37;
	v29 =	vadd.f32 v31, v63;
	v31 =	vmul.f32 v41, v13  }
.LBB2_11:
0x21c: {  	p0 =	sne.s32 s11, $0x3C;
	v33 =	vshll.u32 v33, $0x7;
	v18 =	vadd.f32 v18, v30;
	v24 =	vmul.f32 v24, v13;
	s13 =	smov.u32 s11;
	s11 =	sadd.s32 $0x4, s11  }
0x21d: {  	v30 =	vor.u32 s13, v7;
	[tilespmem:v32+s1+$0x0] =	vst.idx.msk $0xffff, v14;
	v32 =	vadd.s32 v6, v33;
	v29 =	vadd.f32 v31, v29  }
0x21e: {  	v15 =	vadd.f32 v16, v15;
	v16 =	vmul.f32 v23, v13;
	v31 =	vld.idx.msk [tilespmem:v19+s3+$0x0], $0xffff;
	v23 =	vadd.f32 v24, v28  }
0x21f: {  	s20 =	sadd.s32 $0x2, s26;
	v18 =	vadd.f32 v20, v18;
	v20 =	vmul.f32 v22, v13;
	v24 =	vld.idx.msk [tilespmem:v27+s4+$0x0], $0xffff  }
0x220: {  	v13 =	vmul.f32 v26, v13;
	v16 =	vadd.f32 v16, v21;
	v22 =	vld.idx.msk [tilespmem:v25+s4+$0x0], $0xffff;
	v25 =	vor.u32 s20, v8  }
0x221: {  	v15 =	vadd.f32 v17, v15;
	v26 =	vor.u32 s12, v4;
	v27 =	vmov s20;
	v21 =	vld.idx.msk [tilespmem:v12+s4+$0x0], $0xffff;
	v12 =	vmovc v9;
	v9 =	vmovc v30  }
0x222: {  	v28 =	vor.u32 s12, v5;
	v27 =	vshll.u32 v27, $0x7;
	v30 =	vadd.f32 v20, v18;
	v17 =	vld.idx.msk [tilespmem:v11+s4+$0x0], $0xffff  }
0x223: {  	v20 =	vor.u32 s12, v7;
	v13 =	vadd.f32 v13, v15;
	v18 =	vld.idx.msk [tilespmem:v11+s30+$0x0], $0xffff;
	v11 =	vmov v10  }
0x224: {  	[tilespmem:v32+s1+$0x0] =	vst.idx.msk $0xffff, v31  }
0x225: {  	v24 =	vmul.f32 v24, v14;
	v33 =	vld.idx.msk [tilespmem:v25+s3+$0x0], $0xffff  }
0x226: {  	s12 =	sadd.s32 $0x3, s26;
	s26 =	smov.u32 s10;
	s10 =	smov.u32 s13;
	v10 =	vmul.f32 v22, v14;
	v22 =	vld.idx.msk [tilespmem:v26+s4+$0x0], $0xffff;
	v26 =	vadd.s32 v6, v27  }
0x227: {  	v15 =	vmov s12;
	v21 =	vmul.f32 v21, v14;
	v27 =	vld.idx.msk [tilespmem:v28+s4+$0x0], $0xffff;
	v28 =	vor.u32 s12, v8  }
0x228: {  	v32 =	vshll.u32 v15, $0x7;
	v17 =	vmul.f32 v17, v14;
	v20 =	vld.idx.msk [tilespmem:v20+s4+$0x0], $0xffff  }
0x229: {  	v34 =	vmul.f32 v18, v14;
	v14 =	vld.idx.msk [tilespmem:v19+s4+$0x0], $0xffff  }
0x22a: {  	v15 =	vadd.f32 v17, v13;
	v17 =	vld.idx.msk [tilespmem:v19+s30+$0x0], $0xffff;
	v19 =	vor.u32 s20, v7  }
0x22b: {  	[tilespmem:v26+s1+$0x0] =	vst.idx.msk $0xffff, v33;
	v26 =	vor.u32 s20, v5  }
0x22c: {  	v35 =	vor.u32 s20, v4;
	v22 =	vmul.f32 v22, v31;
	v13 =	vld.idx.msk [tilespmem:v28+s3+$0x0], $0xffff  }
0x22d: {  	v32 =	vadd.s32 v6, v32;
	v36 =	vadd.f32 v10, v16;
	v27 =	vmul.f32 v27, v31;
	v37 =	vld.idx.msk [tilespmem:v25+s30+$0x0], $0xffff  }
0x22e: {  	v38 =	vor.u32 s12, v4;
	v18 =	vmul.f32 v20, v31;
	v20 =	vld.idx.msk [tilespmem:v25+s4+$0x0], $0xffff  }
0x22f: {  	v10 =	vor.u32 s10, v8;
	v16 =	vmul.f32 v14, v31;
	v36 =	vadd.f32 v27, v36;
	v19 =	vld.idx.msk [tilespmem:v19+s4+$0x0], $0xffff  }
0x230: {  	v31 =	vmul.f32 v17, v31;
	v26 =	vld.idx.msk [tilespmem:v26+s4+$0x0], $0xffff  }
0x231: {  	v39 =	vor.u32 s12, v7;
	v40 =	vor.u32 s12, v5;
	v35 =	vld.idx.msk [tilespmem:v35+s4+$0x0], $0xffff  }
0x232: {  	[tilespmem:v32+s1+$0x0] =	vst.idx.msk $0xffff, v13  }
0x233: {  	v25 =	vor.u32 s26, v5;
	v27 =	vor.u32 s26, v4;
	v37 =	vmul.f32 v37, v33;
	v41 =	vld.idx.msk [tilespmem:v28+s30+$0x0], $0xffff  }
0x234: {  	v23 =	vadd.f32 v24, v23;
	v32 =	vmov s26;
	v17 =	vmul.f32 v20, v33;
	v24 =	vld.idx.msk [tilespmem:v38+s4+$0x0], $0xffff  }
.Ltmp4:
0x235: {  	v29 =	vadd.f32 v34, v29;
	v32 =	vshll.u32 v32, $0x7;
	v20 =	vmul.f32 v19, v33;
	v14 =	vld.idx.msk [tilespmem:v11+s3+$0x0], $0xffff;
	(pc) =	sbr.rel @p0 .LBB2_11-.Ltmp4, $4  }
0x236: {  	s12 =	sadd.s32 $0x1, s26;
	v34 =	vadd.f32 v22, v23;
	v32 =	vadd.s32 v6, v32;
	v26 =	vmul.f32 v26, v33;
	v23 =	vld.idx.msk [tilespmem:v40+s4+$0x0], $0xffff  }
0x237: {  	v29 =	vadd.f32 v31, v29;
	v19 =	vor.u32 s12, v8;
	v31 =	vmul.f32 v35, v33;
	v22 =	vld.idx.msk [tilespmem:v39+s4+$0x0], $0xffff  }
0x238: {  	v30 =	vadd.f32 v21, v30;
	v33 =	vmov s12;
	v21 =	vadd.f32 v26, v36;
	v26 =	vld.idx.msk [tilespmem:v28+s4+$0x0], $0xffff  }
0x239: {  	v29 =	vadd.f32 v37, v29;
	v28 =	vadd.f32 v31, v34;
	v31 =	vmul.f32 v41, v13  }
0x23a: {  	_ =	sdelay $0x3  }
0x23b: {  	[tilespmem:v32+s1+$0x0] =	vst.idx.msk $0xffff, v14;
	v62 =	vshll.u32 v33, $0x7  }
0x23c: {  	s11 =	sadd.s32 $0x2, s26;
	v33 =	vld.idx.msk [tilespmem:v19+s3+$0x0], $0xffff;
	v32 =	vadd.s32 v6, v62  }
0x23d: {  	v27 =	vld.idx.msk [tilespmem:v27+s4+$0x0], $0xffff;
	v34 =	vor.u32 s11, v8  }
0x23e: {  	v35 =	vor.u32 s12, v4;
	v25 =	vld.idx.msk [tilespmem:v25+s4+$0x0], $0xffff  }
0x23f: {  	v37 =	vor.u32 s12, v5;
	v12 =	vld.idx.msk [tilespmem:v12+s4+$0x0], $0xffff  }
0x240: {  	v38 =	vor.u32 s12, v7;
	v36 =	vld.idx.msk [tilespmem:v11+s4+$0x0], $0xffff;
	v39 =	vmov s11  }
0x241: {  	v63 =	vld.idx.msk [tilespmem:v11+s30+$0x0], $0xffff;
	v48 =	vshll.u32 v39, $0x7;
	[tilespmem:v32+s1+$0x0] =	vst.idx.msk $0xffff, v33  }
0x242: {  	s26 =	sadd.s32 $0x3, s26;
	v32 =	vadd.s32 v6, v48;
	v39 =	vld.idx.msk [tilespmem:v34+s3+$0x0], $0xffff  }
0x243: {  	v40 =	vor.u32 s26, v8;
	v35 =	vld.idx.msk [tilespmem:v35+s4+$0x0], $0xffff  }
0x244: {  	v18 =	vadd.f32 v18, v30;
	v37 =	vld.idx.msk [tilespmem:v37+s4+$0x0], $0xffff  }
0x245: {  	v24 =	vmul.f32 v24, v13;
	v53 =	vmov s10;
	v15 =	vadd.f32 v16, v15;
	v38 =	vld.idx.msk [tilespmem:v38+s4+$0x0], $0xffff  }
0x246: {  	v57 =	vor.u32 s10, v4;
	v42 =	vor.u32 s11, v7;
	v43 =	vmov s26;
	v41 =	vld.idx.msk [tilespmem:v19+s4+$0x0], $0xffff  }
0x247: {  	v59 =	vor.u32 s10, v5;
	v50 =	vor.u32 s11, v5;
	v43 =	vshll.u32 v43, $0x7;
	v49 =	vld.idx.msk [tilespmem:v19+s30+$0x0], $0xffff;
	[tilespmem:v32+s1+$0x0] =	vst.idx.msk $0xffff, v39  }
0x248: {  	v44 =	vor.u32 s11, v4;
	v47 =	vor.u32 s26, v4;
	v43 =	vadd.s32 v6, v43;
	v45 =	vld.idx.msk [tilespmem:v40+s3+$0x0], $0xffff  }
0x249: {  	s13 =	sadd.s32 $0x1, s10;
	v51 =	vor.u32 s26, v5;
	v29 =	vadd.f32 v31, v29;
	v52 =	vor.u32 s26, v7;
	v46 =	vld.idx.msk [tilespmem:v34+s30+$0x0], $0xffff  }
0x24a: {  	v55 =	vshll.u32 v53, $0x7;
	v23 =	vmul.f32 v23, v13;
	v53 =	vor.u32 s13, v7;
	v34 =	vld.idx.msk [tilespmem:v34+s4+$0x0], $0xffff  }
0x24b: {  	v54 =	vadd.f32 v24, v28;
	v18 =	vadd.f32 v20, v18;
	v22 =	vmul.f32 v22, v13;
	v42 =	vld.idx.msk [tilespmem:v42+s4+$0x0], $0xffff  }
0x24c: {  	v28 =	vadd.s32 v6, v55;
	v15 =	vadd.f32 v17, v15;
	v56 =	vmul.f32 v26, v13;
	v32 =	vld.idx.msk [tilespmem:v50+s4+$0x0], $0xffff  }
0x24d: {  	v62 =	vmov s13;
	v21 =	vadd.f32 v23, v21;
	v18 =	vadd.f32 v22, v18;
	v30 =	vld.idx.msk [tilespmem:v44+s4+$0x0], $0xffff;
	[tilespmem:v43+s1+$0x0] =	vst.idx.msk $0xffff, v45  }
0x24e: {  	v13 =	vadd.f32 v56, v15;
	v58 =	vmul.f32 v27, v14;
	v61 =	vmul.f32 v36, v14;
	v20 =	vld.idx.msk [tilespmem:v10+s3+$0x0], $0xffff  }
0x24f: {  	v60 =	vmul.f32 v25, v14;
	v12 =	vmul.f32 v12, v14;
	v43 =	vor.u32 s13, v8;
	v24 =	vld.idx.msk [tilespmem:v40+s30+$0x0], $0xffff  }
0x250: {  	s20 =	sadd.s32 $0x2, s10;
	v11 =	vmul.f32 v63, v14;
	v14 =	vshll.u32 v62, $0x7;
	v13 =	vadd.f32 v61, v13;
	v26 =	vld.idx.msk [tilespmem:v47+s4+$0x0], $0xffff  }
0x251: {  	v48 =	vor.u32 s20, v8;
	v15 =	vadd.f32 v60, v21;
	v16 =	vadd.f32 v58, v54;
	v23 =	vld.idx.msk [tilespmem:v51+s4+$0x0], $0xffff  }
0x252: {  	v14 =	vadd.s32 v6, v14;
	v11 =	vadd.f32 v11, v29;
	v12 =	vadd.f32 v12, v18;
	v31 =	vld.idx.msk [tilespmem:v52+s4+$0x0], $0xffff  }
0x253: {  	s26 =	sadd.s32 $0x3, s10;
	v55 =	vmov s20;
	v63 =	vmul.f32 v35, v33;
	v19 =	vmul.f32 v49, v33;
	v36 =	vld.idx.msk [tilespmem:v40+s4+$0x0], $0xffff;
	[tilespmem:v28+s1+$0x0] =	vst.idx.msk $0xffff, v20  }
0x254: {  	v58 =	vor.u32 s26, v8;
	v49 =	vor.u32 s13, v4;
	v44 =	vmul.f32 v38, v33;
	v21 =	vld.idx.msk [tilespmem:v43+s3+$0x0], $0xffff  }
0x255: {  	v16 =	vadd.f32 v63, v16;
	v11 =	vadd.f32 v19, v11;
	v63 =	vor.u32 s20, v7;
	v17 =	vld.idx.msk [tilespmem:v57+s4+$0x0], $0xffff  }
0x256: {  	v12 =	vadd.f32 v44, v12;
	v54 =	vmul.f32 v46, v39;
	v32 =	vmul.f32 v32, v39;
	v47 =	vld.idx.msk [tilespmem:v59+s4+$0x0], $0xffff  }
0x257: {  	v30 =	vmul.f32 v30, v39;
	v60 =	vmul.f32 v42, v39;
	v51 =	vor.u32 s13, v5;
	v9 =	vld.idx.msk [tilespmem:v9+s4+$0x0], $0xffff  }
0x258: {  	v42 =	vor.u32 s20, v4;
	v4 =	vor.u32 s26, v4;
	v40 =	vmul.f32 v37, v33;
	v50 =	vld.idx.msk [tilespmem:v10+s4+$0x0], $0xffff  }
0x259: {  	v33 =	vmul.f32 v41, v33;
	v41 =	vor.u32 s20, v5;
	v52 =	vld.idx.msk [tilespmem:v10+s30+$0x0], $0xffff;
	[tilespmem:v14+s1+$0x0] =	vst.idx.msk $0xffff, v21;
	v14 =	vshll.u32 v55, $0x7  }
0x25a: {  	v11 =	vadd.f32 v54, v11;
	v16 =	vadd.f32 v30, v16;
	v18 =	vld.idx.msk [tilespmem:v48+s3+$0x0], $0xffff;
	v14 =	vadd.s32 v6, v14  }
0x25b: {  	v5 =	vor.u32 s26, v5;
	v12 =	vadd.f32 v60, v12;
	v15 =	vadd.f32 v40, v15;
	v56 =	vld.idx.msk [tilespmem:v49+s4+$0x0], $0xffff  }
0x25c: {  	v13 =	vadd.f32 v33, v13;
	v40 =	vmov s26;
	v24 =	vmul.f32 v24, v45;
	v57 =	vld.idx.msk [tilespmem:v51+s4+$0x0], $0xffff  }
0x25d: {  	v15 =	vadd.f32 v32, v15;
	v26 =	vmul.f32 v26, v45;
	v23 =	vmul.f32 v23, v45;
	v19 =	vld.idx.msk [tilespmem:v53+s4+$0x0], $0xffff  }
0x25e: {  	v32 =	vshll.u32 v40, $0x7;
	v31 =	vmul.f32 v31, v45;
	v59 =	vmul.f32 v34, v39;
	v61 =	vld.idx.msk [tilespmem:v43+s4+$0x0], $0xffff  }
0x25f: {  	v36 =	vmul.f32 v36, v45;
	v11 =	vadd.f32 v24, v11;
	v62 =	vld.idx.msk [tilespmem:v43+s30+$0x0], $0xffff;
	[tilespmem:v14+s1+$0x0] =	vst.idx.msk $0xffff, v18  }
0x260: {  	v45 =	vadd.s32 v6, v32;
	v16 =	vadd.f32 v26, v16;
	v13 =	vadd.f32 v59, v13;
	v43 =	vld.idx.msk [tilespmem:v58+s3+$0x0], $0xffff  }
0x261: {  	v15 =	vadd.f32 v23, v15;
	v12 =	vadd.f32 v31, v12;
	v17 =	vmul.f32 v17, v20;
	v44 =	vld.idx.msk [tilespmem:v48+s30+$0x0], $0xffff  }
0x262: {  	v13 =	vadd.f32 v36, v13;
	v22 =	vmul.f32 v47, v20;
	v28 =	vmul.f32 v50, v20;
	v46 =	vld.idx.msk [tilespmem:v48+s4+$0x0], $0xffff  }
0x263: {  	v9 =	vmul.f32 v9, v20;
	v10 =	vmul.f32 v52, v20;
	v47 =	vld.idx.msk [tilespmem:v63+s4+$0x0], $0xffff;
	v48 =	vor.u32 s26, v7  }
0x264: {  	v15 =	vadd.f32 v22, v15;
	v52 =	vadd.f32 v28, v13;
	v49 =	vmul.f32 v56, v21;
	v14 =	vld.idx.msk [tilespmem:v41+s4+$0x0], $0xffff  }
0x265: {  	v51 =	vmul.f32 v57, v21;
	v53 =	vmul.f32 v19, v21;
	v50 =	vld.idx.msk [tilespmem:v42+s4+$0x0], $0xffff;
	[tilespmem:v45+s1+$0x0] =	vst.idx.msk $0xffff, v43  }
0x266: {  	v10 =	vadd.f32 v10, v11;
	v54 =	vmul.f32 v61, v21;
	v21 =	vmul.f32 v62, v21;
	v55 =	vld.idx.msk [tilespmem:v58+s30+$0x0], $0xffff  }
0x267: {  	v16 =	vadd.f32 v17, v16;
	v9 =	vadd.f32 v9, v12;
	v8 =	vld.idx.msk [tilespmem:v58+s4+$0x0], $0xffff  }
0x268: {  	v15 =	vadd.f32 v51, v15;
	v10 =	vadd.f32 v21, v10;
	v7 =	vld.idx.msk [tilespmem:v48+s4+$0x0], $0xffff  }
0x269: {  	v59 =	vadd.f32 v49, v16;
	v6 =	vadd.f32 v54, v52;
	v56 =	vmul.f32 v44, v18;
	v5 =	vld.idx.msk [tilespmem:v5+s4+$0x0], $0xffff  }
0x26a: {  	v9 =	vadd.f32 v53, v9;
	v57 =	vmul.f32 v46, v18;
	v14 =	vmul.f32 v14, v18;
	v4 =	vld.idx.msk [tilespmem:v4+s4+$0x0], $0xffff  }
0x26b: {  	v58 =	vmul.f32 v47, v18;
	v10 =	vadd.f32 v56, v10;
	v60 =	vmul.f32 v55, v43  }
0x26c: {  	v61 =	vmul.f32 v50, v18;
	v6 =	vadd.f32 v57, v6;
	v8 =	vmul.f32 v8, v43  }
0x26d: {  	s9 =	sadd.s32 $0x1, s9;
	v9 =	vadd.f32 v58, v9;
	v7 =	vmul.f32 v7, v43;
	v10 =	vadd.f32 v60, v10  }
0x26e: {  	p0 =	sne.s32 s9, $0x8;
	v62 =	vadd.f32 v14, v15;
	v5 =	vmul.f32 v5, v43;
	v6 =	vadd.f32 v8, v6  }
.Ltmp5:
0x26f: {  	v63 =	vadd.f32 v61, v59;
	v4 =	vmul.f32 v4, v43;
	v7 =	vadd.f32 v7, v9;
	[tilespmem:s29+$0x1ED00] =	vst v10;
	(pc) =	sbr.rel @p0 .LBB2_10-.Ltmp5, $4  }
0x270: {  	v5 =	vadd.f32 v5, v62;
	[tilespmem:s29+$0x1F200] =	vst v6  }
0x271: {  	v4 =	vadd.f32 v4, v63;
	[tilespmem:s29+$0x1F280] =	vst v7  }
0x272: {  	[tilespmem:s29+$0x1F300] =	vst v5  }
0x273: {  	[tilespmem:s29+$0x1F380] =	vst v4  }
0x274: {  	s0 =	sld [smem:$0x7EF];
	_ =	sdelay $0x2  }
0x275: {  	[hbm4b:s0+s23] =	stream.strided.scatter [tilespmem:s1], [sflag:$0x3], $0x2000, s22, s23, $0x38;
	[tilespmem:$0x1F600] =	vst v63  }
0x276: {  	_ =	swait.ge [sflag:s21], $0x2000  }
0x277: {  	s9 =	sld [smem:$0x7F0]  }
0x278: {  	[sflag:s21] =	ssyncset.done $0x0  }
0x279: {  	[sflag:s21] =	ssyncadd.s32 $0xFFFFE000  }
0x27a: {  	[hbm4b:s9+s23] =	stream.strided.scatter [tilespmem:s1], [sflag:$0x3], $0x2000, s22, s23, $0x38;
	[tilespmem:$0x1F600] =	vst v63  }
0x27b: {  	_ =	swait.ge [sflag:s21], $0x2000  }
0x27c: {  	s10 =	sld [smem:$0x7F1]  }
0x27d: {  	[sflag:s21] =	ssyncset.done $0x0  }
0x27e: {  	[sflag:s21] =	ssyncadd.s32 $0xFFFFE000  }
0x27f: {  	[hbm4b:s10+s23] =	stream.strided.scatter [tilespmem:s1], [sflag:$0x3], $0x2000, s22, s23, $0x38;
	[tilespmem:$0x1F600] =	vst v63  }
0x280: {  	_ =	swait.ge [sflag:s21], $0x2000  }
0x281: {  	s11 =	sld [smem:$0x7F2]  }
0x282: {  	[sflag:s21] =	ssyncset.done $0x0  }
0x283: {  	[sflag:s21] =	ssyncadd.s32 $0xFFFFE000  }
0x284: {  	[hbm4b:s11+s23] =	stream.strided.scatter [tilespmem:s1], [sflag:$0x3], $0x2000, s22, s23, $0x38;
	[tilespmem:$0x1F600] =	vst v63  }
0x285: {  	_ =	swait.ge [sflag:s21], $0x2000  }
0x286: {  	[sflag:s21] =	ssyncset.done $0x0  }
0x287: {  	s12 =	simm.s32 $0x380;
	[sflag:s21] =	ssyncadd.s32 $0xFFFFE000  }
0x288: {  	[tilespmem:s30], [sflag:$0x2] =	stream.indirect.gather [hbm4b:s19+s25], $0x80, s12, s25, $0xb8;
	[tilespmem:$0x1F600] =	vst v63  }
0x289: {  	s13 =	simm.s32 $0xA00  }
0x28a: {  	[tilespmem:s4], [sflag:$0x2] =	stream.indirect.gather [hbm4b:s19+s25], $0x80, s13, s25, $0xb8;
	[tilespmem:$0x1F600] =	vst v63  }
0x28b: {  	s20 =	simm.s32 $0xA80  }
0x28c: {  	[tilespmem:s28], [sflag:$0x2] =	stream.indirect.gather [hbm4b:s19+s25], $0x80, s20, s25, $0xb8;
	[tilespmem:$0x1F600] =	vst v63  }
0x28d: {  	s26 =	simm.s32 $0xB00  }
0x28e: {  	[tilespmem:s5], [sflag:$0x2] =	stream.indirect.gather [hbm4b:s19+s25], $0x80, s26, s25, $0xb8;
	[tilespmem:$0x1F600] =	vst v63  }
0x28f: {  	s29 =	simm.s32 $0xB80  }
0x290: {  	[tilespmem:s31], [sflag:$0x2] =	stream.indirect.gather [hbm4b:s19+s25], $0x80, s29, s25, $0xb8;
	[tilespmem:$0x1F600] =	vst v63  }
0x291: {  	_ =	swait.ge [sflag:s6], $0x4000  }
0x292: {  	[sflag:s6] =	ssyncset.done $0x0  }
0x293: {  	[sflag:s6] =	ssyncadd.s32 $0xFFFFC000  }
0x294: {  	_ =	swait.ge [sflag:s7], $0x4000  }
0x295: {  	[sflag:s7] =	ssyncset.done $0x0  }
0x296: {  	[sflag:s7] =	ssyncadd.s32 $0xFFFFC000  }
0x297: {  	_ =	swait.ge [sflag:s7], $0x10000  }
0x298: {  	[sflag:s7] =	ssyncset.done $0x0  }
0x299: {  	s0 =	simm.s32 $0x0;
	s9 =	simm.s32 $0x0;
	[sflag:s7] =	ssyncadd.s32 $0xFFFF0000  }
.LBB2_14:
0x29a: {  	s29 =	sshll.u32 s9, $0x4  }
0x29b: {  	v6 =	vor.u32 s29, v0  }
0x29c: {  	v8 =	vshll.u32 v6, $0x7  }
0x29d: {  	v9 =	vor.u32 s0, v8;
	_ =	sdelay $0x2  }
0x29e: {  	v4 =	vmov s0  }
0x29f: {  	v5 =	vmov s29;
	v4 =	vshll.u32 v4, $0x7  }
0x2a0: {  	s10 =	simm.s32 $0x1;
	v7 =	vshll.u32 v5, $0x7;
	v11 =	vadd.s32 v6, v4;
	v10 =	vld.idx.msk [tilespmem:v9+s24+$0x0], $0xffff  }
0x2a1: {  	v4 =	vor.u32 v1, v7;
	v13 =	vor.u32 s10, v8  }
0x2a2: {  	v5 =	vor.u32 v2, v7;
	v12 =	vor.u32 s0, v4  }
0x2a3: {  	v7 =	vor.u32 v3, v7;
	v14 =	vor.u32 s0, v5  }
0x2a4: {  	v16 =	vmov s10;
	v15 =	vor.u32 s0, v7  }
0x2a5: {  	[tilespmem:v11+s1+$0x0] =	vst.idx.msk $0xffff, v10;
	v11 =	vshll.u32 v16, $0x7  }
0x2a6: {  	s11 =	simm.s32 $0x2;
	v17 =	vld.idx.msk [tilespmem:v13+s24+$0x0], $0xffff;
	v11 =	vadd.s32 v6, v11  }
0x2a7: {  	v18 =	vor.u32 s11, v8;
	v16 =	vld.idx.msk [tilespmem:v12+s4+$0x0], $0xffff  }
0x2a8: {  	v14 =	vld.idx.msk [tilespmem:v14+s4+$0x0], $0xffff;
	v12 =	vor.u32 s10, v4  }
0x2a9: {  	v20 =	vor.u32 s10, v5;
	v15 =	vld.idx.msk [tilespmem:v15+s4+$0x0], $0xffff  }
0x2aa: {  	v22 =	vmov s11;
	v19 =	vld.idx.msk [tilespmem:v9+s4+$0x0], $0xffff  }
0x2ab: {  	v21 =	vld.idx.msk [tilespmem:v9+s30+$0x0], $0xffff;
	[tilespmem:v11+s1+$0x0] =	vst.idx.msk $0xffff, v17;
	v11 =	vshll.u32 v22, $0x7  }
0x2ac: {  	s12 =	simm.s32 $0x3;
	v9 =	vor.u32 s10, v7;
	v22 =	vld.idx.msk [tilespmem:v18+s24+$0x0], $0xffff;
	v24 =	vadd.s32 v6, v11  }
0x2ad: {  	v26 =	vor.u32 s12, v8;
	v23 =	vld.idx.msk [tilespmem:v12+s4+$0x0], $0xffff  }
0x2ae: {  	v28 =	vimm.f32 $0.0e+00;
	v32 =	vor.u32 s11, v4;
	v35 =	vor.u32 s12, v4;
	v20 =	vld.idx.msk [tilespmem:v20+s4+$0x0], $0xffff  }
0x2af: {  	v39 =	vor.u32 s12, v7;
	v40 =	vor.u32 s12, v5;
	v29 =	vmul.f32 v16, v10;
	v27 =	vld.idx.msk [tilespmem:v13+s4+$0x0], $0xffff  }
0x2b0: {  	v16 =	vor.u32 s11, v7;
	v14 =	vmul.f32 v14, v10;
	v30 =	vld.idx.msk [tilespmem:v13+s30+$0x0], $0xffff;
	v13 =	vmov s12  }
0x2b1: {  	v19 =	vmul.f32 v19, v10;
	v25 =	vld.idx.msk [tilespmem:v9+s4+$0x0], $0xffff;
	v31 =	vshll.u32 v13, $0x7;
	[tilespmem:v24+s1+$0x0] =	vst.idx.msk $0xffff, v22;
	v24 =	vor.u32 s11, v5  }
0x2b2: {  	s26 =	simm.s32 $0x4;
	s10 =	simm.s32 $0x8;
	v34 =	vmul.f32 v15, v10;
	v21 =	vmul.f32 v21, v10;
	v31 =	vadd.s32 v6, v31;
	v13 =	vld.idx.msk [tilespmem:v26+s24+$0x0], $0xffff  }
0x2b3: {  	v10 =	vor.u32 s10, v8;
	v12 =	vor.u32 s26, v7;
	v11 =	vor.u32 s26, v8;
	v33 =	vld.idx.msk [tilespmem:v18+s30+$0x0], $0xffff  }
0x2b4: {  	v15 =	vadd.f32 v19, v28;
	v14 =	vadd.f32 v14, v28;
	v19 =	vmul.f32 v20, v17;
	v20 =	vld.idx.msk [tilespmem:v18+s4+$0x0], $0xffff  }
0x2b5: {  	v29 =	vadd.f32 v29, v28;
	v21 =	vadd.f32 v21, v28;
	v23 =	vmul.f32 v23, v17;
	v38 =	vld.idx.msk [tilespmem:v32+s4+$0x0], $0xffff  }
0x2b6: {  	v30 =	vmul.f32 v30, v17;
	v18 =	vmul.f32 v25, v17;
	v37 =	vadd.f32 v19, v14;
	v19 =	vld.idx.msk [tilespmem:v24+s4+$0x0], $0xffff  }
0x2b7: {  	v9 =	vor.u32 s10, v7;
	v36 =	vld.idx.msk [tilespmem:v16+s4+$0x0], $0xffff;
	v16 =	vmul.f32 v27, v17;
	v25 =	vor.u32 s26, v5;
	[tilespmem:v31+s1+$0x0] =	vst.idx.msk $0xffff, v13  }
0x2b8: {  	v27 =	vor.u32 s26, v4;
	v14 =	vmov s26;
	v62 =	vadd.f32 v23, v29;
	v41 =	vld.idx.msk [tilespmem:v26+s30+$0x0], $0xffff  }
0x2b9: {  	v63 =	vadd.f32 v30, v21;
	v30 =	vadd.f32 v34, v28;
	v61 =	vshll.u32 v14, $0x7;
	v24 =	vld.idx.msk [tilespmem:v35+s4+$0x0], $0xffff  }
0x2ba: {  	s12 =	simm.s32 $0x5;
	v32 =	vadd.s32 v6, v61;
	v31 =	vmul.f32 v33, v22;
	v38 =	vmul.f32 v38, v22;
	v14 =	vld.idx.msk [tilespmem:v11+s24+$0x0], $0xffff  }
0x2bb: {  	v17 =	vmul.f32 v20, v22;
	v23 =	vld.idx.msk [tilespmem:v40+s4+$0x0], $0xffff;
	v29 =	vmul.f32 v19, v22;
	v19 =	vor.u32 s12, v8  }
0x2bc: {  	v20 =	vmul.f32 v36, v22;
	v33 =	vmov s12;
	v28 =	vadd.f32 v38, v62;
	v22 =	vld.idx.msk [tilespmem:v39+s4+$0x0], $0xffff  }
0x2bd: {  	s11 =	simm.s32 $0xC;
	v26 =	vld.idx.msk [tilespmem:v26+s4+$0x0], $0xffff;
	v21 =	vadd.f32 v29, v37;
	v29 =	vadd.f32 v31, v63;
	v31 =	vmul.f32 v41, v13  }
.LBB2_15:
0x2be: {  	p0 =	sne.s32 s11, $0x3C;
	v33 =	vshll.u32 v33, $0x7;
	v18 =	vadd.f32 v18, v30;
	v24 =	vmul.f32 v24, v13;
	s13 =	smov.u32 s11;
	s11 =	sadd.s32 $0x4, s11  }
0x2bf: {  	v30 =	vor.u32 s13, v7;
	[tilespmem:v32+s1+$0x0] =	vst.idx.msk $0xffff, v14;
	v32 =	vadd.s32 v6, v33;
	v29 =	vadd.f32 v31, v29  }
0x2c0: {  	v15 =	vadd.f32 v16, v15;
	v16 =	vmul.f32 v23, v13;
	v31 =	vld.idx.msk [tilespmem:v19+s24+$0x0], $0xffff;
	v23 =	vadd.f32 v24, v28  }
0x2c1: {  	s20 =	sadd.s32 $0x2, s26;
	v18 =	vadd.f32 v20, v18;
	v20 =	vmul.f32 v22, v13;
	v24 =	vld.idx.msk [tilespmem:v27+s4+$0x0], $0xffff  }
0x2c2: {  	v13 =	vmul.f32 v26, v13;
	v16 =	vadd.f32 v16, v21;
	v22 =	vld.idx.msk [tilespmem:v25+s4+$0x0], $0xffff;
	v25 =	vor.u32 s20, v8  }
0x2c3: {  	v15 =	vadd.f32 v17, v15;
	v26 =	vor.u32 s12, v4;
	v27 =	vmov s20;
	v21 =	vld.idx.msk [tilespmem:v12+s4+$0x0], $0xffff;
	v12 =	vmovc v9;
	v9 =	vmovc v30  }
0x2c4: {  	v28 =	vor.u32 s12, v5;
	v27 =	vshll.u32 v27, $0x7;
	v30 =	vadd.f32 v20, v18;
	v17 =	vld.idx.msk [tilespmem:v11+s4+$0x0], $0xffff  }
0x2c5: {  	v20 =	vor.u32 s12, v7;
	v13 =	vadd.f32 v13, v15;
	v18 =	vld.idx.msk [tilespmem:v11+s30+$0x0], $0xffff;
	v11 =	vmov v10  }
0x2c6: {  	[tilespmem:v32+s1+$0x0] =	vst.idx.msk $0xffff, v31  }
0x2c7: {  	v24 =	vmul.f32 v24, v14;
	v33 =	vld.idx.msk [tilespmem:v25+s24+$0x0], $0xffff  }
0x2c8: {  	s12 =	sadd.s32 $0x3, s26;
	s26 =	smov.u32 s10;
	s10 =	smov.u32 s13;
	v10 =	vmul.f32 v22, v14;
	v22 =	vld.idx.msk [tilespmem:v26+s4+$0x0], $0xffff;
	v26 =	vadd.s32 v6, v27  }
0x2c9: {  	v15 =	vmov s12;
	v21 =	vmul.f32 v21, v14;
	v27 =	vld.idx.msk [tilespmem:v28+s4+$0x0], $0xffff;
	v28 =	vor.u32 s12, v8  }
0x2ca: {  	v32 =	vshll.u32 v15, $0x7;
	v17 =	vmul.f32 v17, v14;
	v20 =	vld.idx.msk [tilespmem:v20+s4+$0x0], $0xffff  }
0x2cb: {  	v34 =	vmul.f32 v18, v14;
	v14 =	vld.idx.msk [tilespmem:v19+s4+$0x0], $0xffff  }
0x2cc: {  	v15 =	vadd.f32 v17, v13;
	v17 =	vld.idx.msk [tilespmem:v19+s30+$0x0], $0xffff;
	v19 =	vor.u32 s20, v7  }
0x2cd: {  	[tilespmem:v26+s1+$0x0] =	vst.idx.msk $0xffff, v33;
	v26 =	vor.u32 s20, v5  }
0x2ce: {  	v35 =	vor.u32 s20, v4;
	v22 =	vmul.f32 v22, v31;
	v13 =	vld.idx.msk [tilespmem:v28+s24+$0x0], $0xffff  }
0x2cf: {  	v32 =	vadd.s32 v6, v32;
	v36 =	vadd.f32 v10, v16;
	v27 =	vmul.f32 v27, v31;
	v37 =	vld.idx.msk [tilespmem:v25+s30+$0x0], $0xffff  }
0x2d0: {  	v38 =	vor.u32 s12, v4;
	v18 =	vmul.f32 v20, v31;
	v20 =	vld.idx.msk [tilespmem:v25+s4+$0x0], $0xffff  }
0x2d1: {  	v10 =	vor.u32 s10, v8;
	v16 =	vmul.f32 v14, v31;
	v36 =	vadd.f32 v27, v36;
	v19 =	vld.idx.msk [tilespmem:v19+s4+$0x0], $0xffff  }
0x2d2: {  	v31 =	vmul.f32 v17, v31;
	v26 =	vld.idx.msk [tilespmem:v26+s4+$0x0], $0xffff  }
0x2d3: {  	v39 =	vor.u32 s12, v7;
	v40 =	vor.u32 s12, v5;
	v35 =	vld.idx.msk [tilespmem:v35+s4+$0x0], $0xffff  }
0x2d4: {  	[tilespmem:v32+s1+$0x0] =	vst.idx.msk $0xffff, v13  }
0x2d5: {  	v25 =	vor.u32 s26, v5;
	v27 =	vor.u32 s26, v4;
	v37 =	vmul.f32 v37, v33;
	v41 =	vld.idx.msk [tilespmem:v28+s30+$0x0], $0xffff  }
0x2d6: {  	v23 =	vadd.f32 v24, v23;
	v32 =	vmov s26;
	v17 =	vmul.f32 v20, v33;
	v24 =	vld.idx.msk [tilespmem:v38+s4+$0x0], $0xffff  }
.Ltmp6:
0x2d7: {  	v29 =	vadd.f32 v34, v29;
	v32 =	vshll.u32 v32, $0x7;
	v20 =	vmul.f32 v19, v33;
	v14 =	vld.idx.msk [tilespmem:v11+s24+$0x0], $0xffff;
	(pc) =	sbr.rel @p0 .LBB2_15-.Ltmp6, $4  }
0x2d8: {  	s12 =	sadd.s32 $0x1, s26;
	v34 =	vadd.f32 v22, v23;
	v32 =	vadd.s32 v6, v32;
	v26 =	vmul.f32 v26, v33;
	v23 =	vld.idx.msk [tilespmem:v40+s4+$0x0], $0xffff  }
0x2d9: {  	v29 =	vadd.f32 v31, v29;
	v19 =	vor.u32 s12, v8;
	v31 =	vmul.f32 v35, v33;
	v22 =	vld.idx.msk [tilespmem:v39+s4+$0x0], $0xffff  }
0x2da: {  	v30 =	vadd.f32 v21, v30;
	v33 =	vmov s12;
	v21 =	vadd.f32 v26, v36;
	v26 =	vld.idx.msk [tilespmem:v28+s4+$0x0], $0xffff  }
0x2db: {  	v29 =	vadd.f32 v37, v29;
	v28 =	vadd.f32 v31, v34;
	v31 =	vmul.f32 v41, v13  }
0x2dc: {  	_ =	sdelay $0x3  }
0x2dd: {  	[tilespmem:v32+s1+$0x0] =	vst.idx.msk $0xffff, v14;
	v62 =	vshll.u32 v33, $0x7  }
0x2de: {  	s11 =	sadd.s32 $0x2, s26;
	v33 =	vld.idx.msk [tilespmem:v19+s24+$0x0], $0xffff;
	v32 =	vadd.s32 v6, v62  }
0x2df: {  	v27 =	vld.idx.msk [tilespmem:v27+s4+$0x0], $0xffff;
	v34 =	vor.u32 s11, v8  }
0x2e0: {  	v35 =	vor.u32 s12, v4;
	v25 =	vld.idx.msk [tilespmem:v25+s4+$0x0], $0xffff  }
0x2e1: {  	v37 =	vor.u32 s12, v5;
	v12 =	vld.idx.msk [tilespmem:v12+s4+$0x0], $0xffff  }
0x2e2: {  	v38 =	vor.u32 s12, v7;
	v36 =	vld.idx.msk [tilespmem:v11+s4+$0x0], $0xffff;
	v39 =	vmov s11  }
0x2e3: {  	v63 =	vld.idx.msk [tilespmem:v11+s30+$0x0], $0xffff;
	v48 =	vshll.u32 v39, $0x7;
	[tilespmem:v32+s1+$0x0] =	vst.idx.msk $0xffff, v33  }
0x2e4: {  	s26 =	sadd.s32 $0x3, s26;
	v32 =	vadd.s32 v6, v48;
	v39 =	vld.idx.msk [tilespmem:v34+s24+$0x0], $0xffff  }
0x2e5: {  	v40 =	vor.u32 s26, v8;
	v35 =	vld.idx.msk [tilespmem:v35+s4+$0x0], $0xffff  }
0x2e6: {  	v18 =	vadd.f32 v18, v30;
	v37 =	vld.idx.msk [tilespmem:v37+s4+$0x0], $0xffff  }
0x2e7: {  	v24 =	vmul.f32 v24, v13;
	v53 =	vmov s10;
	v15 =	vadd.f32 v16, v15;
	v38 =	vld.idx.msk [tilespmem:v38+s4+$0x0], $0xffff  }
0x2e8: {  	v57 =	vor.u32 s10, v4;
	v42 =	vor.u32 s11, v7;
	v43 =	vmov s26;
	v41 =	vld.idx.msk [tilespmem:v19+s4+$0x0], $0xffff  }
0x2e9: {  	v59 =	vor.u32 s10, v5;
	v50 =	vor.u32 s11, v5;
	v43 =	vshll.u32 v43, $0x7;
	v49 =	vld.idx.msk [tilespmem:v19+s30+$0x0], $0xffff;
	[tilespmem:v32+s1+$0x0] =	vst.idx.msk $0xffff, v39  }
0x2ea: {  	v44 =	vor.u32 s11, v4;
	v47 =	vor.u32 s26, v4;
	v43 =	vadd.s32 v6, v43;
	v45 =	vld.idx.msk [tilespmem:v40+s24+$0x0], $0xffff  }
0x2eb: {  	s13 =	sadd.s32 $0x1, s10;
	v51 =	vor.u32 s26, v5;
	v29 =	vadd.f32 v31, v29;
	v52 =	vor.u32 s26, v7;
	v46 =	vld.idx.msk [tilespmem:v34+s30+$0x0], $0xffff  }
0x2ec: {  	v55 =	vshll.u32 v53, $0x7;
	v23 =	vmul.f32 v23, v13;
	v53 =	vor.u32 s13, v7;
	v34 =	vld.idx.msk [tilespmem:v34+s4+$0x0], $0xffff  }
0x2ed: {  	v54 =	vadd.f32 v24, v28;
	v18 =	vadd.f32 v20, v18;
	v22 =	vmul.f32 v22, v13;
	v42 =	vld.idx.msk [tilespmem:v42+s4+$0x0], $0xffff  }
0x2ee: {  	v28 =	vadd.s32 v6, v55;
	v15 =	vadd.f32 v17, v15;
	v56 =	vmul.f32 v26, v13;
	v32 =	vld.idx.msk [tilespmem:v50+s4+$0x0], $0xffff  }
0x2ef: {  	v62 =	vmov s13;
	v21 =	vadd.f32 v23, v21;
	v18 =	vadd.f32 v22, v18;
	v30 =	vld.idx.msk [tilespmem:v44+s4+$0x0], $0xffff;
	[tilespmem:v43+s1+$0x0] =	vst.idx.msk $0xffff, v45  }
0x2f0: {  	v13 =	vadd.f32 v56, v15;
	v58 =	vmul.f32 v27, v14;
	v61 =	vmul.f32 v36, v14;
	v20 =	vld.idx.msk [tilespmem:v10+s24+$0x0], $0xffff  }
0x2f1: {  	v60 =	vmul.f32 v25, v14;
	v12 =	vmul.f32 v12, v14;
	v43 =	vor.u32 s13, v8;
	v24 =	vld.idx.msk [tilespmem:v40+s30+$0x0], $0xffff  }
0x2f2: {  	s20 =	sadd.s32 $0x2, s10;
	v11 =	vmul.f32 v63, v14;
	v14 =	vshll.u32 v62, $0x7;
	v13 =	vadd.f32 v61, v13;
	v26 =	vld.idx.msk [tilespmem:v47+s4+$0x0], $0xffff  }
0x2f3: {  	v48 =	vor.u32 s20, v8;
	v15 =	vadd.f32 v60, v21;
	v16 =	vadd.f32 v58, v54;
	v23 =	vld.idx.msk [tilespmem:v51+s4+$0x0], $0xffff  }
0x2f4: {  	v14 =	vadd.s32 v6, v14;
	v11 =	vadd.f32 v11, v29;
	v12 =	vadd.f32 v12, v18;
	v31 =	vld.idx.msk [tilespmem:v52+s4+$0x0], $0xffff  }
0x2f5: {  	s26 =	sadd.s32 $0x3, s10;
	v55 =	vmov s20;
	v63 =	vmul.f32 v35, v33;
	v19 =	vmul.f32 v49, v33;
	v36 =	vld.idx.msk [tilespmem:v40+s4+$0x0], $0xffff;
	[tilespmem:v28+s1+$0x0] =	vst.idx.msk $0xffff, v20  }
0x2f6: {  	v58 =	vor.u32 s26, v8;
	v49 =	vor.u32 s13, v4;
	v44 =	vmul.f32 v38, v33;
	v21 =	vld.idx.msk [tilespmem:v43+s24+$0x0], $0xffff  }
0x2f7: {  	v16 =	vadd.f32 v63, v16;
	v11 =	vadd.f32 v19, v11;
	v63 =	vor.u32 s20, v7;
	v17 =	vld.idx.msk [tilespmem:v57+s4+$0x0], $0xffff  }
0x2f8: {  	v12 =	vadd.f32 v44, v12;
	v54 =	vmul.f32 v46, v39;
	v32 =	vmul.f32 v32, v39;
	v47 =	vld.idx.msk [tilespmem:v59+s4+$0x0], $0xffff  }
0x2f9: {  	v30 =	vmul.f32 v30, v39;
	v60 =	vmul.f32 v42, v39;
	v51 =	vor.u32 s13, v5;
	v9 =	vld.idx.msk [tilespmem:v9+s4+$0x0], $0xffff  }
0x2fa: {  	v42 =	vor.u32 s20, v4;
	v4 =	vor.u32 s26, v4;
	v40 =	vmul.f32 v37, v33;
	v50 =	vld.idx.msk [tilespmem:v10+s4+$0x0], $0xffff  }
0x2fb: {  	v33 =	vmul.f32 v41, v33;
	v41 =	vor.u32 s20, v5;
	v52 =	vld.idx.msk [tilespmem:v10+s30+$0x0], $0xffff;
	[tilespmem:v14+s1+$0x0] =	vst.idx.msk $0xffff, v21;
	v14 =	vshll.u32 v55, $0x7  }
0x2fc: {  	v11 =	vadd.f32 v54, v11;
	v16 =	vadd.f32 v30, v16;
	v18 =	vld.idx.msk [tilespmem:v48+s24+$0x0], $0xffff;
	v14 =	vadd.s32 v6, v14  }
0x2fd: {  	v5 =	vor.u32 s26, v5;
	v12 =	vadd.f32 v60, v12;
	v15 =	vadd.f32 v40, v15;
	v56 =	vld.idx.msk [tilespmem:v49+s4+$0x0], $0xffff  }
0x2fe: {  	v13 =	vadd.f32 v33, v13;
	v40 =	vmov s26;
	v24 =	vmul.f32 v24, v45;
	v57 =	vld.idx.msk [tilespmem:v51+s4+$0x0], $0xffff  }
0x2ff: {  	v15 =	vadd.f32 v32, v15;
	v26 =	vmul.f32 v26, v45;
	v23 =	vmul.f32 v23, v45;
	v19 =	vld.idx.msk [tilespmem:v53+s4+$0x0], $0xffff  }
0x300: {  	v32 =	vshll.u32 v40, $0x7;
	v31 =	vmul.f32 v31, v45;
	v59 =	vmul.f32 v34, v39;
	v61 =	vld.idx.msk [tilespmem:v43+s4+$0x0], $0xffff  }
0x301: {  	v36 =	vmul.f32 v36, v45;
	v11 =	vadd.f32 v24, v11;
	v62 =	vld.idx.msk [tilespmem:v43+s30+$0x0], $0xffff;
	[tilespmem:v14+s1+$0x0] =	vst.idx.msk $0xffff, v18  }
0x302: {  	v45 =	vadd.s32 v6, v32;
	v16 =	vadd.f32 v26, v16;
	v13 =	vadd.f32 v59, v13;
	v43 =	vld.idx.msk [tilespmem:v58+s24+$0x0], $0xffff  }
0x303: {  	v15 =	vadd.f32 v23, v15;
	v12 =	vadd.f32 v31, v12;
	v17 =	vmul.f32 v17, v20;
	v44 =	vld.idx.msk [tilespmem:v48+s30+$0x0], $0xffff  }
0x304: {  	v13 =	vadd.f32 v36, v13;
	v22 =	vmul.f32 v47, v20;
	v28 =	vmul.f32 v50, v20;
	v46 =	vld.idx.msk [tilespmem:v48+s4+$0x0], $0xffff  }
0x305: {  	v9 =	vmul.f32 v9, v20;
	v10 =	vmul.f32 v52, v20;
	v47 =	vld.idx.msk [tilespmem:v63+s4+$0x0], $0xffff;
	v48 =	vor.u32 s26, v7  }
0x306: {  	v15 =	vadd.f32 v22, v15;
	v52 =	vadd.f32 v28, v13;
	v49 =	vmul.f32 v56, v21;
	v14 =	vld.idx.msk [tilespmem:v41+s4+$0x0], $0xffff  }
0x307: {  	v51 =	vmul.f32 v57, v21;
	v53 =	vmul.f32 v19, v21;
	v50 =	vld.idx.msk [tilespmem:v42+s4+$0x0], $0xffff;
	[tilespmem:v45+s1+$0x0] =	vst.idx.msk $0xffff, v43  }
0x308: {  	v10 =	vadd.f32 v10, v11;
	v54 =	vmul.f32 v61, v21;
	v21 =	vmul.f32 v62, v21;
	v55 =	vld.idx.msk [tilespmem:v58+s30+$0x0], $0xffff  }
0x309: {  	v16 =	vadd.f32 v17, v16;
	v9 =	vadd.f32 v9, v12;
	v8 =	vld.idx.msk [tilespmem:v58+s4+$0x0], $0xffff  }
0x30a: {  	v15 =	vadd.f32 v51, v15;
	v10 =	vadd.f32 v21, v10;
	v7 =	vld.idx.msk [tilespmem:v48+s4+$0x0], $0xffff  }
0x30b: {  	v59 =	vadd.f32 v49, v16;
	v6 =	vadd.f32 v54, v52;
	v56 =	vmul.f32 v44, v18;
	v5 =	vld.idx.msk [tilespmem:v5+s4+$0x0], $0xffff  }
0x30c: {  	v9 =	vadd.f32 v53, v9;
	v57 =	vmul.f32 v46, v18;
	v14 =	vmul.f32 v14, v18;
	v4 =	vld.idx.msk [tilespmem:v4+s4+$0x0], $0xffff  }
0x30d: {  	v58 =	vmul.f32 v47, v18;
	v10 =	vadd.f32 v56, v10;
	v60 =	vmul.f32 v55, v43  }
0x30e: {  	v61 =	vmul.f32 v50, v18;
	v6 =	vadd.f32 v57, v6;
	v8 =	vmul.f32 v8, v43  }
0x30f: {  	s9 =	sadd.s32 $0x1, s9;
	v9 =	vadd.f32 v58, v9;
	v7 =	vmul.f32 v7, v43;
	v10 =	vadd.f32 v60, v10  }
0x310: {  	p0 =	sne.s32 s9, $0x8;
	v62 =	vadd.f32 v14, v15;
	v5 =	vmul.f32 v5, v43;
	v6 =	vadd.f32 v8, v6  }
.Ltmp7:
0x311: {  	v63 =	vadd.f32 v61, v59;
	v4 =	vmul.f32 v4, v43;
	v7 =	vadd.f32 v7, v9;
	[tilespmem:s29+$0x1ED80] =	vst v10;
	(pc) =	sbr.rel @p0 .LBB2_14-.Ltmp7, $4  }
0x312: {  	v5 =	vadd.f32 v5, v62;
	[tilespmem:s29+$0x1F400] =	vst v6  }
0x313: {  	v4 =	vadd.f32 v4, v63;
	[tilespmem:s29+$0x1F480] =	vst v7  }
0x314: {  	[tilespmem:s29+$0x1F500] =	vst v5  }
0x315: {  	[tilespmem:s29+$0x1F580] =	vst v4  }
0x316: {  	s0 =	sld [smem:$0x7F3];
	_ =	sdelay $0x2  }
0x317: {  	[hbm4b:s0+s23] =	stream.strided.scatter [tilespmem:s1], [sflag:$0x3], $0x2000, s22, s23, $0x38;
	[tilespmem:$0x1F600] =	vst v63  }
0x318: {  	_ =	swait.ge [sflag:s21], $0x2000  }
0x319: {  	s13 =	sld [smem:$0x7F4]  }
0x31a: {  	[sflag:s21] =	ssyncset.done $0x0  }
0x31b: {  	[sflag:s21] =	ssyncadd.s32 $0xFFFFE000  }
0x31c: {  	[hbm4b:s13+s23] =	stream.strided.scatter [tilespmem:s1], [sflag:$0x3], $0x2000, s22, s23, $0x38;
	[tilespmem:$0x1F600] =	vst v63  }
0x31d: {  	_ =	swait.ge [sflag:s21], $0x2000  }
0x31e: {  	s20 =	sld [smem:$0x7F5]  }
0x31f: {  	[sflag:s21] =	ssyncset.done $0x0  }
0x320: {  	[sflag:s21] =	ssyncadd.s32 $0xFFFFE000  }
0x321: {  	[hbm4b:s20+s23] =	stream.strided.scatter [tilespmem:s1], [sflag:$0x3], $0x2000, s22, s23, $0x38;
	[tilespmem:$0x1F600] =	vst v63  }
0x322: {  	_ =	swait.ge [sflag:s21], $0x2000  }
0x323: {  	s26 =	sld [smem:$0x7F6]  }
0x324: {  	[sflag:s21] =	ssyncset.done $0x0  }
0x325: {  	[sflag:s21] =	ssyncadd.s32 $0xFFFFE000  }
0x326: {  	[hbm4b:s26+s23] =	stream.strided.scatter [tilespmem:s1], [sflag:$0x3], $0x2000, s22, s23, $0x38;
	[tilespmem:$0x1F600] =	vst v63  }
0x327: {  	_ =	swait.ge [sflag:s21], $0x2000  }
0x328: {  	s29 =	sld [smem:$0x7FC]  }
0x329: {  	[sflag:s21] =	ssyncset.done $0x0  }
0x32a: {  	s9 =	simm.s32 $0x1EC00;
	[sflag:s21] =	ssyncadd.s32 $0xFFFFE000  }
0x32b: {  	[hbm4b:s29+s2] =	stream.linear.scatter [tilespmem:s9], [sflag:$0x3], $0x200, $0x38;
	[tilespmem:$0x1F600] =	vst v63  }
0x32c: {  	_ =	swait.ge [sflag:s21], $0x200  }
0x32d: {  	[sflag:s21] =	ssyncset.done $0x0  }
0x32e: {  	s10 =	simm.s32 $0x1EE00;
	[sflag:s21] =	ssyncadd.s32 $0xFFFFFE00  }
0x32f: {  	[hbm4b:s14+s2] =	stream.linear.scatter [tilespmem:s10], [sflag:$0x3], $0x80, $0x38;
	[tilespmem:$0x1F600] =	vst v63  }
0x330: {  	s11 =	sadd.s32 $0x10, s14;
	s12 =	simm.s32 $0x1F000  }
0x331: {  	[hbm4b:s11+s2] =	stream.linear.scatter [tilespmem:s12], [sflag:$0x3], $0x80, $0x38;
	[tilespmem:$0x1F600] =	vst v63  }
0x332: {  	s13 =	sadd.s32 $0x20, s14;
	s20 =	simm.s32 $0x1F200  }
0x333: {  	[hbm4b:s13+s2] =	stream.linear.scatter [tilespmem:s20], [sflag:$0x3], $0x80, $0x38;
	[tilespmem:$0x1F600] =	vst v63  }
0x334: {  	s26 =	sadd.s32 $0x30, s14;
	s29 =	simm.s32 $0x1F400  }
0x335: {  	[hbm4b:s26+s2] =	stream.linear.scatter [tilespmem:s29], [sflag:$0x3], $0x80, $0x38;
	[tilespmem:$0x1F600] =	vst v63  }
0x336: {  	_ =	swait.ge [sflag:s21], $0x200  }
0x337: {  	[sflag:s21] =	ssyncset.done $0x0  }
0x338: {  	s10 =	simm.s32 $0x1EE80;
	[sflag:s21] =	ssyncadd.s32 $0xFFFFFE00  }
0x339: {  	[hbm4b:s15+s2] =	stream.linear.scatter [tilespmem:s10], [sflag:$0x3], $0x80, $0x38;
	[tilespmem:$0x1F600] =	vst v63  }
0x33a: {  	s11 =	sadd.s32 $0x10, s15;
	s12 =	simm.s32 $0x1F080  }
0x33b: {  	[hbm4b:s11+s2] =	stream.linear.scatter [tilespmem:s12], [sflag:$0x3], $0x80, $0x38;
	[tilespmem:$0x1F600] =	vst v63  }
0x33c: {  	s13 =	sadd.s32 $0x20, s15;
	s20 =	simm.s32 $0x1F280  }
0x33d: {  	[hbm4b:s13+s2] =	stream.linear.scatter [tilespmem:s20], [sflag:$0x3], $0x80, $0x38;
	[tilespmem:$0x1F600] =	vst v63  }
0x33e: {  	s26 =	sadd.s32 $0x30, s15;
	s29 =	simm.s32 $0x1F480  }
0x33f: {  	[hbm4b:s26+s2] =	stream.linear.scatter [tilespmem:s29], [sflag:$0x3], $0x80, $0x38;
	[tilespmem:$0x1F600] =	vst v63  }
0x340: {  	_ =	swait.ge [sflag:s21], $0x200  }
0x341: {  	[sflag:s21] =	ssyncset.done $0x0  }
0x342: {  	s10 =	simm.s32 $0x1EF00;
	[sflag:s21] =	ssyncadd.s32 $0xFFFFFE00  }
0x343: {  	[hbm4b:s16+s2] =	stream.linear.scatter [tilespmem:s10], [sflag:$0x3], $0x80, $0x38;
	[tilespmem:$0x1F600] =	vst v63  }
0x344: {  	s11 =	sadd.s32 $0x10, s16;
	s12 =	simm.s32 $0x1F100  }
0x345: {  	[hbm4b:s11+s2] =	stream.linear.scatter [tilespmem:s12], [sflag:$0x3], $0x80, $0x38;
	[tilespmem:$0x1F600] =	vst v63  }
0x346: {  	s13 =	sadd.s32 $0x20, s16;
	s20 =	simm.s32 $0x1F300  }
0x347: {  	[hbm4b:s13+s2] =	stream.linear.scatter [tilespmem:s20], [sflag:$0x3], $0x80, $0x38;
	[tilespmem:$0x1F600] =	vst v63  }
0x348: {  	s26 =	sadd.s32 $0x30, s16;
	s29 =	simm.s32 $0x1F500  }
0x349: {  	[hbm4b:s26+s2] =	stream.linear.scatter [tilespmem:s29], [sflag:$0x3], $0x80, $0x38;
	[tilespmem:$0x1F600] =	vst v63  }
0x34a: {  	_ =	swait.ge [sflag:s21], $0x200  }
0x34b: {  	[sflag:s21] =	ssyncset.done $0x0  }
0x34c: {  	s9 =	simm.s32 $0x1EF80;
	[sflag:s21] =	ssyncadd.s32 $0xFFFFFE00  }
0x34d: {  	[hbm4b:s17+s2] =	stream.linear.scatter [tilespmem:s9], [sflag:$0x3], $0x80, $0x38;
	[tilespmem:$0x1F600] =	vst v63  }
0x34e: {  	s10 =	sadd.s32 $0x10, s17;
	s11 =	simm.s32 $0x1F180  }
0x34f: {  	[hbm4b:s10+s2] =	stream.linear.scatter [tilespmem:s11], [sflag:$0x3], $0x80, $0x38;
	[tilespmem:$0x1F600] =	vst v63  }
0x350: {  	s12 =	sadd.s32 $0x20, s17;
	s13 =	simm.s32 $0x1F380  }
0x351: {  	[hbm4b:s12+s2] =	stream.linear.scatter [tilespmem:s13], [sflag:$0x3], $0x80, $0x38;
	[tilespmem:$0x1F600] =	vst v63  }
0x352: {  	s20 =	sadd.s32 $0x30, s17;
	s26 =	simm.s32 $0x1F580  }
0x353: {  	[hbm4b:s20+s2] =	stream.linear.scatter [tilespmem:s26], [sflag:$0x3], $0x80, $0x38;
	[tilespmem:$0x1F600] =	vst v63  }
0x354: {  	_ =	swait.ge [sflag:s21], $0x200  }
0x355: {  	s29 =	sld [smem:$0x7FD];
	_ =	sdelay $0x1  }
0x356: {  	s8 =	sadd.s32 $0x1, s8  }
0x357: {  	p0 =	sne.s32 s8, s29  }
.Ltmp8:
0x358: {  	_ = 	snop;
	(pc) =	sbr.rel @p0 .LBB2_1-.Ltmp8, $3  }
0x359: {  	_ =	sdelay $0x1  }
0x35a: {  	[sflag:s21] =	ssyncset.done $0x0  }
0x35b: {  	s20 =	simm.s32 $0x280;
	[sflag:s21] =	ssyncadd.s32 $0xFFFFFE00  }
0x35c: {  	_ =	sfence.sel $0x180000  }
0x35d: {  	[bflag:$0x0] =	sbarrier.arrive $0xFFFF  }
0x35e: {  	_ =	strace $0x90000047  }
0x35f: {  	s0 =	stileid.u32;
	[bflag:$0x2] =	sbarrier.arrive $0xFFFF  }
0x360: {  	p0 =	sne.s32 s0, $0x0;
	s0 =	rddreg [dreg:$0x7]  }
0x361: {  	s0 =	sadd.s32 @!p0 $0x100000, s0  }
0x362: {  	[sflag:s0] =	ssyncadd.tile.s32 @!p0 $0x1;
	_ =	shalt  }
.Lfunc_end2:
_tile_overlayer_lowered:
.L_overlay_start_2:
0x363: {  	(tag) =	ssettag $0x2  }
0x364: {  	s0 =	rddreg [dreg:$0x0];
	s2 =	stileid.u32  }
0x365: {  	s1 =	rddreg [dreg:$0x1];
	p0 =	sne.s32 s2, $0x0  }
0x366: {  	s3 =	rddreg [dreg:$0x2];
	[bflag:$0x3] =	sbarrier.arrive $0xFFFF;
	s2 =	simm.s32 @!p0 $0x1C03  }
0x367: {  	[timem:s3], [sflag:s2] =	dma.local @!p0 [hbm:s0], s1  }
0x368: {  	s0 =	simm.s32 @!p0 $0x3  }
0x369: {  	_ =	swait.ge @!p0 [sflag:s0], s1  }
0x36a: {  	s1 =	ssub.s32 @!p0 $0x0, s1;
	[sflag:s0] =	ssyncset.done @!p0 $0x0  }
0x36b: {  	[sflag:s0] =	ssyncadd.s32 @!p0 s1  }
0x36c: {  	[bflag:$0x3] =	sbarrier.arrive $0xFFFF  }
0x36d: {  	_ =	shalt  }

</sc_bundles>
